<compile_context>
chip_gen: v7x
topology: tpu7x:2x2x1
jax: 0.10.2.dev20260603
libtpu: 0.0.44.dev20260713+nightly
codegen_flags: <defaults>
</compile_context>

<pallas_src>
import functools

import jax
import jax.numpy as jnp
from jax import lax
from jax.experimental import pallas as pl
from jax.experimental.pallas import tpu as pltpu
from jax.experimental.pallas import tpu_sc as plsc

N = 10000
E = 320000
D = 128

NP = 10240
K = 128
NW = 32
T = E // NW
NC = 78
KT = T - NC * K
ROWS_PER_TILE = NP // 16
RB = 2
IB = 4


@functools.cache
def _get_deg_kernel():
    mesh = plsc.VectorSubcoreMesh(core_axis_name="c", subcore_axis_name="s")
    return functools.partial(
        pl.kernel,
        out_type=jax.ShapeDtypeStruct((NW, 1, N), jnp.float32),
        mesh=mesh,
        scratch_types=[
            pltpu.VMEM((T,), jnp.int32),
            pltpu.VMEM((N,), jnp.float32),
        ],
        compiler_params=pltpu.CompilerParams(needs_layout_passes=False),
    )(_deg_body)


def _deg_body(edges_hbm, out_hbm, dst_v, deg_v):
    c = lax.axis_index("c")
    s = lax.axis_index("s")
    wid = c * 16 + s
    pltpu.sync_copy(edges_hbm.at[pl.ds(E + wid * T, T)], dst_v)

    zeros16 = jnp.zeros((16,), jnp.float32)
    ones16 = jnp.ones((16,), jnp.float32)

    @pl.loop(0, N // 16)
    def _zero(i):
        deg_v[pl.ds(i * 16, 16)] = zeros16

    @pl.loop(0, T // 16)
    def _accum(i):
        idx = dst_v[pl.ds(i * 16, 16)]
        plsc.addupdate_scatter(deg_v, [idx], ones16)

    pltpu.sync_copy(deg_v, out_hbm.at[wid, 0])


@functools.cache
def _get_agg_kernel():
    mesh = plsc.VectorSubcoreMesh(core_axis_name="c", subcore_axis_name="s")
    return functools.partial(
        pl.kernel,
        out_type=jax.ShapeDtypeStruct((2, NP, D), jnp.float32),
        mesh=mesh,
        scratch_types=[
            pltpu.VMEM_SHARED((NP, D), jnp.float32),
            pltpu.VMEM((IB, K), jnp.int32),
            pltpu.VMEM((IB, K), jnp.int32),
            pltpu.VMEM((RB, K, D), jnp.float32),
            pltpu.VMEM((1, KT), jnp.int32),
            pltpu.VMEM((1, KT), jnp.int32),
            pltpu.VMEM((KT, D), jnp.float32),
            pltpu.SemaphoreType.DMA((RB,)),
            pltpu.SemaphoreType.DMA((IB,)),
            pltpu.SemaphoreType.DMA((RB,)),
            pltpu.SemaphoreType.DMA,
        ],
    )(_agg_body)


def _agg_body(table_hbm, edges_hbm, zeros_hbm, out_hbm,
              acc, src_v, dst_v, rows_v, tsrc_v, tdst_v, trows_v,
              gsem, isem, ssem, tsem):
    c = lax.axis_index("c")
    s = lax.axis_index("s")
    wid = c * 16 + s
    base = wid * T

    pltpu.sync_copy(zeros_hbm, acc.at[pl.ds(s * ROWS_PER_TILE, ROWS_PER_TILE)])

    def idx_fire(chunk, ib):
        pltpu.async_copy(edges_hbm.at[pl.ds(base + chunk * K, K)],
                         src_v.at[ib], isem.at[ib])
        pltpu.async_copy(edges_hbm.at[pl.ds(E + base + chunk * K, K)],
                         dst_v.at[ib], isem.at[ib])

    def idx_wait(chunk, ib):
        pltpu.make_async_copy(edges_hbm.at[pl.ds(base + chunk * K, K)],
                              src_v.at[ib], isem.at[ib]).wait()
        pltpu.make_async_copy(edges_hbm.at[pl.ds(E + base + chunk * K, K)],
                              dst_v.at[ib], isem.at[ib]).wait()

    def g_fire(ib, b):
        pltpu.async_copy(table_hbm.at[src_v.at[ib]], rows_v.at[b], gsem.at[b])

    def g_wait(ib, b):
        pltpu.make_async_copy(table_hbm.at[src_v.at[ib]], rows_v.at[b],
                              gsem.at[b]).wait()

    def s_fire(ib, b):
        pltpu.async_copy(rows_v.at[b], acc.at[dst_v.at[ib]], ssem.at[b],
                         add=True)

    def s_wait(ib, b):
        pltpu.make_async_copy(rows_v.at[b], acc.at[dst_v.at[ib]],
                              ssem.at[b]).wait()

    pltpu.async_copy(edges_hbm.at[pl.ds(base + NC * K, KT)], tsrc_v.at[0],
                     tsem)
    pltpu.async_copy(edges_hbm.at[pl.ds(E + base + NC * K, KT)], tdst_v.at[0],
                     tsem)

    plsc.subcore_barrier()

    idx_fire(0, 0)
    idx_fire(1, 1)
    idx_wait(0, 0)
    g_fire(0, 0)

    @pl.loop(0, NC - 2, step=IB)
    def _pipe(i):
        for j in range(IB):
            chunk = i + j
            idx_fire(chunk + 2, (j + 2) % IB)
            idx_wait(chunk + 1, (j + 1) % IB)

            @pl.when(chunk >= 1)
            def _():
                s_wait((j + 3) % IB, (j + 1) % RB)

            g_fire((j + 1) % IB, (j + 1) % RB)
            g_wait(j, j % RB)
            s_fire(j, j % RB)

    idx_wait(NC - 1, (NC - 1) % IB)
    s_wait((NC - 3) % IB, (NC - 1) % RB)
    g_fire((NC - 1) % IB, (NC - 1) % RB)
    g_wait((NC - 2) % IB, (NC - 2) % RB)
    s_fire((NC - 2) % IB, (NC - 2) % RB)
    g_wait((NC - 1) % IB, (NC - 1) % RB)
    s_wait((NC - 2) % IB, (NC - 2) % RB)
    s_fire((NC - 1) % IB, (NC - 1) % RB)
    s_wait((NC - 1) % IB, (NC - 1) % RB)

    pltpu.make_async_copy(edges_hbm.at[pl.ds(base + NC * K, KT)], tsrc_v.at[0],
                          tsem).wait()
    pltpu.make_async_copy(edges_hbm.at[pl.ds(E + base + NC * K, KT)],
                          tdst_v.at[0], tsem).wait()
    pltpu.sync_copy(table_hbm.at[tsrc_v.at[0]], trows_v)
    pltpu.sync_copy(trows_v, acc.at[tdst_v.at[0]], add=True)

    plsc.subcore_barrier()
    pltpu.sync_copy(acc.at[pl.ds(s * ROWS_PER_TILE, ROWS_PER_TILE)],
                    out_hbm.at[c, pl.ds(s * ROWS_PER_TILE, ROWS_PER_TILE)])


def _stage1_body(part_ref, x_ref, w_ref, t_ref, disb_ref):
    deg = jnp.sum(part_ref[...], axis=0) + 1.0
    dis = lax.rsqrt(deg)
    disb = jnp.broadcast_to(jnp.transpose(dis), (N, D))
    disb_ref[...] = disb
    xw = jnp.dot(x_ref[...], w_ref[...], preferred_element_type=jnp.float32)
    t_ref[...] = xw * disb


def _tc_stage1(partials, x, W1):
    return pl.pallas_call(
        _stage1_body,
        out_shape=[
            jax.ShapeDtypeStruct((N, D), jnp.float32),
            jax.ShapeDtypeStruct((N, D), jnp.float32),
        ],
    )(partials, x, W1)


def _stage2_body(p_ref, t1_ref, disb_ref, w_ref, b_ref, a_ref, t_ref):
    agg = p_ref[0, :N] + p_ref[1, :N] + t1_ref[...]
    v = agg * disb_ref[...] + b_ref[...]
    h = jnp.where(v >= 0, v, a_ref[0] * v)
    hw = jnp.dot(h, w_ref[...], preferred_element_type=jnp.float32)
    t_ref[...] = hw * disb_ref[...]


def _tc_stage2(parts, t1, disb, W2, b1, a):
    return pl.pallas_call(
        _stage2_body,
        in_specs=[
            pl.BlockSpec((2, NP, D), lambda: (0, 0, 0)),
            pl.BlockSpec((N, D), lambda: (0, 0)),
            pl.BlockSpec((N, D), lambda: (0, 0)),
            pl.BlockSpec((D, D), lambda: (0, 0)),
            pl.BlockSpec((1, D), lambda: (0, 0)),
            pl.BlockSpec(memory_space=pltpu.SMEM),
        ],
        out_specs=pl.BlockSpec((N, D), lambda: (0, 0)),
        out_shape=jax.ShapeDtypeStruct((N, D), jnp.float32),
    )(parts, t1, disb, W2, b1, a)


def _stage3_body(p_ref, t2_ref, disb_ref, b_ref, o_ref):
    agg = p_ref[0, :N] + p_ref[1, :N] + t2_ref[...]
    o_ref[...] = agg * disb_ref[...] + b_ref[...]


def _tc_stage3(parts, t2, disb, b2):
    return pl.pallas_call(
        _stage3_body,
        out_shape=jax.ShapeDtypeStruct((N, D), jnp.float32),
    )(parts, t2, disb, b2)


def kernel(x, edge_index, W1, b1, W2, b2, a):
    edges = edge_index.astype(jnp.int32).reshape(2 * E)

    zeros_rows = jnp.zeros((ROWS_PER_TILE, D), jnp.float32)
    b1r = b1.reshape(1, D)
    b2r = b2.reshape(1, D)
    a2 = a.reshape(1,)

    partials = _get_deg_kernel()(edges)
    t1, disb = _tc_stage1(partials, x, W1)
    p1 = _get_agg_kernel()(t1, edges, zeros_rows)
    t2 = _tc_stage2(p1, t1, disb, W2, b1r, a2)
    p2 = _get_agg_kernel()(t2, edges, zeros_rows)
    return _tc_stage3(p2, t2, disb, b2r)

# --- scband reference (transcript-rebuilt; emitter-appended) ---
"""Pipeline reference for scband-gcnencoder-87316685127961 (READ-ONLY COPY).

The authoritative reference and input builder live on the scoring server;
editing this copy changes nothing except your own understanding.
"""

import jax, jax.numpy as jnp
import numpy as np

N = 10000
E = 320000
D_IN = 128
D_HID = 128
D_OUT = 128


def setup_inputs(seed: int = 0) -> dict:
    key = jax.random.key(seed)
    ks = jax.random.split(key, 8)
    x = jax.random.normal(ks[0], (N, D_IN), dtype=jnp.float32)
    edge_index = jax.random.randint(ks[1], (2, E), 0, N, dtype=jnp.int32)
    s1 = 1.0 / np.sqrt(D_IN)
    s2 = 1.0 / np.sqrt(D_HID)
    W1 = jax.random.uniform(ks[2], (D_IN, D_HID), jnp.float32, -s1, s1)
    b1 = jnp.zeros((D_HID,), jnp.float32)
    W2 = jax.random.uniform(ks[3], (D_HID, D_OUT), jnp.float32, -s2, s2)
    b2 = jnp.zeros((D_OUT,), jnp.float32)
    a = jnp.full((1,), 0.25, jnp.float32)  # PReLU weight (num_parameters=1)
    return {"x": x, "edge_index": edge_index, "W1": W1, "b1": b1, "W2": W2, "b2": b2, "a": a}


def _gcn_conv(x, src, dst, W, b):
    # GCNConv: x' = D^{-1/2} (A + I) D^{-1/2} x W + b  (self-loops already in src/dst)
    xw = x @ W
    deg = jnp.zeros((N,), jnp.float32).at[dst].add(1.0)
    dis = jnp.where(deg > 0, 1.0 / jnp.sqrt(deg), 0.0)
    norm = dis[src] * dis[dst]
    msg = xw[src] * norm[:, None]
    out = jnp.zeros((N, W.shape[1]), jnp.float32).at[dst].add(msg)
    return out + b


def reference(x, edge_index, W1, b1, W2, b2, a):
    # dropout p=0.0 -> identity
    loop = jnp.arange(N, dtype=edge_index.dtype)
    src = jnp.concatenate([edge_index[0], loop])
    dst = jnp.concatenate([edge_index[1], loop])
    h = _gcn_conv(x, src, dst, W1, b1)
    h = jnp.where(h >= 0, h, a[0] * h)  # PReLU
    out = _gcn_conv(h, src, dst, W2, b2)
    return out

if __name__ == "__main__":
    import jax
    _d = setup_inputs()
    print(jax.jit(kernel)(*tuple(_d.values())))

</pallas_src>

<mosaic_0001>
#map = affine_map<(d0, d1) -> (0, 0)>
#map1 = affine_map<(d0, d1) -> (0)>
#map2 = affine_map<(d0, d1) -> (0, 0, 0)>
module attributes {stable_mosaic.version = 14 : i64} {
  func.func @_agg_body(%arg0: i32, %arg1: i32, %arg2: memref<10000x128xf32, #tpu.memory_space<hbm>>, %arg3: memref<640000xi32, #tpu.memory_space<hbm>>, %arg4: memref<640x128xf32, #tpu.memory_space<hbm>>, %arg5: memref<2x10240x128xf32, #tpu.memory_space<hbm>>, %arg6: memref<10240x128xf32, #tpu.memory_space<vmem_shared>>, %arg7: memref<4x128xi32, #tpu.memory_space<vmem>>, %arg8: memref<4x128xi32, #tpu.memory_space<vmem>>, %arg9: memref<2x128x128xf32, #tpu.memory_space<vmem>>, %arg10: memref<1x16xi32, #tpu.memory_space<vmem>>, %arg11: memref<1x16xi32, #tpu.memory_space<vmem>>, %arg12: memref<16x128xf32, #tpu.memory_space<vmem>>, %arg13: memref<2x!tpu.dma_semaphore, #tpu.memory_space<semaphore_mem>>, %arg14: memref<4x!tpu.dma_semaphore, #tpu.memory_space<semaphore_mem>>, %arg15: memref<2x!tpu.dma_semaphore, #tpu.memory_space<semaphore_mem>>, %arg16: memref<!tpu.dma_semaphore, #tpu.memory_space<semaphore_mem>>) attributes {dimension_semantics = [#tpu.dimension_semantics<core_parallel>, #tpu.dimension_semantics<subcore_parallel>], iteration_bounds = array<i64: 2, 16>, scalar_prefetch = 0 : i64, scratch_operands = 11 : i64, tpu.core_type = #tpu.core_type<sc_vector_subcore>, window_params = [{transform_indices = #map}, {transform_indices = #map1}, {transform_indices = #map}, {transform_indices = #map2}]} {
    %mul3A = arith.constant 16 : i32
    %mul3A_0 = arith.muli %arg0, %mul3A : i32
    %add3A = arith.addi %mul3A_0, %arg1 : i32
    %mul3A_1 = arith.constant 10000 : i32
    %mul3A_2 = arith.muli %add3A, %mul3A_1 : i32
    %mul3A_3 = arith.constant 640 : i32
    %mul3A_4 = arith.muli %arg1, %mul3A_3 : i32
    "tpu.region"() ({
      %run_scoped3A_316 = tpu.sem_alloc : memref<!tpu.dma_semaphore, #tpu.memory_space<semaphore_mem>>
      %dma_start3A_317 = arith.constant 0 : i32
      %dma_start3A_318 = tpu.memref_slice %arg6[%mul3A_4, %dma_start3A_317] : memref<10240x128xf32, #tpu.memory_space<vmem_shared>> -> memref<640x128xf32, #tpu.memory_space<vmem_shared>>
      tpu.enqueue_dma source(%arg4 : memref<640x128xf32, #tpu.memory_space<hbm>>) target(%dma_start3A_318 : memref<640x128xf32, #tpu.memory_space<vmem_shared>>) target_semaphore(%run_scoped3A_316 : memref<!tpu.dma_semaphore, #tpu.memory_space<semaphore_mem>>)
      %dma_wait3A_319 = arith.constant 0 : i32
      %dma_wait3A_320 = tpu.memref_slice %arg6[%mul3A_4, %dma_wait3A_319] : memref<10240x128xf32, #tpu.memory_space<vmem_shared>> -> memref<640x128xf32, #tpu.memory_space<vmem_shared>>
      tpu.wait_dma2 semaphore(%run_scoped3A_316 : memref<!tpu.dma_semaphore, #tpu.memory_space<semaphore_mem>>) src(%arg4 : memref<640x128xf32, #tpu.memory_space<hbm>>) dst(%dma_wait3A_320 : memref<640x128xf32, #tpu.memory_space<vmem_shared>>)
      tpu.yield
    }) : () -> ()
    %add3A_5 = arith.constant 9984 : i32
    %add3A_6 = arith.addi %mul3A_2, %add3A_5 : i32
    %dma_start3A = arith.constant 0 : i32
    %dma_start3A_7 = arith.constant 0 : i32
    %dma_start3A_8 = tpu.memref_slice %arg10[%dma_start3A, %dma_start3A_7] : memref<1x16xi32, #tpu.memory_space<vmem>> -> memref<1x16xi32, #tpu.memory_space<vmem>>
    %dma_start3A_9 = tpu.memref_squeeze %dma_start3A_8 : memref<1x16xi32, #tpu.memory_space<vmem>> -> memref<16xi32, #tpu.memory_space<vmem>>
    %dma_start3A_10 = tpu.memref_slice %arg3[%add3A_6] : memref<640000xi32, #tpu.memory_space<hbm>> -> memref<16xi32, #tpu.memory_space<hbm>>
    %dma_start3A_11 = arith.constant 0 : i32
    %dma_start3A_12 = tpu.memref_slice %arg10[%dma_start3A, %dma_start3A_11] : memref<1x16xi32, #tpu.memory_space<vmem>> -> memref<1x16xi32, #tpu.memory_space<vmem>>
    %dma_start3A_13 = tpu.memref_squeeze %dma_start3A_12 : memref<1x16xi32, #tpu.memory_space<vmem>> -> memref<16xi32, #tpu.memory_space<vmem>>
    %dma_start3A_14 = tpu.memref_slice %arg3[%add3A_6] : memref<640000xi32, #tpu.memory_space<hbm>> -> memref<16xi32, #tpu.memory_space<hbm>>
    tpu.enqueue_dma source(%dma_start3A_14 : memref<16xi32, #tpu.memory_space<hbm>>) target(%dma_start3A_13 : memref<16xi32, #tpu.memory_space<vmem>>) target_semaphore(%arg16 : memref<!tpu.dma_semaphore, #tpu.memory_space<semaphore_mem>>)
    %add3A_15 = arith.constant 320000 : i32
    %add3A_16 = arith.addi %add3A_15, %mul3A_2 : i32
    %add3A_17 = arith.constant 9984 : i32
    %add3A_18 = arith.addi %add3A_16, %add3A_17 : i32
    %dma_start3A_19 = arith.constant 0 : i32
    %dma_start3A_20 = arith.constant 0 : i32
    %dma_start3A_21 = tpu.memref_slice %arg11[%dma_start3A_19, %dma_start3A_20] : memref<1x16xi32, #tpu.memory_space<vmem>> -> memref<1x16xi32, #tpu.memory_space<vmem>>
    %dma_start3A_22 = tpu.memref_squeeze %dma_start3A_21 : memref<1x16xi32, #tpu.memory_space<vmem>> -> memref<16xi32, #tpu.memory_space<vmem>>
    %dma_start3A_23 = tpu.memref_slice %arg3[%add3A_18] : memref<640000xi32, #tpu.memory_space<hbm>> -> memref<16xi32, #tpu.memory_space<hbm>>
    %dma_start3A_24 = arith.constant 0 : i32
    %dma_start3A_25 = tpu.memref_slice %arg11[%dma_start3A_19, %dma_start3A_24] : memref<1x16xi32, #tpu.memory_space<vmem>> -> memref<1x16xi32, #tpu.memory_space<vmem>>
    %dma_start3A_26 = tpu.memref_squeeze %dma_start3A_25 : memref<1x16xi32, #tpu.memory_space<vmem>> -> memref<16xi32, #tpu.memory_space<vmem>>
    %dma_start3A_27 = tpu.memref_slice %arg3[%add3A_18] : memref<640000xi32, #tpu.memory_space<hbm>> -> memref<16xi32, #tpu.memory_space<hbm>>
    tpu.enqueue_dma source(%dma_start3A_27 : memref<16xi32, #tpu.memory_space<hbm>>) target(%dma_start3A_26 : memref<16xi32, #tpu.memory_space<vmem>>) target_semaphore(%arg16 : memref<!tpu.dma_semaphore, #tpu.memory_space<semaphore_mem>>)
    %barrier3A = arith.constant 0 : index
    tpu.barrier barrier_id(%barrier3A)
    %add3A_28 = arith.constant 0 : i32
    %add3A_29 = arith.addi %mul3A_2, %add3A_28 : i32
    %dma_start3A_30 = arith.constant 0 : i32
    %dma_start3A_31 = arith.constant 0 : i32
    %dma_start3A_32 = arith.constant 0 : i32
    %dma_start3A_33 = tpu.memref_slice %arg7[%dma_start3A_30, %dma_start3A_32] : memref<4x128xi32, #tpu.memory_space<vmem>> -> memref<1x128xi32, #tpu.memory_space<vmem>>
    %dma_start3A_34 = tpu.memref_squeeze %dma_start3A_33 : memref<1x128xi32, #tpu.memory_space<vmem>> -> memref<128xi32, #tpu.memory_space<vmem>>
    %dma_start3A_35 = tpu.memref_slice %arg3[%add3A_29] : memref<640000xi32, #tpu.memory_space<hbm>> -> memref<128xi32, #tpu.memory_space<hbm>>
    %dma_start3A_36 = tpu.memref_slice %arg14[%dma_start3A_31] : memref<4x!tpu.dma_semaphore, #tpu.memory_space<semaphore_mem>> -> memref<1x!tpu.dma_semaphore, #tpu.memory_space<semaphore_mem>>
    %dma_start3A_37 = tpu.memref_squeeze %dma_start3A_36 : memref<1x!tpu.dma_semaphore, #tpu.memory_space<semaphore_mem>> -> memref<!tpu.dma_semaphore, #tpu.memory_space<semaphore_mem>>
    %dma_start3A_38 = arith.constant 0 : i32
    %dma_start3A_39 = tpu.memref_slice %arg7[%dma_start3A_30, %dma_start3A_38] : memref<4x128xi32, #tpu.memory_space<vmem>> -> memref<1x128xi32, #tpu.memory_space<vmem>>
    %dma_start3A_40 = tpu.memref_squeeze %dma_start3A_39 : memref<1x128xi32, #tpu.memory_space<vmem>> -> memref<128xi32, #tpu.memory_space<vmem>>
    %dma_start3A_41 = tpu.memref_slice %arg3[%add3A_29] : memref<640000xi32, #tpu.memory_space<hbm>> -> memref<128xi32, #tpu.memory_space<hbm>>
    tpu.enqueue_dma source(%dma_start3A_41 : memref<128xi32, #tpu.memory_space<hbm>>) target(%dma_start3A_40 : memref<128xi32, #tpu.memory_space<vmem>>) target_semaphore(%dma_start3A_37 : memref<!tpu.dma_semaphore, #tpu.memory_space<semaphore_mem>>)
    %add3A_42 = arith.constant 320000 : i32
    %add3A_43 = arith.addi %add3A_42, %mul3A_2 : i32
    %add3A_44 = arith.constant 0 : i32
    %add3A_45 = arith.addi %add3A_43, %add3A_44 : i32
    %dma_start3A_46 = arith.constant 0 : i32
    %dma_start3A_47 = arith.constant 0 : i32
    %dma_start3A_48 = arith.constant 0 : i32
    %dma_start3A_49 = tpu.memref_slice %arg8[%dma_start3A_46, %dma_start3A_48] : memref<4x128xi32, #tpu.memory_space<vmem>> -> memref<1x128xi32, #tpu.memory_space<vmem>>
    %dma_start3A_50 = tpu.memref_squeeze %dma_start3A_49 : memref<1x128xi32, #tpu.memory_space<vmem>> -> memref<128xi32, #tpu.memory_space<vmem>>
    %dma_start3A_51 = tpu.memref_slice %arg3[%add3A_45] : memref<640000xi32, #tpu.memory_space<hbm>> -> memref<128xi32, #tpu.memory_space<hbm>>
    %dma_start3A_52 = tpu.memref_slice %arg14[%dma_start3A_47] : memref<4x!tpu.dma_semaphore, #tpu.memory_space<semaphore_mem>> -> memref<1x!tpu.dma_semaphore, #tpu.memory_space<semaphore_mem>>
    %dma_start3A_53 = tpu.memref_squeeze %dma_start3A_52 : memref<1x!tpu.dma_semaphore, #tpu.memory_space<semaphore_mem>> -> memref<!tpu.dma_semaphore, #tpu.memory_space<semaphore_mem>>
    %dma_start3A_54 = arith.constant 0 : i32
    %dma_start3A_55 = tpu.memref_slice %arg8[%dma_start3A_46, %dma_start3A_54] : memref<4x128xi32, #tpu.memory_space<vmem>> -> memref<1x128xi32, #tpu.memory_space<vmem>>
    %dma_start3A_56 = tpu.memref_squeeze %dma_start3A_55 : memref<1x128xi32, #tpu.memory_space<vmem>> -> memref<128xi32, #tpu.memory_space<vmem>>
    %dma_start3A_57 = tpu.memref_slice %arg3[%add3A_45] : memref<640000xi32, #tpu.memory_space<hbm>> -> memref<128xi32, #tpu.memory_space<hbm>>
    tpu.enqueue_dma source(%dma_start3A_57 : memref<128xi32, #tpu.memory_space<hbm>>) target(%dma_start3A_56 : memref<128xi32, #tpu.memory_space<vmem>>) target_semaphore(%dma_start3A_53 : memref<!tpu.dma_semaphore, #tpu.memory_space<semaphore_mem>>)
    %add3A_58 = arith.constant 128 : i32
    %add3A_59 = arith.addi %mul3A_2, %add3A_58 : i32
    %dma_start3A_60 = arith.constant 1 : i32
    %dma_start3A_61 = arith.constant 1 : i32
    %dma_start3A_62 = arith.constant 0 : i32
    %dma_start3A_63 = tpu.memref_slice %arg7[%dma_start3A_60, %dma_start3A_62] : memref<4x128xi32, #tpu.memory_space<vmem>> -> memref<1x128xi32, #tpu.memory_space<vmem>>
    %dma_start3A_64 = tpu.memref_squeeze %dma_start3A_63 : memref<1x128xi32, #tpu.memory_space<vmem>> -> memref<128xi32, #tpu.memory_space<vmem>>
    %dma_start3A_65 = tpu.memref_slice %arg3[%add3A_59] : memref<640000xi32, #tpu.memory_space<hbm>> -> memref<128xi32, #tpu.memory_space<hbm>>
    %dma_start3A_66 = tpu.memref_slice %arg14[%dma_start3A_61] : memref<4x!tpu.dma_semaphore, #tpu.memory_space<semaphore_mem>> -> memref<1x!tpu.dma_semaphore, #tpu.memory_space<semaphore_mem>>
    %dma_start3A_67 = tpu.memref_squeeze %dma_start3A_66 : memref<1x!tpu.dma_semaphore, #tpu.memory_space<semaphore_mem>> -> memref<!tpu.dma_semaphore, #tpu.memory_space<semaphore_mem>>
    %dma_start3A_68 = arith.constant 0 : i32
    %dma_start3A_69 = tpu.memref_slice %arg7[%dma_start3A_60, %dma_start3A_68] : memref<4x128xi32, #tpu.memory_space<vmem>> -> memref<1x128xi32, #tpu.memory_space<vmem>>
    %dma_start3A_70 = tpu.memref_squeeze %dma_start3A_69 : memref<1x128xi32, #tpu.memory_space<vmem>> -> memref<128xi32, #tpu.memory_space<vmem>>
    %dma_start3A_71 = tpu.memref_slice %arg3[%add3A_59] : memref<640000xi32, #tpu.memory_space<hbm>> -> memref<128xi32, #tpu.memory_space<hbm>>
    tpu.enqueue_dma source(%dma_start3A_71 : memref<128xi32, #tpu.memory_space<hbm>>) target(%dma_start3A_70 : memref<128xi32, #tpu.memory_space<vmem>>) target_semaphore(%dma_start3A_67 : memref<!tpu.dma_semaphore, #tpu.memory_space<semaphore_mem>>)
    %add3A_72 = arith.constant 320000 : i32
    %add3A_73 = arith.addi %add3A_72, %mul3A_2 : i32
    %add3A_74 = arith.constant 128 : i32
    %add3A_75 = arith.addi %add3A_73, %add3A_74 : i32
    %dma_start3A_76 = arith.constant 1 : i32
    %dma_start3A_77 = arith.constant 1 : i32
    %dma_start3A_78 = arith.constant 0 : i32
    %dma_start3A_79 = tpu.memref_slice %arg8[%dma_start3A_76, %dma_start3A_78] : memref<4x128xi32, #tpu.memory_space<vmem>> -> memref<1x128xi32, #tpu.memory_space<vmem>>
    %dma_start3A_80 = tpu.memref_squeeze %dma_start3A_79 : memref<1x128xi32, #tpu.memory_space<vmem>> -> memref<128xi32, #tpu.memory_space<vmem>>
    %dma_start3A_81 = tpu.memref_slice %arg3[%add3A_75] : memref<640000xi32, #tpu.memory_space<hbm>> -> memref<128xi32, #tpu.memory_space<hbm>>
    %dma_start3A_82 = tpu.memref_slice %arg14[%dma_start3A_77] : memref<4x!tpu.dma_semaphore, #tpu.memory_space<semaphore_mem>> -> memref<1x!tpu.dma_semaphore, #tpu.memory_space<semaphore_mem>>
    %dma_start3A_83 = tpu.memref_squeeze %dma_start3A_82 : memref<1x!tpu.dma_semaphore, #tpu.memory_space<semaphore_mem>> -> memref<!tpu.dma_semaphore, #tpu.memory_space<semaphore_mem>>
    %dma_start3A_84 = arith.constant 0 : i32
    %dma_start3A_85 = tpu.memref_slice %arg8[%dma_start3A_76, %dma_start3A_84] : memref<4x128xi32, #tpu.memory_space<vmem>> -> memref<1x128xi32, #tpu.memory_space<vmem>>
    %dma_start3A_86 = tpu.memref_squeeze %dma_start3A_85 : memref<1x128xi32, #tpu.memory_space<vmem>> -> memref<128xi32, #tpu.memory_space<vmem>>
    %dma_start3A_87 = tpu.memref_slice %arg3[%add3A_75] : memref<640000xi32, #tpu.memory_space<hbm>> -> memref<128xi32, #tpu.memory_space<hbm>>
    tpu.enqueue_dma source(%dma_start3A_87 : memref<128xi32, #tpu.memory_space<hbm>>) target(%dma_start3A_86 : memref<128xi32, #tpu.memory_space<vmem>>) target_semaphore(%dma_start3A_83 : memref<!tpu.dma_semaphore, #tpu.memory_space<semaphore_mem>>)
    %add3A_88 = arith.constant 0 : i32
    %add3A_89 = arith.addi %mul3A_2, %add3A_88 : i32
    %dma_wait3A = arith.constant 0 : i32
    %dma_wait3A_90 = arith.constant 0 : i32
    %dma_wait3A_91 = arith.constant 0 : i32
    %dma_wait3A_92 = tpu.memref_slice %arg7[%dma_wait3A, %dma_wait3A_91] : memref<4x128xi32, #tpu.memory_space<vmem>> -> memref<1x128xi32, #tpu.memory_space<vmem>>
    %dma_wait3A_93 = tpu.memref_squeeze %dma_wait3A_92 : memref<1x128xi32, #tpu.memory_space<vmem>> -> memref<128xi32, #tpu.memory_space<vmem>>
    %dma_wait3A_94 = tpu.memref_slice %arg3[%add3A_89] : memref<640000xi32, #tpu.memory_space<hbm>> -> memref<128xi32, #tpu.memory_space<hbm>>
    %dma_wait3A_95 = tpu.memref_slice %arg14[%dma_wait3A_90] : memref<4x!tpu.dma_semaphore, #tpu.memory_space<semaphore_mem>> -> memref<1x!tpu.dma_semaphore, #tpu.memory_space<semaphore_mem>>
    %dma_wait3A_96 = tpu.memref_squeeze %dma_wait3A_95 : memref<1x!tpu.dma_semaphore, #tpu.memory_space<semaphore_mem>> -> memref<!tpu.dma_semaphore, #tpu.memory_space<semaphore_mem>>
    %dma_wait3A_97 = arith.constant 0 : i32
    %dma_wait3A_98 = tpu.memref_slice %arg7[%dma_wait3A, %dma_wait3A_97] : memref<4x128xi32, #tpu.memory_space<vmem>> -> memref<1x128xi32, #tpu.memory_space<vmem>>
    %dma_wait3A_99 = tpu.memref_squeeze %dma_wait3A_98 : memref<1x128xi32, #tpu.memory_space<vmem>> -> memref<128xi32, #tpu.memory_space<vmem>>
    %dma_wait3A_100 = tpu.memref_slice %arg3[%add3A_89] : memref<640000xi32, #tpu.memory_space<hbm>> -> memref<128xi32, #tpu.memory_space<hbm>>
    tpu.wait_dma2 semaphore(%dma_wait3A_96 : memref<!tpu.dma_semaphore, #tpu.memory_space<semaphore_mem>>) src(%dma_wait3A_100 : memref<128xi32, #tpu.memory_space<hbm>>) dst(%dma_wait3A_99 : memref<128xi32, #tpu.memory_space<vmem>>)
    %add3A_101 = arith.constant 320000 : i32
    %add3A_102 = arith.addi %add3A_101, %mul3A_2 : i32
    %add3A_103 = arith.constant 0 : i32
    %add3A_104 = arith.addi %add3A_102, %add3A_103 : i32
    %dma_wait3A_105 = arith.constant 0 : i32
    %dma_wait3A_106 = arith.constant 0 : i32
    %dma_wait3A_107 = arith.constant 0 : i32
    %dma_wait3A_108 = tpu.memref_slice %arg8[%dma_wait3A_105, %dma_wait3A_107] : memref<4x128xi32, #tpu.memory_space<vmem>> -> memref<1x128xi32, #tpu.memory_space<vmem>>
    %dma_wait3A_109 = tpu.memref_squeeze %dma_wait3A_108 : memref<1x128xi32, #tpu.memory_space<vmem>> -> memref<128xi32, #tpu.memory_space<vmem>>
    %dma_wait3A_110 = tpu.memref_slice %arg3[%add3A_104] : memref<640000xi32, #tpu.memory_space<hbm>> -> memref<128xi32, #tpu.memory_space<hbm>>
    %dma_wait3A_111 = tpu.memref_slice %arg14[%dma_wait3A_106] : memref<4x!tpu.dma_semaphore, #tpu.memory_space<semaphore_mem>> -> memref<1x!tpu.dma_semaphore, #tpu.memory_space<semaphore_mem>>
    %dma_wait3A_112 = tpu.memref_squeeze %dma_wait3A_111 : memref<1x!tpu.dma_semaphore, #tpu.memory_space<semaphore_mem>> -> memref<!tpu.dma_semaphore, #tpu.memory_space<semaphore_mem>>
    %dma_wait3A_113 = arith.constant 0 : i32
    %dma_wait3A_114 = tpu.memref_slice %arg8[%dma_wait3A_105, %dma_wait3A_113] : memref<4x128xi32, #tpu.memory_space<vmem>> -> memref<1x128xi32, #tpu.memory_space<vmem>>
    %dma_wait3A_115 = tpu.memref_squeeze %dma_wait3A_114 : memref<1x128xi32, #tpu.memory_space<vmem>> -> memref<128xi32, #tpu.memory_space<vmem>>
    %dma_wait3A_116 = tpu.memref_slice %arg3[%add3A_104] : memref<640000xi32, #tpu.memory_space<hbm>> -> memref<128xi32, #tpu.memory_space<hbm>>
    tpu.wait_dma2 semaphore(%dma_wait3A_112 : memref<!tpu.dma_semaphore, #tpu.memory_space<semaphore_mem>>) src(%dma_wait3A_116 : memref<128xi32, #tpu.memory_space<hbm>>) dst(%dma_wait3A_115 : memref<128xi32, #tpu.memory_space<vmem>>)
    %dma_start3A_117 = arith.constant 0 : i32
    %dma_start3A_118 = arith.constant 0 : i32
    %dma_start3A_119 = arith.constant 0 : i32
    %dma_start3A_120 = arith.constant 0 : i32
    %dma_start3A_121 = arith.constant 0 : i32
    %dma_start3A_122 = tpu.memref_slice %arg9[%dma_start3A_118, %dma_start3A_120, %dma_start3A_121] : memref<2x128x128xf32, #tpu.memory_space<vmem>> -> memref<1x128x128xf32, #tpu.memory_space<vmem>>
    %dma_start3A_123 = tpu.memref_squeeze %dma_start3A_122 : memref<1x128x128xf32, #tpu.memory_space<vmem>> -> memref<128x128xf32, #tpu.memory_space<vmem>>
    %dma_start3A_124 = arith.constant 0 : i32
    %dma_start3A_125 = tpu.memref_slice %arg7[%dma_start3A_117, %dma_start3A_124] : memref<4x128xi32, #tpu.memory_space<vmem>> -> memref<1x128xi32, #tpu.memory_space<vmem>>
    %dma_start3A_126 = tpu.memref_squeeze %dma_start3A_125 : memref<1x128xi32, #tpu.memory_space<vmem>> -> memref<128xi32, #tpu.memory_space<vmem>>
    %dma_start3A_127 = arith.constant 0 : i32
    %dma_start3A_128 = arith.constant 0 : i32
    %dma_start3A_129 = tpu.memref_slice %arg2[%dma_start3A_127, %dma_start3A_128] : memref<10000x128xf32, #tpu.memory_space<hbm>> -> memref<10000x128xf32, #tpu.memory_space<hbm>>
    %dma_start3A_130 = tpu.memref_slice %arg13[%dma_start3A_119] : memref<2x!tpu.dma_semaphore, #tpu.memory_space<semaphore_mem>> -> memref<1x!tpu.dma_semaphore, #tpu.memory_space<semaphore_mem>>
    %dma_start3A_131 = tpu.memref_squeeze %dma_start3A_130 : memref<1x!tpu.dma_semaphore, #tpu.memory_space<semaphore_mem>> -> memref<!tpu.dma_semaphore, #tpu.memory_space<semaphore_mem>>
    tpu.enqueue_indirect_dma source(%dma_start3A_129 : memref<10000x128xf32, #tpu.memory_space<hbm>>) target(%dma_start3A_123 : memref<128x128xf32, #tpu.memory_space<vmem>>) offsets(%dma_start3A_126 : memref<128xi32, #tpu.memory_space<vmem>>) semaphore(%dma_start3A_131 : memref<!tpu.dma_semaphore, #tpu.memory_space<semaphore_mem>>)
    %scan3A = arith.constant 0 : i32
    %scan3A_132 = arith.constant 19 : i32
    %scan3A_133 = arith.addi %scan3A, %scan3A_132 : i32
    %scan3A_134 = arith.constant 1 : i32
    scf.for %scan3A_316 = %scan3A to %scan3A_133 step %scan3A_134  : i32 {
      %mul3A_317 = arith.constant 4 : i32
      %mul3A_318 = arith.muli %scan3A_316, %mul3A_317 : i32
      %add3A_319 = arith.constant 0 : i32
      %add3A_320 = arith.addi %add3A_319, %mul3A_318 : i32
      %add3A_321 = arith.constant 0 : i32
      %add3A_322 = arith.addi %add3A_320, %add3A_321 : i32
      %add3A_323 = arith.constant 2 : i32
      %add3A_324 = arith.addi %add3A_322, %add3A_323 : i32
      %mul3A_325 = arith.constant 128 : i32
      %mul3A_326 = arith.muli %add3A_324, %mul3A_325 : i32
      %add3A_327 = arith.addi %mul3A_2, %mul3A_326 : i32
      %dma_start3A_328 = arith.constant 2 : i32
      %dma_start3A_329 = arith.constant 2 : i32
      %dma_start3A_330 = arith.constant 0 : i32
      %dma_start3A_331 = tpu.memref_slice %arg7[%dma_start3A_328, %dma_start3A_330] : memref<4x128xi32, #tpu.memory_space<vmem>> -> memref<1x128xi32, #tpu.memory_space<vmem>>
      %dma_start3A_332 = tpu.memref_squeeze %dma_start3A_331 : memref<1x128xi32, #tpu.memory_space<vmem>> -> memref<128xi32, #tpu.memory_space<vmem>>
      %dma_start3A_333 = tpu.memref_slice %arg3[%add3A_327] : memref<640000xi32, #tpu.memory_space<hbm>> -> memref<128xi32, #tpu.memory_space<hbm>>
      %dma_start3A_334 = tpu.memref_slice %arg14[%dma_start3A_329] : memref<4x!tpu.dma_semaphore, #tpu.memory_space<semaphore_mem>> -> memref<1x!tpu.dma_semaphore, #tpu.memory_space<semaphore_mem>>
      %dma_start3A_335 = tpu.memref_squeeze %dma_start3A_334 : memref<1x!tpu.dma_semaphore, #tpu.memory_space<semaphore_mem>> -> memref<!tpu.dma_semaphore, #tpu.memory_space<semaphore_mem>>
      %dma_start3A_336 = arith.constant 0 : i32
      %dma_start3A_337 = tpu.memref_slice %arg7[%dma_start3A_328, %dma_start3A_336] : memref<4x128xi32, #tpu.memory_space<vmem>> -> memref<1x128xi32, #tpu.memory_space<vmem>>
      %dma_start3A_338 = tpu.memref_squeeze %dma_start3A_337 : memref<1x128xi32, #tpu.memory_space<vmem>> -> memref<128xi32, #tpu.memory_space<vmem>>
      %dma_start3A_339 = tpu.memref_slice %arg3[%add3A_327] : memref<640000xi32, #tpu.memory_space<hbm>> -> memref<128xi32, #tpu.memory_space<hbm>>
      tpu.enqueue_dma source(%dma_start3A_339 : memref<128xi32, #tpu.memory_space<hbm>>) target(%dma_start3A_338 : memref<128xi32, #tpu.memory_space<vmem>>) target_semaphore(%dma_start3A_335 : memref<!tpu.dma_semaphore, #tpu.memory_space<semaphore_mem>>)
      %add3A_340 = arith.constant 320000 : i32
      %add3A_341 = arith.addi %add3A_340, %mul3A_2 : i32
      %mul3A_342 = arith.constant 128 : i32
      %mul3A_343 = arith.muli %add3A_324, %mul3A_342 : i32
      %add3A_344 = arith.addi %add3A_341, %mul3A_343 : i32
      %dma_start3A_345 = arith.constant 2 : i32
      %dma_start3A_346 = arith.constant 2 : i32
      %dma_start3A_347 = arith.constant 0 : i32
      %dma_start3A_348 = tpu.memref_slice %arg8[%dma_start3A_345, %dma_start3A_347] : memref<4x128xi32, #tpu.memory_space<vmem>> -> memref<1x128xi32, #tpu.memory_space<vmem>>
      %dma_start3A_349 = tpu.memref_squeeze %dma_start3A_348 : memref<1x128xi32, #tpu.memory_space<vmem>> -> memref<128xi32, #tpu.memory_space<vmem>>
      %dma_start3A_350 = tpu.memref_slice %arg3[%add3A_344] : memref<640000xi32, #tpu.memory_space<hbm>> -> memref<128xi32, #tpu.memory_space<hbm>>
      %dma_start3A_351 = tpu.memref_slice %arg14[%dma_start3A_346] : memref<4x!tpu.dma_semaphore, #tpu.memory_space<semaphore_mem>> -> memref<1x!tpu.dma_semaphore, #tpu.memory_space<semaphore_mem>>
      %dma_start3A_352 = tpu.memref_squeeze %dma_start3A_351 : memref<1x!tpu.dma_semaphore, #tpu.memory_space<semaphore_mem>> -> memref<!tpu.dma_semaphore, #tpu.memory_space<semaphore_mem>>
      %dma_start3A_353 = arith.constant 0 : i32
      %dma_start3A_354 = tpu.memref_slice %arg8[%dma_start3A_345, %dma_start3A_353] : memref<4x128xi32, #tpu.memory_space<vmem>> -> memref<1x128xi32, #tpu.memory_space<vmem>>
      %dma_start3A_355 = tpu.memref_squeeze %dma_start3A_354 : memref<1x128xi32, #tpu.memory_space<vmem>> -> memref<128xi32, #tpu.memory_space<vmem>>
      %dma_start3A_356 = tpu.memref_slice %arg3[%add3A_344] : memref<640000xi32, #tpu.memory_space<hbm>> -> memref<128xi32, #tpu.memory_space<hbm>>
      tpu.enqueue_dma source(%dma_start3A_356 : memref<128xi32, #tpu.memory_space<hbm>>) target(%dma_start3A_355 : memref<128xi32, #tpu.memory_space<vmem>>) target_semaphore(%dma_start3A_352 : memref<!tpu.dma_semaphore, #tpu.memory_space<semaphore_mem>>)
      %add3A_357 = arith.constant 1 : i32
      %add3A_358 = arith.addi %add3A_322, %add3A_357 : i32
      %mul3A_359 = arith.constant 128 : i32
      %mul3A_360 = arith.muli %add3A_358, %mul3A_359 : i32
      %add3A_361 = arith.addi %mul3A_2, %mul3A_360 : i32
      %dma_wait3A_362 = arith.constant 1 : i32
      %dma_wait3A_363 = arith.constant 1 : i32
      %dma_wait3A_364 = arith.constant 0 : i32
      %dma_wait3A_365 = tpu.memref_slice %arg7[%dma_wait3A_362, %dma_wait3A_364] : memref<4x128xi32, #tpu.memory_space<vmem>> -> memref<1x128xi32, #tpu.memory_space<vmem>>
      %dma_wait3A_366 = tpu.memref_squeeze %dma_wait3A_365 : memref<1x128xi32, #tpu.memory_space<vmem>> -> memref<128xi32, #tpu.memory_space<vmem>>
      %dma_wait3A_367 = tpu.memref_slice %arg3[%add3A_361] : memref<640000xi32, #tpu.memory_space<hbm>> -> memref<128xi32, #tpu.memory_space<hbm>>
      %dma_wait3A_368 = tpu.memref_slice %arg14[%dma_wait3A_363] : memref<4x!tpu.dma_semaphore, #tpu.memory_space<semaphore_mem>> -> memref<1x!tpu.dma_semaphore, #tpu.memory_space<semaphore_mem>>
      %dma_wait3A_369 = tpu.memref_squeeze %dma_wait3A_368 : memref<1x!tpu.dma_semaphore, #tpu.memory_space<semaphore_mem>> -> memref<!tpu.dma_semaphore, #tpu.memory_space<semaphore_mem>>
      %dma_wait3A_370 = arith.constant 0 : i32
      %dma_wait3A_371 = tpu.memref_slice %arg7[%dma_wait3A_362, %dma_wait3A_370] : memref<4x128xi32, #tpu.memory_space<vmem>> -> memref<1x128xi32, #tpu.memory_space<vmem>>
      %dma_wait3A_372 = tpu.memref_squeeze %dma_wait3A_371 : memref<1x128xi32, #tpu.memory_space<vmem>> -> memref<128xi32, #tpu.memory_space<vmem>>
      %dma_wait3A_373 = tpu.memref_slice %arg3[%add3A_361] : memref<640000xi32, #tpu.memory_space<hbm>> -> memref<128xi32, #tpu.memory_space<hbm>>
      tpu.wait_dma2 semaphore(%dma_wait3A_369 : memref<!tpu.dma_semaphore, #tpu.memory_space<semaphore_mem>>) src(%dma_wait3A_373 : memref<128xi32, #tpu.memory_space<hbm>>) dst(%dma_wait3A_372 : memref<128xi32, #tpu.memory_space<vmem>>)
      %add3A_374 = arith.constant 320000 : i32
      %add3A_375 = arith.addi %add3A_374, %mul3A_2 : i32
      %mul3A_376 = arith.constant 128 : i32
      %mul3A_377 = arith.muli %add3A_358, %mul3A_376 : i32
      %add3A_378 = arith.addi %add3A_375, %mul3A_377 : i32
      %dma_wait3A_379 = arith.constant 1 : i32
      %dma_wait3A_380 = arith.constant 1 : i32
      %dma_wait3A_381 = arith.constant 0 : i32
      %dma_wait3A_382 = tpu.memref_slice %arg8[%dma_wait3A_379, %dma_wait3A_381] : memref<4x128xi32, #tpu.memory_space<vmem>> -> memref<1x128xi32, #tpu.memory_space<vmem>>
      %dma_wait3A_383 = tpu.memref_squeeze %dma_wait3A_382 : memref<1x128xi32, #tpu.memory_space<vmem>> -> memref<128xi32, #tpu.memory_space<vmem>>
      %dma_wait3A_384 = tpu.memref_slice %arg3[%add3A_378] : memref<640000xi32, #tpu.memory_space<hbm>> -> memref<128xi32, #tpu.memory_space<hbm>>
      %dma_wait3A_385 = tpu.memref_slice %arg14[%dma_wait3A_380] : memref<4x!tpu.dma_semaphore, #tpu.memory_space<semaphore_mem>> -> memref<1x!tpu.dma_semaphore, #tpu.memory_space<semaphore_mem>>
      %dma_wait3A_386 = tpu.memref_squeeze %dma_wait3A_385 : memref<1x!tpu.dma_semaphore, #tpu.memory_space<semaphore_mem>> -> memref<!tpu.dma_semaphore, #tpu.memory_space<semaphore_mem>>
      %dma_wait3A_387 = arith.constant 0 : i32
      %dma_wait3A_388 = tpu.memref_slice %arg8[%dma_wait3A_379, %dma_wait3A_387] : memref<4x128xi32, #tpu.memory_space<vmem>> -> memref<1x128xi32, #tpu.memory_space<vmem>>
      %dma_wait3A_389 = tpu.memref_squeeze %dma_wait3A_388 : memref<1x128xi32, #tpu.memory_space<vmem>> -> memref<128xi32, #tpu.memory_space<vmem>>
      %dma_wait3A_390 = tpu.memref_slice %arg3[%add3A_378] : memref<640000xi32, #tpu.memory_space<hbm>> -> memref<128xi32, #tpu.memory_space<hbm>>
      tpu.wait_dma2 semaphore(%dma_wait3A_386 : memref<!tpu.dma_semaphore, #tpu.memory_space<semaphore_mem>>) src(%dma_wait3A_390 : memref<128xi32, #tpu.memory_space<hbm>>) dst(%dma_wait3A_389 : memref<128xi32, #tpu.memory_space<vmem>>)
      %ge3A = arith.constant 1 : i32
      %ge3A_391 = arith.cmpi sge, %add3A_322, %ge3A : i32
      %convert_element_type3A = arith.extui %ge3A_391 : i1 to i32
      %cond3A = arith.constant 0 : i32
      %cond3A_392 = arith.cmpi ne, %convert_element_type3A, %cond3A : i32
      scf.if %cond3A_392 {
        %dma_wait3A_798 = arith.constant 1 : i32
        %dma_wait3A_799 = arith.constant 3 : i32
        %dma_wait3A_800 = arith.constant 1 : i32
        %dma_wait3A_801 = arith.constant 0 : i32
        %dma_wait3A_802 = arith.constant 0 : i32
        %dma_wait3A_803 = tpu.memref_slice %arg9[%dma_wait3A_798, %dma_wait3A_801, %dma_wait3A_802] : memref<2x128x128xf32, #tpu.memory_space<vmem>> -> memref<1x128x128xf32, #tpu.memory_space<vmem>>
        %dma_wait3A_804 = tpu.memref_squeeze %dma_wait3A_803 : memref<1x128x128xf32, #tpu.memory_space<vmem>> -> memref<128x128xf32, #tpu.memory_space<vmem>>
        %dma_wait3A_805 = arith.constant 0 : i32
        %dma_wait3A_806 = tpu.memref_slice %arg8[%dma_wait3A_799, %dma_wait3A_805] : memref<4x128xi32, #tpu.memory_space<vmem>> -> memref<1x128xi32, #tpu.memory_space<vmem>>
        %dma_wait3A_807 = tpu.memref_squeeze %dma_wait3A_806 : memref<1x128xi32, #tpu.memory_space<vmem>> -> memref<128xi32, #tpu.memory_space<vmem>>
        %dma_wait3A_808 = arith.constant 0 : i32
        %dma_wait3A_809 = arith.constant 0 : i32
        %dma_wait3A_810 = tpu.memref_slice %arg6[%dma_wait3A_808, %dma_wait3A_809] : memref<10240x128xf32, #tpu.memory_space<vmem_shared>> -> memref<10240x128xf32, #tpu.memory_space<vmem_shared>>
        %dma_wait3A_811 = tpu.memref_slice %arg15[%dma_wait3A_800] : memref<2x!tpu.dma_semaphore, #tpu.memory_space<semaphore_mem>> -> memref<1x!tpu.dma_semaphore, #tpu.memory_space<semaphore_mem>>
        %dma_wait3A_812 = tpu.memref_squeeze %dma_wait3A_811 : memref<1x!tpu.dma_semaphore, #tpu.memory_space<semaphore_mem>> -> memref<!tpu.dma_semaphore, #tpu.memory_space<semaphore_mem>>
        tpu.wait_indirect_dma semaphore(%dma_wait3A_812 : memref<!tpu.dma_semaphore, #tpu.memory_space<semaphore_mem>>) src(%dma_wait3A_804 : memref<128x128xf32, #tpu.memory_space<vmem>>) dst(%dma_wait3A_810 : memref<10240x128xf32, #tpu.memory_space<vmem_shared>>)
      } else {
      }
      %dma_start3A_393 = arith.constant 1 : i32
      %dma_start3A_394 = arith.constant 1 : i32
      %dma_start3A_395 = arith.constant 1 : i32
      %dma_start3A_396 = arith.constant 0 : i32
      %dma_start3A_397 = arith.constant 0 : i32
      %dma_start3A_398 = tpu.memref_slice %arg9[%dma_start3A_394, %dma_start3A_396, %dma_start3A_397] : memref<2x128x128xf32, #tpu.memory_space<vmem>> -> memref<1x128x128xf32, #tpu.memory_space<vmem>>
      %dma_start3A_399 = tpu.memref_squeeze %dma_start3A_398 : memref<1x128x128xf32, #tpu.memory_space<vmem>> -> memref<128x128xf32, #tpu.memory_space<vmem>>
      %dma_start3A_400 = arith.constant 0 : i32
      %dma_start3A_401 = tpu.memref_slice %arg7[%dma_start3A_393, %dma_start3A_400] : memref<4x128xi32, #tpu.memory_space<vmem>> -> memref<1x128xi32, #tpu.memory_space<vmem>>
      %dma_start3A_402 = tpu.memref_squeeze %dma_start3A_401 : memref<1x128xi32, #tpu.memory_space<vmem>> -> memref<128xi32, #tpu.memory_space<vmem>>
      %dma_start3A_403 = arith.constant 0 : i32
      %dma_start3A_404 = arith.constant 0 : i32
      %dma_start3A_405 = tpu.memref_slice %arg2[%dma_start3A_403, %dma_start3A_404] : memref<10000x128xf32, #tpu.memory_space<hbm>> -> memref<10000x128xf32, #tpu.memory_space<hbm>>
      %dma_start3A_406 = tpu.memref_slice %arg13[%dma_start3A_395] : memref<2x!tpu.dma_semaphore, #tpu.memory_space<semaphore_mem>> -> memref<1x!tpu.dma_semaphore, #tpu.memory_space<semaphore_mem>>
      %dma_start3A_407 = tpu.memref_squeeze %dma_start3A_406 : memref<1x!tpu.dma_semaphore, #tpu.memory_space<semaphore_mem>> -> memref<!tpu.dma_semaphore, #tpu.memory_space<semaphore_mem>>
      tpu.enqueue_indirect_dma source(%dma_start3A_405 : memref<10000x128xf32, #tpu.memory_space<hbm>>) target(%dma_start3A_399 : memref<128x128xf32, #tpu.memory_space<vmem>>) offsets(%dma_start3A_402 : memref<128xi32, #tpu.memory_space<vmem>>) semaphore(%dma_start3A_407 : memref<!tpu.dma_semaphore, #tpu.memory_space<semaphore_mem>>)
      %dma_wait3A_408 = arith.constant 0 : i32
      %dma_wait3A_409 = arith.constant 0 : i32
      %dma_wait3A_410 = arith.constant 0 : i32
      %dma_wait3A_411 = arith.constant 0 : i32
      %dma_wait3A_412 = arith.constant 0 : i32
      %dma_wait3A_413 = tpu.memref_slice %arg9[%dma_wait3A_409, %dma_wait3A_411, %dma_wait3A_412] : memref<2x128x128xf32, #tpu.memory_space<vmem>> -> memref<1x128x128xf32, #tpu.memory_space<vmem>>
      %dma_wait3A_414 = tpu.memref_squeeze %dma_wait3A_413 : memref<1x128x128xf32, #tpu.memory_space<vmem>> -> memref<128x128xf32, #tpu.memory_space<vmem>>
      %dma_wait3A_415 = arith.constant 0 : i32
      %dma_wait3A_416 = tpu.memref_slice %arg7[%dma_wait3A_408, %dma_wait3A_415] : memref<4x128xi32, #tpu.memory_space<vmem>> -> memref<1x128xi32, #tpu.memory_space<vmem>>
      %dma_wait3A_417 = tpu.memref_squeeze %dma_wait3A_416 : memref<1x128xi32, #tpu.memory_space<vmem>> -> memref<128xi32, #tpu.memory_space<vmem>>
      %dma_wait3A_418 = arith.constant 0 : i32
      %dma_wait3A_419 = arith.constant 0 : i32
      %dma_wait3A_420 = tpu.memref_slice %arg2[%dma_wait3A_418, %dma_wait3A_419] : memref<10000x128xf32, #tpu.memory_space<hbm>> -> memref<10000x128xf32, #tpu.memory_space<hbm>>
      %dma_wait3A_421 = tpu.memref_slice %arg13[%dma_wait3A_410] : memref<2x!tpu.dma_semaphore, #tpu.memory_space<semaphore_mem>> -> memref<1x!tpu.dma_semaphore, #tpu.memory_space<semaphore_mem>>
      %dma_wait3A_422 = tpu.memref_squeeze %dma_wait3A_421 : memref<1x!tpu.dma_semaphore, #tpu.memory_space<semaphore_mem>> -> memref<!tpu.dma_semaphore, #tpu.memory_space<semaphore_mem>>
      tpu.wait_indirect_dma semaphore(%dma_wait3A_422 : memref<!tpu.dma_semaphore, #tpu.memory_space<semaphore_mem>>) src(%dma_wait3A_420 : memref<10000x128xf32, #tpu.memory_space<hbm>>) dst(%dma_wait3A_414 : memref<128x128xf32, #tpu.memory_space<vmem>>)
      %dma_start3A_423 = arith.constant 0 : i32
      %dma_start3A_424 = arith.constant 0 : i32
      %dma_start3A_425 = arith.constant 0 : i32
      %dma_start3A_426 = arith.constant 0 : i32
      %dma_start3A_427 = arith.constant 0 : i32
      %dma_start3A_428 = tpu.memref_slice %arg9[%dma_start3A_423, %dma_start3A_426, %dma_start3A_427] : memref<2x128x128xf32, #tpu.memory_space<vmem>> -> memref<1x128x128xf32, #tpu.memory_space<vmem>>
      %dma_start3A_429 = tpu.memref_squeeze %dma_start3A_428 : memref<1x128x128xf32, #tpu.memory_space<vmem>> -> memref<128x128xf32, #tpu.memory_space<vmem>>
      %dma_start3A_430 = arith.constant 0 : i32
      %dma_start3A_431 = tpu.memref_slice %arg8[%dma_start3A_424, %dma_start3A_430] : memref<4x128xi32, #tpu.memory_space<vmem>> -> memref<1x128xi32, #tpu.memory_space<vmem>>
      %dma_start3A_432 = tpu.memref_squeeze %dma_start3A_431 : memref<1x128xi32, #tpu.memory_space<vmem>> -> memref<128xi32, #tpu.memory_space<vmem>>
      %dma_start3A_433 = arith.constant 0 : i32
      %dma_start3A_434 = arith.constant 0 : i32
      %dma_start3A_435 = tpu.memref_slice %arg6[%dma_start3A_433, %dma_start3A_434] : memref<10240x128xf32, #tpu.memory_space<vmem_shared>> -> memref<10240x128xf32, #tpu.memory_space<vmem_shared>>
      %dma_start3A_436 = tpu.memref_slice %arg15[%dma_start3A_425] : memref<2x!tpu.dma_semaphore, #tpu.memory_space<semaphore_mem>> -> memref<1x!tpu.dma_semaphore, #tpu.memory_space<semaphore_mem>>
      %dma_start3A_437 = tpu.memref_squeeze %dma_start3A_436 : memref<1x!tpu.dma_semaphore, #tpu.memory_space<semaphore_mem>> -> memref<!tpu.dma_semaphore, #tpu.memory_space<semaphore_mem>>
      tpu.enqueue_indirect_dma source(%dma_start3A_429 : memref<128x128xf32, #tpu.memory_space<vmem>>) target(%dma_start3A_435 : memref<10240x128xf32, #tpu.memory_space<vmem_shared>>) offsets(%dma_start3A_432 : memref<128xi32, #tpu.memory_space<vmem>>) semaphore(%dma_start3A_437 : memref<!tpu.dma_semaphore, #tpu.memory_space<semaphore_mem>>) {add = true}
      %add3A_438 = arith.constant 1 : i32
      %add3A_439 = arith.addi %add3A_320, %add3A_438 : i32
      %add3A_440 = arith.constant 2 : i32
      %add3A_441 = arith.addi %add3A_439, %add3A_440 : i32
      %mul3A_442 = arith.constant 128 : i32
      %mul3A_443 = arith.muli %add3A_441, %mul3A_442 : i32
      %add3A_444 = arith.addi %mul3A_2, %mul3A_443 : i32
      %dma_start3A_445 = arith.constant 3 : i32
      %dma_start3A_446 = arith.constant 3 : i32
      %dma_start3A_447 = arith.constant 0 : i32
      %dma_start3A_448 = tpu.memref_slice %arg7[%dma_start3A_445, %dma_start3A_447] : memref<4x128xi32, #tpu.memory_space<vmem>> -> memref<1x128xi32, #tpu.memory_space<vmem>>
      %dma_start3A_449 = tpu.memref_squeeze %dma_start3A_448 : memref<1x128xi32, #tpu.memory_space<vmem>> -> memref<128xi32, #tpu.memory_space<vmem>>
      %dma_start3A_450 = tpu.memref_slice %arg3[%add3A_444] : memref<640000xi32, #tpu.memory_space<hbm>> -> memref<128xi32, #tpu.memory_space<hbm>>
      %dma_start3A_451 = tpu.memref_slice %arg14[%dma_start3A_446] : memref<4x!tpu.dma_semaphore, #tpu.memory_space<semaphore_mem>> -> memref<1x!tpu.dma_semaphore, #tpu.memory_space<semaphore_mem>>
      %dma_start3A_452 = tpu.memref_squeeze %dma_start3A_451 : memref<1x!tpu.dma_semaphore, #tpu.memory_space<semaphore_mem>> -> memref<!tpu.dma_semaphore, #tpu.memory_space<semaphore_mem>>
      %dma_start3A_453 = arith.constant 0 : i32
      %dma_start3A_454 = tpu.memref_slice %arg7[%dma_start3A_445, %dma_start3A_453] : memref<4x128xi32, #tpu.memory_space<vmem>> -> memref<1x128xi32, #tpu.memory_space<vmem>>
      %dma_start3A_455 = tpu.memref_squeeze %dma_start3A_454 : memref<1x128xi32, #tpu.memory_space<vmem>> -> memref<128xi32, #tpu.memory_space<vmem>>
      %dma_start3A_456 = tpu.memref_slice %arg3[%add3A_444] : memref<640000xi32, #tpu.memory_space<hbm>> -> memref<128xi32, #tpu.memory_space<hbm>>
      tpu.enqueue_dma source(%dma_start3A_456 : memref<128xi32, #tpu.memory_space<hbm>>) target(%dma_start3A_455 : memref<128xi32, #tpu.memory_space<vmem>>) target_semaphore(%dma_start3A_452 : memref<!tpu.dma_semaphore, #tpu.memory_space<semaphore_mem>>)
      %add3A_457 = arith.constant 320000 : i32
      %add3A_458 = arith.addi %add3A_457, %mul3A_2 : i32
      %mul3A_459 = arith.constant 128 : i32
      %mul3A_460 = arith.muli %add3A_441, %mul3A_459 : i32
      %add3A_461 = arith.addi %add3A_458, %mul3A_460 : i32
      %dma_start3A_462 = arith.constant 3 : i32
      %dma_start3A_463 = arith.constant 3 : i32
      %dma_start3A_464 = arith.constant 0 : i32
      %dma_start3A_465 = tpu.memref_slice %arg8[%dma_start3A_462, %dma_start3A_464] : memref<4x128xi32, #tpu.memory_space<vmem>> -> memref<1x128xi32, #tpu.memory_space<vmem>>
      %dma_start3A_466 = tpu.memref_squeeze %dma_start3A_465 : memref<1x128xi32, #tpu.memory_space<vmem>> -> memref<128xi32, #tpu.memory_space<vmem>>
      %dma_start3A_467 = tpu.memref_slice %arg3[%add3A_461] : memref<640000xi32, #tpu.memory_space<hbm>> -> memref<128xi32, #tpu.memory_space<hbm>>
      %dma_start3A_468 = tpu.memref_slice %arg14[%dma_start3A_463] : memref<4x!tpu.dma_semaphore, #tpu.memory_space<semaphore_mem>> -> memref<1x!tpu.dma_semaphore, #tpu.memory_space<semaphore_mem>>
      %dma_start3A_469 = tpu.memref_squeeze %dma_start3A_468 : memref<1x!tpu.dma_semaphore, #tpu.memory_space<semaphore_mem>> -> memref<!tpu.dma_semaphore, #tpu.memory_space<semaphore_mem>>
      %dma_start3A_470 = arith.constant 0 : i32
      %dma_start3A_471 = tpu.memref_slice %arg8[%dma_start3A_462, %dma_start3A_470] : memref<4x128xi32, #tpu.memory_space<vmem>> -> memref<1x128xi32, #tpu.memory_space<vmem>>
      %dma_start3A_472 = tpu.memref_squeeze %dma_start3A_471 : memref<1x128xi32, #tpu.memory_space<vmem>> -> memref<128xi32, #tpu.memory_space<vmem>>
      %dma_start3A_473 = tpu.memref_slice %arg3[%add3A_461] : memref<640000xi32, #tpu.memory_space<hbm>> -> memref<128xi32, #tpu.memory_space<hbm>>
      tpu.enqueue_dma source(%dma_start3A_473 : memref<128xi32, #tpu.memory_space<hbm>>) target(%dma_start3A_472 : memref<128xi32, #tpu.memory_space<vmem>>) target_semaphore(%dma_start3A_469 : memref<!tpu.dma_semaphore, #tpu.memory_space<semaphore_mem>>)
      %add3A_474 = arith.constant 1 : i32
      %add3A_475 = arith.addi %add3A_439, %add3A_474 : i32
      %mul3A_476 = arith.constant 128 : i32
      %mul3A_477 = arith.muli %add3A_475, %mul3A_476 : i32
      %add3A_478 = arith.addi %mul3A_2, %mul3A_477 : i32
      %dma_wait3A_479 = arith.constant 2 : i32
      %dma_wait3A_480 = arith.constant 2 : i32
      %dma_wait3A_481 = arith.constant 0 : i32
      %dma_wait3A_482 = tpu.memref_slice %arg7[%dma_wait3A_479, %dma_wait3A_481] : memref<4x128xi32, #tpu.memory_space<vmem>> -> memref<1x128xi32, #tpu.memory_space<vmem>>
      %dma_wait3A_483 = tpu.memref_squeeze %dma_wait3A_482 : memref<1x128xi32, #tpu.memory_space<vmem>> -> memref<128xi32, #tpu.memory_space<vmem>>
      %dma_wait3A_484 = tpu.memref_slice %arg3[%add3A_478] : memref<640000xi32, #tpu.memory_space<hbm>> -> memref<128xi32, #tpu.memory_space<hbm>>
      %dma_wait3A_485 = tpu.memref_slice %arg14[%dma_wait3A_480] : memref<4x!tpu.dma_semaphore, #tpu.memory_space<semaphore_mem>> -> memref<1x!tpu.dma_semaphore, #tpu.memory_space<semaphore_mem>>
      %dma_wait3A_486 = tpu.memref_squeeze %dma_wait3A_485 : memref<1x!tpu.dma_semaphore, #tpu.memory_space<semaphore_mem>> -> memref<!tpu.dma_semaphore, #tpu.memory_space<semaphore_mem>>
      %dma_wait3A_487 = arith.constant 0 : i32
      %dma_wait3A_488 = tpu.memref_slice %arg7[%dma_wait3A_479, %dma_wait3A_487] : memref<4x128xi32, #tpu.memory_space<vmem>> -> memref<1x128xi32, #tpu.memory_space<vmem>>
      %dma_wait3A_489 = tpu.memref_squeeze %dma_wait3A_488 : memref<1x128xi32, #tpu.memory_space<vmem>> -> memref<128xi32, #tpu.memory_space<vmem>>
      %dma_wait3A_490 = tpu.memref_slice %arg3[%add3A_478] : memref<640000xi32, #tpu.memory_space<hbm>> -> memref<128xi32, #tpu.memory_space<hbm>>
      tpu.wait_dma2 semaphore(%dma_wait3A_486 : memref<!tpu.dma_semaphore, #tpu.memory_space<semaphore_mem>>) src(%dma_wait3A_490 : memref<128xi32, #tpu.memory_space<hbm>>) dst(%dma_wait3A_489 : memref<128xi32, #tpu.memory_space<vmem>>)
      %add3A_491 = arith.constant 320000 : i32
      %add3A_492 = arith.addi %add3A_491, %mul3A_2 : i32
      %mul3A_493 = arith.constant 128 : i32
      %mul3A_494 = arith.muli %add3A_475, %mul3A_493 : i32
      %add3A_495 = arith.addi %add3A_492, %mul3A_494 : i32
      %dma_wait3A_496 = arith.constant 2 : i32
      %dma_wait3A_497 = arith.constant 2 : i32
      %dma_wait3A_498 = arith.constant 0 : i32
      %dma_wait3A_499 = tpu.memref_slice %arg8[%dma_wait3A_496, %dma_wait3A_498] : memref<4x128xi32, #tpu.memory_space<vmem>> -> memref<1x128xi32, #tpu.memory_space<vmem>>
      %dma_wait3A_500 = tpu.memref_squeeze %dma_wait3A_499 : memref<1x128xi32, #tpu.memory_space<vmem>> -> memref<128xi32, #tpu.memory_space<vmem>>
      %dma_wait3A_501 = tpu.memref_slice %arg3[%add3A_495] : memref<640000xi32, #tpu.memory_space<hbm>> -> memref<128xi32, #tpu.memory_space<hbm>>
      %dma_wait3A_502 = tpu.memref_slice %arg14[%dma_wait3A_497] : memref<4x!tpu.dma_semaphore, #tpu.memory_space<semaphore_mem>> -> memref<1x!tpu.dma_semaphore, #tpu.memory_space<semaphore_mem>>
      %dma_wait3A_503 = tpu.memref_squeeze %dma_wait3A_502 : memref<1x!tpu.dma_semaphore, #tpu.memory_space<semaphore_mem>> -> memref<!tpu.dma_semaphore, #tpu.memory_space<semaphore_mem>>
      %dma_wait3A_504 = arith.constant 0 : i32
      %dma_wait3A_505 = tpu.memref_slice %arg8[%dma_wait3A_496, %dma_wait3A_504] : memref<4x128xi32, #tpu.memory_space<vmem>> -> memref<1x128xi32, #tpu.memory_space<vmem>>
      %dma_wait3A_506 = tpu.memref_squeeze %dma_wait3A_505 : memref<1x128xi32, #tpu.memory_space<vmem>> -> memref<128xi32, #tpu.memory_space<vmem>>
      %dma_wait3A_507 = tpu.memref_slice %arg3[%add3A_495] : memref<640000xi32, #tpu.memory_space<hbm>> -> memref<128xi32, #tpu.memory_space<hbm>>
      tpu.wait_dma2 semaphore(%dma_wait3A_503 : memref<!tpu.dma_semaphore, #tpu.memory_space<semaphore_mem>>) src(%dma_wait3A_507 : memref<128xi32, #tpu.memory_space<hbm>>) dst(%dma_wait3A_506 : memref<128xi32, #tpu.memory_space<vmem>>)
      %ge3A_508 = arith.constant 1 : i32
      %ge3A_509 = arith.cmpi sge, %add3A_439, %ge3A_508 : i32
      %convert_element_type3A_510 = arith.extui %ge3A_509 : i1 to i32
      %cond3A_511 = arith.constant 0 : i32
      %cond3A_512 = arith.cmpi ne, %convert_element_type3A_510, %cond3A_511 : i32
      scf.if %cond3A_512 {
        %dma_wait3A_798 = arith.constant 0 : i32
        %dma_wait3A_799 = arith.constant 0 : i32
        %dma_wait3A_800 = arith.constant 0 : i32
        %dma_wait3A_801 = arith.constant 0 : i32
        %dma_wait3A_802 = arith.constant 0 : i32
        %dma_wait3A_803 = tpu.memref_slice %arg9[%dma_wait3A_798, %dma_wait3A_801, %dma_wait3A_802] : memref<2x128x128xf32, #tpu.memory_space<vmem>> -> memref<1x128x128xf32, #tpu.memory_space<vmem>>
        %dma_wait3A_804 = tpu.memref_squeeze %dma_wait3A_803 : memref<1x128x128xf32, #tpu.memory_space<vmem>> -> memref<128x128xf32, #tpu.memory_space<vmem>>
        %dma_wait3A_805 = arith.constant 0 : i32
        %dma_wait3A_806 = tpu.memref_slice %arg8[%dma_wait3A_799, %dma_wait3A_805] : memref<4x128xi32, #tpu.memory_space<vmem>> -> memref<1x128xi32, #tpu.memory_space<vmem>>
        %dma_wait3A_807 = tpu.memref_squeeze %dma_wait3A_806 : memref<1x128xi32, #tpu.memory_space<vmem>> -> memref<128xi32, #tpu.memory_space<vmem>>
        %dma_wait3A_808 = arith.constant 0 : i32
        %dma_wait3A_809 = arith.constant 0 : i32
        %dma_wait3A_810 = tpu.memref_slice %arg6[%dma_wait3A_808, %dma_wait3A_809] : memref<10240x128xf32, #tpu.memory_space<vmem_shared>> -> memref<10240x128xf32, #tpu.memory_space<vmem_shared>>
        %dma_wait3A_811 = tpu.memref_slice %arg15[%dma_wait3A_800] : memref<2x!tpu.dma_semaphore, #tpu.memory_space<semaphore_mem>> -> memref<1x!tpu.dma_semaphore, #tpu.memory_space<semaphore_mem>>
        %dma_wait3A_812 = tpu.memref_squeeze %dma_wait3A_811 : memref<1x!tpu.dma_semaphore, #tpu.memory_space<semaphore_mem>> -> memref<!tpu.dma_semaphore, #tpu.memory_space<semaphore_mem>>
        tpu.wait_indirect_dma semaphore(%dma_wait3A_812 : memref<!tpu.dma_semaphore, #tpu.memory_space<semaphore_mem>>) src(%dma_wait3A_804 : memref<128x128xf32, #tpu.memory_space<vmem>>) dst(%dma_wait3A_810 : memref<10240x128xf32, #tpu.memory_space<vmem_shared>>)
      } else {
      }
      %dma_start3A_513 = arith.constant 2 : i32
      %dma_start3A_514 = arith.constant 0 : i32
      %dma_start3A_515 = arith.constant 0 : i32
      %dma_start3A_516 = arith.constant 0 : i32
      %dma_start3A_517 = arith.constant 0 : i32
      %dma_start3A_518 = tpu.memref_slice %arg9[%dma_start3A_514, %dma_start3A_516, %dma_start3A_517] : memref<2x128x128xf32, #tpu.memory_space<vmem>> -> memref<1x128x128xf32, #tpu.memory_space<vmem>>
      %dma_start3A_519 = tpu.memref_squeeze %dma_start3A_518 : memref<1x128x128xf32, #tpu.memory_space<vmem>> -> memref<128x128xf32, #tpu.memory_space<vmem>>
      %dma_start3A_520 = arith.constant 0 : i32
      %dma_start3A_521 = tpu.memref_slice %arg7[%dma_start3A_513, %dma_start3A_520] : memref<4x128xi32, #tpu.memory_space<vmem>> -> memref<1x128xi32, #tpu.memory_space<vmem>>
      %dma_start3A_522 = tpu.memref_squeeze %dma_start3A_521 : memref<1x128xi32, #tpu.memory_space<vmem>> -> memref<128xi32, #tpu.memory_space<vmem>>
      %dma_start3A_523 = arith.constant 0 : i32
      %dma_start3A_524 = arith.constant 0 : i32
      %dma_start3A_525 = tpu.memref_slice %arg2[%dma_start3A_523, %dma_start3A_524] : memref<10000x128xf32, #tpu.memory_space<hbm>> -> memref<10000x128xf32, #tpu.memory_space<hbm>>
      %dma_start3A_526 = tpu.memref_slice %arg13[%dma_start3A_515] : memref<2x!tpu.dma_semaphore, #tpu.memory_space<semaphore_mem>> -> memref<1x!tpu.dma_semaphore, #tpu.memory_space<semaphore_mem>>
      %dma_start3A_527 = tpu.memref_squeeze %dma_start3A_526 : memref<1x!tpu.dma_semaphore, #tpu.memory_space<semaphore_mem>> -> memref<!tpu.dma_semaphore, #tpu.memory_space<semaphore_mem>>
      tpu.enqueue_indirect_dma source(%dma_start3A_525 : memref<10000x128xf32, #tpu.memory_space<hbm>>) target(%dma_start3A_519 : memref<128x128xf32, #tpu.memory_space<vmem>>) offsets(%dma_start3A_522 : memref<128xi32, #tpu.memory_space<vmem>>) semaphore(%dma_start3A_527 : memref<!tpu.dma_semaphore, #tpu.memory_space<semaphore_mem>>)
      %dma_wait3A_528 = arith.constant 1 : i32
      %dma_wait3A_529 = arith.constant 1 : i32
      %dma_wait3A_530 = arith.constant 1 : i32
      %dma_wait3A_531 = arith.constant 0 : i32
      %dma_wait3A_532 = arith.constant 0 : i32
      %dma_wait3A_533 = tpu.memref_slice %arg9[%dma_wait3A_529, %dma_wait3A_531, %dma_wait3A_532] : memref<2x128x128xf32, #tpu.memory_space<vmem>> -> memref<1x128x128xf32, #tpu.memory_space<vmem>>
      %dma_wait3A_534 = tpu.memref_squeeze %dma_wait3A_533 : memref<1x128x128xf32, #tpu.memory_space<vmem>> -> memref<128x128xf32, #tpu.memory_space<vmem>>
      %dma_wait3A_535 = arith.constant 0 : i32
      %dma_wait3A_536 = tpu.memref_slice %arg7[%dma_wait3A_528, %dma_wait3A_535] : memref<4x128xi32, #tpu.memory_space<vmem>> -> memref<1x128xi32, #tpu.memory_space<vmem>>
      %dma_wait3A_537 = tpu.memref_squeeze %dma_wait3A_536 : memref<1x128xi32, #tpu.memory_space<vmem>> -> memref<128xi32, #tpu.memory_space<vmem>>
      %dma_wait3A_538 = arith.constant 0 : i32
      %dma_wait3A_539 = arith.constant 0 : i32
      %dma_wait3A_540 = tpu.memref_slice %arg2[%dma_wait3A_538, %dma_wait3A_539] : memref<10000x128xf32, #tpu.memory_space<hbm>> -> memref<10000x128xf32, #tpu.memory_space<hbm>>
      %dma_wait3A_541 = tpu.memref_slice %arg13[%dma_wait3A_530] : memref<2x!tpu.dma_semaphore, #tpu.memory_space<semaphore_mem>> -> memref<1x!tpu.dma_semaphore, #tpu.memory_space<semaphore_mem>>
      %dma_wait3A_542 = tpu.memref_squeeze %dma_wait3A_541 : memref<1x!tpu.dma_semaphore, #tpu.memory_space<semaphore_mem>> -> memref<!tpu.dma_semaphore, #tpu.memory_space<semaphore_mem>>
      tpu.wait_indirect_dma semaphore(%dma_wait3A_542 : memref<!tpu.dma_semaphore, #tpu.memory_space<semaphore_mem>>) src(%dma_wait3A_540 : memref<10000x128xf32, #tpu.memory_space<hbm>>) dst(%dma_wait3A_534 : memref<128x128xf32, #tpu.memory_space<vmem>>)
      %dma_start3A_543 = arith.constant 1 : i32
      %dma_start3A_544 = arith.constant 1 : i32
      %dma_start3A_545 = arith.constant 1 : i32
      %dma_start3A_546 = arith.constant 0 : i32
      %dma_start3A_547 = arith.constant 0 : i32
      %dma_start3A_548 = tpu.memref_slice %arg9[%dma_start3A_543, %dma_start3A_546, %dma_start3A_547] : memref<2x128x128xf32, #tpu.memory_space<vmem>> -> memref<1x128x128xf32, #tpu.memory_space<vmem>>
      %dma_start3A_549 = tpu.memref_squeeze %dma_start3A_548 : memref<1x128x128xf32, #tpu.memory_space<vmem>> -> memref<128x128xf32, #tpu.memory_space<vmem>>
      %dma_start3A_550 = arith.constant 0 : i32
      %dma_start3A_551 = tpu.memref_slice %arg8[%dma_start3A_544, %dma_start3A_550] : memref<4x128xi32, #tpu.memory_space<vmem>> -> memref<1x128xi32, #tpu.memory_space<vmem>>
      %dma_start3A_552 = tpu.memref_squeeze %dma_start3A_551 : memref<1x128xi32, #tpu.memory_space<vmem>> -> memref<128xi32, #tpu.memory_space<vmem>>
      %dma_start3A_553 = arith.constant 0 : i32
      %dma_start3A_554 = arith.constant 0 : i32
      %dma_start3A_555 = tpu.memref_slice %arg6[%dma_start3A_553, %dma_start3A_554] : memref<10240x128xf32, #tpu.memory_space<vmem_shared>> -> memref<10240x128xf32, #tpu.memory_space<vmem_shared>>
      %dma_start3A_556 = tpu.memref_slice %arg15[%dma_start3A_545] : memref<2x!tpu.dma_semaphore, #tpu.memory_space<semaphore_mem>> -> memref<1x!tpu.dma_semaphore, #tpu.memory_space<semaphore_mem>>
      %dma_start3A_557 = tpu.memref_squeeze %dma_start3A_556 : memref<1x!tpu.dma_semaphore, #tpu.memory_space<semaphore_mem>> -> memref<!tpu.dma_semaphore, #tpu.memory_space<semaphore_mem>>
      tpu.enqueue_indirect_dma source(%dma_start3A_549 : memref<128x128xf32, #tpu.memory_space<vmem>>) target(%dma_start3A_555 : memref<10240x128xf32, #tpu.memory_space<vmem_shared>>) offsets(%dma_start3A_552 : memref<128xi32, #tpu.memory_space<vmem>>) semaphore(%dma_start3A_557 : memref<!tpu.dma_semaphore, #tpu.memory_space<semaphore_mem>>) {add = true}
      %add3A_558 = arith.constant 2 : i32
      %add3A_559 = arith.addi %add3A_320, %add3A_558 : i32
      %add3A_560 = arith.constant 2 : i32
      %add3A_561 = arith.addi %add3A_559, %add3A_560 : i32
      %mul3A_562 = arith.constant 128 : i32
      %mul3A_563 = arith.muli %add3A_561, %mul3A_562 : i32
      %add3A_564 = arith.addi %mul3A_2, %mul3A_563 : i32
      %dma_start3A_565 = arith.constant 0 : i32
      %dma_start3A_566 = arith.constant 0 : i32
      %dma_start3A_567 = arith.constant 0 : i32
      %dma_start3A_568 = tpu.memref_slice %arg7[%dma_start3A_565, %dma_start3A_567] : memref<4x128xi32, #tpu.memory_space<vmem>> -> memref<1x128xi32, #tpu.memory_space<vmem>>
      %dma_start3A_569 = tpu.memref_squeeze %dma_start3A_568 : memref<1x128xi32, #tpu.memory_space<vmem>> -> memref<128xi32, #tpu.memory_space<vmem>>
      %dma_start3A_570 = tpu.memref_slice %arg3[%add3A_564] : memref<640000xi32, #tpu.memory_space<hbm>> -> memref<128xi32, #tpu.memory_space<hbm>>
      %dma_start3A_571 = tpu.memref_slice %arg14[%dma_start3A_566] : memref<4x!tpu.dma_semaphore, #tpu.memory_space<semaphore_mem>> -> memref<1x!tpu.dma_semaphore, #tpu.memory_space<semaphore_mem>>
      %dma_start3A_572 = tpu.memref_squeeze %dma_start3A_571 : memref<1x!tpu.dma_semaphore, #tpu.memory_space<semaphore_mem>> -> memref<!tpu.dma_semaphore, #tpu.memory_space<semaphore_mem>>
      %dma_start3A_573 = arith.constant 0 : i32
      %dma_start3A_574 = tpu.memref_slice %arg7[%dma_start3A_565, %dma_start3A_573] : memref<4x128xi32, #tpu.memory_space<vmem>> -> memref<1x128xi32, #tpu.memory_space<vmem>>
      %dma_start3A_575 = tpu.memref_squeeze %dma_start3A_574 : memref<1x128xi32, #tpu.memory_space<vmem>> -> memref<128xi32, #tpu.memory_space<vmem>>
      %dma_start3A_576 = tpu.memref_slice %arg3[%add3A_564] : memref<640000xi32, #tpu.memory_space<hbm>> -> memref<128xi32, #tpu.memory_space<hbm>>
      tpu.enqueue_dma source(%dma_start3A_576 : memref<128xi32, #tpu.memory_space<hbm>>) target(%dma_start3A_575 : memref<128xi32, #tpu.memory_space<vmem>>) target_semaphore(%dma_start3A_572 : memref<!tpu.dma_semaphore, #tpu.memory_space<semaphore_mem>>)
      %add3A_577 = arith.constant 320000 : i32
      %add3A_578 = arith.addi %add3A_577, %mul3A_2 : i32
      %mul3A_579 = arith.constant 128 : i32
      %mul3A_580 = arith.muli %add3A_561, %mul3A_579 : i32
      %add3A_581 = arith.addi %add3A_578, %mul3A_580 : i32
      %dma_start3A_582 = arith.constant 0 : i32
      %dma_start3A_583 = arith.constant 0 : i32
      %dma_start3A_584 = arith.constant 0 : i32
      %dma_start3A_585 = tpu.memref_slice %arg8[%dma_start3A_582, %dma_start3A_584] : memref<4x128xi32, #tpu.memory_space<vmem>> -> memref<1x128xi32, #tpu.memory_space<vmem>>
      %dma_start3A_586 = tpu.memref_squeeze %dma_start3A_585 : memref<1x128xi32, #tpu.memory_space<vmem>> -> memref<128xi32, #tpu.memory_space<vmem>>
      %dma_start3A_587 = tpu.memref_slice %arg3[%add3A_581] : memref<640000xi32, #tpu.memory_space<hbm>> -> memref<128xi32, #tpu.memory_space<hbm>>
      %dma_start3A_588 = tpu.memref_slice %arg14[%dma_start3A_583] : memref<4x!tpu.dma_semaphore, #tpu.memory_space<semaphore_mem>> -> memref<1x!tpu.dma_semaphore, #tpu.memory_space<semaphore_mem>>
      %dma_start3A_589 = tpu.memref_squeeze %dma_start3A_588 : memref<1x!tpu.dma_semaphore, #tpu.memory_space<semaphore_mem>> -> memref<!tpu.dma_semaphore, #tpu.memory_space<semaphore_mem>>
      %dma_start3A_590 = arith.constant 0 : i32
      %dma_start3A_591 = tpu.memref_slice %arg8[%dma_start3A_582, %dma_start3A_590] : memref<4x128xi32, #tpu.memory_space<vmem>> -> memref<1x128xi32, #tpu.memory_space<vmem>>
      %dma_start3A_592 = tpu.memref_squeeze %dma_start3A_591 : memref<1x128xi32, #tpu.memory_space<vmem>> -> memref<128xi32, #tpu.memory_space<vmem>>
      %dma_start3A_593 = tpu.memref_slice %arg3[%add3A_581] : memref<640000xi32, #tpu.memory_space<hbm>> -> memref<128xi32, #tpu.memory_space<hbm>>
      tpu.enqueue_dma source(%dma_start3A_593 : memref<128xi32, #tpu.memory_space<hbm>>) target(%dma_start3A_592 : memref<128xi32, #tpu.memory_space<vmem>>) target_semaphore(%dma_start3A_589 : memref<!tpu.dma_semaphore, #tpu.memory_space<semaphore_mem>>)
      %add3A_594 = arith.constant 1 : i32
      %add3A_595 = arith.addi %add3A_559, %add3A_594 : i32
      %mul3A_596 = arith.constant 128 : i32
      %mul3A_597 = arith.muli %add3A_595, %mul3A_596 : i32
      %add3A_598 = arith.addi %mul3A_2, %mul3A_597 : i32
      %dma_wait3A_599 = arith.constant 3 : i32
      %dma_wait3A_600 = arith.constant 3 : i32
      %dma_wait3A_601 = arith.constant 0 : i32
      %dma_wait3A_602 = tpu.memref_slice %arg7[%dma_wait3A_599, %dma_wait3A_601] : memref<4x128xi32, #tpu.memory_space<vmem>> -> memref<1x128xi32, #tpu.memory_space<vmem>>
      %dma_wait3A_603 = tpu.memref_squeeze %dma_wait3A_602 : memref<1x128xi32, #tpu.memory_space<vmem>> -> memref<128xi32, #tpu.memory_space<vmem>>
      %dma_wait3A_604 = tpu.memref_slice %arg3[%add3A_598] : memref<640000xi32, #tpu.memory_space<hbm>> -> memref<128xi32, #tpu.memory_space<hbm>>
      %dma_wait3A_605 = tpu.memref_slice %arg14[%dma_wait3A_600] : memref<4x!tpu.dma_semaphore, #tpu.memory_space<semaphore_mem>> -> memref<1x!tpu.dma_semaphore, #tpu.memory_space<semaphore_mem>>
      %dma_wait3A_606 = tpu.memref_squeeze %dma_wait3A_605 : memref<1x!tpu.dma_semaphore, #tpu.memory_space<semaphore_mem>> -> memref<!tpu.dma_semaphore, #tpu.memory_space<semaphore_mem>>
      %dma_wait3A_607 = arith.constant 0 : i32
      %dma_wait3A_608 = tpu.memref_slice %arg7[%dma_wait3A_599, %dma_wait3A_607] : memref<4x128xi32, #tpu.memory_space<vmem>> -> memref<1x128xi32, #tpu.memory_space<vmem>>
      %dma_wait3A_609 = tpu.memref_squeeze %dma_wait3A_608 : memref<1x128xi32, #tpu.memory_space<vmem>> -> memref<128xi32, #tpu.memory_space<vmem>>
      %dma_wait3A_610 = tpu.memref_slice %arg3[%add3A_598] : memref<640000xi32, #tpu.memory_space<hbm>> -> memref<128xi32, #tpu.memory_space<hbm>>
      tpu.wait_dma2 semaphore(%dma_wait3A_606 : memref<!tpu.dma_semaphore, #tpu.memory_space<semaphore_mem>>) src(%dma_wait3A_610 : memref<128xi32, #tpu.memory_space<hbm>>) dst(%dma_wait3A_609 : memref<128xi32, #tpu.memory_space<vmem>>)
      %add3A_611 = arith.constant 320000 : i32
      %add3A_612 = arith.addi %add3A_611, %mul3A_2 : i32
      %mul3A_613 = arith.constant 128 : i32
      %mul3A_614 = arith.muli %add3A_595, %mul3A_613 : i32
      %add3A_615 = arith.addi %add3A_612, %mul3A_614 : i32
      %dma_wait3A_616 = arith.constant 3 : i32
      %dma_wait3A_617 = arith.constant 3 : i32
      %dma_wait3A_618 = arith.constant 0 : i32
      %dma_wait3A_619 = tpu.memref_slice %arg8[%dma_wait3A_616, %dma_wait3A_618] : memref<4x128xi32, #tpu.memory_space<vmem>> -> memref<1x128xi32, #tpu.memory_space<vmem>>
      %dma_wait3A_620 = tpu.memref_squeeze %dma_wait3A_619 : memref<1x128xi32, #tpu.memory_space<vmem>> -> memref<128xi32, #tpu.memory_space<vmem>>
      %dma_wait3A_621 = tpu.memref_slice %arg3[%add3A_615] : memref<640000xi32, #tpu.memory_space<hbm>> -> memref<128xi32, #tpu.memory_space<hbm>>
      %dma_wait3A_622 = tpu.memref_slice %arg14[%dma_wait3A_617] : memref<4x!tpu.dma_semaphore, #tpu.memory_space<semaphore_mem>> -> memref<1x!tpu.dma_semaphore, #tpu.memory_space<semaphore_mem>>
      %dma_wait3A_623 = tpu.memref_squeeze %dma_wait3A_622 : memref<1x!tpu.dma_semaphore, #tpu.memory_space<semaphore_mem>> -> memref<!tpu.dma_semaphore, #tpu.memory_space<semaphore_mem>>
      %dma_wait3A_624 = arith.constant 0 : i32
      %dma_wait3A_625 = tpu.memref_slice %arg8[%dma_wait3A_616, %dma_wait3A_624] : memref<4x128xi32, #tpu.memory_space<vmem>> -> memref<1x128xi32, #tpu.memory_space<vmem>>
      %dma_wait3A_626 = tpu.memref_squeeze %dma_wait3A_625 : memref<1x128xi32, #tpu.memory_space<vmem>> -> memref<128xi32, #tpu.memory_space<vmem>>
      %dma_wait3A_627 = tpu.memref_slice %arg3[%add3A_615] : memref<640000xi32, #tpu.memory_space<hbm>> -> memref<128xi32, #tpu.memory_space<hbm>>
      tpu.wait_dma2 semaphore(%dma_wait3A_623 : memref<!tpu.dma_semaphore, #tpu.memory_space<semaphore_mem>>) src(%dma_wait3A_627 : memref<128xi32, #tpu.memory_space<hbm>>) dst(%dma_wait3A_626 : memref<128xi32, #tpu.memory_space<vmem>>)
      %ge3A_628 = arith.constant 1 : i32
      %ge3A_629 = arith.cmpi sge, %add3A_559, %ge3A_628 : i32
      %convert_element_type3A_630 = arith.extui %ge3A_629 : i1 to i32
      %cond3A_631 = arith.constant 0 : i32
      %cond3A_632 = arith.cmpi ne, %convert_element_type3A_630, %cond3A_631 : i32
      scf.if %cond3A_632 {
        %dma_wait3A_798 = arith.constant 1 : i32
        %dma_wait3A_799 = arith.constant 1 : i32
        %dma_wait3A_800 = arith.constant 1 : i32
        %dma_wait3A_801 = arith.constant 0 : i32
        %dma_wait3A_802 = arith.constant 0 : i32
        %dma_wait3A_803 = tpu.memref_slice %arg9[%dma_wait3A_798, %dma_wait3A_801, %dma_wait3A_802] : memref<2x128x128xf32, #tpu.memory_space<vmem>> -> memref<1x128x128xf32, #tpu.memory_space<vmem>>
        %dma_wait3A_804 = tpu.memref_squeeze %dma_wait3A_803 : memref<1x128x128xf32, #tpu.memory_space<vmem>> -> memref<128x128xf32, #tpu.memory_space<vmem>>
        %dma_wait3A_805 = arith.constant 0 : i32
        %dma_wait3A_806 = tpu.memref_slice %arg8[%dma_wait3A_799, %dma_wait3A_805] : memref<4x128xi32, #tpu.memory_space<vmem>> -> memref<1x128xi32, #tpu.memory_space<vmem>>
        %dma_wait3A_807 = tpu.memref_squeeze %dma_wait3A_806 : memref<1x128xi32, #tpu.memory_space<vmem>> -> memref<128xi32, #tpu.memory_space<vmem>>
        %dma_wait3A_808 = arith.constant 0 : i32
        %dma_wait3A_809 = arith.constant 0 : i32
        %dma_wait3A_810 = tpu.memref_slice %arg6[%dma_wait3A_808, %dma_wait3A_809] : memref<10240x128xf32, #tpu.memory_space<vmem_shared>> -> memref<10240x128xf32, #tpu.memory_space<vmem_shared>>
        %dma_wait3A_811 = tpu.memref_slice %arg15[%dma_wait3A_800] : memref<2x!tpu.dma_semaphore, #tpu.memory_space<semaphore_mem>> -> memref<1x!tpu.dma_semaphore, #tpu.memory_space<semaphore_mem>>
        %dma_wait3A_812 = tpu.memref_squeeze %dma_wait3A_811 : memref<1x!tpu.dma_semaphore, #tpu.memory_space<semaphore_mem>> -> memref<!tpu.dma_semaphore, #tpu.memory_space<semaphore_mem>>
        tpu.wait_indirect_dma semaphore(%dma_wait3A_812 : memref<!tpu.dma_semaphore, #tpu.memory_space<semaphore_mem>>) src(%dma_wait3A_804 : memref<128x128xf32, #tpu.memory_space<vmem>>) dst(%dma_wait3A_810 : memref<10240x128xf32, #tpu.memory_space<vmem_shared>>)
      } else {
      }
      %dma_start3A_633 = arith.constant 3 : i32
      %dma_start3A_634 = arith.constant 1 : i32
      %dma_start3A_635 = arith.constant 1 : i32
      %dma_start3A_636 = arith.constant 0 : i32
      %dma_start3A_637 = arith.constant 0 : i32
      %dma_start3A_638 = tpu.memref_slice %arg9[%dma_start3A_634, %dma_start3A_636, %dma_start3A_637] : memref<2x128x128xf32, #tpu.memory_space<vmem>> -> memref<1x128x128xf32, #tpu.memory_space<vmem>>
      %dma_start3A_639 = tpu.memref_squeeze %dma_start3A_638 : memref<1x128x128xf32, #tpu.memory_space<vmem>> -> memref<128x128xf32, #tpu.memory_space<vmem>>
      %dma_start3A_640 = arith.constant 0 : i32
      %dma_start3A_641 = tpu.memref_slice %arg7[%dma_start3A_633, %dma_start3A_640] : memref<4x128xi32, #tpu.memory_space<vmem>> -> memref<1x128xi32, #tpu.memory_space<vmem>>
      %dma_start3A_642 = tpu.memref_squeeze %dma_start3A_641 : memref<1x128xi32, #tpu.memory_space<vmem>> -> memref<128xi32, #tpu.memory_space<vmem>>
      %dma_start3A_643 = arith.constant 0 : i32
      %dma_start3A_644 = arith.constant 0 : i32
      %dma_start3A_645 = tpu.memref_slice %arg2[%dma_start3A_643, %dma_start3A_644] : memref<10000x128xf32, #tpu.memory_space<hbm>> -> memref<10000x128xf32, #tpu.memory_space<hbm>>
      %dma_start3A_646 = tpu.memref_slice %arg13[%dma_start3A_635] : memref<2x!tpu.dma_semaphore, #tpu.memory_space<semaphore_mem>> -> memref<1x!tpu.dma_semaphore, #tpu.memory_space<semaphore_mem>>
      %dma_start3A_647 = tpu.memref_squeeze %dma_start3A_646 : memref<1x!tpu.dma_semaphore, #tpu.memory_space<semaphore_mem>> -> memref<!tpu.dma_semaphore, #tpu.memory_space<semaphore_mem>>
      tpu.enqueue_indirect_dma source(%dma_start3A_645 : memref<10000x128xf32, #tpu.memory_space<hbm>>) target(%dma_start3A_639 : memref<128x128xf32, #tpu.memory_space<vmem>>) offsets(%dma_start3A_642 : memref<128xi32, #tpu.memory_space<vmem>>) semaphore(%dma_start3A_647 : memref<!tpu.dma_semaphore, #tpu.memory_space<semaphore_mem>>)
      %dma_wait3A_648 = arith.constant 2 : i32
      %dma_wait3A_649 = arith.constant 0 : i32
      %dma_wait3A_650 = arith.constant 0 : i32
      %dma_wait3A_651 = arith.constant 0 : i32
      %dma_wait3A_652 = arith.constant 0 : i32
      %dma_wait3A_653 = tpu.memref_slice %arg9[%dma_wait3A_649, %dma_wait3A_651, %dma_wait3A_652] : memref<2x128x128xf32, #tpu.memory_space<vmem>> -> memref<1x128x128xf32, #tpu.memory_space<vmem>>
      %dma_wait3A_654 = tpu.memref_squeeze %dma_wait3A_653 : memref<1x128x128xf32, #tpu.memory_space<vmem>> -> memref<128x128xf32, #tpu.memory_space<vmem>>
      %dma_wait3A_655 = arith.constant 0 : i32
      %dma_wait3A_656 = tpu.memref_slice %arg7[%dma_wait3A_648, %dma_wait3A_655] : memref<4x128xi32, #tpu.memory_space<vmem>> -> memref<1x128xi32, #tpu.memory_space<vmem>>
      %dma_wait3A_657 = tpu.memref_squeeze %dma_wait3A_656 : memref<1x128xi32, #tpu.memory_space<vmem>> -> memref<128xi32, #tpu.memory_space<vmem>>
      %dma_wait3A_658 = arith.constant 0 : i32
      %dma_wait3A_659 = arith.constant 0 : i32
      %dma_wait3A_660 = tpu.memref_slice %arg2[%dma_wait3A_658, %dma_wait3A_659] : memref<10000x128xf32, #tpu.memory_space<hbm>> -> memref<10000x128xf32, #tpu.memory_space<hbm>>
      %dma_wait3A_661 = tpu.memref_slice %arg13[%dma_wait3A_650] : memref<2x!tpu.dma_semaphore, #tpu.memory_space<semaphore_mem>> -> memref<1x!tpu.dma_semaphore, #tpu.memory_space<semaphore_mem>>
      %dma_wait3A_662 = tpu.memref_squeeze %dma_wait3A_661 : memref<1x!tpu.dma_semaphore, #tpu.memory_space<semaphore_mem>> -> memref<!tpu.dma_semaphore, #tpu.memory_space<semaphore_mem>>
      tpu.wait_indirect_dma semaphore(%dma_wait3A_662 : memref<!tpu.dma_semaphore, #tpu.memory_space<semaphore_mem>>) src(%dma_wait3A_660 : memref<10000x128xf32, #tpu.memory_space<hbm>>) dst(%dma_wait3A_654 : memref<128x128xf32, #tpu.memory_space<vmem>>)
      %dma_start3A_663 = arith.constant 0 : i32
      %dma_start3A_664 = arith.constant 2 : i32
      %dma_start3A_665 = arith.constant 0 : i32
      %dma_start3A_666 = arith.constant 0 : i32
      %dma_start3A_667 = arith.constant 0 : i32
      %dma_start3A_668 = tpu.memref_slice %arg9[%dma_start3A_663, %dma_start3A_666, %dma_start3A_667] : memref<2x128x128xf32, #tpu.memory_space<vmem>> -> memref<1x128x128xf32, #tpu.memory_space<vmem>>
      %dma_start3A_669 = tpu.memref_squeeze %dma_start3A_668 : memref<1x128x128xf32, #tpu.memory_space<vmem>> -> memref<128x128xf32, #tpu.memory_space<vmem>>
      %dma_start3A_670 = arith.constant 0 : i32
      %dma_start3A_671 = tpu.memref_slice %arg8[%dma_start3A_664, %dma_start3A_670] : memref<4x128xi32, #tpu.memory_space<vmem>> -> memref<1x128xi32, #tpu.memory_space<vmem>>
      %dma_start3A_672 = tpu.memref_squeeze %dma_start3A_671 : memref<1x128xi32, #tpu.memory_space<vmem>> -> memref<128xi32, #tpu.memory_space<vmem>>
      %dma_start3A_673 = arith.constant 0 : i32
      %dma_start3A_674 = arith.constant 0 : i32
      %dma_start3A_675 = tpu.memref_slice %arg6[%dma_start3A_673, %dma_start3A_674] : memref<10240x128xf32, #tpu.memory_space<vmem_shared>> -> memref<10240x128xf32, #tpu.memory_space<vmem_shared>>
      %dma_start3A_676 = tpu.memref_slice %arg15[%dma_start3A_665] : memref<2x!tpu.dma_semaphore, #tpu.memory_space<semaphore_mem>> -> memref<1x!tpu.dma_semaphore, #tpu.memory_space<semaphore_mem>>
      %dma_start3A_677 = tpu.memref_squeeze %dma_start3A_676 : memref<1x!tpu.dma_semaphore, #tpu.memory_space<semaphore_mem>> -> memref<!tpu.dma_semaphore, #tpu.memory_space<semaphore_mem>>
      tpu.enqueue_indirect_dma source(%dma_start3A_669 : memref<128x128xf32, #tpu.memory_space<vmem>>) target(%dma_start3A_675 : memref<10240x128xf32, #tpu.memory_space<vmem_shared>>) offsets(%dma_start3A_672 : memref<128xi32, #tpu.memory_space<vmem>>) semaphore(%dma_start3A_677 : memref<!tpu.dma_semaphore, #tpu.memory_space<semaphore_mem>>) {add = true}
      %add3A_678 = arith.constant 3 : i32
      %add3A_679 = arith.addi %add3A_320, %add3A_678 : i32
      %add3A_680 = arith.constant 2 : i32
      %add3A_681 = arith.addi %add3A_679, %add3A_680 : i32
      %mul3A_682 = arith.constant 128 : i32
      %mul3A_683 = arith.muli %add3A_681, %mul3A_682 : i32
      %add3A_684 = arith.addi %mul3A_2, %mul3A_683 : i32
      %dma_start3A_685 = arith.constant 1 : i32
      %dma_start3A_686 = arith.constant 1 : i32
      %dma_start3A_687 = arith.constant 0 : i32
      %dma_start3A_688 = tpu.memref_slice %arg7[%dma_start3A_685, %dma_start3A_687] : memref<4x128xi32, #tpu.memory_space<vmem>> -> memref<1x128xi32, #tpu.memory_space<vmem>>
      %dma_start3A_689 = tpu.memref_squeeze %dma_start3A_688 : memref<1x128xi32, #tpu.memory_space<vmem>> -> memref<128xi32, #tpu.memory_space<vmem>>
      %dma_start3A_690 = tpu.memref_slice %arg3[%add3A_684] : memref<640000xi32, #tpu.memory_space<hbm>> -> memref<128xi32, #tpu.memory_space<hbm>>
      %dma_start3A_691 = tpu.memref_slice %arg14[%dma_start3A_686] : memref<4x!tpu.dma_semaphore, #tpu.memory_space<semaphore_mem>> -> memref<1x!tpu.dma_semaphore, #tpu.memory_space<semaphore_mem>>
      %dma_start3A_692 = tpu.memref_squeeze %dma_start3A_691 : memref<1x!tpu.dma_semaphore, #tpu.memory_space<semaphore_mem>> -> memref<!tpu.dma_semaphore, #tpu.memory_space<semaphore_mem>>
      %dma_start3A_693 = arith.constant 0 : i32
      %dma_start3A_694 = tpu.memref_slice %arg7[%dma_start3A_685, %dma_start3A_693] : memref<4x128xi32, #tpu.memory_space<vmem>> -> memref<1x128xi32, #tpu.memory_space<vmem>>
      %dma_start3A_695 = tpu.memref_squeeze %dma_start3A_694 : memref<1x128xi32, #tpu.memory_space<vmem>> -> memref<128xi32, #tpu.memory_space<vmem>>
      %dma_start3A_696 = tpu.memref_slice %arg3[%add3A_684] : memref<640000xi32, #tpu.memory_space<hbm>> -> memref<128xi32, #tpu.memory_space<hbm>>
      tpu.enqueue_dma source(%dma_start3A_696 : memref<128xi32, #tpu.memory_space<hbm>>) target(%dma_start3A_695 : memref<128xi32, #tpu.memory_space<vmem>>) target_semaphore(%dma_start3A_692 : memref<!tpu.dma_semaphore, #tpu.memory_space<semaphore_mem>>)
      %add3A_697 = arith.constant 320000 : i32
      %add3A_698 = arith.addi %add3A_697, %mul3A_2 : i32
      %mul3A_699 = arith.constant 128 : i32
      %mul3A_700 = arith.muli %add3A_681, %mul3A_699 : i32
      %add3A_701 = arith.addi %add3A_698, %mul3A_700 : i32
      %dma_start3A_702 = arith.constant 1 : i32
      %dma_start3A_703 = arith.constant 1 : i32
      %dma_start3A_704 = arith.constant 0 : i32
      %dma_start3A_705 = tpu.memref_slice %arg8[%dma_start3A_702, %dma_start3A_704] : memref<4x128xi32, #tpu.memory_space<vmem>> -> memref<1x128xi32, #tpu.memory_space<vmem>>
      %dma_start3A_706 = tpu.memref_squeeze %dma_start3A_705 : memref<1x128xi32, #tpu.memory_space<vmem>> -> memref<128xi32, #tpu.memory_space<vmem>>
      %dma_start3A_707 = tpu.memref_slice %arg3[%add3A_701] : memref<640000xi32, #tpu.memory_space<hbm>> -> memref<128xi32, #tpu.memory_space<hbm>>
      %dma_start3A_708 = tpu.memref_slice %arg14[%dma_start3A_703] : memref<4x!tpu.dma_semaphore, #tpu.memory_space<semaphore_mem>> -> memref<1x!tpu.dma_semaphore, #tpu.memory_space<semaphore_mem>>
      %dma_start3A_709 = tpu.memref_squeeze %dma_start3A_708 : memref<1x!tpu.dma_semaphore, #tpu.memory_space<semaphore_mem>> -> memref<!tpu.dma_semaphore, #tpu.memory_space<semaphore_mem>>
      %dma_start3A_710 = arith.constant 0 : i32
      %dma_start3A_711 = tpu.memref_slice %arg8[%dma_start3A_702, %dma_start3A_710] : memref<4x128xi32, #tpu.memory_space<vmem>> -> memref<1x128xi32, #tpu.memory_space<vmem>>
      %dma_start3A_712 = tpu.memref_squeeze %dma_start3A_711 : memref<1x128xi32, #tpu.memory_space<vmem>> -> memref<128xi32, #tpu.memory_space<vmem>>
      %dma_start3A_713 = tpu.memref_slice %arg3[%add3A_701] : memref<640000xi32, #tpu.memory_space<hbm>> -> memref<128xi32, #tpu.memory_space<hbm>>
      tpu.enqueue_dma source(%dma_start3A_713 : memref<128xi32, #tpu.memory_space<hbm>>) target(%dma_start3A_712 : memref<128xi32, #tpu.memory_space<vmem>>) target_semaphore(%dma_start3A_709 : memref<!tpu.dma_semaphore, #tpu.memory_space<semaphore_mem>>)
      %add3A_714 = arith.constant 1 : i32
      %add3A_715 = arith.addi %add3A_679, %add3A_714 : i32
      %mul3A_716 = arith.constant 128 : i32
      %mul3A_717 = arith.muli %add3A_715, %mul3A_716 : i32
      %add3A_718 = arith.addi %mul3A_2, %mul3A_717 : i32
      %dma_wait3A_719 = arith.constant 0 : i32
      %dma_wait3A_720 = arith.constant 0 : i32
      %dma_wait3A_721 = arith.constant 0 : i32
      %dma_wait3A_722 = tpu.memref_slice %arg7[%dma_wait3A_719, %dma_wait3A_721] : memref<4x128xi32, #tpu.memory_space<vmem>> -> memref<1x128xi32, #tpu.memory_space<vmem>>
      %dma_wait3A_723 = tpu.memref_squeeze %dma_wait3A_722 : memref<1x128xi32, #tpu.memory_space<vmem>> -> memref<128xi32, #tpu.memory_space<vmem>>
      %dma_wait3A_724 = tpu.memref_slice %arg3[%add3A_718] : memref<640000xi32, #tpu.memory_space<hbm>> -> memref<128xi32, #tpu.memory_space<hbm>>
      %dma_wait3A_725 = tpu.memref_slice %arg14[%dma_wait3A_720] : memref<4x!tpu.dma_semaphore, #tpu.memory_space<semaphore_mem>> -> memref<1x!tpu.dma_semaphore, #tpu.memory_space<semaphore_mem>>
      %dma_wait3A_726 = tpu.memref_squeeze %dma_wait3A_725 : memref<1x!tpu.dma_semaphore, #tpu.memory_space<semaphore_mem>> -> memref<!tpu.dma_semaphore, #tpu.memory_space<semaphore_mem>>
      %dma_wait3A_727 = arith.constant 0 : i32
      %dma_wait3A_728 = tpu.memref_slice %arg7[%dma_wait3A_719, %dma_wait3A_727] : memref<4x128xi32, #tpu.memory_space<vmem>> -> memref<1x128xi32, #tpu.memory_space<vmem>>
      %dma_wait3A_729 = tpu.memref_squeeze %dma_wait3A_728 : memref<1x128xi32, #tpu.memory_space<vmem>> -> memref<128xi32, #tpu.memory_space<vmem>>
      %dma_wait3A_730 = tpu.memref_slice %arg3[%add3A_718] : memref<640000xi32, #tpu.memory_space<hbm>> -> memref<128xi32, #tpu.memory_space<hbm>>
      tpu.wait_dma2 semaphore(%dma_wait3A_726 : memref<!tpu.dma_semaphore, #tpu.memory_space<semaphore_mem>>) src(%dma_wait3A_730 : memref<128xi32, #tpu.memory_space<hbm>>) dst(%dma_wait3A_729 : memref<128xi32, #tpu.memory_space<vmem>>)
      %add3A_731 = arith.constant 320000 : i32
      %add3A_732 = arith.addi %add3A_731, %mul3A_2 : i32
      %mul3A_733 = arith.constant 128 : i32
      %mul3A_734 = arith.muli %add3A_715, %mul3A_733 : i32
      %add3A_735 = arith.addi %add3A_732, %mul3A_734 : i32
      %dma_wait3A_736 = arith.constant 0 : i32
      %dma_wait3A_737 = arith.constant 0 : i32
      %dma_wait3A_738 = arith.constant 0 : i32
      %dma_wait3A_739 = tpu.memref_slice %arg8[%dma_wait3A_736, %dma_wait3A_738] : memref<4x128xi32, #tpu.memory_space<vmem>> -> memref<1x128xi32, #tpu.memory_space<vmem>>
      %dma_wait3A_740 = tpu.memref_squeeze %dma_wait3A_739 : memref<1x128xi32, #tpu.memory_space<vmem>> -> memref<128xi32, #tpu.memory_space<vmem>>
      %dma_wait3A_741 = tpu.memref_slice %arg3[%add3A_735] : memref<640000xi32, #tpu.memory_space<hbm>> -> memref<128xi32, #tpu.memory_space<hbm>>
      %dma_wait3A_742 = tpu.memref_slice %arg14[%dma_wait3A_737] : memref<4x!tpu.dma_semaphore, #tpu.memory_space<semaphore_mem>> -> memref<1x!tpu.dma_semaphore, #tpu.memory_space<semaphore_mem>>
      %dma_wait3A_743 = tpu.memref_squeeze %dma_wait3A_742 : memref<1x!tpu.dma_semaphore, #tpu.memory_space<semaphore_mem>> -> memref<!tpu.dma_semaphore, #tpu.memory_space<semaphore_mem>>
      %dma_wait3A_744 = arith.constant 0 : i32
      %dma_wait3A_745 = tpu.memref_slice %arg8[%dma_wait3A_736, %dma_wait3A_744] : memref<4x128xi32, #tpu.memory_space<vmem>> -> memref<1x128xi32, #tpu.memory_space<vmem>>
      %dma_wait3A_746 = tpu.memref_squeeze %dma_wait3A_745 : memref<1x128xi32, #tpu.memory_space<vmem>> -> memref<128xi32, #tpu.memory_space<vmem>>
      %dma_wait3A_747 = tpu.memref_slice %arg3[%add3A_735] : memref<640000xi32, #tpu.memory_space<hbm>> -> memref<128xi32, #tpu.memory_space<hbm>>
      tpu.wait_dma2 semaphore(%dma_wait3A_743 : memref<!tpu.dma_semaphore, #tpu.memory_space<semaphore_mem>>) src(%dma_wait3A_747 : memref<128xi32, #tpu.memory_space<hbm>>) dst(%dma_wait3A_746 : memref<128xi32, #tpu.memory_space<vmem>>)
      %ge3A_748 = arith.constant 1 : i32
      %ge3A_749 = arith.cmpi sge, %add3A_679, %ge3A_748 : i32
      %convert_element_type3A_750 = arith.extui %ge3A_749 : i1 to i32
      %cond3A_751 = arith.constant 0 : i32
      %cond3A_752 = arith.cmpi ne, %convert_element_type3A_750, %cond3A_751 : i32
      scf.if %cond3A_752 {
        %dma_wait3A_798 = arith.constant 0 : i32
        %dma_wait3A_799 = arith.constant 2 : i32
        %dma_wait3A_800 = arith.constant 0 : i32
        %dma_wait3A_801 = arith.constant 0 : i32
        %dma_wait3A_802 = arith.constant 0 : i32
        %dma_wait3A_803 = tpu.memref_slice %arg9[%dma_wait3A_798, %dma_wait3A_801, %dma_wait3A_802] : memref<2x128x128xf32, #tpu.memory_space<vmem>> -> memref<1x128x128xf32, #tpu.memory_space<vmem>>
        %dma_wait3A_804 = tpu.memref_squeeze %dma_wait3A_803 : memref<1x128x128xf32, #tpu.memory_space<vmem>> -> memref<128x128xf32, #tpu.memory_space<vmem>>
        %dma_wait3A_805 = arith.constant 0 : i32
        %dma_wait3A_806 = tpu.memref_slice %arg8[%dma_wait3A_799, %dma_wait3A_805] : memref<4x128xi32, #tpu.memory_space<vmem>> -> memref<1x128xi32, #tpu.memory_space<vmem>>
        %dma_wait3A_807 = tpu.memref_squeeze %dma_wait3A_806 : memref<1x128xi32, #tpu.memory_space<vmem>> -> memref<128xi32, #tpu.memory_space<vmem>>
        %dma_wait3A_808 = arith.constant 0 : i32
        %dma_wait3A_809 = arith.constant 0 : i32
        %dma_wait3A_810 = tpu.memref_slice %arg6[%dma_wait3A_808, %dma_wait3A_809] : memref<10240x128xf32, #tpu.memory_space<vmem_shared>> -> memref<10240x128xf32, #tpu.memory_space<vmem_shared>>
        %dma_wait3A_811 = tpu.memref_slice %arg15[%dma_wait3A_800] : memref<2x!tpu.dma_semaphore, #tpu.memory_space<semaphore_mem>> -> memref<1x!tpu.dma_semaphore, #tpu.memory_space<semaphore_mem>>
        %dma_wait3A_812 = tpu.memref_squeeze %dma_wait3A_811 : memref<1x!tpu.dma_semaphore, #tpu.memory_space<semaphore_mem>> -> memref<!tpu.dma_semaphore, #tpu.memory_space<semaphore_mem>>
        tpu.wait_indirect_dma semaphore(%dma_wait3A_812 : memref<!tpu.dma_semaphore, #tpu.memory_space<semaphore_mem>>) src(%dma_wait3A_804 : memref<128x128xf32, #tpu.memory_space<vmem>>) dst(%dma_wait3A_810 : memref<10240x128xf32, #tpu.memory_space<vmem_shared>>)
      } else {
      }
      %dma_start3A_753 = arith.constant 0 : i32
      %dma_start3A_754 = arith.constant 0 : i32
      %dma_start3A_755 = arith.constant 0 : i32
      %dma_start3A_756 = arith.constant 0 : i32
      %dma_start3A_757 = arith.constant 0 : i32
      %dma_start3A_758 = tpu.memref_slice %arg9[%dma_start3A_754, %dma_start3A_756, %dma_start3A_757] : memref<2x128x128xf32, #tpu.memory_space<vmem>> -> memref<1x128x128xf32, #tpu.memory_space<vmem>>
      %dma_start3A_759 = tpu.memref_squeeze %dma_start3A_758 : memref<1x128x128xf32, #tpu.memory_space<vmem>> -> memref<128x128xf32, #tpu.memory_space<vmem>>
      %dma_start3A_760 = arith.constant 0 : i32
      %dma_start3A_761 = tpu.memref_slice %arg7[%dma_start3A_753, %dma_start3A_760] : memref<4x128xi32, #tpu.memory_space<vmem>> -> memref<1x128xi32, #tpu.memory_space<vmem>>
      %dma_start3A_762 = tpu.memref_squeeze %dma_start3A_761 : memref<1x128xi32, #tpu.memory_space<vmem>> -> memref<128xi32, #tpu.memory_space<vmem>>
      %dma_start3A_763 = arith.constant 0 : i32
      %dma_start3A_764 = arith.constant 0 : i32
      %dma_start3A_765 = tpu.memref_slice %arg2[%dma_start3A_763, %dma_start3A_764] : memref<10000x128xf32, #tpu.memory_space<hbm>> -> memref<10000x128xf32, #tpu.memory_space<hbm>>
      %dma_start3A_766 = tpu.memref_slice %arg13[%dma_start3A_755] : memref<2x!tpu.dma_semaphore, #tpu.memory_space<semaphore_mem>> -> memref<1x!tpu.dma_semaphore, #tpu.memory_space<semaphore_mem>>
      %dma_start3A_767 = tpu.memref_squeeze %dma_start3A_766 : memref<1x!tpu.dma_semaphore, #tpu.memory_space<semaphore_mem>> -> memref<!tpu.dma_semaphore, #tpu.memory_space<semaphore_mem>>
      tpu.enqueue_indirect_dma source(%dma_start3A_765 : memref<10000x128xf32, #tpu.memory_space<hbm>>) target(%dma_start3A_759 : memref<128x128xf32, #tpu.memory_space<vmem>>) offsets(%dma_start3A_762 : memref<128xi32, #tpu.memory_space<vmem>>) semaphore(%dma_start3A_767 : memref<!tpu.dma_semaphore, #tpu.memory_space<semaphore_mem>>)
      %dma_wait3A_768 = arith.constant 3 : i32
      %dma_wait3A_769 = arith.constant 1 : i32
      %dma_wait3A_770 = arith.constant 1 : i32
      %dma_wait3A_771 = arith.constant 0 : i32
      %dma_wait3A_772 = arith.constant 0 : i32
      %dma_wait3A_773 = tpu.memref_slice %arg9[%dma_wait3A_769, %dma_wait3A_771, %dma_wait3A_772] : memref<2x128x128xf32, #tpu.memory_space<vmem>> -> memref<1x128x128xf32, #tpu.memory_space<vmem>>
      %dma_wait3A_774 = tpu.memref_squeeze %dma_wait3A_773 : memref<1x128x128xf32, #tpu.memory_space<vmem>> -> memref<128x128xf32, #tpu.memory_space<vmem>>
      %dma_wait3A_775 = arith.constant 0 : i32
      %dma_wait3A_776 = tpu.memref_slice %arg7[%dma_wait3A_768, %dma_wait3A_775] : memref<4x128xi32, #tpu.memory_space<vmem>> -> memref<1x128xi32, #tpu.memory_space<vmem>>
      %dma_wait3A_777 = tpu.memref_squeeze %dma_wait3A_776 : memref<1x128xi32, #tpu.memory_space<vmem>> -> memref<128xi32, #tpu.memory_space<vmem>>
      %dma_wait3A_778 = arith.constant 0 : i32
      %dma_wait3A_779 = arith.constant 0 : i32
      %dma_wait3A_780 = tpu.memref_slice %arg2[%dma_wait3A_778, %dma_wait3A_779] : memref<10000x128xf32, #tpu.memory_space<hbm>> -> memref<10000x128xf32, #tpu.memory_space<hbm>>
      %dma_wait3A_781 = tpu.memref_slice %arg13[%dma_wait3A_770] : memref<2x!tpu.dma_semaphore, #tpu.memory_space<semaphore_mem>> -> memref<1x!tpu.dma_semaphore, #tpu.memory_space<semaphore_mem>>
      %dma_wait3A_782 = tpu.memref_squeeze %dma_wait3A_781 : memref<1x!tpu.dma_semaphore, #tpu.memory_space<semaphore_mem>> -> memref<!tpu.dma_semaphore, #tpu.memory_space<semaphore_mem>>
      tpu.wait_indirect_dma semaphore(%dma_wait3A_782 : memref<!tpu.dma_semaphore, #tpu.memory_space<semaphore_mem>>) src(%dma_wait3A_780 : memref<10000x128xf32, #tpu.memory_space<hbm>>) dst(%dma_wait3A_774 : memref<128x128xf32, #tpu.memory_space<vmem>>)
      %dma_start3A_783 = arith.constant 1 : i32
      %dma_start3A_784 = arith.constant 3 : i32
      %dma_start3A_785 = arith.constant 1 : i32
      %dma_start3A_786 = arith.constant 0 : i32
      %dma_start3A_787 = arith.constant 0 : i32
      %dma_start3A_788 = tpu.memref_slice %arg9[%dma_start3A_783, %dma_start3A_786, %dma_start3A_787] : memref<2x128x128xf32, #tpu.memory_space<vmem>> -> memref<1x128x128xf32, #tpu.memory_space<vmem>>
      %dma_start3A_789 = tpu.memref_squeeze %dma_start3A_788 : memref<1x128x128xf32, #tpu.memory_space<vmem>> -> memref<128x128xf32, #tpu.memory_space<vmem>>
      %dma_start3A_790 = arith.constant 0 : i32
      %dma_start3A_791 = tpu.memref_slice %arg8[%dma_start3A_784, %dma_start3A_790] : memref<4x128xi32, #tpu.memory_space<vmem>> -> memref<1x128xi32, #tpu.memory_space<vmem>>
      %dma_start3A_792 = tpu.memref_squeeze %dma_start3A_791 : memref<1x128xi32, #tpu.memory_space<vmem>> -> memref<128xi32, #tpu.memory_space<vmem>>
      %dma_start3A_793 = arith.constant 0 : i32
      %dma_start3A_794 = arith.constant 0 : i32
      %dma_start3A_795 = tpu.memref_slice %arg6[%dma_start3A_793, %dma_start3A_794] : memref<10240x128xf32, #tpu.memory_space<vmem_shared>> -> memref<10240x128xf32, #tpu.memory_space<vmem_shared>>
      %dma_start3A_796 = tpu.memref_slice %arg15[%dma_start3A_785] : memref<2x!tpu.dma_semaphore, #tpu.memory_space<semaphore_mem>> -> memref<1x!tpu.dma_semaphore, #tpu.memory_space<semaphore_mem>>
      %dma_start3A_797 = tpu.memref_squeeze %dma_start3A_796 : memref<1x!tpu.dma_semaphore, #tpu.memory_space<semaphore_mem>> -> memref<!tpu.dma_semaphore, #tpu.memory_space<semaphore_mem>>
      tpu.enqueue_indirect_dma source(%dma_start3A_789 : memref<128x128xf32, #tpu.memory_space<vmem>>) target(%dma_start3A_795 : memref<10240x128xf32, #tpu.memory_space<vmem_shared>>) offsets(%dma_start3A_792 : memref<128xi32, #tpu.memory_space<vmem>>) semaphore(%dma_start3A_797 : memref<!tpu.dma_semaphore, #tpu.memory_space<semaphore_mem>>) {add = true}
    }
    %scan3A_135 = arith.constant 19 : i32
    %add3A_136 = arith.constant 9856 : i32
    %add3A_137 = arith.addi %mul3A_2, %add3A_136 : i32
    %dma_wait3A_138 = arith.constant 1 : i32
    %dma_wait3A_139 = arith.constant 1 : i32
    %dma_wait3A_140 = arith.constant 0 : i32
    %dma_wait3A_141 = tpu.memref_slice %arg7[%dma_wait3A_138, %dma_wait3A_140] : memref<4x128xi32, #tpu.memory_space<vmem>> -> memref<1x128xi32, #tpu.memory_space<vmem>>
    %dma_wait3A_142 = tpu.memref_squeeze %dma_wait3A_141 : memref<1x128xi32, #tpu.memory_space<vmem>> -> memref<128xi32, #tpu.memory_space<vmem>>
    %dma_wait3A_143 = tpu.memref_slice %arg3[%add3A_137] : memref<640000xi32, #tpu.memory_space<hbm>> -> memref<128xi32, #tpu.memory_space<hbm>>
    %dma_wait3A_144 = tpu.memref_slice %arg14[%dma_wait3A_139] : memref<4x!tpu.dma_semaphore, #tpu.memory_space<semaphore_mem>> -> memref<1x!tpu.dma_semaphore, #tpu.memory_space<semaphore_mem>>
    %dma_wait3A_145 = tpu.memref_squeeze %dma_wait3A_144 : memref<1x!tpu.dma_semaphore, #tpu.memory_space<semaphore_mem>> -> memref<!tpu.dma_semaphore, #tpu.memory_space<semaphore_mem>>
    %dma_wait3A_146 = arith.constant 0 : i32
    %dma_wait3A_147 = tpu.memref_slice %arg7[%dma_wait3A_138, %dma_wait3A_146] : memref<4x128xi32, #tpu.memory_space<vmem>> -> memref<1x128xi32, #tpu.memory_space<vmem>>
    %dma_wait3A_148 = tpu.memref_squeeze %dma_wait3A_147 : memref<1x128xi32, #tpu.memory_space<vmem>> -> memref<128xi32, #tpu.memory_space<vmem>>
    %dma_wait3A_149 = tpu.memref_slice %arg3[%add3A_137] : memref<640000xi32, #tpu.memory_space<hbm>> -> memref<128xi32, #tpu.memory_space<hbm>>
    tpu.wait_dma2 semaphore(%dma_wait3A_145 : memref<!tpu.dma_semaphore, #tpu.memory_space<semaphore_mem>>) src(%dma_wait3A_149 : memref<128xi32, #tpu.memory_space<hbm>>) dst(%dma_wait3A_148 : memref<128xi32, #tpu.memory_space<vmem>>)
    %add3A_150 = arith.constant 320000 : i32
    %add3A_151 = arith.addi %add3A_150, %mul3A_2 : i32
    %add3A_152 = arith.constant 9856 : i32
    %add3A_153 = arith.addi %add3A_151, %add3A_152 : i32
    %dma_wait3A_154 = arith.constant 1 : i32
    %dma_wait3A_155 = arith.constant 1 : i32
    %dma_wait3A_156 = arith.constant 0 : i32
    %dma_wait3A_157 = tpu.memref_slice %arg8[%dma_wait3A_154, %dma_wait3A_156] : memref<4x128xi32, #tpu.memory_space<vmem>> -> memref<1x128xi32, #tpu.memory_space<vmem>>
    %dma_wait3A_158 = tpu.memref_squeeze %dma_wait3A_157 : memref<1x128xi32, #tpu.memory_space<vmem>> -> memref<128xi32, #tpu.memory_space<vmem>>
    %dma_wait3A_159 = tpu.memref_slice %arg3[%add3A_153] : memref<640000xi32, #tpu.memory_space<hbm>> -> memref<128xi32, #tpu.memory_space<hbm>>
    %dma_wait3A_160 = tpu.memref_slice %arg14[%dma_wait3A_155] : memref<4x!tpu.dma_semaphore, #tpu.memory_space<semaphore_mem>> -> memref<1x!tpu.dma_semaphore, #tpu.memory_space<semaphore_mem>>
    %dma_wait3A_161 = tpu.memref_squeeze %dma_wait3A_160 : memref<1x!tpu.dma_semaphore, #tpu.memory_space<semaphore_mem>> -> memref<!tpu.dma_semaphore, #tpu.memory_space<semaphore_mem>>
    %dma_wait3A_162 = arith.constant 0 : i32
    %dma_wait3A_163 = tpu.memref_slice %arg8[%dma_wait3A_154, %dma_wait3A_162] : memref<4x128xi32, #tpu.memory_space<vmem>> -> memref<1x128xi32, #tpu.memory_space<vmem>>
    %dma_wait3A_164 = tpu.memref_squeeze %dma_wait3A_163 : memref<1x128xi32, #tpu.memory_space<vmem>> -> memref<128xi32, #tpu.memory_space<vmem>>
    %dma_wait3A_165 = tpu.memref_slice %arg3[%add3A_153] : memref<640000xi32, #tpu.memory_space<hbm>> -> memref<128xi32, #tpu.memory_space<hbm>>
    tpu.wait_dma2 semaphore(%dma_wait3A_161 : memref<!tpu.dma_semaphore, #tpu.memory_space<semaphore_mem>>) src(%dma_wait3A_165 : memref<128xi32, #tpu.memory_space<hbm>>) dst(%dma_wait3A_164 : memref<128xi32, #tpu.memory_space<vmem>>)
    %dma_wait3A_166 = arith.constant 1 : i32
    %dma_wait3A_167 = arith.constant 3 : i32
    %dma_wait3A_168 = arith.constant 1 : i32
    %dma_wait3A_169 = arith.constant 0 : i32
    %dma_wait3A_170 = arith.constant 0 : i32
    %dma_wait3A_171 = tpu.memref_slice %arg9[%dma_wait3A_166, %dma_wait3A_169, %dma_wait3A_170] : memref<2x128x128xf32, #tpu.memory_space<vmem>> -> memref<1x128x128xf32, #tpu.memory_space<vmem>>
    %dma_wait3A_172 = tpu.memref_squeeze %dma_wait3A_171 : memref<1x128x128xf32, #tpu.memory_space<vmem>> -> memref<128x128xf32, #tpu.memory_space<vmem>>
    %dma_wait3A_173 = arith.constant 0 : i32
    %dma_wait3A_174 = tpu.memref_slice %arg8[%dma_wait3A_167, %dma_wait3A_173] : memref<4x128xi32, #tpu.memory_space<vmem>> -> memref<1x128xi32, #tpu.memory_space<vmem>>
    %dma_wait3A_175 = tpu.memref_squeeze %dma_wait3A_174 : memref<1x128xi32, #tpu.memory_space<vmem>> -> memref<128xi32, #tpu.memory_space<vmem>>
    %dma_wait3A_176 = arith.constant 0 : i32
    %dma_wait3A_177 = arith.constant 0 : i32
    %dma_wait3A_178 = tpu.memref_slice %arg6[%dma_wait3A_176, %dma_wait3A_177] : memref<10240x128xf32, #tpu.memory_space<vmem_shared>> -> memref<10240x128xf32, #tpu.memory_space<vmem_shared>>
    %dma_wait3A_179 = tpu.memref_slice %arg15[%dma_wait3A_168] : memref<2x!tpu.dma_semaphore, #tpu.memory_space<semaphore_mem>> -> memref<1x!tpu.dma_semaphore, #tpu.memory_space<semaphore_mem>>
    %dma_wait3A_180 = tpu.memref_squeeze %dma_wait3A_179 : memref<1x!tpu.dma_semaphore, #tpu.memory_space<semaphore_mem>> -> memref<!tpu.dma_semaphore, #tpu.memory_space<semaphore_mem>>
    tpu.wait_indirect_dma semaphore(%dma_wait3A_180 : memref<!tpu.dma_semaphore, #tpu.memory_space<semaphore_mem>>) src(%dma_wait3A_172 : memref<128x128xf32, #tpu.memory_space<vmem>>) dst(%dma_wait3A_178 : memref<10240x128xf32, #tpu.memory_space<vmem_shared>>)
    %dma_start3A_181 = arith.constant 1 : i32
    %dma_start3A_182 = arith.constant 1 : i32
    %dma_start3A_183 = arith.constant 1 : i32
    %dma_start3A_184 = arith.constant 0 : i32
    %dma_start3A_185 = arith.constant 0 : i32
    %dma_start3A_186 = tpu.memref_slice %arg9[%dma_start3A_182, %dma_start3A_184, %dma_start3A_185] : memref<2x128x128xf32, #tpu.memory_space<vmem>> -> memref<1x128x128xf32, #tpu.memory_space<vmem>>
    %dma_start3A_187 = tpu.memref_squeeze %dma_start3A_186 : memref<1x128x128xf32, #tpu.memory_space<vmem>> -> memref<128x128xf32, #tpu.memory_space<vmem>>
    %dma_start3A_188 = arith.constant 0 : i32
    %dma_start3A_189 = tpu.memref_slice %arg7[%dma_start3A_181, %dma_start3A_188] : memref<4x128xi32, #tpu.memory_space<vmem>> -> memref<1x128xi32, #tpu.memory_space<vmem>>
    %dma_start3A_190 = tpu.memref_squeeze %dma_start3A_189 : memref<1x128xi32, #tpu.memory_space<vmem>> -> memref<128xi32, #tpu.memory_space<vmem>>
    %dma_start3A_191 = arith.constant 0 : i32
    %dma_start3A_192 = arith.constant 0 : i32
    %dma_start3A_193 = tpu.memref_slice %arg2[%dma_start3A_191, %dma_start3A_192] : memref<10000x128xf32, #tpu.memory_space<hbm>> -> memref<10000x128xf32, #tpu.memory_space<hbm>>
    %dma_start3A_194 = tpu.memref_slice %arg13[%dma_start3A_183] : memref<2x!tpu.dma_semaphore, #tpu.memory_space<semaphore_mem>> -> memref<1x!tpu.dma_semaphore, #tpu.memory_space<semaphore_mem>>
    %dma_start3A_195 = tpu.memref_squeeze %dma_start3A_194 : memref<1x!tpu.dma_semaphore, #tpu.memory_space<semaphore_mem>> -> memref<!tpu.dma_semaphore, #tpu.memory_space<semaphore_mem>>
    tpu.enqueue_indirect_dma source(%dma_start3A_193 : memref<10000x128xf32, #tpu.memory_space<hbm>>) target(%dma_start3A_187 : memref<128x128xf32, #tpu.memory_space<vmem>>) offsets(%dma_start3A_190 : memref<128xi32, #tpu.memory_space<vmem>>) semaphore(%dma_start3A_195 : memref<!tpu.dma_semaphore, #tpu.memory_space<semaphore_mem>>)
    %dma_wait3A_196 = arith.constant 0 : i32
    %dma_wait3A_197 = arith.constant 0 : i32
    %dma_wait3A_198 = arith.constant 0 : i32
    %dma_wait3A_199 = arith.constant 0 : i32
    %dma_wait3A_200 = arith.constant 0 : i32
    %dma_wait3A_201 = tpu.memref_slice %arg9[%dma_wait3A_197, %dma_wait3A_199, %dma_wait3A_200] : memref<2x128x128xf32, #tpu.memory_space<vmem>> -> memref<1x128x128xf32, #tpu.memory_space<vmem>>
    %dma_wait3A_202 = tpu.memref_squeeze %dma_wait3A_201 : memref<1x128x128xf32, #tpu.memory_space<vmem>> -> memref<128x128xf32, #tpu.memory_space<vmem>>
    %dma_wait3A_203 = arith.constant 0 : i32
    %dma_wait3A_204 = tpu.memref_slice %arg7[%dma_wait3A_196, %dma_wait3A_203] : memref<4x128xi32, #tpu.memory_space<vmem>> -> memref<1x128xi32, #tpu.memory_space<vmem>>
    %dma_wait3A_205 = tpu.memref_squeeze %dma_wait3A_204 : memref<1x128xi32, #tpu.memory_space<vmem>> -> memref<128xi32, #tpu.memory_space<vmem>>
    %dma_wait3A_206 = arith.constant 0 : i32
    %dma_wait3A_207 = arith.constant 0 : i32
    %dma_wait3A_208 = tpu.memref_slice %arg2[%dma_wait3A_206, %dma_wait3A_207] : memref<10000x128xf32, #tpu.memory_space<hbm>> -> memref<10000x128xf32, #tpu.memory_space<hbm>>
    %dma_wait3A_209 = tpu.memref_slice %arg13[%dma_wait3A_198] : memref<2x!tpu.dma_semaphore, #tpu.memory_space<semaphore_mem>> -> memref<1x!tpu.dma_semaphore, #tpu.memory_space<semaphore_mem>>
    %dma_wait3A_210 = tpu.memref_squeeze %dma_wait3A_209 : memref<1x!tpu.dma_semaphore, #tpu.memory_space<semaphore_mem>> -> memref<!tpu.dma_semaphore, #tpu.memory_space<semaphore_mem>>
    tpu.wait_indirect_dma semaphore(%dma_wait3A_210 : memref<!tpu.dma_semaphore, #tpu.memory_space<semaphore_mem>>) src(%dma_wait3A_208 : memref<10000x128xf32, #tpu.memory_space<hbm>>) dst(%dma_wait3A_202 : memref<128x128xf32, #tpu.memory_space<vmem>>)
    %dma_start3A_211 = arith.constant 0 : i32
    %dma_start3A_212 = arith.constant 0 : i32
    %dma_start3A_213 = arith.constant 0 : i32
    %dma_start3A_214 = arith.constant 0 : i32
    %dma_start3A_215 = arith.constant 0 : i32
    %dma_start3A_216 = tpu.memref_slice %arg9[%dma_start3A_211, %dma_start3A_214, %dma_start3A_215] : memref<2x128x128xf32, #tpu.memory_space<vmem>> -> memref<1x128x128xf32, #tpu.memory_space<vmem>>
    %dma_start3A_217 = tpu.memref_squeeze %dma_start3A_216 : memref<1x128x128xf32, #tpu.memory_space<vmem>> -> memref<128x128xf32, #tpu.memory_space<vmem>>
    %dma_start3A_218 = arith.constant 0 : i32
    %dma_start3A_219 = tpu.memref_slice %arg8[%dma_start3A_212, %dma_start3A_218] : memref<4x128xi32, #tpu.memory_space<vmem>> -> memref<1x128xi32, #tpu.memory_space<vmem>>
    %dma_start3A_220 = tpu.memref_squeeze %dma_start3A_219 : memref<1x128xi32, #tpu.memory_space<vmem>> -> memref<128xi32, #tpu.memory_space<vmem>>
    %dma_start3A_221 = arith.constant 0 : i32
    %dma_start3A_222 = arith.constant 0 : i32
    %dma_start3A_223 = tpu.memref_slice %arg6[%dma_start3A_221, %dma_start3A_222] : memref<10240x128xf32, #tpu.memory_space<vmem_shared>> -> memref<10240x128xf32, #tpu.memory_space<vmem_shared>>
    %dma_start3A_224 = tpu.memref_slice %arg15[%dma_start3A_213] : memref<2x!tpu.dma_semaphore, #tpu.memory_space<semaphore_mem>> -> memref<1x!tpu.dma_semaphore, #tpu.memory_space<semaphore_mem>>
    %dma_start3A_225 = tpu.memref_squeeze %dma_start3A_224 : memref<1x!tpu.dma_semaphore, #tpu.memory_space<semaphore_mem>> -> memref<!tpu.dma_semaphore, #tpu.memory_space<semaphore_mem>>
    tpu.enqueue_indirect_dma source(%dma_start3A_217 : memref<128x128xf32, #tpu.memory_space<vmem>>) target(%dma_start3A_223 : memref<10240x128xf32, #tpu.memory_space<vmem_shared>>) offsets(%dma_start3A_220 : memref<128xi32, #tpu.memory_space<vmem>>) semaphore(%dma_start3A_225 : memref<!tpu.dma_semaphore, #tpu.memory_space<semaphore_mem>>) {add = true}
    %dma_wait3A_226 = arith.constant 1 : i32
    %dma_wait3A_227 = arith.constant 1 : i32
    %dma_wait3A_228 = arith.constant 1 : i32
    %dma_wait3A_229 = arith.constant 0 : i32
    %dma_wait3A_230 = arith.constant 0 : i32
    %dma_wait3A_231 = tpu.memref_slice %arg9[%dma_wait3A_227, %dma_wait3A_229, %dma_wait3A_230] : memref<2x128x128xf32, #tpu.memory_space<vmem>> -> memref<1x128x128xf32, #tpu.memory_space<vmem>>
    %dma_wait3A_232 = tpu.memref_squeeze %dma_wait3A_231 : memref<1x128x128xf32, #tpu.memory_space<vmem>> -> memref<128x128xf32, #tpu.memory_space<vmem>>
    %dma_wait3A_233 = arith.constant 0 : i32
    %dma_wait3A_234 = tpu.memref_slice %arg7[%dma_wait3A_226, %dma_wait3A_233] : memref<4x128xi32, #tpu.memory_space<vmem>> -> memref<1x128xi32, #tpu.memory_space<vmem>>
    %dma_wait3A_235 = tpu.memref_squeeze %dma_wait3A_234 : memref<1x128xi32, #tpu.memory_space<vmem>> -> memref<128xi32, #tpu.memory_space<vmem>>
    %dma_wait3A_236 = arith.constant 0 : i32
    %dma_wait3A_237 = arith.constant 0 : i32
    %dma_wait3A_238 = tpu.memref_slice %arg2[%dma_wait3A_236, %dma_wait3A_237] : memref<10000x128xf32, #tpu.memory_space<hbm>> -> memref<10000x128xf32, #tpu.memory_space<hbm>>
    %dma_wait3A_239 = tpu.memref_slice %arg13[%dma_wait3A_228] : memref<2x!tpu.dma_semaphore, #tpu.memory_space<semaphore_mem>> -> memref<1x!tpu.dma_semaphore, #tpu.memory_space<semaphore_mem>>
    %dma_wait3A_240 = tpu.memref_squeeze %dma_wait3A_239 : memref<1x!tpu.dma_semaphore, #tpu.memory_space<semaphore_mem>> -> memref<!tpu.dma_semaphore, #tpu.memory_space<semaphore_mem>>
    tpu.wait_indirect_dma semaphore(%dma_wait3A_240 : memref<!tpu.dma_semaphore, #tpu.memory_space<semaphore_mem>>) src(%dma_wait3A_238 : memref<10000x128xf32, #tpu.memory_space<hbm>>) dst(%dma_wait3A_232 : memref<128x128xf32, #tpu.memory_space<vmem>>)
    %dma_wait3A_241 = arith.constant 0 : i32
    %dma_wait3A_242 = arith.constant 0 : i32
    %dma_wait3A_243 = arith.constant 0 : i32
    %dma_wait3A_244 = arith.constant 0 : i32
    %dma_wait3A_245 = arith.constant 0 : i32
    %dma_wait3A_246 = tpu.memref_slice %arg9[%dma_wait3A_241, %dma_wait3A_244, %dma_wait3A_245] : memref<2x128x128xf32, #tpu.memory_space<vmem>> -> memref<1x128x128xf32, #tpu.memory_space<vmem>>
    %dma_wait3A_247 = tpu.memref_squeeze %dma_wait3A_246 : memref<1x128x128xf32, #tpu.memory_space<vmem>> -> memref<128x128xf32, #tpu.memory_space<vmem>>
    %dma_wait3A_248 = arith.constant 0 : i32
    %dma_wait3A_249 = tpu.memref_slice %arg8[%dma_wait3A_242, %dma_wait3A_248] : memref<4x128xi32, #tpu.memory_space<vmem>> -> memref<1x128xi32, #tpu.memory_space<vmem>>
    %dma_wait3A_250 = tpu.memref_squeeze %dma_wait3A_249 : memref<1x128xi32, #tpu.memory_space<vmem>> -> memref<128xi32, #tpu.memory_space<vmem>>
    %dma_wait3A_251 = arith.constant 0 : i32
    %dma_wait3A_252 = arith.constant 0 : i32
    %dma_wait3A_253 = tpu.memref_slice %arg6[%dma_wait3A_251, %dma_wait3A_252] : memref<10240x128xf32, #tpu.memory_space<vmem_shared>> -> memref<10240x128xf32, #tpu.memory_space<vmem_shared>>
    %dma_wait3A_254 = tpu.memref_slice %arg15[%dma_wait3A_243] : memref<2x!tpu.dma_semaphore, #tpu.memory_space<semaphore_mem>> -> memref<1x!tpu.dma_semaphore, #tpu.memory_space<semaphore_mem>>
    %dma_wait3A_255 = tpu.memref_squeeze %dma_wait3A_254 : memref<1x!tpu.dma_semaphore, #tpu.memory_space<semaphore_mem>> -> memref<!tpu.dma_semaphore, #tpu.memory_space<semaphore_mem>>
    tpu.wait_indirect_dma semaphore(%dma_wait3A_255 : memref<!tpu.dma_semaphore, #tpu.memory_space<semaphore_mem>>) src(%dma_wait3A_247 : memref<128x128xf32, #tpu.memory_space<vmem>>) dst(%dma_wait3A_253 : memref<10240x128xf32, #tpu.memory_space<vmem_shared>>)
    %dma_start3A_256 = arith.constant 1 : i32
    %dma_start3A_257 = arith.constant 1 : i32
    %dma_start3A_258 = arith.constant 1 : i32
    %dma_start3A_259 = arith.constant 0 : i32
    %dma_start3A_260 = arith.constant 0 : i32
    %dma_start3A_261 = tpu.memref_slice %arg9[%dma_start3A_256, %dma_start3A_259, %dma_start3A_260] : memref<2x128x128xf32, #tpu.memory_space<vmem>> -> memref<1x128x128xf32, #tpu.memory_space<vmem>>
    %dma_start3A_262 = tpu.memref_squeeze %dma_start3A_261 : memref<1x128x128xf32, #tpu.memory_space<vmem>> -> memref<128x128xf32, #tpu.memory_space<vmem>>
    %dma_start3A_263 = arith.constant 0 : i32
    %dma_start3A_264 = tpu.memref_slice %arg8[%dma_start3A_257, %dma_start3A_263] : memref<4x128xi32, #tpu.memory_space<vmem>> -> memref<1x128xi32, #tpu.memory_space<vmem>>
    %dma_start3A_265 = tpu.memref_squeeze %dma_start3A_264 : memref<1x128xi32, #tpu.memory_space<vmem>> -> memref<128xi32, #tpu.memory_space<vmem>>
    %dma_start3A_266 = arith.constant 0 : i32
    %dma_start3A_267 = arith.constant 0 : i32
    %dma_start3A_268 = tpu.memref_slice %arg6[%dma_start3A_266, %dma_start3A_267] : memref<10240x128xf32, #tpu.memory_space<vmem_shared>> -> memref<10240x128xf32, #tpu.memory_space<vmem_shared>>
    %dma_start3A_269 = tpu.memref_slice %arg15[%dma_start3A_258] : memref<2x!tpu.dma_semaphore, #tpu.memory_space<semaphore_mem>> -> memref<1x!tpu.dma_semaphore, #tpu.memory_space<semaphore_mem>>
    %dma_start3A_270 = tpu.memref_squeeze %dma_start3A_269 : memref<1x!tpu.dma_semaphore, #tpu.memory_space<semaphore_mem>> -> memref<!tpu.dma_semaphore, #tpu.memory_space<semaphore_mem>>
    tpu.enqueue_indirect_dma source(%dma_start3A_262 : memref<128x128xf32, #tpu.memory_space<vmem>>) target(%dma_start3A_268 : memref<10240x128xf32, #tpu.memory_space<vmem_shared>>) offsets(%dma_start3A_265 : memref<128xi32, #tpu.memory_space<vmem>>) semaphore(%dma_start3A_270 : memref<!tpu.dma_semaphore, #tpu.memory_space<semaphore_mem>>) {add = true}
    %dma_wait3A_271 = arith.constant 1 : i32
    %dma_wait3A_272 = arith.constant 1 : i32
    %dma_wait3A_273 = arith.constant 1 : i32
    %dma_wait3A_274 = arith.constant 0 : i32
    %dma_wait3A_275 = arith.constant 0 : i32
    %dma_wait3A_276 = tpu.memref_slice %arg9[%dma_wait3A_271, %dma_wait3A_274, %dma_wait3A_275] : memref<2x128x128xf32, #tpu.memory_space<vmem>> -> memref<1x128x128xf32, #tpu.memory_space<vmem>>
    %dma_wait3A_277 = tpu.memref_squeeze %dma_wait3A_276 : memref<1x128x128xf32, #tpu.memory_space<vmem>> -> memref<128x128xf32, #tpu.memory_space<vmem>>
    %dma_wait3A_278 = arith.constant 0 : i32
    %dma_wait3A_279 = tpu.memref_slice %arg8[%dma_wait3A_272, %dma_wait3A_278] : memref<4x128xi32, #tpu.memory_space<vmem>> -> memref<1x128xi32, #tpu.memory_space<vmem>>
    %dma_wait3A_280 = tpu.memref_squeeze %dma_wait3A_279 : memref<1x128xi32, #tpu.memory_space<vmem>> -> memref<128xi32, #tpu.memory_space<vmem>>
    %dma_wait3A_281 = arith.constant 0 : i32
    %dma_wait3A_282 = arith.constant 0 : i32
    %dma_wait3A_283 = tpu.memref_slice %arg6[%dma_wait3A_281, %dma_wait3A_282] : memref<10240x128xf32, #tpu.memory_space<vmem_shared>> -> memref<10240x128xf32, #tpu.memory_space<vmem_shared>>
    %dma_wait3A_284 = tpu.memref_slice %arg15[%dma_wait3A_273] : memref<2x!tpu.dma_semaphore, #tpu.memory_space<semaphore_mem>> -> memref<1x!tpu.dma_semaphore, #tpu.memory_space<semaphore_mem>>
    %dma_wait3A_285 = tpu.memref_squeeze %dma_wait3A_284 : memref<1x!tpu.dma_semaphore, #tpu.memory_space<semaphore_mem>> -> memref<!tpu.dma_semaphore, #tpu.memory_space<semaphore_mem>>
    tpu.wait_indirect_dma semaphore(%dma_wait3A_285 : memref<!tpu.dma_semaphore, #tpu.memory_space<semaphore_mem>>) src(%dma_wait3A_277 : memref<128x128xf32, #tpu.memory_space<vmem>>) dst(%dma_wait3A_283 : memref<10240x128xf32, #tpu.memory_space<vmem_shared>>)
    %add3A_286 = arith.constant 9984 : i32
    %add3A_287 = arith.addi %mul3A_2, %add3A_286 : i32
    %dma_wait3A_288 = arith.constant 0 : i32
    %dma_wait3A_289 = arith.constant 0 : i32
    %dma_wait3A_290 = tpu.memref_slice %arg10[%dma_wait3A_288, %dma_wait3A_289] : memref<1x16xi32, #tpu.memory_space<vmem>> -> memref<1x16xi32, #tpu.memory_space<vmem>>
    %dma_wait3A_291 = tpu.memref_squeeze %dma_wait3A_290 : memref<1x16xi32, #tpu.memory_space<vmem>> -> memref<16xi32, #tpu.memory_space<vmem>>
    %dma_wait3A_292 = tpu.memref_slice %arg3[%add3A_287] : memref<640000xi32, #tpu.memory_space<hbm>> -> memref<16xi32, #tpu.memory_space<hbm>>
    %dma_wait3A_293 = arith.constant 0 : i32
    %dma_wait3A_294 = tpu.memref_slice %arg10[%dma_wait3A_288, %dma_wait3A_293] : memref<1x16xi32, #tpu.memory_space<vmem>> -> memref<1x16xi32, #tpu.memory_space<vmem>>
    %dma_wait3A_295 = tpu.memref_squeeze %dma_wait3A_294 : memref<1x16xi32, #tpu.memory_space<vmem>> -> memref<16xi32, #tpu.memory_space<vmem>>
    %dma_wait3A_296 = tpu.memref_slice %arg3[%add3A_287] : memref<640000xi32, #tpu.memory_space<hbm>> -> memref<16xi32, #tpu.memory_space<hbm>>
    tpu.wait_dma2 semaphore(%arg16 : memref<!tpu.dma_semaphore, #tpu.memory_space<semaphore_mem>>) src(%dma_wait3A_296 : memref<16xi32, #tpu.memory_space<hbm>>) dst(%dma_wait3A_295 : memref<16xi32, #tpu.memory_space<vmem>>)
    %add3A_297 = arith.constant 320000 : i32
    %add3A_298 = arith.addi %add3A_297, %mul3A_2 : i32
    %add3A_299 = arith.constant 9984 : i32
    %add3A_300 = arith.addi %add3A_298, %add3A_299 : i32
    %dma_wait3A_301 = arith.constant 0 : i32
    %dma_wait3A_302 = arith.constant 0 : i32
    %dma_wait3A_303 = tpu.memref_slice %arg11[%dma_wait3A_301, %dma_wait3A_302] : memref<1x16xi32, #tpu.memory_space<vmem>> -> memref<1x16xi32, #tpu.memory_space<vmem>>
    %dma_wait3A_304 = tpu.memref_squeeze %dma_wait3A_303 : memref<1x16xi32, #tpu.memory_space<vmem>> -> memref<16xi32, #tpu.memory_space<vmem>>
    %dma_wait3A_305 = tpu.memref_slice %arg3[%add3A_300] : memref<640000xi32, #tpu.memory_space<hbm>> -> memref<16xi32, #tpu.memory_space<hbm>>
    %dma_wait3A_306 = arith.constant 0 : i32
    %dma_wait3A_307 = tpu.memref_slice %arg11[%dma_wait3A_301, %dma_wait3A_306] : memref<1x16xi32, #tpu.memory_space<vmem>> -> memref<1x16xi32, #tpu.memory_space<vmem>>
    %dma_wait3A_308 = tpu.memref_squeeze %dma_wait3A_307 : memref<1x16xi32, #tpu.memory_space<vmem>> -> memref<16xi32, #tpu.memory_space<vmem>>
    %dma_wait3A_309 = tpu.memref_slice %arg3[%add3A_300] : memref<640000xi32, #tpu.memory_space<hbm>> -> memref<16xi32, #tpu.memory_space<hbm>>
    tpu.wait_dma2 semaphore(%arg16 : memref<!tpu.dma_semaphore, #tpu.memory_space<semaphore_mem>>) src(%dma_wait3A_309 : memref<16xi32, #tpu.memory_space<hbm>>) dst(%dma_wait3A_308 : memref<16xi32, #tpu.memory_space<vmem>>)
    %run_scoped3A = arith.constant 0 : i32
    "tpu.region"() ({
      %run_scoped3A_316 = tpu.sem_alloc : memref<!tpu.dma_semaphore, #tpu.memory_space<semaphore_mem>>
      %dma_start3A_317 = arith.constant 0 : i32
      %dma_start3A_318 = tpu.memref_slice %arg10[%run_scoped3A, %dma_start3A_317] : memref<1x16xi32, #tpu.memory_space<vmem>> -> memref<1x16xi32, #tpu.memory_space<vmem>>
      %dma_start3A_319 = tpu.memref_squeeze %dma_start3A_318 : memref<1x16xi32, #tpu.memory_space<vmem>> -> memref<16xi32, #tpu.memory_space<vmem>>
      %dma_start3A_320 = arith.constant 0 : i32
      %dma_start3A_321 = arith.constant 0 : i32
      %dma_start3A_322 = tpu.memref_slice %arg2[%dma_start3A_320, %dma_start3A_321] : memref<10000x128xf32, #tpu.memory_space<hbm>> -> memref<10000x128xf32, #tpu.memory_space<hbm>>
      tpu.enqueue_indirect_dma source(%dma_start3A_322 : memref<10000x128xf32, #tpu.memory_space<hbm>>) target(%arg12 : memref<16x128xf32, #tpu.memory_space<vmem>>) offsets(%dma_start3A_319 : memref<16xi32, #tpu.memory_space<vmem>>) semaphore(%run_scoped3A_316 : memref<!tpu.dma_semaphore, #tpu.memory_space<semaphore_mem>>)
      %dma_wait3A_323 = arith.constant 0 : i32
      %dma_wait3A_324 = tpu.memref_slice %arg10[%run_scoped3A, %dma_wait3A_323] : memref<1x16xi32, #tpu.memory_space<vmem>> -> memref<1x16xi32, #tpu.memory_space<vmem>>
      %dma_wait3A_325 = tpu.memref_squeeze %dma_wait3A_324 : memref<1x16xi32, #tpu.memory_space<vmem>> -> memref<16xi32, #tpu.memory_space<vmem>>
      %dma_wait3A_326 = arith.constant 0 : i32
      %dma_wait3A_327 = arith.constant 0 : i32
      %dma_wait3A_328 = tpu.memref_slice %arg2[%dma_wait3A_326, %dma_wait3A_327] : memref<10000x128xf32, #tpu.memory_space<hbm>> -> memref<10000x128xf32, #tpu.memory_space<hbm>>
      tpu.wait_indirect_dma semaphore(%run_scoped3A_316 : memref<!tpu.dma_semaphore, #tpu.memory_space<semaphore_mem>>) src(%dma_wait3A_328 : memref<10000x128xf32, #tpu.memory_space<hbm>>) dst(%arg12 : memref<16x128xf32, #tpu.memory_space<vmem>>)
      tpu.yield
    }) : () -> ()
    %run_scoped3A_310 = arith.constant 0 : i32
    "tpu.region"() ({
      %run_scoped3A_316 = tpu.sem_alloc : memref<!tpu.dma_semaphore, #tpu.memory_space<semaphore_mem>>
      %dma_start3A_317 = arith.constant 0 : i32
      %dma_start3A_318 = tpu.memref_slice %arg11[%run_scoped3A_310, %dma_start3A_317] : memref<1x16xi32, #tpu.memory_space<vmem>> -> memref<1x16xi32, #tpu.memory_space<vmem>>
      %dma_start3A_319 = tpu.memref_squeeze %dma_start3A_318 : memref<1x16xi32, #tpu.memory_space<vmem>> -> memref<16xi32, #tpu.memory_space<vmem>>
      %dma_start3A_320 = arith.constant 0 : i32
      %dma_start3A_321 = arith.constant 0 : i32
      %dma_start3A_322 = tpu.memref_slice %arg6[%dma_start3A_320, %dma_start3A_321] : memref<10240x128xf32, #tpu.memory_space<vmem_shared>> -> memref<10240x128xf32, #tpu.memory_space<vmem_shared>>
      tpu.enqueue_indirect_dma source(%arg12 : memref<16x128xf32, #tpu.memory_space<vmem>>) target(%dma_start3A_322 : memref<10240x128xf32, #tpu.memory_space<vmem_shared>>) offsets(%dma_start3A_319 : memref<16xi32, #tpu.memory_space<vmem>>) semaphore(%run_scoped3A_316 : memref<!tpu.dma_semaphore, #tpu.memory_space<semaphore_mem>>) {add = true}
      %dma_wait3A_323 = arith.constant 0 : i32
      %dma_wait3A_324 = tpu.memref_slice %arg11[%run_scoped3A_310, %dma_wait3A_323] : memref<1x16xi32, #tpu.memory_space<vmem>> -> memref<1x16xi32, #tpu.memory_space<vmem>>
      %dma_wait3A_325 = tpu.memref_squeeze %dma_wait3A_324 : memref<1x16xi32, #tpu.memory_space<vmem>> -> memref<16xi32, #tpu.memory_space<vmem>>
      %dma_wait3A_326 = arith.constant 0 : i32
      %dma_wait3A_327 = arith.constant 0 : i32
      %dma_wait3A_328 = tpu.memref_slice %arg6[%dma_wait3A_326, %dma_wait3A_327] : memref<10240x128xf32, #tpu.memory_space<vmem_shared>> -> memref<10240x128xf32, #tpu.memory_space<vmem_shared>>
      tpu.wait_indirect_dma semaphore(%run_scoped3A_316 : memref<!tpu.dma_semaphore, #tpu.memory_space<semaphore_mem>>) src(%arg12 : memref<16x128xf32, #tpu.memory_space<vmem>>) dst(%dma_wait3A_328 : memref<10240x128xf32, #tpu.memory_space<vmem_shared>>)
      tpu.yield
    }) : () -> ()
    %barrier3A_311 = arith.constant 0 : index
    tpu.barrier barrier_id(%barrier3A_311)
    %mul3A_312 = arith.constant 640 : i32
    %mul3A_313 = arith.muli %arg1, %mul3A_312 : i32
    %mul3A_314 = arith.constant 640 : i32
    %mul3A_315 = arith.muli %arg1, %mul3A_314 : i32
    "tpu.region"() ({
      %run_scoped3A_316 = tpu.sem_alloc : memref<!tpu.dma_semaphore, #tpu.memory_space<semaphore_mem>>
      %dma_start3A_317 = arith.constant 0 : i32
      %dma_start3A_318 = tpu.memref_slice %arg5[%arg0, %mul3A_315, %dma_start3A_317] : memref<2x10240x128xf32, #tpu.memory_space<hbm>> -> memref<1x640x128xf32, #tpu.memory_space<hbm>>
      %dma_start3A_319 = tpu.memref_squeeze %dma_start3A_318 : memref<1x640x128xf32, #tpu.memory_space<hbm>> -> memref<640x128xf32, #tpu.memory_space<hbm>>
      %dma_start3A_320 = arith.constant 0 : i32
      %dma_start3A_321 = tpu.memref_slice %arg6[%mul3A_313, %dma_start3A_320] : memref<10240x128xf32, #tpu.memory_space<vmem_shared>> -> memref<640x128xf32, #tpu.memory_space<vmem_shared>>
      tpu.enqueue_dma source(%dma_start3A_321 : memref<640x128xf32, #tpu.memory_space<vmem_shared>>) target(%dma_start3A_319 : memref<640x128xf32, #tpu.memory_space<hbm>>) target_semaphore(%run_scoped3A_316 : memref<!tpu.dma_semaphore, #tpu.memory_space<semaphore_mem>>)
      %dma_wait3A_322 = arith.constant 0 : i32
      %dma_wait3A_323 = tpu.memref_slice %arg5[%arg0, %mul3A_315, %dma_wait3A_322] : memref<2x10240x128xf32, #tpu.memory_space<hbm>> -> memref<1x640x128xf32, #tpu.memory_space<hbm>>
      %dma_wait3A_324 = tpu.memref_squeeze %dma_wait3A_323 : memref<1x640x128xf32, #tpu.memory_space<hbm>> -> memref<640x128xf32, #tpu.memory_space<hbm>>
      %dma_wait3A_325 = arith.constant 0 : i32
      %dma_wait3A_326 = tpu.memref_slice %arg6[%mul3A_313, %dma_wait3A_325] : memref<10240x128xf32, #tpu.memory_space<vmem_shared>> -> memref<640x128xf32, #tpu.memory_space<vmem_shared>>
      tpu.wait_dma2 semaphore(%run_scoped3A_316 : memref<!tpu.dma_semaphore, #tpu.memory_space<semaphore_mem>>) src(%dma_wait3A_326 : memref<640x128xf32, #tpu.memory_space<vmem_shared>>) dst(%dma_wait3A_324 : memref<640x128xf32, #tpu.memory_space<hbm>>)
      tpu.yield
    }) : () -> ()
    return
  }
}

#map = affine_map<(d0, d1) -> (0)>
#map1 = affine_map<(d0, d1) -> (0, 0, 0)>
module attributes {stable_mosaic.version = 14 : i64} {
  func.func @_deg_body(%arg0: i32, %arg1: i32, %arg2: memref<640000xi32, #tpu.memory_space<hbm>>, %arg3: memref<32x1x10000xf32, #tpu.memory_space<hbm>>, %arg4: memref<10000xi32, #tpu.memory_space<vmem>>, %arg5: memref<10000xf32, #tpu.memory_space<vmem>>) attributes {dimension_semantics = [#tpu.dimension_semantics<core_parallel>, #tpu.dimension_semantics<subcore_parallel>], iteration_bounds = array<i64: 2, 16>, scalar_prefetch = 0 : i64, scratch_operands = 2 : i64, tpu.core_type = #tpu.core_type<sc_vector_subcore>, window_params = [{transform_indices = #map}, {transform_indices = #map1}]} {
    %mul3A = arith.constant 16 : i32
    %mul3A_0 = arith.muli %arg0, %mul3A : i32
    %add3A = arith.addi %mul3A_0, %arg1 : i32
    %mul3A_1 = arith.constant 10000 : i32
    %mul3A_2 = arith.muli %add3A, %mul3A_1 : i32
    %add3A_3 = arith.constant 320000 : i32
    %add3A_4 = arith.addi %add3A_3, %mul3A_2 : i32
    "tpu.region"() ({
      %run_scoped3A_17 = tpu.sem_alloc : memref<!tpu.dma_semaphore, #tpu.memory_space<semaphore_mem>>
      %dma_start3A = tpu.memref_slice %arg2[%add3A_4] : memref<640000xi32, #tpu.memory_space<hbm>> -> memref<10000xi32, #tpu.memory_space<hbm>>
      %dma_start3A_18 = tpu.memref_slice %arg2[%add3A_4] : memref<640000xi32, #tpu.memory_space<hbm>> -> memref<10000xi32, #tpu.memory_space<hbm>>
      tpu.enqueue_dma source(%dma_start3A_18 : memref<10000xi32, #tpu.memory_space<hbm>>) target(%arg4 : memref<10000xi32, #tpu.memory_space<vmem>>) target_semaphore(%run_scoped3A_17 : memref<!tpu.dma_semaphore, #tpu.memory_space<semaphore_mem>>)
      %dma_wait3A = tpu.memref_slice %arg2[%add3A_4] : memref<640000xi32, #tpu.memory_space<hbm>> -> memref<10000xi32, #tpu.memory_space<hbm>>
      %dma_wait3A_19 = tpu.memref_slice %arg2[%add3A_4] : memref<640000xi32, #tpu.memory_space<hbm>> -> memref<10000xi32, #tpu.memory_space<hbm>>
      tpu.wait_dma2 semaphore(%run_scoped3A_17 : memref<!tpu.dma_semaphore, #tpu.memory_space<semaphore_mem>>) src(%dma_wait3A_19 : memref<10000xi32, #tpu.memory_space<hbm>>) dst(%arg4 : memref<10000xi32, #tpu.memory_space<vmem>>)
      tpu.yield
    }) : () -> ()
    %broadcast_in_dim3A = arith.constant 0.000000e+00 : f32
    %broadcast_in_dim3A_5 = vector.broadcast %broadcast_in_dim3A : f32 to vector<16xf32>
    %broadcast_in_dim3A_6 = arith.constant 1.000000e+00 : f32
    %broadcast_in_dim3A_7 = vector.broadcast %broadcast_in_dim3A_6 : f32 to vector<16xf32>
    %scan3A = arith.constant 0 : i32
    %scan3A_8 = arith.constant 625 : i32
    %scan3A_9 = arith.addi %scan3A, %scan3A_8 : i32
    %scan3A_10 = arith.constant 1 : i32
    scf.for %scan3A_17 = %scan3A to %scan3A_9 step %scan3A_10  : i32 {
      %mul3A_18 = arith.constant 1 : i32
      %mul3A_19 = arith.muli %scan3A_17, %mul3A_18 : i32
      %add3A_20 = arith.constant 0 : i32
      %add3A_21 = arith.addi %add3A_20, %mul3A_19 : i32
      %mul3A_22 = arith.constant 16 : i32
      %mul3A_23 = arith.muli %add3A_21, %mul3A_22 : i32
      %swap3A = arith.index_cast %mul3A_23 : i32 to index
      %swap3A_24 = tpu.vector_load %arg5[%swap3A] {strides = array<i32>} : memref<10000xf32, #tpu.memory_space<vmem>>, vector<16xf32>,
      tpu.vector_store %arg5[%swap3A], %broadcast_in_dim3A_5 {strides = array<i32>} : memref<10000xf32, #tpu.memory_space<vmem>>, vector<16xf32>,
    }
    %scan3A_11 = arith.constant 625 : i32
    %scan3A_12 = arith.constant 0 : i32
    %scan3A_13 = arith.constant 625 : i32
    %scan3A_14 = arith.addi %scan3A_12, %scan3A_13 : i32
    %scan3A_15 = arith.constant 1 : i32
    scf.for %scan3A_17 = %scan3A_12 to %scan3A_14 step %scan3A_15  : i32 {
      %mul3A_18 = arith.constant 1 : i32
      %mul3A_19 = arith.muli %scan3A_17, %mul3A_18 : i32
      %add3A_20 = arith.constant 0 : i32
      %add3A_21 = arith.addi %add3A_20, %mul3A_19 : i32
      %mul3A_22 = arith.constant 16 : i32
      %mul3A_23 = arith.muli %add3A_21, %mul3A_22 : i32
      %get3A = arith.index_cast %mul3A_23 : i32 to index
      %get3A_24 = tpu.vector_load %arg4[%get3A] {strides = array<i32>} : memref<10000xi32, #tpu.memory_space<vmem>>, vector<16xi32>,
      tpu.vector_store_idx %arg5[%get3A_24], %broadcast_in_dim3A_7 {add = true} : memref<10000xf32, #tpu.memory_space<vmem>>[vector<16xi32>], vector<16xf32>,
    }
    %scan3A_16 = arith.constant 625 : i32
    %run_scoped3A = arith.constant 0 : i32
    "tpu.region"() ({
      %run_scoped3A_17 = tpu.sem_alloc : memref<!tpu.dma_semaphore, #tpu.memory_space<semaphore_mem>>
      %dma_start3A = arith.constant 0 : i32
      %dma_start3A_18 = tpu.memref_slice %arg3[%add3A, %run_scoped3A, %dma_start3A] : memref<32x1x10000xf32, #tpu.memory_space<hbm>> -> memref<1x1x10000xf32, #tpu.memory_space<hbm>>
      %dma_start3A_19 = tpu.memref_squeeze %dma_start3A_18 : memref<1x1x10000xf32, #tpu.memory_space<hbm>> -> memref<10000xf32, #tpu.memory_space<hbm>>
      %dma_start3A_20 = arith.constant 0 : i32
      %dma_start3A_21 = tpu.memref_slice %arg3[%add3A, %run_scoped3A, %dma_start3A_20] : memref<32x1x10000xf32, #tpu.memory_space<hbm>> -> memref<1x1x10000xf32, #tpu.memory_space<hbm>>
      %dma_start3A_22 = tpu.memref_squeeze %dma_start3A_21 : memref<1x1x10000xf32, #tpu.memory_space<hbm>> -> memref<10000xf32, #tpu.memory_space<hbm>>
      tpu.enqueue_dma source(%arg5 : memref<10000xf32, #tpu.memory_space<vmem>>) target(%dma_start3A_22 : memref<10000xf32, #tpu.memory_space<hbm>>) target_semaphore(%run_scoped3A_17 : memref<!tpu.dma_semaphore, #tpu.memory_space<semaphore_mem>>)
      %dma_wait3A = arith.constant 0 : i32
      %dma_wait3A_23 = tpu.memref_slice %arg3[%add3A, %run_scoped3A, %dma_wait3A] : memref<32x1x10000xf32, #tpu.memory_space<hbm>> -> memref<1x1x10000xf32, #tpu.memory_space<hbm>>
      %dma_wait3A_24 = tpu.memref_squeeze %dma_wait3A_23 : memref<1x1x10000xf32, #tpu.memory_space<hbm>> -> memref<10000xf32, #tpu.memory_space<hbm>>
      %dma_wait3A_25 = arith.constant 0 : i32
      %dma_wait3A_26 = tpu.memref_slice %arg3[%add3A, %run_scoped3A, %dma_wait3A_25] : memref<32x1x10000xf32, #tpu.memory_space<hbm>> -> memref<1x1x10000xf32, #tpu.memory_space<hbm>>
      %dma_wait3A_27 = tpu.memref_squeeze %dma_wait3A_26 : memref<1x1x10000xf32, #tpu.memory_space<hbm>> -> memref<10000xf32, #tpu.memory_space<hbm>>
      tpu.wait_dma2 semaphore(%run_scoped3A_17 : memref<!tpu.dma_semaphore, #tpu.memory_space<semaphore_mem>>) src(%arg5 : memref<10000xf32, #tpu.memory_space<vmem>>) dst(%dma_wait3A_27 : memref<10000xf32, #tpu.memory_space<hbm>>)
      tpu.yield
    }) : () -> ()
    return
  }
}

#map = affine_map<(d0, d1) -> (0, 0)>
#map1 = affine_map<(d0, d1) -> (0)>
#map2 = affine_map<(d0, d1) -> (0, 0, 0)>
module attributes {stable_mosaic.version = 14 : i64} {
  func.func @_agg_body(%arg0: i32, %arg1: i32, %arg2: memref<10000x128xf32, #tpu.memory_space<hbm>>, %arg3: memref<640000xi32, #tpu.memory_space<hbm>>, %arg4: memref<640x128xf32, #tpu.memory_space<hbm>>, %arg5: memref<2x10240x128xf32, #tpu.memory_space<hbm>>, %arg6: memref<10240x128xf32, #tpu.memory_space<vmem_shared>>, %arg7: memref<4x128xi32, #tpu.memory_space<vmem>>, %arg8: memref<4x128xi32, #tpu.memory_space<vmem>>, %arg9: memref<2x128x128xf32, #tpu.memory_space<vmem>>, %arg10: memref<1x16xi32, #tpu.memory_space<vmem>>, %arg11: memref<1x16xi32, #tpu.memory_space<vmem>>, %arg12: memref<16x128xf32, #tpu.memory_space<vmem>>, %arg13: memref<2x!tpu.dma_semaphore, #tpu.memory_space<semaphore_mem>>, %arg14: memref<4x!tpu.dma_semaphore, #tpu.memory_space<semaphore_mem>>, %arg15: memref<2x!tpu.dma_semaphore, #tpu.memory_space<semaphore_mem>>, %arg16: memref<!tpu.dma_semaphore, #tpu.memory_space<semaphore_mem>>) attributes {dimension_semantics = [#tpu.dimension_semantics<core_parallel>, #tpu.dimension_semantics<subcore_parallel>], iteration_bounds = array<i64: 2, 16>, scalar_prefetch = 0 : i64, scratch_operands = 11 : i64, tpu.core_type = #tpu.core_type<sc_vector_subcore>, window_params = [{transform_indices = #map}, {transform_indices = #map1}, {transform_indices = #map}, {transform_indices = #map2}]} {
    %mul3A = arith.constant 16 : i32
    %mul3A_0 = arith.muli %arg0, %mul3A : i32
    %add3A = arith.addi %mul3A_0, %arg1 : i32
    %mul3A_1 = arith.constant 10000 : i32
    %mul3A_2 = arith.muli %add3A, %mul3A_1 : i32
    %mul3A_3 = arith.constant 640 : i32
    %mul3A_4 = arith.muli %arg1, %mul3A_3 : i32
    "tpu.region"() ({
      %run_scoped3A_316 = tpu.sem_alloc : memref<!tpu.dma_semaphore, #tpu.memory_space<semaphore_mem>>
      %dma_start3A_317 = arith.constant 0 : i32
      %dma_start3A_318 = tpu.memref_slice %arg6[%mul3A_4, %dma_start3A_317] : memref<10240x128xf32, #tpu.memory_space<vmem_shared>> -> memref<640x128xf32, #tpu.memory_space<vmem_shared>>
      tpu.enqueue_dma source(%arg4 : memref<640x128xf32, #tpu.memory_space<hbm>>) target(%dma_start3A_318 : memref<640x128xf32, #tpu.memory_space<vmem_shared>>) target_semaphore(%run_scoped3A_316 : memref<!tpu.dma_semaphore, #tpu.memory_space<semaphore_mem>>)
      %dma_wait3A_319 = arith.constant 0 : i32
      %dma_wait3A_320 = tpu.memref_slice %arg6[%mul3A_4, %dma_wait3A_319] : memref<10240x128xf32, #tpu.memory_space<vmem_shared>> -> memref<640x128xf32, #tpu.memory_space<vmem_shared>>
      tpu.wait_dma2 semaphore(%run_scoped3A_316 : memref<!tpu.dma_semaphore, #tpu.memory_space<semaphore_mem>>) src(%arg4 : memref<640x128xf32, #tpu.memory_space<hbm>>) dst(%dma_wait3A_320 : memref<640x128xf32, #tpu.memory_space<vmem_shared>>)
      tpu.yield
    }) : () -> ()
    %add3A_5 = arith.constant 9984 : i32
    %add3A_6 = arith.addi %mul3A_2, %add3A_5 : i32
    %dma_start3A = arith.constant 0 : i32
    %dma_start3A_7 = arith.constant 0 : i32
    %dma_start3A_8 = tpu.memref_slice %arg10[%dma_start3A, %dma_start3A_7] : memref<1x16xi32, #tpu.memory_space<vmem>> -> memref<1x16xi32, #tpu.memory_space<vmem>>
    %dma_start3A_9 = tpu.memref_squeeze %dma_start3A_8 : memref<1x16xi32, #tpu.memory_space<vmem>> -> memref<16xi32, #tpu.memory_space<vmem>>
    %dma_start3A_10 = tpu.memref_slice %arg3[%add3A_6] : memref<640000xi32, #tpu.memory_space<hbm>> -> memref<16xi32, #tpu.memory_space<hbm>>
    %dma_start3A_11 = arith.constant 0 : i32
    %dma_start3A_12 = tpu.memref_slice %arg10[%dma_start3A, %dma_start3A_11] : memref<1x16xi32, #tpu.memory_space<vmem>> -> memref<1x16xi32, #tpu.memory_space<vmem>>
    %dma_start3A_13 = tpu.memref_squeeze %dma_start3A_12 : memref<1x16xi32, #tpu.memory_space<vmem>> -> memref<16xi32, #tpu.memory_space<vmem>>
    %dma_start3A_14 = tpu.memref_slice %arg3[%add3A_6] : memref<640000xi32, #tpu.memory_space<hbm>> -> memref<16xi32, #tpu.memory_space<hbm>>
    tpu.enqueue_dma source(%dma_start3A_14 : memref<16xi32, #tpu.memory_space<hbm>>) target(%dma_start3A_13 : memref<16xi32, #tpu.memory_space<vmem>>) target_semaphore(%arg16 : memref<!tpu.dma_semaphore, #tpu.memory_space<semaphore_mem>>)
    %add3A_15 = arith.constant 320000 : i32
    %add3A_16 = arith.addi %add3A_15, %mul3A_2 : i32
    %add3A_17 = arith.constant 9984 : i32
    %add3A_18 = arith.addi %add3A_16, %add3A_17 : i32
    %dma_start3A_19 = arith.constant 0 : i32
    %dma_start3A_20 = arith.constant 0 : i32
    %dma_start3A_21 = tpu.memref_slice %arg11[%dma_start3A_19, %dma_start3A_20] : memref<1x16xi32, #tpu.memory_space<vmem>> -> memref<1x16xi32, #tpu.memory_space<vmem>>
    %dma_start3A_22 = tpu.memref_squeeze %dma_start3A_21 : memref<1x16xi32, #tpu.memory_space<vmem>> -> memref<16xi32, #tpu.memory_space<vmem>>
    %dma_start3A_23 = tpu.memref_slice %arg3[%add3A_18] : memref<640000xi32, #tpu.memory_space<hbm>> -> memref<16xi32, #tpu.memory_space<hbm>>
    %dma_start3A_24 = arith.constant 0 : i32
    %dma_start3A_25 = tpu.memref_slice %arg11[%dma_start3A_19, %dma_start3A_24] : memref<1x16xi32, #tpu.memory_space<vmem>> -> memref<1x16xi32, #tpu.memory_space<vmem>>
    %dma_start3A_26 = tpu.memref_squeeze %dma_start3A_25 : memref<1x16xi32, #tpu.memory_space<vmem>> -> memref<16xi32, #tpu.memory_space<vmem>>
    %dma_start3A_27 = tpu.memref_slice %arg3[%add3A_18] : memref<640000xi32, #tpu.memory_space<hbm>> -> memref<16xi32, #tpu.memory_space<hbm>>
    tpu.enqueue_dma source(%dma_start3A_27 : memref<16xi32, #tpu.memory_space<hbm>>) target(%dma_start3A_26 : memref<16xi32, #tpu.memory_space<vmem>>) target_semaphore(%arg16 : memref<!tpu.dma_semaphore, #tpu.memory_space<semaphore_mem>>)
    %barrier3A = arith.constant 0 : index
    tpu.barrier barrier_id(%barrier3A)
    %add3A_28 = arith.constant 0 : i32
    %add3A_29 = arith.addi %mul3A_2, %add3A_28 : i32
    %dma_start3A_30 = arith.constant 0 : i32
    %dma_start3A_31 = arith.constant 0 : i32
    %dma_start3A_32 = arith.constant 0 : i32
    %dma_start3A_33 = tpu.memref_slice %arg7[%dma_start3A_30, %dma_start3A_32] : memref<4x128xi32, #tpu.memory_space<vmem>> -> memref<1x128xi32, #tpu.memory_space<vmem>>
    %dma_start3A_34 = tpu.memref_squeeze %dma_start3A_33 : memref<1x128xi32, #tpu.memory_space<vmem>> -> memref<128xi32, #tpu.memory_space<vmem>>
    %dma_start3A_35 = tpu.memref_slice %arg3[%add3A_29] : memref<640000xi32, #tpu.memory_space<hbm>> -> memref<128xi32, #tpu.memory_space<hbm>>
    %dma_start3A_36 = tpu.memref_slice %arg14[%dma_start3A_31] : memref<4x!tpu.dma_semaphore, #tpu.memory_space<semaphore_mem>> -> memref<1x!tpu.dma_semaphore, #tpu.memory_space<semaphore_mem>>
    %dma_start3A_37 = tpu.memref_squeeze %dma_start3A_36 : memref<1x!tpu.dma_semaphore, #tpu.memory_space<semaphore_mem>> -> memref<!tpu.dma_semaphore, #tpu.memory_space<semaphore_mem>>
    %dma_start3A_38 = arith.constant 0 : i32
    %dma_start3A_39 = tpu.memref_slice %arg7[%dma_start3A_30, %dma_start3A_38] : memref<4x128xi32, #tpu.memory_space<vmem>> -> memref<1x128xi32, #tpu.memory_space<vmem>>
    %dma_start3A_40 = tpu.memref_squeeze %dma_start3A_39 : memref<1x128xi32, #tpu.memory_space<vmem>> -> memref<128xi32, #tpu.memory_space<vmem>>
    %dma_start3A_41 = tpu.memref_slice %arg3[%add3A_29] : memref<640000xi32, #tpu.memory_space<hbm>> -> memref<128xi32, #tpu.memory_space<hbm>>
    tpu.enqueue_dma source(%dma_start3A_41 : memref<128xi32, #tpu.memory_space<hbm>>) target(%dma_start3A_40 : memref<128xi32, #tpu.memory_space<vmem>>) target_semaphore(%dma_start3A_37 : memref<!tpu.dma_semaphore, #tpu.memory_space<semaphore_mem>>)
    %add3A_42 = arith.constant 320000 : i32
    %add3A_43 = arith.addi %add3A_42, %mul3A_2 : i32
    %add3A_44 = arith.constant 0 : i32
    %add3A_45 = arith.addi %add3A_43, %add3A_44 : i32
    %dma_start3A_46 = arith.constant 0 : i32
    %dma_start3A_47 = arith.constant 0 : i32
    %dma_start3A_48 = arith.constant 0 : i32
    %dma_start3A_49 = tpu.memref_slice %arg8[%dma_start3A_46, %dma_start3A_48] : memref<4x128xi32, #tpu.memory_space<vmem>> -> memref<1x128xi32, #tpu.memory_space<vmem>>
    %dma_start3A_50 = tpu.memref_squeeze %dma_start3A_49 : memref<1x128xi32, #tpu.memory_space<vmem>> -> memref<128xi32, #tpu.memory_space<vmem>>
    %dma_start3A_51 = tpu.memref_slice %arg3[%add3A_45] : memref<640000xi32, #tpu.memory_space<hbm>> -> memref<128xi32, #tpu.memory_space<hbm>>
    %dma_start3A_52 = tpu.memref_slice %arg14[%dma_start3A_47] : memref<4x!tpu.dma_semaphore, #tpu.memory_space<semaphore_mem>> -> memref<1x!tpu.dma_semaphore, #tpu.memory_space<semaphore_mem>>
    %dma_start3A_53 = tpu.memref_squeeze %dma_start3A_52 : memref<1x!tpu.dma_semaphore, #tpu.memory_space<semaphore_mem>> -> memref<!tpu.dma_semaphore, #tpu.memory_space<semaphore_mem>>
    %dma_start3A_54 = arith.constant 0 : i32
    %dma_start3A_55 = tpu.memref_slice %arg8[%dma_start3A_46, %dma_start3A_54] : memref<4x128xi32, #tpu.memory_space<vmem>> -> memref<1x128xi32, #tpu.memory_space<vmem>>
    %dma_start3A_56 = tpu.memref_squeeze %dma_start3A_55 : memref<1x128xi32, #tpu.memory_space<vmem>> -> memref<128xi32, #tpu.memory_space<vmem>>
    %dma_start3A_57 = tpu.memref_slice %arg3[%add3A_45] : memref<640000xi32, #tpu.memory_space<hbm>> -> memref<128xi32, #tpu.memory_space<hbm>>
    tpu.enqueue_dma source(%dma_start3A_57 : memref<128xi32, #tpu.memory_space<hbm>>) target(%dma_start3A_56 : memref<128xi32, #tpu.memory_space<vmem>>) target_semaphore(%dma_start3A_53 : memref<!tpu.dma_semaphore, #tpu.memory_space<semaphore_mem>>)
    %add3A_58 = arith.constant 128 : i32
    %add3A_59 = arith.addi %mul3A_2, %add3A_58 : i32
    %dma_start3A_60 = arith.constant 1 : i32
    %dma_start3A_61 = arith.constant 1 : i32
    %dma_start3A_62 = arith.constant 0 : i32
    %dma_start3A_63 = tpu.memref_slice %arg7[%dma_start3A_60, %dma_start3A_62] : memref<4x128xi32, #tpu.memory_space<vmem>> -> memref<1x128xi32, #tpu.memory_space<vmem>>
    %dma_start3A_64 = tpu.memref_squeeze %dma_start3A_63 : memref<1x128xi32, #tpu.memory_space<vmem>> -> memref<128xi32, #tpu.memory_space<vmem>>
    %dma_start3A_65 = tpu.memref_slice %arg3[%add3A_59] : memref<640000xi32, #tpu.memory_space<hbm>> -> memref<128xi32, #tpu.memory_space<hbm>>
    %dma_start3A_66 = tpu.memref_slice %arg14[%dma_start3A_61] : memref<4x!tpu.dma_semaphore, #tpu.memory_space<semaphore_mem>> -> memref<1x!tpu.dma_semaphore, #tpu.memory_space<semaphore_mem>>
    %dma_start3A_67 = tpu.memref_squeeze %dma_start3A_66 : memref<1x!tpu.dma_semaphore, #tpu.memory_space<semaphore_mem>> -> memref<!tpu.dma_semaphore, #tpu.memory_space<semaphore_mem>>
    %dma_start3A_68 = arith.constant 0 : i32
    %dma_start3A_69 = tpu.memref_slice %arg7[%dma_start3A_60, %dma_start3A_68] : memref<4x128xi32, #tpu.memory_space<vmem>> -> memref<1x128xi32, #tpu.memory_space<vmem>>
    %dma_start3A_70 = tpu.memref_squeeze %dma_start3A_69 : memref<1x128xi32, #tpu.memory_space<vmem>> -> memref<128xi32, #tpu.memory_space<vmem>>
    %dma_start3A_71 = tpu.memref_slice %arg3[%add3A_59] : memref<640000xi32, #tpu.memory_space<hbm>> -> memref<128xi32, #tpu.memory_space<hbm>>
    tpu.enqueue_dma source(%dma_start3A_71 : memref<128xi32, #tpu.memory_space<hbm>>) target(%dma_start3A_70 : memref<128xi32, #tpu.memory_space<vmem>>) target_semaphore(%dma_start3A_67 : memref<!tpu.dma_semaphore, #tpu.memory_space<semaphore_mem>>)
    %add3A_72 = arith.constant 320000 : i32
    %add3A_73 = arith.addi %add3A_72, %mul3A_2 : i32
    %add3A_74 = arith.constant 128 : i32
    %add3A_75 = arith.addi %add3A_73, %add3A_74 : i32
    %dma_start3A_76 = arith.constant 1 : i32
    %dma_start3A_77 = arith.constant 1 : i32
    %dma_start3A_78 = arith.constant 0 : i32
    %dma_start3A_79 = tpu.memref_slice %arg8[%dma_start3A_76, %dma_start3A_78] : memref<4x128xi32, #tpu.memory_space<vmem>> -> memref<1x128xi32, #tpu.memory_space<vmem>>
    %dma_start3A_80 = tpu.memref_squeeze %dma_start3A_79 : memref<1x128xi32, #tpu.memory_space<vmem>> -> memref<128xi32, #tpu.memory_space<vmem>>
    %dma_start3A_81 = tpu.memref_slice %arg3[%add3A_75] : memref<640000xi32, #tpu.memory_space<hbm>> -> memref<128xi32, #tpu.memory_space<hbm>>
    %dma_start3A_82 = tpu.memref_slice %arg14[%dma_start3A_77] : memref<4x!tpu.dma_semaphore, #tpu.memory_space<semaphore_mem>> -> memref<1x!tpu.dma_semaphore, #tpu.memory_space<semaphore_mem>>
    %dma_start3A_83 = tpu.memref_squeeze %dma_start3A_82 : memref<1x!tpu.dma_semaphore, #tpu.memory_space<semaphore_mem>> -> memref<!tpu.dma_semaphore, #tpu.memory_space<semaphore_mem>>
    %dma_start3A_84 = arith.constant 0 : i32
    %dma_start3A_85 = tpu.memref_slice %arg8[%dma_start3A_76, %dma_start3A_84] : memref<4x128xi32, #tpu.memory_space<vmem>> -> memref<1x128xi32, #tpu.memory_space<vmem>>
    %dma_start3A_86 = tpu.memref_squeeze %dma_start3A_85 : memref<1x128xi32, #tpu.memory_space<vmem>> -> memref<128xi32, #tpu.memory_space<vmem>>
    %dma_start3A_87 = tpu.memref_slice %arg3[%add3A_75] : memref<640000xi32, #tpu.memory_space<hbm>> -> memref<128xi32, #tpu.memory_space<hbm>>
    tpu.enqueue_dma source(%dma_start3A_87 : memref<128xi32, #tpu.memory_space<hbm>>) target(%dma_start3A_86 : memref<128xi32, #tpu.memory_space<vmem>>) target_semaphore(%dma_start3A_83 : memref<!tpu.dma_semaphore, #tpu.memory_space<semaphore_mem>>)
    %add3A_88 = arith.constant 0 : i32
    %add3A_89 = arith.addi %mul3A_2, %add3A_88 : i32
    %dma_wait3A = arith.constant 0 : i32
    %dma_wait3A_90 = arith.constant 0 : i32
    %dma_wait3A_91 = arith.constant 0 : i32
    %dma_wait3A_92 = tpu.memref_slice %arg7[%dma_wait3A, %dma_wait3A_91] : memref<4x128xi32, #tpu.memory_space<vmem>> -> memref<1x128xi32, #tpu.memory_space<vmem>>
    %dma_wait3A_93 = tpu.memref_squeeze %dma_wait3A_92 : memref<1x128xi32, #tpu.memory_space<vmem>> -> memref<128xi32, #tpu.memory_space<vmem>>
    %dma_wait3A_94 = tpu.memref_slice %arg3[%add3A_89] : memref<640000xi32, #tpu.memory_space<hbm>> -> memref<128xi32, #tpu.memory_space<hbm>>
    %dma_wait3A_95 = tpu.memref_slice %arg14[%dma_wait3A_90] : memref<4x!tpu.dma_semaphore, #tpu.memory_space<semaphore_mem>> -> memref<1x!tpu.dma_semaphore, #tpu.memory_space<semaphore_mem>>
    %dma_wait3A_96 = tpu.memref_squeeze %dma_wait3A_95 : memref<1x!tpu.dma_semaphore, #tpu.memory_space<semaphore_mem>> -> memref<!tpu.dma_semaphore, #tpu.memory_space<semaphore_mem>>
    %dma_wait3A_97 = arith.constant 0 : i32
    %dma_wait3A_98 = tpu.memref_slice %arg7[%dma_wait3A, %dma_wait3A_97] : memref<4x128xi32, #tpu.memory_space<vmem>> -> memref<1x128xi32, #tpu.memory_space<vmem>>
    %dma_wait3A_99 = tpu.memref_squeeze %dma_wait3A_98 : memref<1x128xi32, #tpu.memory_space<vmem>> -> memref<128xi32, #tpu.memory_space<vmem>>
    %dma_wait3A_100 = tpu.memref_slice %arg3[%add3A_89] : memref<640000xi32, #tpu.memory_space<hbm>> -> memref<128xi32, #tpu.memory_space<hbm>>
    tpu.wait_dma2 semaphore(%dma_wait3A_96 : memref<!tpu.dma_semaphore, #tpu.memory_space<semaphore_mem>>) src(%dma_wait3A_100 : memref<128xi32, #tpu.memory_space<hbm>>) dst(%dma_wait3A_99 : memref<128xi32, #tpu.memory_space<vmem>>)
    %add3A_101 = arith.constant 320000 : i32
    %add3A_102 = arith.addi %add3A_101, %mul3A_2 : i32
    %add3A_103 = arith.constant 0 : i32
    %add3A_104 = arith.addi %add3A_102, %add3A_103 : i32
    %dma_wait3A_105 = arith.constant 0 : i32
    %dma_wait3A_106 = arith.constant 0 : i32
    %dma_wait3A_107 = arith.constant 0 : i32
    %dma_wait3A_108 = tpu.memref_slice %arg8[%dma_wait3A_105, %dma_wait3A_107] : memref<4x128xi32, #tpu.memory_space<vmem>> -> memref<1x128xi32, #tpu.memory_space<vmem>>
    %dma_wait3A_109 = tpu.memref_squeeze %dma_wait3A_108 : memref<1x128xi32, #tpu.memory_space<vmem>> -> memref<128xi32, #tpu.memory_space<vmem>>
    %dma_wait3A_110 = tpu.memref_slice %arg3[%add3A_104] : memref<640000xi32, #tpu.memory_space<hbm>> -> memref<128xi32, #tpu.memory_space<hbm>>
    %dma_wait3A_111 = tpu.memref_slice %arg14[%dma_wait3A_106] : memref<4x!tpu.dma_semaphore, #tpu.memory_space<semaphore_mem>> -> memref<1x!tpu.dma_semaphore, #tpu.memory_space<semaphore_mem>>
    %dma_wait3A_112 = tpu.memref_squeeze %dma_wait3A_111 : memref<1x!tpu.dma_semaphore, #tpu.memory_space<semaphore_mem>> -> memref<!tpu.dma_semaphore, #tpu.memory_space<semaphore_mem>>
    %dma_wait3A_113 = arith.constant 0 : i32
    %dma_wait3A_114 = tpu.memref_slice %arg8[%dma_wait3A_105, %dma_wait3A_113] : memref<4x128xi32, #tpu.memory_space<vmem>> -> memref<1x128xi32, #tpu.memory_space<vmem>>
    %dma_wait3A_115 = tpu.memref_squeeze %dma_wait3A_114 : memref<1x128xi32, #tpu.memory_space<vmem>> -> memref<128xi32, #tpu.memory_space<vmem>>
    %dma_wait3A_116 = tpu.memref_slice %arg3[%add3A_104] : memref<640000xi32, #tpu.memory_space<hbm>> -> memref<128xi32, #tpu.memory_space<hbm>>
    tpu.wait_dma2 semaphore(%dma_wait3A_112 : memref<!tpu.dma_semaphore, #tpu.memory_space<semaphore_mem>>) src(%dma_wait3A_116 : memref<128xi32, #tpu.memory_space<hbm>>) dst(%dma_wait3A_115 : memref<128xi32, #tpu.memory_space<vmem>>)
    %dma_start3A_117 = arith.constant 0 : i32
    %dma_start3A_118 = arith.constant 0 : i32
    %dma_start3A_119 = arith.constant 0 : i32
    %dma_start3A_120 = arith.constant 0 : i32
    %dma_start3A_121 = arith.constant 0 : i32
    %dma_start3A_122 = tpu.memref_slice %arg9[%dma_start3A_118, %dma_start3A_120, %dma_start3A_121] : memref<2x128x128xf32, #tpu.memory_space<vmem>> -> memref<1x128x128xf32, #tpu.memory_space<vmem>>
    %dma_start3A_123 = tpu.memref_squeeze %dma_start3A_122 : memref<1x128x128xf32, #tpu.memory_space<vmem>> -> memref<128x128xf32, #tpu.memory_space<vmem>>
    %dma_start3A_124 = arith.constant 0 : i32
    %dma_start3A_125 = tpu.memref_slice %arg7[%dma_start3A_117, %dma_start3A_124] : memref<4x128xi32, #tpu.memory_space<vmem>> -> memref<1x128xi32, #tpu.memory_space<vmem>>
    %dma_start3A_126 = tpu.memref_squeeze %dma_start3A_125 : memref<1x128xi32, #tpu.memory_space<vmem>> -> memref<128xi32, #tpu.memory_space<vmem>>
    %dma_start3A_127 = arith.constant 0 : i32
    %dma_start3A_128 = arith.constant 0 : i32
    %dma_start3A_129 = tpu.memref_slice %arg2[%dma_start3A_127, %dma_start3A_128] : memref<10000x128xf32, #tpu.memory_space<hbm>> -> memref<10000x128xf32, #tpu.memory_space<hbm>>
    %dma_start3A_130 = tpu.memref_slice %arg13[%dma_start3A_119] : memref<2x!tpu.dma_semaphore, #tpu.memory_space<semaphore_mem>> -> memref<1x!tpu.dma_semaphore, #tpu.memory_space<semaphore_mem>>
    %dma_start3A_131 = tpu.memref_squeeze %dma_start3A_130 : memref<1x!tpu.dma_semaphore, #tpu.memory_space<semaphore_mem>> -> memref<!tpu.dma_semaphore, #tpu.memory_space<semaphore_mem>>
    tpu.enqueue_indirect_dma source(%dma_start3A_129 : memref<10000x128xf32, #tpu.memory_space<hbm>>) target(%dma_start3A_123 : memref<128x128xf32, #tpu.memory_space<vmem>>) offsets(%dma_start3A_126 : memref<128xi32, #tpu.memory_space<vmem>>) semaphore(%dma_start3A_131 : memref<!tpu.dma_semaphore, #tpu.memory_space<semaphore_mem>>)
    %scan3A = arith.constant 0 : i32
    %scan3A_132 = arith.constant 19 : i32
    %scan3A_133 = arith.addi %scan3A, %scan3A_132 : i32
    %scan3A_134 = arith.constant 1 : i32
    scf.for %scan3A_316 = %scan3A to %scan3A_133 step %scan3A_134  : i32 {
      %mul3A_317 = arith.constant 4 : i32
      %mul3A_318 = arith.muli %scan3A_316, %mul3A_317 : i32
      %add3A_319 = arith.constant 0 : i32
      %add3A_320 = arith.addi %add3A_319, %mul3A_318 : i32
      %add3A_321 = arith.constant 0 : i32
      %add3A_322 = arith.addi %add3A_320, %add3A_321 : i32
      %add3A_323 = arith.constant 2 : i32
      %add3A_324 = arith.addi %add3A_322, %add3A_323 : i32
      %mul3A_325 = arith.constant 128 : i32
      %mul3A_326 = arith.muli %add3A_324, %mul3A_325 : i32
      %add3A_327 = arith.addi %mul3A_2, %mul3A_326 : i32
      %dma_start3A_328 = arith.constant 2 : i32
      %dma_start3A_329 = arith.constant 2 : i32
      %dma_start3A_330 = arith.constant 0 : i32
      %dma_start3A_331 = tpu.memref_slice %arg7[%dma_start3A_328, %dma_start3A_330] : memref<4x128xi32, #tpu.memory_space<vmem>> -> memref<1x128xi32, #tpu.memory_space<vmem>>
      %dma_start3A_332 = tpu.memref_squeeze %dma_start3A_331 : memref<1x128xi32, #tpu.memory_space<vmem>> -> memref<128xi32, #tpu.memory_space<vmem>>
      %dma_start3A_333 = tpu.memref_slice %arg3[%add3A_327] : memref<640000xi32, #tpu.memory_space<hbm>> -> memref<128xi32, #tpu.memory_space<hbm>>
      %dma_start3A_334 = tpu.memref_slice %arg14[%dma_start3A_329] : memref<4x!tpu.dma_semaphore, #tpu.memory_space<semaphore_mem>> -> memref<1x!tpu.dma_semaphore, #tpu.memory_space<semaphore_mem>>
      %dma_start3A_335 = tpu.memref_squeeze %dma_start3A_334 : memref<1x!tpu.dma_semaphore, #tpu.memory_space<semaphore_mem>> -> memref<!tpu.dma_semaphore, #tpu.memory_space<semaphore_mem>>
      %dma_start3A_336 = arith.constant 0 : i32
      %dma_start3A_337 = tpu.memref_slice %arg7[%dma_start3A_328, %dma_start3A_336] : memref<4x128xi32, #tpu.memory_space<vmem>> -> memref<1x128xi32, #tpu.memory_space<vmem>>
      %dma_start3A_338 = tpu.memref_squeeze %dma_start3A_337 : memref<1x128xi32, #tpu.memory_space<vmem>> -> memref<128xi32, #tpu.memory_space<vmem>>
      %dma_start3A_339 = tpu.memref_slice %arg3[%add3A_327] : memref<640000xi32, #tpu.memory_space<hbm>> -> memref<128xi32, #tpu.memory_space<hbm>>
      tpu.enqueue_dma source(%dma_start3A_339 : memref<128xi32, #tpu.memory_space<hbm>>) target(%dma_start3A_338 : memref<128xi32, #tpu.memory_space<vmem>>) target_semaphore(%dma_start3A_335 : memref<!tpu.dma_semaphore, #tpu.memory_space<semaphore_mem>>)
      %add3A_340 = arith.constant 320000 : i32
      %add3A_341 = arith.addi %add3A_340, %mul3A_2 : i32
      %mul3A_342 = arith.constant 128 : i32
      %mul3A_343 = arith.muli %add3A_324, %mul3A_342 : i32
      %add3A_344 = arith.addi %add3A_341, %mul3A_343 : i32
      %dma_start3A_345 = arith.constant 2 : i32
      %dma_start3A_346 = arith.constant 2 : i32
      %dma_start3A_347 = arith.constant 0 : i32
      %dma_start3A_348 = tpu.memref_slice %arg8[%dma_start3A_345, %dma_start3A_347] : memref<4x128xi32, #tpu.memory_space<vmem>> -> memref<1x128xi32, #tpu.memory_space<vmem>>
      %dma_start3A_349 = tpu.memref_squeeze %dma_start3A_348 : memref<1x128xi32, #tpu.memory_space<vmem>> -> memref<128xi32, #tpu.memory_space<vmem>>
      %dma_start3A_350 = tpu.memref_slice %arg3[%add3A_344] : memref<640000xi32, #tpu.memory_space<hbm>> -> memref<128xi32, #tpu.memory_space<hbm>>
      %dma_start3A_351 = tpu.memref_slice %arg14[%dma_start3A_346] : memref<4x!tpu.dma_semaphore, #tpu.memory_space<semaphore_mem>> -> memref<1x!tpu.dma_semaphore, #tpu.memory_space<semaphore_mem>>
      %dma_start3A_352 = tpu.memref_squeeze %dma_start3A_351 : memref<1x!tpu.dma_semaphore, #tpu.memory_space<semaphore_mem>> -> memref<!tpu.dma_semaphore, #tpu.memory_space<semaphore_mem>>
      %dma_start3A_353 = arith.constant 0 : i32
      %dma_start3A_354 = tpu.memref_slice %arg8[%dma_start3A_345, %dma_start3A_353] : memref<4x128xi32, #tpu.memory_space<vmem>> -> memref<1x128xi32, #tpu.memory_space<vmem>>
      %dma_start3A_355 = tpu.memref_squeeze %dma_start3A_354 : memref<1x128xi32, #tpu.memory_space<vmem>> -> memref<128xi32, #tpu.memory_space<vmem>>
      %dma_start3A_356 = tpu.memref_slice %arg3[%add3A_344] : memref<640000xi32, #tpu.memory_space<hbm>> -> memref<128xi32, #tpu.memory_space<hbm>>
      tpu.enqueue_dma source(%dma_start3A_356 : memref<128xi32, #tpu.memory_space<hbm>>) target(%dma_start3A_355 : memref<128xi32, #tpu.memory_space<vmem>>) target_semaphore(%dma_start3A_352 : memref<!tpu.dma_semaphore, #tpu.memory_space<semaphore_mem>>)
      %add3A_357 = arith.constant 1 : i32
      %add3A_358 = arith.addi %add3A_322, %add3A_357 : i32
      %mul3A_359 = arith.constant 128 : i32
      %mul3A_360 = arith.muli %add3A_358, %mul3A_359 : i32
      %add3A_361 = arith.addi %mul3A_2, %mul3A_360 : i32
      %dma_wait3A_362 = arith.constant 1 : i32
      %dma_wait3A_363 = arith.constant 1 : i32
      %dma_wait3A_364 = arith.constant 0 : i32
      %dma_wait3A_365 = tpu.memref_slice %arg7[%dma_wait3A_362, %dma_wait3A_364] : memref<4x128xi32, #tpu.memory_space<vmem>> -> memref<1x128xi32, #tpu.memory_space<vmem>>
      %dma_wait3A_366 = tpu.memref_squeeze %dma_wait3A_365 : memref<1x128xi32, #tpu.memory_space<vmem>> -> memref<128xi32, #tpu.memory_space<vmem>>
      %dma_wait3A_367 = tpu.memref_slice %arg3[%add3A_361] : memref<640000xi32, #tpu.memory_space<hbm>> -> memref<128xi32, #tpu.memory_space<hbm>>
      %dma_wait3A_368 = tpu.memref_slice %arg14[%dma_wait3A_363] : memref<4x!tpu.dma_semaphore, #tpu.memory_space<semaphore_mem>> -> memref<1x!tpu.dma_semaphore, #tpu.memory_space<semaphore_mem>>
      %dma_wait3A_369 = tpu.memref_squeeze %dma_wait3A_368 : memref<1x!tpu.dma_semaphore, #tpu.memory_space<semaphore_mem>> -> memref<!tpu.dma_semaphore, #tpu.memory_space<semaphore_mem>>
      %dma_wait3A_370 = arith.constant 0 : i32
      %dma_wait3A_371 = tpu.memref_slice %arg7[%dma_wait3A_362, %dma_wait3A_370] : memref<4x128xi32, #tpu.memory_space<vmem>> -> memref<1x128xi32, #tpu.memory_space<vmem>>
      %dma_wait3A_372 = tpu.memref_squeeze %dma_wait3A_371 : memref<1x128xi32, #tpu.memory_space<vmem>> -> memref<128xi32, #tpu.memory_space<vmem>>
      %dma_wait3A_373 = tpu.memref_slice %arg3[%add3A_361] : memref<640000xi32, #tpu.memory_space<hbm>> -> memref<128xi32, #tpu.memory_space<hbm>>
      tpu.wait_dma2 semaphore(%dma_wait3A_369 : memref<!tpu.dma_semaphore, #tpu.memory_space<semaphore_mem>>) src(%dma_wait3A_373 : memref<128xi32, #tpu.memory_space<hbm>>) dst(%dma_wait3A_372 : memref<128xi32, #tpu.memory_space<vmem>>)
      %add3A_374 = arith.constant 320000 : i32
      %add3A_375 = arith.addi %add3A_374, %mul3A_2 : i32
      %mul3A_376 = arith.constant 128 : i32
      %mul3A_377 = arith.muli %add3A_358, %mul3A_376 : i32
      %add3A_378 = arith.addi %add3A_375, %mul3A_377 : i32
      %dma_wait3A_379 = arith.constant 1 : i32
      %dma_wait3A_380 = arith.constant 1 : i32
      %dma_wait3A_381 = arith.constant 0 : i32
      %dma_wait3A_382 = tpu.memref_slice %arg8[%dma_wait3A_379, %dma_wait3A_381] : memref<4x128xi32, #tpu.memory_space<vmem>> -> memref<1x128xi32, #tpu.memory_space<vmem>>
      %dma_wait3A_383 = tpu.memref_squeeze %dma_wait3A_382 : memref<1x128xi32, #tpu.memory_space<vmem>> -> memref<128xi32, #tpu.memory_space<vmem>>
      %dma_wait3A_384 = tpu.memref_slice %arg3[%add3A_378] : memref<640000xi32, #tpu.memory_space<hbm>> -> memref<128xi32, #tpu.memory_space<hbm>>
      %dma_wait3A_385 = tpu.memref_slice %arg14[%dma_wait3A_380] : memref<4x!tpu.dma_semaphore, #tpu.memory_space<semaphore_mem>> -> memref<1x!tpu.dma_semaphore, #tpu.memory_space<semaphore_mem>>
      %dma_wait3A_386 = tpu.memref_squeeze %dma_wait3A_385 : memref<1x!tpu.dma_semaphore, #tpu.memory_space<semaphore_mem>> -> memref<!tpu.dma_semaphore, #tpu.memory_space<semaphore_mem>>
      %dma_wait3A_387 = arith.constant 0 : i32
      %dma_wait3A_388 = tpu.memref_slice %arg8[%dma_wait3A_379, %dma_wait3A_387] : memref<4x128xi32, #tpu.memory_space<vmem>> -> memref<1x128xi32, #tpu.memory_space<vmem>>
      %dma_wait3A_389 = tpu.memref_squeeze %dma_wait3A_388 : memref<1x128xi32, #tpu.memory_space<vmem>> -> memref<128xi32, #tpu.memory_space<vmem>>
      %dma_wait3A_390 = tpu.memref_slice %arg3[%add3A_378] : memref<640000xi32, #tpu.memory_space<hbm>> -> memref<128xi32, #tpu.memory_space<hbm>>
      tpu.wait_dma2 semaphore(%dma_wait3A_386 : memref<!tpu.dma_semaphore, #tpu.memory_space<semaphore_mem>>) src(%dma_wait3A_390 : memref<128xi32, #tpu.memory_space<hbm>>) dst(%dma_wait3A_389 : memref<128xi32, #tpu.memory_space<vmem>>)
      %ge3A = arith.constant 1 : i32
      %ge3A_391 = arith.cmpi sge, %add3A_322, %ge3A : i32
      %convert_element_type3A = arith.extui %ge3A_391 : i1 to i32
      %cond3A = arith.constant 0 : i32
      %cond3A_392 = arith.cmpi ne, %convert_element_type3A, %cond3A : i32
      scf.if %cond3A_392 {
        %dma_wait3A_798 = arith.constant 1 : i32
        %dma_wait3A_799 = arith.constant 3 : i32
        %dma_wait3A_800 = arith.constant 1 : i32
        %dma_wait3A_801 = arith.constant 0 : i32
        %dma_wait3A_802 = arith.constant 0 : i32
        %dma_wait3A_803 = tpu.memref_slice %arg9[%dma_wait3A_798, %dma_wait3A_801, %dma_wait3A_802] : memref<2x128x128xf32, #tpu.memory_space<vmem>> -> memref<1x128x128xf32, #tpu.memory_space<vmem>>
        %dma_wait3A_804 = tpu.memref_squeeze %dma_wait3A_803 : memref<1x128x128xf32, #tpu.memory_space<vmem>> -> memref<128x128xf32, #tpu.memory_space<vmem>>
        %dma_wait3A_805 = arith.constant 0 : i32
        %dma_wait3A_806 = tpu.memref_slice %arg8[%dma_wait3A_799, %dma_wait3A_805] : memref<4x128xi32, #tpu.memory_space<vmem>> -> memref<1x128xi32, #tpu.memory_space<vmem>>
        %dma_wait3A_807 = tpu.memref_squeeze %dma_wait3A_806 : memref<1x128xi32, #tpu.memory_space<vmem>> -> memref<128xi32, #tpu.memory_space<vmem>>
        %dma_wait3A_808 = arith.constant 0 : i32
        %dma_wait3A_809 = arith.constant 0 : i32
        %dma_wait3A_810 = tpu.memref_slice %arg6[%dma_wait3A_808, %dma_wait3A_809] : memref<10240x128xf32, #tpu.memory_space<vmem_shared>> -> memref<10240x128xf32, #tpu.memory_space<vmem_shared>>
        %dma_wait3A_811 = tpu.memref_slice %arg15[%dma_wait3A_800] : memref<2x!tpu.dma_semaphore, #tpu.memory_space<semaphore_mem>> -> memref<1x!tpu.dma_semaphore, #tpu.memory_space<semaphore_mem>>
        %dma_wait3A_812 = tpu.memref_squeeze %dma_wait3A_811 : memref<1x!tpu.dma_semaphore, #tpu.memory_space<semaphore_mem>> -> memref<!tpu.dma_semaphore, #tpu.memory_space<semaphore_mem>>
        tpu.wait_indirect_dma semaphore(%dma_wait3A_812 : memref<!tpu.dma_semaphore, #tpu.memory_space<semaphore_mem>>) src(%dma_wait3A_804 : memref<128x128xf32, #tpu.memory_space<vmem>>) dst(%dma_wait3A_810 : memref<10240x128xf32, #tpu.memory_space<vmem_shared>>)
      } else {
      }
      %dma_start3A_393 = arith.constant 1 : i32
      %dma_start3A_394 = arith.constant 1 : i32
      %dma_start3A_395 = arith.constant 1 : i32
      %dma_start3A_396 = arith.constant 0 : i32
      %dma_start3A_397 = arith.constant 0 : i32
      %dma_start3A_398 = tpu.memref_slice %arg9[%dma_start3A_394, %dma_start3A_396, %dma_start3A_397] : memref<2x128x128xf32, #tpu.memory_space<vmem>> -> memref<1x128x128xf32, #tpu.memory_space<vmem>>
      %dma_start3A_399 = tpu.memref_squeeze %dma_start3A_398 : memref<1x128x128xf32, #tpu.memory_space<vmem>> -> memref<128x128xf32, #tpu.memory_space<vmem>>
      %dma_start3A_400 = arith.constant 0 : i32
      %dma_start3A_401 = tpu.memref_slice %arg7[%dma_start3A_393, %dma_start3A_400] : memref<4x128xi32, #tpu.memory_space<vmem>> -> memref<1x128xi32, #tpu.memory_space<vmem>>
      %dma_start3A_402 = tpu.memref_squeeze %dma_start3A_401 : memref<1x128xi32, #tpu.memory_space<vmem>> -> memref<128xi32, #tpu.memory_space<vmem>>
      %dma_start3A_403 = arith.constant 0 : i32
      %dma_start3A_404 = arith.constant 0 : i32
      %dma_start3A_405 = tpu.memref_slice %arg2[%dma_start3A_403, %dma_start3A_404] : memref<10000x128xf32, #tpu.memory_space<hbm>> -> memref<10000x128xf32, #tpu.memory_space<hbm>>
      %dma_start3A_406 = tpu.memref_slice %arg13[%dma_start3A_395] : memref<2x!tpu.dma_semaphore, #tpu.memory_space<semaphore_mem>> -> memref<1x!tpu.dma_semaphore, #tpu.memory_space<semaphore_mem>>
      %dma_start3A_407 = tpu.memref_squeeze %dma_start3A_406 : memref<1x!tpu.dma_semaphore, #tpu.memory_space<semaphore_mem>> -> memref<!tpu.dma_semaphore, #tpu.memory_space<semaphore_mem>>
      tpu.enqueue_indirect_dma source(%dma_start3A_405 : memref<10000x128xf32, #tpu.memory_space<hbm>>) target(%dma_start3A_399 : memref<128x128xf32, #tpu.memory_space<vmem>>) offsets(%dma_start3A_402 : memref<128xi32, #tpu.memory_space<vmem>>) semaphore(%dma_start3A_407 : memref<!tpu.dma_semaphore, #tpu.memory_space<semaphore_mem>>)
      %dma_wait3A_408 = arith.constant 0 : i32
      %dma_wait3A_409 = arith.constant 0 : i32
      %dma_wait3A_410 = arith.constant 0 : i32
      %dma_wait3A_411 = arith.constant 0 : i32
      %dma_wait3A_412 = arith.constant 0 : i32
      %dma_wait3A_413 = tpu.memref_slice %arg9[%dma_wait3A_409, %dma_wait3A_411, %dma_wait3A_412] : memref<2x128x128xf32, #tpu.memory_space<vmem>> -> memref<1x128x128xf32, #tpu.memory_space<vmem>>
      %dma_wait3A_414 = tpu.memref_squeeze %dma_wait3A_413 : memref<1x128x128xf32, #tpu.memory_space<vmem>> -> memref<128x128xf32, #tpu.memory_space<vmem>>
      %dma_wait3A_415 = arith.constant 0 : i32
      %dma_wait3A_416 = tpu.memref_slice %arg7[%dma_wait3A_408, %dma_wait3A_415] : memref<4x128xi32, #tpu.memory_space<vmem>> -> memref<1x128xi32, #tpu.memory_space<vmem>>
      %dma_wait3A_417 = tpu.memref_squeeze %dma_wait3A_416 : memref<1x128xi32, #tpu.memory_space<vmem>> -> memref<128xi32, #tpu.memory_space<vmem>>
      %dma_wait3A_418 = arith.constant 0 : i32
      %dma_wait3A_419 = arith.constant 0 : i32
      %dma_wait3A_420 = tpu.memref_slice %arg2[%dma_wait3A_418, %dma_wait3A_419] : memref<10000x128xf32, #tpu.memory_space<hbm>> -> memref<10000x128xf32, #tpu.memory_space<hbm>>
      %dma_wait3A_421 = tpu.memref_slice %arg13[%dma_wait3A_410] : memref<2x!tpu.dma_semaphore, #tpu.memory_space<semaphore_mem>> -> memref<1x!tpu.dma_semaphore, #tpu.memory_space<semaphore_mem>>
      %dma_wait3A_422 = tpu.memref_squeeze %dma_wait3A_421 : memref<1x!tpu.dma_semaphore, #tpu.memory_space<semaphore_mem>> -> memref<!tpu.dma_semaphore, #tpu.memory_space<semaphore_mem>>
      tpu.wait_indirect_dma semaphore(%dma_wait3A_422 : memref<!tpu.dma_semaphore, #tpu.memory_space<semaphore_mem>>) src(%dma_wait3A_420 : memref<10000x128xf32, #tpu.memory_space<hbm>>) dst(%dma_wait3A_414 : memref<128x128xf32, #tpu.memory_space<vmem>>)
      %dma_start3A_423 = arith.constant 0 : i32
      %dma_start3A_424 = arith.constant 0 : i32
      %dma_start3A_425 = arith.constant 0 : i32
      %dma_start3A_426 = arith.constant 0 : i32
      %dma_start3A_427 = arith.constant 0 : i32
      %dma_start3A_428 = tpu.memref_slice %arg9[%dma_start3A_423, %dma_start3A_426, %dma_start3A_427] : memref<2x128x128xf32, #tpu.memory_space<vmem>> -> memref<1x128x128xf32, #tpu.memory_space<vmem>>
      %dma_start3A_429 = tpu.memref_squeeze %dma_start3A_428 : memref<1x128x128xf32, #tpu.memory_space<vmem>> -> memref<128x128xf32, #tpu.memory_space<vmem>>
      %dma_start3A_430 = arith.constant 0 : i32
      %dma_start3A_431 = tpu.memref_slice %arg8[%dma_start3A_424, %dma_start3A_430] : memref<4x128xi32, #tpu.memory_space<vmem>> -> memref<1x128xi32, #tpu.memory_space<vmem>>
      %dma_start3A_432 = tpu.memref_squeeze %dma_start3A_431 : memref<1x128xi32, #tpu.memory_space<vmem>> -> memref<128xi32, #tpu.memory_space<vmem>>
      %dma_start3A_433 = arith.constant 0 : i32
      %dma_start3A_434 = arith.constant 0 : i32
      %dma_start3A_435 = tpu.memref_slice %arg6[%dma_start3A_433, %dma_start3A_434] : memref<10240x128xf32, #tpu.memory_space<vmem_shared>> -> memref<10240x128xf32, #tpu.memory_space<vmem_shared>>
      %dma_start3A_436 = tpu.memref_slice %arg15[%dma_start3A_425] : memref<2x!tpu.dma_semaphore, #tpu.memory_space<semaphore_mem>> -> memref<1x!tpu.dma_semaphore, #tpu.memory_space<semaphore_mem>>
      %dma_start3A_437 = tpu.memref_squeeze %dma_start3A_436 : memref<1x!tpu.dma_semaphore, #tpu.memory_space<semaphore_mem>> -> memref<!tpu.dma_semaphore, #tpu.memory_space<semaphore_mem>>
      tpu.enqueue_indirect_dma source(%dma_start3A_429 : memref<128x128xf32, #tpu.memory_space<vmem>>) target(%dma_start3A_435 : memref<10240x128xf32, #tpu.memory_space<vmem_shared>>) offsets(%dma_start3A_432 : memref<128xi32, #tpu.memory_space<vmem>>) semaphore(%dma_start3A_437 : memref<!tpu.dma_semaphore, #tpu.memory_space<semaphore_mem>>) {add = true}
      %add3A_438 = arith.constant 1 : i32
      %add3A_439 = arith.addi %add3A_320, %add3A_438 : i32
      %add3A_440 = arith.constant 2 : i32
      %add3A_441 = arith.addi %add3A_439, %add3A_440 : i32
      %mul3A_442 = arith.constant 128 : i32
      %mul3A_443 = arith.muli %add3A_441, %mul3A_442 : i32
      %add3A_444 = arith.addi %mul3A_2, %mul3A_443 : i32
      %dma_start3A_445 = arith.constant 3 : i32
      %dma_start3A_446 = arith.constant 3 : i32
      %dma_start3A_447 = arith.constant 0 : i32
      %dma_start3A_448 = tpu.memref_slice %arg7[%dma_start3A_445, %dma_start3A_447] : memref<4x128xi32, #tpu.memory_space<vmem>> -> memref<1x128xi32, #tpu.memory_space<vmem>>
      %dma_start3A_449 = tpu.memref_squeeze %dma_start3A_448 : memref<1x128xi32, #tpu.memory_space<vmem>> -> memref<128xi32, #tpu.memory_space<vmem>>
      %dma_start3A_450 = tpu.memref_slice %arg3[%add3A_444] : memref<640000xi32, #tpu.memory_space<hbm>> -> memref<128xi32, #tpu.memory_space<hbm>>
      %dma_start3A_451 = tpu.memref_slice %arg14[%dma_start3A_446] : memref<4x!tpu.dma_semaphore, #tpu.memory_space<semaphore_mem>> -> memref<1x!tpu.dma_semaphore, #tpu.memory_space<semaphore_mem>>
      %dma_start3A_452 = tpu.memref_squeeze %dma_start3A_451 : memref<1x!tpu.dma_semaphore, #tpu.memory_space<semaphore_mem>> -> memref<!tpu.dma_semaphore, #tpu.memory_space<semaphore_mem>>
      %dma_start3A_453 = arith.constant 0 : i32
      %dma_start3A_454 = tpu.memref_slice %arg7[%dma_start3A_445, %dma_start3A_453] : memref<4x128xi32, #tpu.memory_space<vmem>> -> memref<1x128xi32, #tpu.memory_space<vmem>>
      %dma_start3A_455 = tpu.memref_squeeze %dma_start3A_454 : memref<1x128xi32, #tpu.memory_space<vmem>> -> memref<128xi32, #tpu.memory_space<vmem>>
      %dma_start3A_456 = tpu.memref_slice %arg3[%add3A_444] : memref<640000xi32, #tpu.memory_space<hbm>> -> memref<128xi32, #tpu.memory_space<hbm>>
      tpu.enqueue_dma source(%dma_start3A_456 : memref<128xi32, #tpu.memory_space<hbm>>) target(%dma_start3A_455 : memref<128xi32, #tpu.memory_space<vmem>>) target_semaphore(%dma_start3A_452 : memref<!tpu.dma_semaphore, #tpu.memory_space<semaphore_mem>>)
      %add3A_457 = arith.constant 320000 : i32
      %add3A_458 = arith.addi %add3A_457, %mul3A_2 : i32
      %mul3A_459 = arith.constant 128 : i32
      %mul3A_460 = arith.muli %add3A_441, %mul3A_459 : i32
      %add3A_461 = arith.addi %add3A_458, %mul3A_460 : i32
      %dma_start3A_462 = arith.constant 3 : i32
      %dma_start3A_463 = arith.constant 3 : i32
      %dma_start3A_464 = arith.constant 0 : i32
      %dma_start3A_465 = tpu.memref_slice %arg8[%dma_start3A_462, %dma_start3A_464] : memref<4x128xi32, #tpu.memory_space<vmem>> -> memref<1x128xi32, #tpu.memory_space<vmem>>
      %dma_start3A_466 = tpu.memref_squeeze %dma_start3A_465 : memref<1x128xi32, #tpu.memory_space<vmem>> -> memref<128xi32, #tpu.memory_space<vmem>>
      %dma_start3A_467 = tpu.memref_slice %arg3[%add3A_461] : memref<640000xi32, #tpu.memory_space<hbm>> -> memref<128xi32, #tpu.memory_space<hbm>>
      %dma_start3A_468 = tpu.memref_slice %arg14[%dma_start3A_463] : memref<4x!tpu.dma_semaphore, #tpu.memory_space<semaphore_mem>> -> memref<1x!tpu.dma_semaphore, #tpu.memory_space<semaphore_mem>>
      %dma_start3A_469 = tpu.memref_squeeze %dma_start3A_468 : memref<1x!tpu.dma_semaphore, #tpu.memory_space<semaphore_mem>> -> memref<!tpu.dma_semaphore, #tpu.memory_space<semaphore_mem>>
      %dma_start3A_470 = arith.constant 0 : i32
      %dma_start3A_471 = tpu.memref_slice %arg8[%dma_start3A_462, %dma_start3A_470] : memref<4x128xi32, #tpu.memory_space<vmem>> -> memref<1x128xi32, #tpu.memory_space<vmem>>
      %dma_start3A_472 = tpu.memref_squeeze %dma_start3A_471 : memref<1x128xi32, #tpu.memory_space<vmem>> -> memref<128xi32, #tpu.memory_space<vmem>>
      %dma_start3A_473 = tpu.memref_slice %arg3[%add3A_461] : memref<640000xi32, #tpu.memory_space<hbm>> -> memref<128xi32, #tpu.memory_space<hbm>>
      tpu.enqueue_dma source(%dma_start3A_473 : memref<128xi32, #tpu.memory_space<hbm>>) target(%dma_start3A_472 : memref<128xi32, #tpu.memory_space<vmem>>) target_semaphore(%dma_start3A_469 : memref<!tpu.dma_semaphore, #tpu.memory_space<semaphore_mem>>)
      %add3A_474 = arith.constant 1 : i32
      %add3A_475 = arith.addi %add3A_439, %add3A_474 : i32
      %mul3A_476 = arith.constant 128 : i32
      %mul3A_477 = arith.muli %add3A_475, %mul3A_476 : i32
      %add3A_478 = arith.addi %mul3A_2, %mul3A_477 : i32
      %dma_wait3A_479 = arith.constant 2 : i32
      %dma_wait3A_480 = arith.constant 2 : i32
      %dma_wait3A_481 = arith.constant 0 : i32
      %dma_wait3A_482 = tpu.memref_slice %arg7[%dma_wait3A_479, %dma_wait3A_481] : memref<4x128xi32, #tpu.memory_space<vmem>> -> memref<1x128xi32, #tpu.memory_space<vmem>>
      %dma_wait3A_483 = tpu.memref_squeeze %dma_wait3A_482 : memref<1x128xi32, #tpu.memory_space<vmem>> -> memref<128xi32, #tpu.memory_space<vmem>>
      %dma_wait3A_484 = tpu.memref_slice %arg3[%add3A_478] : memref<640000xi32, #tpu.memory_space<hbm>> -> memref<128xi32, #tpu.memory_space<hbm>>
      %dma_wait3A_485 = tpu.memref_slice %arg14[%dma_wait3A_480] : memref<4x!tpu.dma_semaphore, #tpu.memory_space<semaphore_mem>> -> memref<1x!tpu.dma_semaphore, #tpu.memory_space<semaphore_mem>>
      %dma_wait3A_486 = tpu.memref_squeeze %dma_wait3A_485 : memref<1x!tpu.dma_semaphore, #tpu.memory_space<semaphore_mem>> -> memref<!tpu.dma_semaphore, #tpu.memory_space<semaphore_mem>>
      %dma_wait3A_487 = arith.constant 0 : i32
      %dma_wait3A_488 = tpu.memref_slice %arg7[%dma_wait3A_479, %dma_wait3A_487] : memref<4x128xi32, #tpu.memory_space<vmem>> -> memref<1x128xi32, #tpu.memory_space<vmem>>
      %dma_wait3A_489 = tpu.memref_squeeze %dma_wait3A_488 : memref<1x128xi32, #tpu.memory_space<vmem>> -> memref<128xi32, #tpu.memory_space<vmem>>
      %dma_wait3A_490 = tpu.memref_slice %arg3[%add3A_478] : memref<640000xi32, #tpu.memory_space<hbm>> -> memref<128xi32, #tpu.memory_space<hbm>>
      tpu.wait_dma2 semaphore(%dma_wait3A_486 : memref<!tpu.dma_semaphore, #tpu.memory_space<semaphore_mem>>) src(%dma_wait3A_490 : memref<128xi32, #tpu.memory_space<hbm>>) dst(%dma_wait3A_489 : memref<128xi32, #tpu.memory_space<vmem>>)
      %add3A_491 = arith.constant 320000 : i32
      %add3A_492 = arith.addi %add3A_491, %mul3A_2 : i32
      %mul3A_493 = arith.constant 128 : i32
      %mul3A_494 = arith.muli %add3A_475, %mul3A_493 : i32
      %add3A_495 = arith.addi %add3A_492, %mul3A_494 : i32
      %dma_wait3A_496 = arith.constant 2 : i32
      %dma_wait3A_497 = arith.constant 2 : i32
      %dma_wait3A_498 = arith.constant 0 : i32
      %dma_wait3A_499 = tpu.memref_slice %arg8[%dma_wait3A_496, %dma_wait3A_498] : memref<4x128xi32, #tpu.memory_space<vmem>> -> memref<1x128xi32, #tpu.memory_space<vmem>>
      %dma_wait3A_500 = tpu.memref_squeeze %dma_wait3A_499 : memref<1x128xi32, #tpu.memory_space<vmem>> -> memref<128xi32, #tpu.memory_space<vmem>>
      %dma_wait3A_501 = tpu.memref_slice %arg3[%add3A_495] : memref<640000xi32, #tpu.memory_space<hbm>> -> memref<128xi32, #tpu.memory_space<hbm>>
      %dma_wait3A_502 = tpu.memref_slice %arg14[%dma_wait3A_497] : memref<4x!tpu.dma_semaphore, #tpu.memory_space<semaphore_mem>> -> memref<1x!tpu.dma_semaphore, #tpu.memory_space<semaphore_mem>>
      %dma_wait3A_503 = tpu.memref_squeeze %dma_wait3A_502 : memref<1x!tpu.dma_semaphore, #tpu.memory_space<semaphore_mem>> -> memref<!tpu.dma_semaphore, #tpu.memory_space<semaphore_mem>>
      %dma_wait3A_504 = arith.constant 0 : i32
      %dma_wait3A_505 = tpu.memref_slice %arg8[%dma_wait3A_496, %dma_wait3A_504] : memref<4x128xi32, #tpu.memory_space<vmem>> -> memref<1x128xi32, #tpu.memory_space<vmem>>
      %dma_wait3A_506 = tpu.memref_squeeze %dma_wait3A_505 : memref<1x128xi32, #tpu.memory_space<vmem>> -> memref<128xi32, #tpu.memory_space<vmem>>
      %dma_wait3A_507 = tpu.memref_slice %arg3[%add3A_495] : memref<640000xi32, #tpu.memory_space<hbm>> -> memref<128xi32, #tpu.memory_space<hbm>>
      tpu.wait_dma2 semaphore(%dma_wait3A_503 : memref<!tpu.dma_semaphore, #tpu.memory_space<semaphore_mem>>) src(%dma_wait3A_507 : memref<128xi32, #tpu.memory_space<hbm>>) dst(%dma_wait3A_506 : memref<128xi32, #tpu.memory_space<vmem>>)
      %ge3A_508 = arith.constant 1 : i32
      %ge3A_509 = arith.cmpi sge, %add3A_439, %ge3A_508 : i32
      %convert_element_type3A_510 = arith.extui %ge3A_509 : i1 to i32
      %cond3A_511 = arith.constant 0 : i32
      %cond3A_512 = arith.cmpi ne, %convert_element_type3A_510, %cond3A_511 : i32
      scf.if %cond3A_512 {
        %dma_wait3A_798 = arith.constant 0 : i32
        %dma_wait3A_799 = arith.constant 0 : i32
        %dma_wait3A_800 = arith.constant 0 : i32
        %dma_wait3A_801 = arith.constant 0 : i32
        %dma_wait3A_802 = arith.constant 0 : i32
        %dma_wait3A_803 = tpu.memref_slice %arg9[%dma_wait3A_798, %dma_wait3A_801, %dma_wait3A_802] : memref<2x128x128xf32, #tpu.memory_space<vmem>> -> memref<1x128x128xf32, #tpu.memory_space<vmem>>
        %dma_wait3A_804 = tpu.memref_squeeze %dma_wait3A_803 : memref<1x128x128xf32, #tpu.memory_space<vmem>> -> memref<128x128xf32, #tpu.memory_space<vmem>>
        %dma_wait3A_805 = arith.constant 0 : i32
        %dma_wait3A_806 = tpu.memref_slice %arg8[%dma_wait3A_799, %dma_wait3A_805] : memref<4x128xi32, #tpu.memory_space<vmem>> -> memref<1x128xi32, #tpu.memory_space<vmem>>
        %dma_wait3A_807 = tpu.memref_squeeze %dma_wait3A_806 : memref<1x128xi32, #tpu.memory_space<vmem>> -> memref<128xi32, #tpu.memory_space<vmem>>
        %dma_wait3A_808 = arith.constant 0 : i32
        %dma_wait3A_809 = arith.constant 0 : i32
        %dma_wait3A_810 = tpu.memref_slice %arg6[%dma_wait3A_808, %dma_wait3A_809] : memref<10240x128xf32, #tpu.memory_space<vmem_shared>> -> memref<10240x128xf32, #tpu.memory_space<vmem_shared>>
        %dma_wait3A_811 = tpu.memref_slice %arg15[%dma_wait3A_800] : memref<2x!tpu.dma_semaphore, #tpu.memory_space<semaphore_mem>> -> memref<1x!tpu.dma_semaphore, #tpu.memory_space<semaphore_mem>>
        %dma_wait3A_812 = tpu.memref_squeeze %dma_wait3A_811 : memref<1x!tpu.dma_semaphore, #tpu.memory_space<semaphore_mem>> -> memref<!tpu.dma_semaphore, #tpu.memory_space<semaphore_mem>>
        tpu.wait_indirect_dma semaphore(%dma_wait3A_812 : memref<!tpu.dma_semaphore, #tpu.memory_space<semaphore_mem>>) src(%dma_wait3A_804 : memref<128x128xf32, #tpu.memory_space<vmem>>) dst(%dma_wait3A_810 : memref<10240x128xf32, #tpu.memory_space<vmem_shared>>)
      } else {
      }
      %dma_start3A_513 = arith.constant 2 : i32
      %dma_start3A_514 = arith.constant 0 : i32
      %dma_start3A_515 = arith.constant 0 : i32
      %dma_start3A_516 = arith.constant 0 : i32
      %dma_start3A_517 = arith.constant 0 : i32
      %dma_start3A_518 = tpu.memref_slice %arg9[%dma_start3A_514, %dma_start3A_516, %dma_start3A_517] : memref<2x128x128xf32, #tpu.memory_space<vmem>> -> memref<1x128x128xf32, #tpu.memory_space<vmem>>
      %dma_start3A_519 = tpu.memref_squeeze %dma_start3A_518 : memref<1x128x128xf32, #tpu.memory_space<vmem>> -> memref<128x128xf32, #tpu.memory_space<vmem>>
      %dma_start3A_520 = arith.constant 0 : i32
      %dma_start3A_521 = tpu.memref_slice %arg7[%dma_start3A_513, %dma_start3A_520] : memref<4x128xi32, #tpu.memory_space<vmem>> -> memref<1x128xi32, #tpu.memory_space<vmem>>
      %dma_start3A_522 = tpu.memref_squeeze %dma_start3A_521 : memref<1x128xi32, #tpu.memory_space<vmem>> -> memref<128xi32, #tpu.memory_space<vmem>>
      %dma_start3A_523 = arith.constant 0 : i32
      %dma_start3A_524 = arith.constant 0 : i32
      %dma_start3A_525 = tpu.memref_slice %arg2[%dma_start3A_523, %dma_start3A_524] : memref<10000x128xf32, #tpu.memory_space<hbm>> -> memref<10000x128xf32, #tpu.memory_space<hbm>>
      %dma_start3A_526 = tpu.memref_slice %arg13[%dma_start3A_515] : memref<2x!tpu.dma_semaphore, #tpu.memory_space<semaphore_mem>> -> memref<1x!tpu.dma_semaphore, #tpu.memory_space<semaphore_mem>>
      %dma_start3A_527 = tpu.memref_squeeze %dma_start3A_526 : memref<1x!tpu.dma_semaphore, #tpu.memory_space<semaphore_mem>> -> memref<!tpu.dma_semaphore, #tpu.memory_space<semaphore_mem>>
      tpu.enqueue_indirect_dma source(%dma_start3A_525 : memref<10000x128xf32, #tpu.memory_space<hbm>>) target(%dma_start3A_519 : memref<128x128xf32, #tpu.memory_space<vmem>>) offsets(%dma_start3A_522 : memref<128xi32, #tpu.memory_space<vmem>>) semaphore(%dma_start3A_527 : memref<!tpu.dma_semaphore, #tpu.memory_space<semaphore_mem>>)
      %dma_wait3A_528 = arith.constant 1 : i32
      %dma_wait3A_529 = arith.constant 1 : i32
      %dma_wait3A_530 = arith.constant 1 : i32
      %dma_wait3A_531 = arith.constant 0 : i32
      %dma_wait3A_532 = arith.constant 0 : i32
      %dma_wait3A_533 = tpu.memref_slice %arg9[%dma_wait3A_529, %dma_wait3A_531, %dma_wait3A_532] : memref<2x128x128xf32, #tpu.memory_space<vmem>> -> memref<1x128x128xf32, #tpu.memory_space<vmem>>
      %dma_wait3A_534 = tpu.memref_squeeze %dma_wait3A_533 : memref<1x128x128xf32, #tpu.memory_space<vmem>> -> memref<128x128xf32, #tpu.memory_space<vmem>>
      %dma_wait3A_535 = arith.constant 0 : i32
      %dma_wait3A_536 = tpu.memref_slice %arg7[%dma_wait3A_528, %dma_wait3A_535] : memref<4x128xi32, #tpu.memory_space<vmem>> -> memref<1x128xi32, #tpu.memory_space<vmem>>
      %dma_wait3A_537 = tpu.memref_squeeze %dma_wait3A_536 : memref<1x128xi32, #tpu.memory_space<vmem>> -> memref<128xi32, #tpu.memory_space<vmem>>
      %dma_wait3A_538 = arith.constant 0 : i32
      %dma_wait3A_539 = arith.constant 0 : i32
      %dma_wait3A_540 = tpu.memref_slice %arg2[%dma_wait3A_538, %dma_wait3A_539] : memref<10000x128xf32, #tpu.memory_space<hbm>> -> memref<10000x128xf32, #tpu.memory_space<hbm>>
      %dma_wait3A_541 = tpu.memref_slice %arg13[%dma_wait3A_530] : memref<2x!tpu.dma_semaphore, #tpu.memory_space<semaphore_mem>> -> memref<1x!tpu.dma_semaphore, #tpu.memory_space<semaphore_mem>>
      %dma_wait3A_542 = tpu.memref_squeeze %dma_wait3A_541 : memref<1x!tpu.dma_semaphore, #tpu.memory_space<semaphore_mem>> -> memref<!tpu.dma_semaphore, #tpu.memory_space<semaphore_mem>>
      tpu.wait_indirect_dma semaphore(%dma_wait3A_542 : memref<!tpu.dma_semaphore, #tpu.memory_space<semaphore_mem>>) src(%dma_wait3A_540 : memref<10000x128xf32, #tpu.memory_space<hbm>>) dst(%dma_wait3A_534 : memref<128x128xf32, #tpu.memory_space<vmem>>)
      %dma_start3A_543 = arith.constant 1 : i32
      %dma_start3A_544 = arith.constant 1 : i32
      %dma_start3A_545 = arith.constant 1 : i32
      %dma_start3A_546 = arith.constant 0 : i32
      %dma_start3A_547 = arith.constant 0 : i32
      %dma_start3A_548 = tpu.memref_slice %arg9[%dma_start3A_543, %dma_start3A_546, %dma_start3A_547] : memref<2x128x128xf32, #tpu.memory_space<vmem>> -> memref<1x128x128xf32, #tpu.memory_space<vmem>>
      %dma_start3A_549 = tpu.memref_squeeze %dma_start3A_548 : memref<1x128x128xf32, #tpu.memory_space<vmem>> -> memref<128x128xf32, #tpu.memory_space<vmem>>
      %dma_start3A_550 = arith.constant 0 : i32
      %dma_start3A_551 = tpu.memref_slice %arg8[%dma_start3A_544, %dma_start3A_550] : memref<4x128xi32, #tpu.memory_space<vmem>> -> memref<1x128xi32, #tpu.memory_space<vmem>>
      %dma_start3A_552 = tpu.memref_squeeze %dma_start3A_551 : memref<1x128xi32, #tpu.memory_space<vmem>> -> memref<128xi32, #tpu.memory_space<vmem>>
      %dma_start3A_553 = arith.constant 0 : i32
      %dma_start3A_554 = arith.constant 0 : i32
      %dma_start3A_555 = tpu.memref_slice %arg6[%dma_start3A_553, %dma_start3A_554] : memref<10240x128xf32, #tpu.memory_space<vmem_shared>> -> memref<10240x128xf32, #tpu.memory_space<vmem_shared>>
      %dma_start3A_556 = tpu.memref_slice %arg15[%dma_start3A_545] : memref<2x!tpu.dma_semaphore, #tpu.memory_space<semaphore_mem>> -> memref<1x!tpu.dma_semaphore, #tpu.memory_space<semaphore_mem>>
      %dma_start3A_557 = tpu.memref_squeeze %dma_start3A_556 : memref<1x!tpu.dma_semaphore, #tpu.memory_space<semaphore_mem>> -> memref<!tpu.dma_semaphore, #tpu.memory_space<semaphore_mem>>
      tpu.enqueue_indirect_dma source(%dma_start3A_549 : memref<128x128xf32, #tpu.memory_space<vmem>>) target(%dma_start3A_555 : memref<10240x128xf32, #tpu.memory_space<vmem_shared>>) offsets(%dma_start3A_552 : memref<128xi32, #tpu.memory_space<vmem>>) semaphore(%dma_start3A_557 : memref<!tpu.dma_semaphore, #tpu.memory_space<semaphore_mem>>) {add = true}
      %add3A_558 = arith.constant 2 : i32
      %add3A_559 = arith.addi %add3A_320, %add3A_558 : i32
      %add3A_560 = arith.constant 2 : i32
      %add3A_561 = arith.addi %add3A_559, %add3A_560 : i32
      %mul3A_562 = arith.constant 128 : i32
      %mul3A_563 = arith.muli %add3A_561, %mul3A_562 : i32
      %add3A_564 = arith.addi %mul3A_2, %mul3A_563 : i32
      %dma_start3A_565 = arith.constant 0 : i32
      %dma_start3A_566 = arith.constant 0 : i32
      %dma_start3A_567 = arith.constant 0 : i32
      %dma_start3A_568 = tpu.memref_slice %arg7[%dma_start3A_565, %dma_start3A_567] : memref<4x128xi32, #tpu.memory_space<vmem>> -> memref<1x128xi32, #tpu.memory_space<vmem>>
      %dma_start3A_569 = tpu.memref_squeeze %dma_start3A_568 : memref<1x128xi32, #tpu.memory_space<vmem>> -> memref<128xi32, #tpu.memory_space<vmem>>
      %dma_start3A_570 = tpu.memref_slice %arg3[%add3A_564] : memref<640000xi32, #tpu.memory_space<hbm>> -> memref<128xi32, #tpu.memory_space<hbm>>
      %dma_start3A_571 = tpu.memref_slice %arg14[%dma_start3A_566] : memref<4x!tpu.dma_semaphore, #tpu.memory_space<semaphore_mem>> -> memref<1x!tpu.dma_semaphore, #tpu.memory_space<semaphore_mem>>
      %dma_start3A_572 = tpu.memref_squeeze %dma_start3A_571 : memref<1x!tpu.dma_semaphore, #tpu.memory_space<semaphore_mem>> -> memref<!tpu.dma_semaphore, #tpu.memory_space<semaphore_mem>>
      %dma_start3A_573 = arith.constant 0 : i32
      %dma_start3A_574 = tpu.memref_slice %arg7[%dma_start3A_565, %dma_start3A_573] : memref<4x128xi32, #tpu.memory_space<vmem>> -> memref<1x128xi32, #tpu.memory_space<vmem>>
      %dma_start3A_575 = tpu.memref_squeeze %dma_start3A_574 : memref<1x128xi32, #tpu.memory_space<vmem>> -> memref<128xi32, #tpu.memory_space<vmem>>
      %dma_start3A_576 = tpu.memref_slice %arg3[%add3A_564] : memref<640000xi32, #tpu.memory_space<hbm>> -> memref<128xi32, #tpu.memory_space<hbm>>
      tpu.enqueue_dma source(%dma_start3A_576 : memref<128xi32, #tpu.memory_space<hbm>>) target(%dma_start3A_575 : memref<128xi32, #tpu.memory_space<vmem>>) target_semaphore(%dma_start3A_572 : memref<!tpu.dma_semaphore, #tpu.memory_space<semaphore_mem>>)
      %add3A_577 = arith.constant 320000 : i32
      %add3A_578 = arith.addi %add3A_577, %mul3A_2 : i32
      %mul3A_579 = arith.constant 128 : i32
      %mul3A_580 = arith.muli %add3A_561, %mul3A_579 : i32
      %add3A_581 = arith.addi %add3A_578, %mul3A_580 : i32
      %dma_start3A_582 = arith.constant 0 : i32
      %dma_start3A_583 = arith.constant 0 : i32
      %dma_start3A_584 = arith.constant 0 : i32
      %dma_start3A_585 = tpu.memref_slice %arg8[%dma_start3A_582, %dma_start3A_584] : memref<4x128xi32, #tpu.memory_space<vmem>> -> memref<1x128xi32, #tpu.memory_space<vmem>>
      %dma_start3A_586 = tpu.memref_squeeze %dma_start3A_585 : memref<1x128xi32, #tpu.memory_space<vmem>> -> memref<128xi32, #tpu.memory_space<vmem>>
      %dma_start3A_587 = tpu.memref_slice %arg3[%add3A_581] : memref<640000xi32, #tpu.memory_space<hbm>> -> memref<128xi32, #tpu.memory_space<hbm>>
      %dma_start3A_588 = tpu.memref_slice %arg14[%dma_start3A_583] : memref<4x!tpu.dma_semaphore, #tpu.memory_space<semaphore_mem>> -> memref<1x!tpu.dma_semaphore, #tpu.memory_space<semaphore_mem>>
      %dma_start3A_589 = tpu.memref_squeeze %dma_start3A_588 : memref<1x!tpu.dma_semaphore, #tpu.memory_space<semaphore_mem>> -> memref<!tpu.dma_semaphore, #tpu.memory_space<semaphore_mem>>
      %dma_start3A_590 = arith.constant 0 : i32
      %dma_start3A_591 = tpu.memref_slice %arg8[%dma_start3A_582, %dma_start3A_590] : memref<4x128xi32, #tpu.memory_space<vmem>> -> memref<1x128xi32, #tpu.memory_space<vmem>>
      %dma_start3A_592 = tpu.memref_squeeze %dma_start3A_591 : memref<1x128xi32, #tpu.memory_space<vmem>> -> memref<128xi32, #tpu.memory_space<vmem>>
      %dma_start3A_593 = tpu.memref_slice %arg3[%add3A_581] : memref<640000xi32, #tpu.memory_space<hbm>> -> memref<128xi32, #tpu.memory_space<hbm>>
      tpu.enqueue_dma source(%dma_start3A_593 : memref<128xi32, #tpu.memory_space<hbm>>) target(%dma_start3A_592 : memref<128xi32, #tpu.memory_space<vmem>>) target_semaphore(%dma_start3A_589 : memref<!tpu.dma_semaphore, #tpu.memory_space<semaphore_mem>>)
      %add3A_594 = arith.constant 1 : i32
      %add3A_595 = arith.addi %add3A_559, %add3A_594 : i32
      %mul3A_596 = arith.constant 128 : i32
      %mul3A_597 = arith.muli %add3A_595, %mul3A_596 : i32
      %add3A_598 = arith.addi %mul3A_2, %mul3A_597 : i32
      %dma_wait3A_599 = arith.constant 3 : i32
      %dma_wait3A_600 = arith.constant 3 : i32
      %dma_wait3A_601 = arith.constant 0 : i32
      %dma_wait3A_602 = tpu.memref_slice %arg7[%dma_wait3A_599, %dma_wait3A_601] : memref<4x128xi32, #tpu.memory_space<vmem>> -> memref<1x128xi32, #tpu.memory_space<vmem>>
      %dma_wait3A_603 = tpu.memref_squeeze %dma_wait3A_602 : memref<1x128xi32, #tpu.memory_space<vmem>> -> memref<128xi32, #tpu.memory_space<vmem>>
      %dma_wait3A_604 = tpu.memref_slice %arg3[%add3A_598] : memref<640000xi32, #tpu.memory_space<hbm>> -> memref<128xi32, #tpu.memory_space<hbm>>
      %dma_wait3A_605 = tpu.memref_slice %arg14[%dma_wait3A_600] : memref<4x!tpu.dma_semaphore, #tpu.memory_space<semaphore_mem>> -> memref<1x!tpu.dma_semaphore, #tpu.memory_space<semaphore_mem>>
      %dma_wait3A_606 = tpu.memref_squeeze %dma_wait3A_605 : memref<1x!tpu.dma_semaphore, #tpu.memory_space<semaphore_mem>> -> memref<!tpu.dma_semaphore, #tpu.memory_space<semaphore_mem>>
      %dma_wait3A_607 = arith.constant 0 : i32
      %dma_wait3A_608 = tpu.memref_slice %arg7[%dma_wait3A_599, %dma_wait3A_607] : memref<4x128xi32, #tpu.memory_space<vmem>> -> memref<1x128xi32, #tpu.memory_space<vmem>>
      %dma_wait3A_609 = tpu.memref_squeeze %dma_wait3A_608 : memref<1x128xi32, #tpu.memory_space<vmem>> -> memref<128xi32, #tpu.memory_space<vmem>>
      %dma_wait3A_610 = tpu.memref_slice %arg3[%add3A_598] : memref<640000xi32, #tpu.memory_space<hbm>> -> memref<128xi32, #tpu.memory_space<hbm>>
      tpu.wait_dma2 semaphore(%dma_wait3A_606 : memref<!tpu.dma_semaphore, #tpu.memory_space<semaphore_mem>>) src(%dma_wait3A_610 : memref<128xi32, #tpu.memory_space<hbm>>) dst(%dma_wait3A_609 : memref<128xi32, #tpu.memory_space<vmem>>)
      %add3A_611 = arith.constant 320000 : i32
      %add3A_612 = arith.addi %add3A_611, %mul3A_2 : i32
      %mul3A_613 = arith.constant 128 : i32
      %mul3A_614 = arith.muli %add3A_595, %mul3A_613 : i32
      %add3A_615 = arith.addi %add3A_612, %mul3A_614 : i32
      %dma_wait3A_616 = arith.constant 3 : i32
      %dma_wait3A_617 = arith.constant 3 : i32
      %dma_wait3A_618 = arith.constant 0 : i32
      %dma_wait3A_619 = tpu.memref_slice %arg8[%dma_wait3A_616, %dma_wait3A_618] : memref<4x128xi32, #tpu.memory_space<vmem>> -> memref<1x128xi32, #tpu.memory_space<vmem>>
      %dma_wait3A_620 = tpu.memref_squeeze %dma_wait3A_619 : memref<1x128xi32, #tpu.memory_space<vmem>> -> memref<128xi32, #tpu.memory_space<vmem>>
      %dma_wait3A_621 = tpu.memref_slice %arg3[%add3A_615] : memref<640000xi32, #tpu.memory_space<hbm>> -> memref<128xi32, #tpu.memory_space<hbm>>
      %dma_wait3A_622 = tpu.memref_slice %arg14[%dma_wait3A_617] : memref<4x!tpu.dma_semaphore, #tpu.memory_space<semaphore_mem>> -> memref<1x!tpu.dma_semaphore, #tpu.memory_space<semaphore_mem>>
      %dma_wait3A_623 = tpu.memref_squeeze %dma_wait3A_622 : memref<1x!tpu.dma_semaphore, #tpu.memory_space<semaphore_mem>> -> memref<!tpu.dma_semaphore, #tpu.memory_space<semaphore_mem>>
      %dma_wait3A_624 = arith.constant 0 : i32
      %dma_wait3A_625 = tpu.memref_slice %arg8[%dma_wait3A_616, %dma_wait3A_624] : memref<4x128xi32, #tpu.memory_space<vmem>> -> memref<1x128xi32, #tpu.memory_space<vmem>>
      %dma_wait3A_626 = tpu.memref_squeeze %dma_wait3A_625 : memref<1x128xi32, #tpu.memory_space<vmem>> -> memref<128xi32, #tpu.memory_space<vmem>>
      %dma_wait3A_627 = tpu.memref_slice %arg3[%add3A_615] : memref<640000xi32, #tpu.memory_space<hbm>> -> memref<128xi32, #tpu.memory_space<hbm>>
      tpu.wait_dma2 semaphore(%dma_wait3A_623 : memref<!tpu.dma_semaphore, #tpu.memory_space<semaphore_mem>>) src(%dma_wait3A_627 : memref<128xi32, #tpu.memory_space<hbm>>) dst(%dma_wait3A_626 : memref<128xi32, #tpu.memory_space<vmem>>)
      %ge3A_628 = arith.constant 1 : i32
      %ge3A_629 = arith.cmpi sge, %add3A_559, %ge3A_628 : i32
      %convert_element_type3A_630 = arith.extui %ge3A_629 : i1 to i32
      %cond3A_631 = arith.constant 0 : i32
      %cond3A_632 = arith.cmpi ne, %convert_element_type3A_630, %cond3A_631 : i32
      scf.if %cond3A_632 {
        %dma_wait3A_798 = arith.constant 1 : i32
        %dma_wait3A_799 = arith.constant 1 : i32
        %dma_wait3A_800 = arith.constant 1 : i32
        %dma_wait3A_801 = arith.constant 0 : i32
        %dma_wait3A_802 = arith.constant 0 : i32
        %dma_wait3A_803 = tpu.memref_slice %arg9[%dma_wait3A_798, %dma_wait3A_801, %dma_wait3A_802] : memref<2x128x128xf32, #tpu.memory_space<vmem>> -> memref<1x128x128xf32, #tpu.memory_space<vmem>>
        %dma_wait3A_804 = tpu.memref_squeeze %dma_wait3A_803 : memref<1x128x128xf32, #tpu.memory_space<vmem>> -> memref<128x128xf32, #tpu.memory_space<vmem>>
        %dma_wait3A_805 = arith.constant 0 : i32
        %dma_wait3A_806 = tpu.memref_slice %arg8[%dma_wait3A_799, %dma_wait3A_805] : memref<4x128xi32, #tpu.memory_space<vmem>> -> memref<1x128xi32, #tpu.memory_space<vmem>>
        %dma_wait3A_807 = tpu.memref_squeeze %dma_wait3A_806 : memref<1x128xi32, #tpu.memory_space<vmem>> -> memref<128xi32, #tpu.memory_space<vmem>>
        %dma_wait3A_808 = arith.constant 0 : i32
        %dma_wait3A_809 = arith.constant 0 : i32
        %dma_wait3A_810 = tpu.memref_slice %arg6[%dma_wait3A_808, %dma_wait3A_809] : memref<10240x128xf32, #tpu.memory_space<vmem_shared>> -> memref<10240x128xf32, #tpu.memory_space<vmem_shared>>
        %dma_wait3A_811 = tpu.memref_slice %arg15[%dma_wait3A_800] : memref<2x!tpu.dma_semaphore, #tpu.memory_space<semaphore_mem>> -> memref<1x!tpu.dma_semaphore, #tpu.memory_space<semaphore_mem>>
        %dma_wait3A_812 = tpu.memref_squeeze %dma_wait3A_811 : memref<1x!tpu.dma_semaphore, #tpu.memory_space<semaphore_mem>> -> memref<!tpu.dma_semaphore, #tpu.memory_space<semaphore_mem>>
        tpu.wait_indirect_dma semaphore(%dma_wait3A_812 : memref<!tpu.dma_semaphore, #tpu.memory_space<semaphore_mem>>) src(%dma_wait3A_804 : memref<128x128xf32, #tpu.memory_space<vmem>>) dst(%dma_wait3A_810 : memref<10240x128xf32, #tpu.memory_space<vmem_shared>>)
      } else {
      }
      %dma_start3A_633 = arith.constant 3 : i32
      %dma_start3A_634 = arith.constant 1 : i32
      %dma_start3A_635 = arith.constant 1 : i32
      %dma_start3A_636 = arith.constant 0 : i32
      %dma_start3A_637 = arith.constant 0 : i32
      %dma_start3A_638 = tpu.memref_slice %arg9[%dma_start3A_634, %dma_start3A_636, %dma_start3A_637] : memref<2x128x128xf32, #tpu.memory_space<vmem>> -> memref<1x128x128xf32, #tpu.memory_space<vmem>>
      %dma_start3A_639 = tpu.memref_squeeze %dma_start3A_638 : memref<1x128x128xf32, #tpu.memory_space<vmem>> -> memref<128x128xf32, #tpu.memory_space<vmem>>
      %dma_start3A_640 = arith.constant 0 : i32
      %dma_start3A_641 = tpu.memref_slice %arg7[%dma_start3A_633, %dma_start3A_640] : memref<4x128xi32, #tpu.memory_space<vmem>> -> memref<1x128xi32, #tpu.memory_space<vmem>>
      %dma_start3A_642 = tpu.memref_squeeze %dma_start3A_641 : memref<1x128xi32, #tpu.memory_space<vmem>> -> memref<128xi32, #tpu.memory_space<vmem>>
      %dma_start3A_643 = arith.constant 0 : i32
      %dma_start3A_644 = arith.constant 0 : i32
      %dma_start3A_645 = tpu.memref_slice %arg2[%dma_start3A_643, %dma_start3A_644] : memref<10000x128xf32, #tpu.memory_space<hbm>> -> memref<10000x128xf32, #tpu.memory_space<hbm>>
      %dma_start3A_646 = tpu.memref_slice %arg13[%dma_start3A_635] : memref<2x!tpu.dma_semaphore, #tpu.memory_space<semaphore_mem>> -> memref<1x!tpu.dma_semaphore, #tpu.memory_space<semaphore_mem>>
      %dma_start3A_647 = tpu.memref_squeeze %dma_start3A_646 : memref<1x!tpu.dma_semaphore, #tpu.memory_space<semaphore_mem>> -> memref<!tpu.dma_semaphore, #tpu.memory_space<semaphore_mem>>
      tpu.enqueue_indirect_dma source(%dma_start3A_645 : memref<10000x128xf32, #tpu.memory_space<hbm>>) target(%dma_start3A_639 : memref<128x128xf32, #tpu.memory_space<vmem>>) offsets(%dma_start3A_642 : memref<128xi32, #tpu.memory_space<vmem>>) semaphore(%dma_start3A_647 : memref<!tpu.dma_semaphore, #tpu.memory_space<semaphore_mem>>)
      %dma_wait3A_648 = arith.constant 2 : i32
      %dma_wait3A_649 = arith.constant 0 : i32
      %dma_wait3A_650 = arith.constant 0 : i32
      %dma_wait3A_651 = arith.constant 0 : i32
      %dma_wait3A_652 = arith.constant 0 : i32
      %dma_wait3A_653 = tpu.memref_slice %arg9[%dma_wait3A_649, %dma_wait3A_651, %dma_wait3A_652] : memref<2x128x128xf32, #tpu.memory_space<vmem>> -> memref<1x128x128xf32, #tpu.memory_space<vmem>>
      %dma_wait3A_654 = tpu.memref_squeeze %dma_wait3A_653 : memref<1x128x128xf32, #tpu.memory_space<vmem>> -> memref<128x128xf32, #tpu.memory_space<vmem>>
      %dma_wait3A_655 = arith.constant 0 : i32
      %dma_wait3A_656 = tpu.memref_slice %arg7[%dma_wait3A_648, %dma_wait3A_655] : memref<4x128xi32, #tpu.memory_space<vmem>> -> memref<1x128xi32, #tpu.memory_space<vmem>>
      %dma_wait3A_657 = tpu.memref_squeeze %dma_wait3A_656 : memref<1x128xi32, #tpu.memory_space<vmem>> -> memref<128xi32, #tpu.memory_space<vmem>>
      %dma_wait3A_658 = arith.constant 0 : i32
      %dma_wait3A_659 = arith.constant 0 : i32
      %dma_wait3A_660 = tpu.memref_slice %arg2[%dma_wait3A_658, %dma_wait3A_659] : memref<10000x128xf32, #tpu.memory_space<hbm>> -> memref<10000x128xf32, #tpu.memory_space<hbm>>
      %dma_wait3A_661 = tpu.memref_slice %arg13[%dma_wait3A_650] : memref<2x!tpu.dma_semaphore, #tpu.memory_space<semaphore_mem>> -> memref<1x!tpu.dma_semaphore, #tpu.memory_space<semaphore_mem>>
      %dma_wait3A_662 = tpu.memref_squeeze %dma_wait3A_661 : memref<1x!tpu.dma_semaphore, #tpu.memory_space<semaphore_mem>> -> memref<!tpu.dma_semaphore, #tpu.memory_space<semaphore_mem>>
      tpu.wait_indirect_dma semaphore(%dma_wait3A_662 : memref<!tpu.dma_semaphore, #tpu.memory_space<semaphore_mem>>) src(%dma_wait3A_660 : memref<10000x128xf32, #tpu.memory_space<hbm>>) dst(%dma_wait3A_654 : memref<128x128xf32, #tpu.memory_space<vmem>>)
      %dma_start3A_663 = arith.constant 0 : i32
      %dma_start3A_664 = arith.constant 2 : i32
      %dma_start3A_665 = arith.constant 0 : i32
      %dma_start3A_666 = arith.constant 0 : i32
      %dma_start3A_667 = arith.constant 0 : i32
      %dma_start3A_668 = tpu.memref_slice %arg9[%dma_start3A_663, %dma_start3A_666, %dma_start3A_667] : memref<2x128x128xf32, #tpu.memory_space<vmem>> -> memref<1x128x128xf32, #tpu.memory_space<vmem>>
      %dma_start3A_669 = tpu.memref_squeeze %dma_start3A_668 : memref<1x128x128xf32, #tpu.memory_space<vmem>> -> memref<128x128xf32, #tpu.memory_space<vmem>>
      %dma_start3A_670 = arith.constant 0 : i32
      %dma_start3A_671 = tpu.memref_slice %arg8[%dma_start3A_664, %dma_start3A_670] : memref<4x128xi32, #tpu.memory_space<vmem>> -> memref<1x128xi32, #tpu.memory_space<vmem>>
      %dma_start3A_672 = tpu.memref_squeeze %dma_start3A_671 : memref<1x128xi32, #tpu.memory_space<vmem>> -> memref<128xi32, #tpu.memory_space<vmem>>
      %dma_start3A_673 = arith.constant 0 : i32
      %dma_start3A_674 = arith.constant 0 : i32
      %dma_start3A_675 = tpu.memref_slice %arg6[%dma_start3A_673, %dma_start3A_674] : memref<10240x128xf32, #tpu.memory_space<vmem_shared>> -> memref<10240x128xf32, #tpu.memory_space<vmem_shared>>
      %dma_start3A_676 = tpu.memref_slice %arg15[%dma_start3A_665] : memref<2x!tpu.dma_semaphore, #tpu.memory_space<semaphore_mem>> -> memref<1x!tpu.dma_semaphore, #tpu.memory_space<semaphore_mem>>
      %dma_start3A_677 = tpu.memref_squeeze %dma_start3A_676 : memref<1x!tpu.dma_semaphore, #tpu.memory_space<semaphore_mem>> -> memref<!tpu.dma_semaphore, #tpu.memory_space<semaphore_mem>>
      tpu.enqueue_indirect_dma source(%dma_start3A_669 : memref<128x128xf32, #tpu.memory_space<vmem>>) target(%dma_start3A_675 : memref<10240x128xf32, #tpu.memory_space<vmem_shared>>) offsets(%dma_start3A_672 : memref<128xi32, #tpu.memory_space<vmem>>) semaphore(%dma_start3A_677 : memref<!tpu.dma_semaphore, #tpu.memory_space<semaphore_mem>>) {add = true}
      %add3A_678 = arith.constant 3 : i32
      %add3A_679 = arith.addi %add3A_320, %add3A_678 : i32
      %add3A_680 = arith.constant 2 : i32
      %add3A_681 = arith.addi %add3A_679, %add3A_680 : i32
      %mul3A_682 = arith.constant 128 : i32
      %mul3A_683 = arith.muli %add3A_681, %mul3A_682 : i32
      %add3A_684 = arith.addi %mul3A_2, %mul3A_683 : i32
      %dma_start3A_685 = arith.constant 1 : i32
      %dma_start3A_686 = arith.constant 1 : i32
      %dma_start3A_687 = arith.constant 0 : i32
      %dma_start3A_688 = tpu.memref_slice %arg7[%dma_start3A_685, %dma_start3A_687] : memref<4x128xi32, #tpu.memory_space<vmem>> -> memref<1x128xi32, #tpu.memory_space<vmem>>
      %dma_start3A_689 = tpu.memref_squeeze %dma_start3A_688 : memref<1x128xi32, #tpu.memory_space<vmem>> -> memref<128xi32, #tpu.memory_space<vmem>>
      %dma_start3A_690 = tpu.memref_slice %arg3[%add3A_684] : memref<640000xi32, #tpu.memory_space<hbm>> -> memref<128xi32, #tpu.memory_space<hbm>>
      %dma_start3A_691 = tpu.memref_slice %arg14[%dma_start3A_686] : memref<4x!tpu.dma_semaphore, #tpu.memory_space<semaphore_mem>> -> memref<1x!tpu.dma_semaphore, #tpu.memory_space<semaphore_mem>>
      %dma_start3A_692 = tpu.memref_squeeze %dma_start3A_691 : memref<1x!tpu.dma_semaphore, #tpu.memory_space<semaphore_mem>> -> memref<!tpu.dma_semaphore, #tpu.memory_space<semaphore_mem>>
      %dma_start3A_693 = arith.constant 0 : i32
      %dma_start3A_694 = tpu.memref_slice %arg7[%dma_start3A_685, %dma_start3A_693] : memref<4x128xi32, #tpu.memory_space<vmem>> -> memref<1x128xi32, #tpu.memory_space<vmem>>
      %dma_start3A_695 = tpu.memref_squeeze %dma_start3A_694 : memref<1x128xi32, #tpu.memory_space<vmem>> -> memref<128xi32, #tpu.memory_space<vmem>>
      %dma_start3A_696 = tpu.memref_slice %arg3[%add3A_684] : memref<640000xi32, #tpu.memory_space<hbm>> -> memref<128xi32, #tpu.memory_space<hbm>>
      tpu.enqueue_dma source(%dma_start3A_696 : memref<128xi32, #tpu.memory_space<hbm>>) target(%dma_start3A_695 : memref<128xi32, #tpu.memory_space<vmem>>) target_semaphore(%dma_start3A_692 : memref<!tpu.dma_semaphore, #tpu.memory_space<semaphore_mem>>)
      %add3A_697 = arith.constant 320000 : i32
      %add3A_698 = arith.addi %add3A_697, %mul3A_2 : i32
      %mul3A_699 = arith.constant 128 : i32
      %mul3A_700 = arith.muli %add3A_681, %mul3A_699 : i32
      %add3A_701 = arith.addi %add3A_698, %mul3A_700 : i32
      %dma_start3A_702 = arith.constant 1 : i32
      %dma_start3A_703 = arith.constant 1 : i32
      %dma_start3A_704 = arith.constant 0 : i32
      %dma_start3A_705 = tpu.memref_slice %arg8[%dma_start3A_702, %dma_start3A_704] : memref<4x128xi32, #tpu.memory_space<vmem>> -> memref<1x128xi32, #tpu.memory_space<vmem>>
      %dma_start3A_706 = tpu.memref_squeeze %dma_start3A_705 : memref<1x128xi32, #tpu.memory_space<vmem>> -> memref<128xi32, #tpu.memory_space<vmem>>
      %dma_start3A_707 = tpu.memref_slice %arg3[%add3A_701] : memref<640000xi32, #tpu.memory_space<hbm>> -> memref<128xi32, #tpu.memory_space<hbm>>
      %dma_start3A_708 = tpu.memref_slice %arg14[%dma_start3A_703] : memref<4x!tpu.dma_semaphore, #tpu.memory_space<semaphore_mem>> -> memref<1x!tpu.dma_semaphore, #tpu.memory_space<semaphore_mem>>
      %dma_start3A_709 = tpu.memref_squeeze %dma_start3A_708 : memref<1x!tpu.dma_semaphore, #tpu.memory_space<semaphore_mem>> -> memref<!tpu.dma_semaphore, #tpu.memory_space<semaphore_mem>>
      %dma_start3A_710 = arith.constant 0 : i32
      %dma_start3A_711 = tpu.memref_slice %arg8[%dma_start3A_702, %dma_start3A_710] : memref<4x128xi32, #tpu.memory_space<vmem>> -> memref<1x128xi32, #tpu.memory_space<vmem>>
      %dma_start3A_712 = tpu.memref_squeeze %dma_start3A_711 : memref<1x128xi32, #tpu.memory_space<vmem>> -> memref<128xi32, #tpu.memory_space<vmem>>
      %dma_start3A_713 = tpu.memref_slice %arg3[%add3A_701] : memref<640000xi32, #tpu.memory_space<hbm>> -> memref<128xi32, #tpu.memory_space<hbm>>
      tpu.enqueue_dma source(%dma_start3A_713 : memref<128xi32, #tpu.memory_space<hbm>>) target(%dma_start3A_712 : memref<128xi32, #tpu.memory_space<vmem>>) target_semaphore(%dma_start3A_709 : memref<!tpu.dma_semaphore, #tpu.memory_space<semaphore_mem>>)
      %add3A_714 = arith.constant 1 : i32
      %add3A_715 = arith.addi %add3A_679, %add3A_714 : i32
      %mul3A_716 = arith.constant 128 : i32
      %mul3A_717 = arith.muli %add3A_715, %mul3A_716 : i32
      %add3A_718 = arith.addi %mul3A_2, %mul3A_717 : i32
      %dma_wait3A_719 = arith.constant 0 : i32
      %dma_wait3A_720 = arith.constant 0 : i32
      %dma_wait3A_721 = arith.constant 0 : i32
      %dma_wait3A_722 = tpu.memref_slice %arg7[%dma_wait3A_719, %dma_wait3A_721] : memref<4x128xi32, #tpu.memory_space<vmem>> -> memref<1x128xi32, #tpu.memory_space<vmem>>
      %dma_wait3A_723 = tpu.memref_squeeze %dma_wait3A_722 : memref<1x128xi32, #tpu.memory_space<vmem>> -> memref<128xi32, #tpu.memory_space<vmem>>
      %dma_wait3A_724 = tpu.memref_slice %arg3[%add3A_718] : memref<640000xi32, #tpu.memory_space<hbm>> -> memref<128xi32, #tpu.memory_space<hbm>>
      %dma_wait3A_725 = tpu.memref_slice %arg14[%dma_wait3A_720] : memref<4x!tpu.dma_semaphore, #tpu.memory_space<semaphore_mem>> -> memref<1x!tpu.dma_semaphore, #tpu.memory_space<semaphore_mem>>
      %dma_wait3A_726 = tpu.memref_squeeze %dma_wait3A_725 : memref<1x!tpu.dma_semaphore, #tpu.memory_space<semaphore_mem>> -> memref<!tpu.dma_semaphore, #tpu.memory_space<semaphore_mem>>
      %dma_wait3A_727 = arith.constant 0 : i32
      %dma_wait3A_728 = tpu.memref_slice %arg7[%dma_wait3A_719, %dma_wait3A_727] : memref<4x128xi32, #tpu.memory_space<vmem>> -> memref<1x128xi32, #tpu.memory_space<vmem>>
      %dma_wait3A_729 = tpu.memref_squeeze %dma_wait3A_728 : memref<1x128xi32, #tpu.memory_space<vmem>> -> memref<128xi32, #tpu.memory_space<vmem>>
      %dma_wait3A_730 = tpu.memref_slice %arg3[%add3A_718] : memref<640000xi32, #tpu.memory_space<hbm>> -> memref<128xi32, #tpu.memory_space<hbm>>
      tpu.wait_dma2 semaphore(%dma_wait3A_726 : memref<!tpu.dma_semaphore, #tpu.memory_space<semaphore_mem>>) src(%dma_wait3A_730 : memref<128xi32, #tpu.memory_space<hbm>>) dst(%dma_wait3A_729 : memref<128xi32, #tpu.memory_space<vmem>>)
      %add3A_731 = arith.constant 320000 : i32
      %add3A_732 = arith.addi %add3A_731, %mul3A_2 : i32
      %mul3A_733 = arith.constant 128 : i32
      %mul3A_734 = arith.muli %add3A_715, %mul3A_733 : i32
      %add3A_735 = arith.addi %add3A_732, %mul3A_734 : i32
      %dma_wait3A_736 = arith.constant 0 : i32
      %dma_wait3A_737 = arith.constant 0 : i32
      %dma_wait3A_738 = arith.constant 0 : i32
      %dma_wait3A_739 = tpu.memref_slice %arg8[%dma_wait3A_736, %dma_wait3A_738] : memref<4x128xi32, #tpu.memory_space<vmem>> -> memref<1x128xi32, #tpu.memory_space<vmem>>
      %dma_wait3A_740 = tpu.memref_squeeze %dma_wait3A_739 : memref<1x128xi32, #tpu.memory_space<vmem>> -> memref<128xi32, #tpu.memory_space<vmem>>
      %dma_wait3A_741 = tpu.memref_slice %arg3[%add3A_735] : memref<640000xi32, #tpu.memory_space<hbm>> -> memref<128xi32, #tpu.memory_space<hbm>>
      %dma_wait3A_742 = tpu.memref_slice %arg14[%dma_wait3A_737] : memref<4x!tpu.dma_semaphore, #tpu.memory_space<semaphore_mem>> -> memref<1x!tpu.dma_semaphore, #tpu.memory_space<semaphore_mem>>
      %dma_wait3A_743 = tpu.memref_squeeze %dma_wait3A_742 : memref<1x!tpu.dma_semaphore, #tpu.memory_space<semaphore_mem>> -> memref<!tpu.dma_semaphore, #tpu.memory_space<semaphore_mem>>
      %dma_wait3A_744 = arith.constant 0 : i32
      %dma_wait3A_745 = tpu.memref_slice %arg8[%dma_wait3A_736, %dma_wait3A_744] : memref<4x128xi32, #tpu.memory_space<vmem>> -> memref<1x128xi32, #tpu.memory_space<vmem>>
      %dma_wait3A_746 = tpu.memref_squeeze %dma_wait3A_745 : memref<1x128xi32, #tpu.memory_space<vmem>> -> memref<128xi32, #tpu.memory_space<vmem>>
      %dma_wait3A_747 = tpu.memref_slice %arg3[%add3A_735] : memref<640000xi32, #tpu.memory_space<hbm>> -> memref<128xi32, #tpu.memory_space<hbm>>
      tpu.wait_dma2 semaphore(%dma_wait3A_743 : memref<!tpu.dma_semaphore, #tpu.memory_space<semaphore_mem>>) src(%dma_wait3A_747 : memref<128xi32, #tpu.memory_space<hbm>>) dst(%dma_wait3A_746 : memref<128xi32, #tpu.memory_space<vmem>>)
      %ge3A_748 = arith.constant 1 : i32
      %ge3A_749 = arith.cmpi sge, %add3A_679, %ge3A_748 : i32
      %convert_element_type3A_750 = arith.extui %ge3A_749 : i1 to i32
      %cond3A_751 = arith.constant 0 : i32
      %cond3A_752 = arith.cmpi ne, %convert_element_type3A_750, %cond3A_751 : i32
      scf.if %cond3A_752 {
        %dma_wait3A_798 = arith.constant 0 : i32
        %dma_wait3A_799 = arith.constant 2 : i32
        %dma_wait3A_800 = arith.constant 0 : i32
        %dma_wait3A_801 = arith.constant 0 : i32
        %dma_wait3A_802 = arith.constant 0 : i32
        %dma_wait3A_803 = tpu.memref_slice %arg9[%dma_wait3A_798, %dma_wait3A_801, %dma_wait3A_802] : memref<2x128x128xf32, #tpu.memory_space<vmem>> -> memref<1x128x128xf32, #tpu.memory_space<vmem>>
        %dma_wait3A_804 = tpu.memref_squeeze %dma_wait3A_803 : memref<1x128x128xf32, #tpu.memory_space<vmem>> -> memref<128x128xf32, #tpu.memory_space<vmem>>
        %dma_wait3A_805 = arith.constant 0 : i32
        %dma_wait3A_806 = tpu.memref_slice %arg8[%dma_wait3A_799, %dma_wait3A_805] : memref<4x128xi32, #tpu.memory_space<vmem>> -> memref<1x128xi32, #tpu.memory_space<vmem>>
        %dma_wait3A_807 = tpu.memref_squeeze %dma_wait3A_806 : memref<1x128xi32, #tpu.memory_space<vmem>> -> memref<128xi32, #tpu.memory_space<vmem>>
        %dma_wait3A_808 = arith.constant 0 : i32
        %dma_wait3A_809 = arith.constant 0 : i32
        %dma_wait3A_810 = tpu.memref_slice %arg6[%dma_wait3A_808, %dma_wait3A_809] : memref<10240x128xf32, #tpu.memory_space<vmem_shared>> -> memref<10240x128xf32, #tpu.memory_space<vmem_shared>>
        %dma_wait3A_811 = tpu.memref_slice %arg15[%dma_wait3A_800] : memref<2x!tpu.dma_semaphore, #tpu.memory_space<semaphore_mem>> -> memref<1x!tpu.dma_semaphore, #tpu.memory_space<semaphore_mem>>
        %dma_wait3A_812 = tpu.memref_squeeze %dma_wait3A_811 : memref<1x!tpu.dma_semaphore, #tpu.memory_space<semaphore_mem>> -> memref<!tpu.dma_semaphore, #tpu.memory_space<semaphore_mem>>
        tpu.wait_indirect_dma semaphore(%dma_wait3A_812 : memref<!tpu.dma_semaphore, #tpu.memory_space<semaphore_mem>>) src(%dma_wait3A_804 : memref<128x128xf32, #tpu.memory_space<vmem>>) dst(%dma_wait3A_810 : memref<10240x128xf32, #tpu.memory_space<vmem_shared>>)
      } else {
      }
      %dma_start3A_753 = arith.constant 0 : i32
      %dma_start3A_754 = arith.constant 0 : i32
      %dma_start3A_755 = arith.constant 0 : i32
      %dma_start3A_756 = arith.constant 0 : i32
      %dma_start3A_757 = arith.constant 0 : i32
      %dma_start3A_758 = tpu.memref_slice %arg9[%dma_start3A_754, %dma_start3A_756, %dma_start3A_757] : memref<2x128x128xf32, #tpu.memory_space<vmem>> -> memref<1x128x128xf32, #tpu.memory_space<vmem>>
      %dma_start3A_759 = tpu.memref_squeeze %dma_start3A_758 : memref<1x128x128xf32, #tpu.memory_space<vmem>> -> memref<128x128xf32, #tpu.memory_space<vmem>>
      %dma_start3A_760 = arith.constant 0 : i32
      %dma_start3A_761 = tpu.memref_slice %arg7[%dma_start3A_753, %dma_start3A_760] : memref<4x128xi32, #tpu.memory_space<vmem>> -> memref<1x128xi32, #tpu.memory_space<vmem>>
      %dma_start3A_762 = tpu.memref_squeeze %dma_start3A_761 : memref<1x128xi32, #tpu.memory_space<vmem>> -> memref<128xi32, #tpu.memory_space<vmem>>
      %dma_start3A_763 = arith.constant 0 : i32
      %dma_start3A_764 = arith.constant 0 : i32
      %dma_start3A_765 = tpu.memref_slice %arg2[%dma_start3A_763, %dma_start3A_764] : memref<10000x128xf32, #tpu.memory_space<hbm>> -> memref<10000x128xf32, #tpu.memory_space<hbm>>
      %dma_start3A_766 = tpu.memref_slice %arg13[%dma_start3A_755] : memref<2x!tpu.dma_semaphore, #tpu.memory_space<semaphore_mem>> -> memref<1x!tpu.dma_semaphore, #tpu.memory_space<semaphore_mem>>
      %dma_start3A_767 = tpu.memref_squeeze %dma_start3A_766 : memref<1x!tpu.dma_semaphore, #tpu.memory_space<semaphore_mem>> -> memref<!tpu.dma_semaphore, #tpu.memory_space<semaphore_mem>>
      tpu.enqueue_indirect_dma source(%dma_start3A_765 : memref<10000x128xf32, #tpu.memory_space<hbm>>) target(%dma_start3A_759 : memref<128x128xf32, #tpu.memory_space<vmem>>) offsets(%dma_start3A_762 : memref<128xi32, #tpu.memory_space<vmem>>) semaphore(%dma_start3A_767 : memref<!tpu.dma_semaphore, #tpu.memory_space<semaphore_mem>>)
      %dma_wait3A_768 = arith.constant 3 : i32
      %dma_wait3A_769 = arith.constant 1 : i32
      %dma_wait3A_770 = arith.constant 1 : i32
      %dma_wait3A_771 = arith.constant 0 : i32
      %dma_wait3A_772 = arith.constant 0 : i32
      %dma_wait3A_773 = tpu.memref_slice %arg9[%dma_wait3A_769, %dma_wait3A_771, %dma_wait3A_772] : memref<2x128x128xf32, #tpu.memory_space<vmem>> -> memref<1x128x128xf32, #tpu.memory_space<vmem>>
      %dma_wait3A_774 = tpu.memref_squeeze %dma_wait3A_773 : memref<1x128x128xf32, #tpu.memory_space<vmem>> -> memref<128x128xf32, #tpu.memory_space<vmem>>
      %dma_wait3A_775 = arith.constant 0 : i32
      %dma_wait3A_776 = tpu.memref_slice %arg7[%dma_wait3A_768, %dma_wait3A_775] : memref<4x128xi32, #tpu.memory_space<vmem>> -> memref<1x128xi32, #tpu.memory_space<vmem>>
      %dma_wait3A_777 = tpu.memref_squeeze %dma_wait3A_776 : memref<1x128xi32, #tpu.memory_space<vmem>> -> memref<128xi32, #tpu.memory_space<vmem>>
      %dma_wait3A_778 = arith.constant 0 : i32
      %dma_wait3A_779 = arith.constant 0 : i32
      %dma_wait3A_780 = tpu.memref_slice %arg2[%dma_wait3A_778, %dma_wait3A_779] : memref<10000x128xf32, #tpu.memory_space<hbm>> -> memref<10000x128xf32, #tpu.memory_space<hbm>>
      %dma_wait3A_781 = tpu.memref_slice %arg13[%dma_wait3A_770] : memref<2x!tpu.dma_semaphore, #tpu.memory_space<semaphore_mem>> -> memref<1x!tpu.dma_semaphore, #tpu.memory_space<semaphore_mem>>
      %dma_wait3A_782 = tpu.memref_squeeze %dma_wait3A_781 : memref<1x!tpu.dma_semaphore, #tpu.memory_space<semaphore_mem>> -> memref<!tpu.dma_semaphore, #tpu.memory_space<semaphore_mem>>
      tpu.wait_indirect_dma semaphore(%dma_wait3A_782 : memref<!tpu.dma_semaphore, #tpu.memory_space<semaphore_mem>>) src(%dma_wait3A_780 : memref<10000x128xf32, #tpu.memory_space<hbm>>) dst(%dma_wait3A_774 : memref<128x128xf32, #tpu.memory_space<vmem>>)
      %dma_start3A_783 = arith.constant 1 : i32
      %dma_start3A_784 = arith.constant 3 : i32
      %dma_start3A_785 = arith.constant 1 : i32
      %dma_start3A_786 = arith.constant 0 : i32
      %dma_start3A_787 = arith.constant 0 : i32
      %dma_start3A_788 = tpu.memref_slice %arg9[%dma_start3A_783, %dma_start3A_786, %dma_start3A_787] : memref<2x128x128xf32, #tpu.memory_space<vmem>> -> memref<1x128x128xf32, #tpu.memory_space<vmem>>
      %dma_start3A_789 = tpu.memref_squeeze %dma_start3A_788 : memref<1x128x128xf32, #tpu.memory_space<vmem>> -> memref<128x128xf32, #tpu.memory_space<vmem>>
      %dma_start3A_790 = arith.constant 0 : i32
      %dma_start3A_791 = tpu.memref_slice %arg8[%dma_start3A_784, %dma_start3A_790] : memref<4x128xi32, #tpu.memory_space<vmem>> -> memref<1x128xi32, #tpu.memory_space<vmem>>
      %dma_start3A_792 = tpu.memref_squeeze %dma_start3A_791 : memref<1x128xi32, #tpu.memory_space<vmem>> -> memref<128xi32, #tpu.memory_space<vmem>>
      %dma_start3A_793 = arith.constant 0 : i32
      %dma_start3A_794 = arith.constant 0 : i32
      %dma_start3A_795 = tpu.memref_slice %arg6[%dma_start3A_793, %dma_start3A_794] : memref<10240x128xf32, #tpu.memory_space<vmem_shared>> -> memref<10240x128xf32, #tpu.memory_space<vmem_shared>>
      %dma_start3A_796 = tpu.memref_slice %arg15[%dma_start3A_785] : memref<2x!tpu.dma_semaphore, #tpu.memory_space<semaphore_mem>> -> memref<1x!tpu.dma_semaphore, #tpu.memory_space<semaphore_mem>>
      %dma_start3A_797 = tpu.memref_squeeze %dma_start3A_796 : memref<1x!tpu.dma_semaphore, #tpu.memory_space<semaphore_mem>> -> memref<!tpu.dma_semaphore, #tpu.memory_space<semaphore_mem>>
      tpu.enqueue_indirect_dma source(%dma_start3A_789 : memref<128x128xf32, #tpu.memory_space<vmem>>) target(%dma_start3A_795 : memref<10240x128xf32, #tpu.memory_space<vmem_shared>>) offsets(%dma_start3A_792 : memref<128xi32, #tpu.memory_space<vmem>>) semaphore(%dma_start3A_797 : memref<!tpu.dma_semaphore, #tpu.memory_space<semaphore_mem>>) {add = true}
    }
    %scan3A_135 = arith.constant 19 : i32
    %add3A_136 = arith.constant 9856 : i32
    %add3A_137 = arith.addi %mul3A_2, %add3A_136 : i32
    %dma_wait3A_138 = arith.constant 1 : i32
    %dma_wait3A_139 = arith.constant 1 : i32
    %dma_wait3A_140 = arith.constant 0 : i32
    %dma_wait3A_141 = tpu.memref_slice %arg7[%dma_wait3A_138, %dma_wait3A_140] : memref<4x128xi32, #tpu.memory_space<vmem>> -> memref<1x128xi32, #tpu.memory_space<vmem>>
    %dma_wait3A_142 = tpu.memref_squeeze %dma_wait3A_141 : memref<1x128xi32, #tpu.memory_space<vmem>> -> memref<128xi32, #tpu.memory_space<vmem>>
    %dma_wait3A_143 = tpu.memref_slice %arg3[%add3A_137] : memref<640000xi32, #tpu.memory_space<hbm>> -> memref<128xi32, #tpu.memory_space<hbm>>
    %dma_wait3A_144 = tpu.memref_slice %arg14[%dma_wait3A_139] : memref<4x!tpu.dma_semaphore, #tpu.memory_space<semaphore_mem>> -> memref<1x!tpu.dma_semaphore, #tpu.memory_space<semaphore_mem>>
    %dma_wait3A_145 = tpu.memref_squeeze %dma_wait3A_144 : memref<1x!tpu.dma_semaphore, #tpu.memory_space<semaphore_mem>> -> memref<!tpu.dma_semaphore, #tpu.memory_space<semaphore_mem>>
    %dma_wait3A_146 = arith.constant 0 : i32
    %dma_wait3A_147 = tpu.memref_slice %arg7[%dma_wait3A_138, %dma_wait3A_146] : memref<4x128xi32, #tpu.memory_space<vmem>> -> memref<1x128xi32, #tpu.memory_space<vmem>>
    %dma_wait3A_148 = tpu.memref_squeeze %dma_wait3A_147 : memref<1x128xi32, #tpu.memory_space<vmem>> -> memref<128xi32, #tpu.memory_space<vmem>>
    %dma_wait3A_149 = tpu.memref_slice %arg3[%add3A_137] : memref<640000xi32, #tpu.memory_space<hbm>> -> memref<128xi32, #tpu.memory_space<hbm>>
    tpu.wait_dma2 semaphore(%dma_wait3A_145 : memref<!tpu.dma_semaphore, #tpu.memory_space<semaphore_mem>>) src(%dma_wait3A_149 : memref<128xi32, #tpu.memory_space<hbm>>) dst(%dma_wait3A_148 : memref<128xi32, #tpu.memory_space<vmem>>)
    %add3A_150 = arith.constant 320000 : i32
    %add3A_151 = arith.addi %add3A_150, %mul3A_2 : i32
    %add3A_152 = arith.constant 9856 : i32
    %add3A_153 = arith.addi %add3A_151, %add3A_152 : i32
    %dma_wait3A_154 = arith.constant 1 : i32
    %dma_wait3A_155 = arith.constant 1 : i32
    %dma_wait3A_156 = arith.constant 0 : i32
    %dma_wait3A_157 = tpu.memref_slice %arg8[%dma_wait3A_154, %dma_wait3A_156] : memref<4x128xi32, #tpu.memory_space<vmem>> -> memref<1x128xi32, #tpu.memory_space<vmem>>
    %dma_wait3A_158 = tpu.memref_squeeze %dma_wait3A_157 : memref<1x128xi32, #tpu.memory_space<vmem>> -> memref<128xi32, #tpu.memory_space<vmem>>
    %dma_wait3A_159 = tpu.memref_slice %arg3[%add3A_153] : memref<640000xi32, #tpu.memory_space<hbm>> -> memref<128xi32, #tpu.memory_space<hbm>>
    %dma_wait3A_160 = tpu.memref_slice %arg14[%dma_wait3A_155] : memref<4x!tpu.dma_semaphore, #tpu.memory_space<semaphore_mem>> -> memref<1x!tpu.dma_semaphore, #tpu.memory_space<semaphore_mem>>
    %dma_wait3A_161 = tpu.memref_squeeze %dma_wait3A_160 : memref<1x!tpu.dma_semaphore, #tpu.memory_space<semaphore_mem>> -> memref<!tpu.dma_semaphore, #tpu.memory_space<semaphore_mem>>
    %dma_wait3A_162 = arith.constant 0 : i32
    %dma_wait3A_163 = tpu.memref_slice %arg8[%dma_wait3A_154, %dma_wait3A_162] : memref<4x128xi32, #tpu.memory_space<vmem>> -> memref<1x128xi32, #tpu.memory_space<vmem>>
    %dma_wait3A_164 = tpu.memref_squeeze %dma_wait3A_163 : memref<1x128xi32, #tpu.memory_space<vmem>> -> memref<128xi32, #tpu.memory_space<vmem>>
    %dma_wait3A_165 = tpu.memref_slice %arg3[%add3A_153] : memref<640000xi32, #tpu.memory_space<hbm>> -> memref<128xi32, #tpu.memory_space<hbm>>
    tpu.wait_dma2 semaphore(%dma_wait3A_161 : memref<!tpu.dma_semaphore, #tpu.memory_space<semaphore_mem>>) src(%dma_wait3A_165 : memref<128xi32, #tpu.memory_space<hbm>>) dst(%dma_wait3A_164 : memref<128xi32, #tpu.memory_space<vmem>>)
    %dma_wait3A_166 = arith.constant 1 : i32
    %dma_wait3A_167 = arith.constant 3 : i32
    %dma_wait3A_168 = arith.constant 1 : i32
    %dma_wait3A_169 = arith.constant 0 : i32
    %dma_wait3A_170 = arith.constant 0 : i32
    %dma_wait3A_171 = tpu.memref_slice %arg9[%dma_wait3A_166, %dma_wait3A_169, %dma_wait3A_170] : memref<2x128x128xf32, #tpu.memory_space<vmem>> -> memref<1x128x128xf32, #tpu.memory_space<vmem>>
    %dma_wait3A_172 = tpu.memref_squeeze %dma_wait3A_171 : memref<1x128x128xf32, #tpu.memory_space<vmem>> -> memref<128x128xf32, #tpu.memory_space<vmem>>
    %dma_wait3A_173 = arith.constant 0 : i32
    %dma_wait3A_174 = tpu.memref_slice %arg8[%dma_wait3A_167, %dma_wait3A_173] : memref<4x128xi32, #tpu.memory_space<vmem>> -> memref<1x128xi32, #tpu.memory_space<vmem>>
    %dma_wait3A_175 = tpu.memref_squeeze %dma_wait3A_174 : memref<1x128xi32, #tpu.memory_space<vmem>> -> memref<128xi32, #tpu.memory_space<vmem>>
    %dma_wait3A_176 = arith.constant 0 : i32
    %dma_wait3A_177 = arith.constant 0 : i32
    %dma_wait3A_178 = tpu.memref_slice %arg6[%dma_wait3A_176, %dma_wait3A_177] : memref<10240x128xf32, #tpu.memory_space<vmem_shared>> -> memref<10240x128xf32, #tpu.memory_space<vmem_shared>>
    %dma_wait3A_179 = tpu.memref_slice %arg15[%dma_wait3A_168] : memref<2x!tpu.dma_semaphore, #tpu.memory_space<semaphore_mem>> -> memref<1x!tpu.dma_semaphore, #tpu.memory_space<semaphore_mem>>
    %dma_wait3A_180 = tpu.memref_squeeze %dma_wait3A_179 : memref<1x!tpu.dma_semaphore, #tpu.memory_space<semaphore_mem>> -> memref<!tpu.dma_semaphore, #tpu.memory_space<semaphore_mem>>
    tpu.wait_indirect_dma semaphore(%dma_wait3A_180 : memref<!tpu.dma_semaphore, #tpu.memory_space<semaphore_mem>>) src(%dma_wait3A_172 : memref<128x128xf32, #tpu.memory_space<vmem>>) dst(%dma_wait3A_178 : memref<10240x128xf32, #tpu.memory_space<vmem_shared>>)
    %dma_start3A_181 = arith.constant 1 : i32
    %dma_start3A_182 = arith.constant 1 : i32
    %dma_start3A_183 = arith.constant 1 : i32
    %dma_start3A_184 = arith.constant 0 : i32
    %dma_start3A_185 = arith.constant 0 : i32
    %dma_start3A_186 = tpu.memref_slice %arg9[%dma_start3A_182, %dma_start3A_184, %dma_start3A_185] : memref<2x128x128xf32, #tpu.memory_space<vmem>> -> memref<1x128x128xf32, #tpu.memory_space<vmem>>
    %dma_start3A_187 = tpu.memref_squeeze %dma_start3A_186 : memref<1x128x128xf32, #tpu.memory_space<vmem>> -> memref<128x128xf32, #tpu.memory_space<vmem>>
    %dma_start3A_188 = arith.constant 0 : i32
    %dma_start3A_189 = tpu.memref_slice %arg7[%dma_start3A_181, %dma_start3A_188] : memref<4x128xi32, #tpu.memory_space<vmem>> -> memref<1x128xi32, #tpu.memory_space<vmem>>
    %dma_start3A_190 = tpu.memref_squeeze %dma_start3A_189 : memref<1x128xi32, #tpu.memory_space<vmem>> -> memref<128xi32, #tpu.memory_space<vmem>>
    %dma_start3A_191 = arith.constant 0 : i32
    %dma_start3A_192 = arith.constant 0 : i32
    %dma_start3A_193 = tpu.memref_slice %arg2[%dma_start3A_191, %dma_start3A_192] : memref<10000x128xf32, #tpu.memory_space<hbm>> -> memref<10000x128xf32, #tpu.memory_space<hbm>>
    %dma_start3A_194 = tpu.memref_slice %arg13[%dma_start3A_183] : memref<2x!tpu.dma_semaphore, #tpu.memory_space<semaphore_mem>> -> memref<1x!tpu.dma_semaphore, #tpu.memory_space<semaphore_mem>>
    %dma_start3A_195 = tpu.memref_squeeze %dma_start3A_194 : memref<1x!tpu.dma_semaphore, #tpu.memory_space<semaphore_mem>> -> memref<!tpu.dma_semaphore, #tpu.memory_space<semaphore_mem>>
    tpu.enqueue_indirect_dma source(%dma_start3A_193 : memref<10000x128xf32, #tpu.memory_space<hbm>>) target(%dma_start3A_187 : memref<128x128xf32, #tpu.memory_space<vmem>>) offsets(%dma_start3A_190 : memref<128xi32, #tpu.memory_space<vmem>>) semaphore(%dma_start3A_195 : memref<!tpu.dma_semaphore, #tpu.memory_space<semaphore_mem>>)
    %dma_wait3A_196 = arith.constant 0 : i32
    %dma_wait3A_197 = arith.constant 0 : i32
    %dma_wait3A_198 = arith.constant 0 : i32
    %dma_wait3A_199 = arith.constant 0 : i32
    %dma_wait3A_200 = arith.constant 0 : i32
    %dma_wait3A_201 = tpu.memref_slice %arg9[%dma_wait3A_197, %dma_wait3A_199, %dma_wait3A_200] : memref<2x128x128xf32, #tpu.memory_space<vmem>> -> memref<1x128x128xf32, #tpu.memory_space<vmem>>
    %dma_wait3A_202 = tpu.memref_squeeze %dma_wait3A_201 : memref<1x128x128xf32, #tpu.memory_space<vmem>> -> memref<128x128xf32, #tpu.memory_space<vmem>>
    %dma_wait3A_203 = arith.constant 0 : i32
    %dma_wait3A_204 = tpu.memref_slice %arg7[%dma_wait3A_196, %dma_wait3A_203] : memref<4x128xi32, #tpu.memory_space<vmem>> -> memref<1x128xi32, #tpu.memory_space<vmem>>
    %dma_wait3A_205 = tpu.memref_squeeze %dma_wait3A_204 : memref<1x128xi32, #tpu.memory_space<vmem>> -> memref<128xi32, #tpu.memory_space<vmem>>
    %dma_wait3A_206 = arith.constant 0 : i32
    %dma_wait3A_207 = arith.constant 0 : i32
    %dma_wait3A_208 = tpu.memref_slice %arg2[%dma_wait3A_206, %dma_wait3A_207] : memref<10000x128xf32, #tpu.memory_space<hbm>> -> memref<10000x128xf32, #tpu.memory_space<hbm>>
    %dma_wait3A_209 = tpu.memref_slice %arg13[%dma_wait3A_198] : memref<2x!tpu.dma_semaphore, #tpu.memory_space<semaphore_mem>> -> memref<1x!tpu.dma_semaphore, #tpu.memory_space<semaphore_mem>>
    %dma_wait3A_210 = tpu.memref_squeeze %dma_wait3A_209 : memref<1x!tpu.dma_semaphore, #tpu.memory_space<semaphore_mem>> -> memref<!tpu.dma_semaphore, #tpu.memory_space<semaphore_mem>>
    tpu.wait_indirect_dma semaphore(%dma_wait3A_210 : memref<!tpu.dma_semaphore, #tpu.memory_space<semaphore_mem>>) src(%dma_wait3A_208 : memref<10000x128xf32, #tpu.memory_space<hbm>>) dst(%dma_wait3A_202 : memref<128x128xf32, #tpu.memory_space<vmem>>)
    %dma_start3A_211 = arith.constant 0 : i32
    %dma_start3A_212 = arith.constant 0 : i32
    %dma_start3A_213 = arith.constant 0 : i32
    %dma_start3A_214 = arith.constant 0 : i32
    %dma_start3A_215 = arith.constant 0 : i32
    %dma_start3A_216 = tpu.memref_slice %arg9[%dma_start3A_211, %dma_start3A_214, %dma_start3A_215] : memref<2x128x128xf32, #tpu.memory_space<vmem>> -> memref<1x128x128xf32, #tpu.memory_space<vmem>>
    %dma_start3A_217 = tpu.memref_squeeze %dma_start3A_216 : memref<1x128x128xf32, #tpu.memory_space<vmem>> -> memref<128x128xf32, #tpu.memory_space<vmem>>
    %dma_start3A_218 = arith.constant 0 : i32
    %dma_start3A_219 = tpu.memref_slice %arg8[%dma_start3A_212, %dma_start3A_218] : memref<4x128xi32, #tpu.memory_space<vmem>> -> memref<1x128xi32, #tpu.memory_space<vmem>>
    %dma_start3A_220 = tpu.memref_squeeze %dma_start3A_219 : memref<1x128xi32, #tpu.memory_space<vmem>> -> memref<128xi32, #tpu.memory_space<vmem>>
    %dma_start3A_221 = arith.constant 0 : i32
    %dma_start3A_222 = arith.constant 0 : i32
    %dma_start3A_223 = tpu.memref_slice %arg6[%dma_start3A_221, %dma_start3A_222] : memref<10240x128xf32, #tpu.memory_space<vmem_shared>> -> memref<10240x128xf32, #tpu.memory_space<vmem_shared>>
    %dma_start3A_224 = tpu.memref_slice %arg15[%dma_start3A_213] : memref<2x!tpu.dma_semaphore, #tpu.memory_space<semaphore_mem>> -> memref<1x!tpu.dma_semaphore, #tpu.memory_space<semaphore_mem>>
    %dma_start3A_225 = tpu.memref_squeeze %dma_start3A_224 : memref<1x!tpu.dma_semaphore, #tpu.memory_space<semaphore_mem>> -> memref<!tpu.dma_semaphore, #tpu.memory_space<semaphore_mem>>
    tpu.enqueue_indirect_dma source(%dma_start3A_217 : memref<128x128xf32, #tpu.memory_space<vmem>>) target(%dma_start3A_223 : memref<10240x128xf32, #tpu.memory_space<vmem_shared>>) offsets(%dma_start3A_220 : memref<128xi32, #tpu.memory_space<vmem>>) semaphore(%dma_start3A_225 : memref<!tpu.dma_semaphore, #tpu.memory_space<semaphore_mem>>) {add = true}
    %dma_wait3A_226 = arith.constant 1 : i32
    %dma_wait3A_227 = arith.constant 1 : i32
    %dma_wait3A_228 = arith.constant 1 : i32
    %dma_wait3A_229 = arith.constant 0 : i32
    %dma_wait3A_230 = arith.constant 0 : i32
    %dma_wait3A_231 = tpu.memref_slice %arg9[%dma_wait3A_227, %dma_wait3A_229, %dma_wait3A_230] : memref<2x128x128xf32, #tpu.memory_space<vmem>> -> memref<1x128x128xf32, #tpu.memory_space<vmem>>
    %dma_wait3A_232 = tpu.memref_squeeze %dma_wait3A_231 : memref<1x128x128xf32, #tpu.memory_space<vmem>> -> memref<128x128xf32, #tpu.memory_space<vmem>>
    %dma_wait3A_233 = arith.constant 0 : i32
    %dma_wait3A_234 = tpu.memref_slice %arg7[%dma_wait3A_226, %dma_wait3A_233] : memref<4x128xi32, #tpu.memory_space<vmem>> -> memref<1x128xi32, #tpu.memory_space<vmem>>
    %dma_wait3A_235 = tpu.memref_squeeze %dma_wait3A_234 : memref<1x128xi32, #tpu.memory_space<vmem>> -> memref<128xi32, #tpu.memory_space<vmem>>
    %dma_wait3A_236 = arith.constant 0 : i32
    %dma_wait3A_237 = arith.constant 0 : i32
    %dma_wait3A_238 = tpu.memref_slice %arg2[%dma_wait3A_236, %dma_wait3A_237] : memref<10000x128xf32, #tpu.memory_space<hbm>> -> memref<10000x128xf32, #tpu.memory_space<hbm>>
    %dma_wait3A_239 = tpu.memref_slice %arg13[%dma_wait3A_228] : memref<2x!tpu.dma_semaphore, #tpu.memory_space<semaphore_mem>> -> memref<1x!tpu.dma_semaphore, #tpu.memory_space<semaphore_mem>>
    %dma_wait3A_240 = tpu.memref_squeeze %dma_wait3A_239 : memref<1x!tpu.dma_semaphore, #tpu.memory_space<semaphore_mem>> -> memref<!tpu.dma_semaphore, #tpu.memory_space<semaphore_mem>>
    tpu.wait_indirect_dma semaphore(%dma_wait3A_240 : memref<!tpu.dma_semaphore, #tpu.memory_space<semaphore_mem>>) src(%dma_wait3A_238 : memref<10000x128xf32, #tpu.memory_space<hbm>>) dst(%dma_wait3A_232 : memref<128x128xf32, #tpu.memory_space<vmem>>)
    %dma_wait3A_241 = arith.constant 0 : i32
    %dma_wait3A_242 = arith.constant 0 : i32
    %dma_wait3A_243 = arith.constant 0 : i32
    %dma_wait3A_244 = arith.constant 0 : i32
    %dma_wait3A_245 = arith.constant 0 : i32
    %dma_wait3A_246 = tpu.memref_slice %arg9[%dma_wait3A_241, %dma_wait3A_244, %dma_wait3A_245] : memref<2x128x128xf32, #tpu.memory_space<vmem>> -> memref<1x128x128xf32, #tpu.memory_space<vmem>>
    %dma_wait3A_247 = tpu.memref_squeeze %dma_wait3A_246 : memref<1x128x128xf32, #tpu.memory_space<vmem>> -> memref<128x128xf32, #tpu.memory_space<vmem>>
    %dma_wait3A_248 = arith.constant 0 : i32
    %dma_wait3A_249 = tpu.memref_slice %arg8[%dma_wait3A_242, %dma_wait3A_248] : memref<4x128xi32, #tpu.memory_space<vmem>> -> memref<1x128xi32, #tpu.memory_space<vmem>>
    %dma_wait3A_250 = tpu.memref_squeeze %dma_wait3A_249 : memref<1x128xi32, #tpu.memory_space<vmem>> -> memref<128xi32, #tpu.memory_space<vmem>>
    %dma_wait3A_251 = arith.constant 0 : i32
    %dma_wait3A_252 = arith.constant 0 : i32
    %dma_wait3A_253 = tpu.memref_slice %arg6[%dma_wait3A_251, %dma_wait3A_252] : memref<10240x128xf32, #tpu.memory_space<vmem_shared>> -> memref<10240x128xf32, #tpu.memory_space<vmem_shared>>
    %dma_wait3A_254 = tpu.memref_slice %arg15[%dma_wait3A_243] : memref<2x!tpu.dma_semaphore, #tpu.memory_space<semaphore_mem>> -> memref<1x!tpu.dma_semaphore, #tpu.memory_space<semaphore_mem>>
    %dma_wait3A_255 = tpu.memref_squeeze %dma_wait3A_254 : memref<1x!tpu.dma_semaphore, #tpu.memory_space<semaphore_mem>> -> memref<!tpu.dma_semaphore, #tpu.memory_space<semaphore_mem>>
    tpu.wait_indirect_dma semaphore(%dma_wait3A_255 : memref<!tpu.dma_semaphore, #tpu.memory_space<semaphore_mem>>) src(%dma_wait3A_247 : memref<128x128xf32, #tpu.memory_space<vmem>>) dst(%dma_wait3A_253 : memref<10240x128xf32, #tpu.memory_space<vmem_shared>>)
    %dma_start3A_256 = arith.constant 1 : i32
    %dma_start3A_257 = arith.constant 1 : i32
    %dma_start3A_258 = arith.constant 1 : i32
    %dma_start3A_259 = arith.constant 0 : i32
    %dma_start3A_260 = arith.constant 0 : i32
    %dma_start3A_261 = tpu.memref_slice %arg9[%dma_start3A_256, %dma_start3A_259, %dma_start3A_260] : memref<2x128x128xf32, #tpu.memory_space<vmem>> -> memref<1x128x128xf32, #tpu.memory_space<vmem>>
    %dma_start3A_262 = tpu.memref_squeeze %dma_start3A_261 : memref<1x128x128xf32, #tpu.memory_space<vmem>> -> memref<128x128xf32, #tpu.memory_space<vmem>>
    %dma_start3A_263 = arith.constant 0 : i32
    %dma_start3A_264 = tpu.memref_slice %arg8[%dma_start3A_257, %dma_start3A_263] : memref<4x128xi32, #tpu.memory_space<vmem>> -> memref<1x128xi32, #tpu.memory_space<vmem>>
    %dma_start3A_265 = tpu.memref_squeeze %dma_start3A_264 : memref<1x128xi32, #tpu.memory_space<vmem>> -> memref<128xi32, #tpu.memory_space<vmem>>
    %dma_start3A_266 = arith.constant 0 : i32
    %dma_start3A_267 = arith.constant 0 : i32
    %dma_start3A_268 = tpu.memref_slice %arg6[%dma_start3A_266, %dma_start3A_267] : memref<10240x128xf32, #tpu.memory_space<vmem_shared>> -> memref<10240x128xf32, #tpu.memory_space<vmem_shared>>
    %dma_start3A_269 = tpu.memref_slice %arg15[%dma_start3A_258] : memref<2x!tpu.dma_semaphore, #tpu.memory_space<semaphore_mem>> -> memref<1x!tpu.dma_semaphore, #tpu.memory_space<semaphore_mem>>
    %dma_start3A_270 = tpu.memref_squeeze %dma_start3A_269 : memref<1x!tpu.dma_semaphore, #tpu.memory_space<semaphore_mem>> -> memref<!tpu.dma_semaphore, #tpu.memory_space<semaphore_mem>>
    tpu.enqueue_indirect_dma source(%dma_start3A_262 : memref<128x128xf32, #tpu.memory_space<vmem>>) target(%dma_start3A_268 : memref<10240x128xf32, #tpu.memory_space<vmem_shared>>) offsets(%dma_start3A_265 : memref<128xi32, #tpu.memory_space<vmem>>) semaphore(%dma_start3A_270 : memref<!tpu.dma_semaphore, #tpu.memory_space<semaphore_mem>>) {add = true}
    %dma_wait3A_271 = arith.constant 1 : i32
    %dma_wait3A_272 = arith.constant 1 : i32
    %dma_wait3A_273 = arith.constant 1 : i32
    %dma_wait3A_274 = arith.constant 0 : i32
    %dma_wait3A_275 = arith.constant 0 : i32
    %dma_wait3A_276 = tpu.memref_slice %arg9[%dma_wait3A_271, %dma_wait3A_274, %dma_wait3A_275] : memref<2x128x128xf32, #tpu.memory_space<vmem>> -> memref<1x128x128xf32, #tpu.memory_space<vmem>>
    %dma_wait3A_277 = tpu.memref_squeeze %dma_wait3A_276 : memref<1x128x128xf32, #tpu.memory_space<vmem>> -> memref<128x128xf32, #tpu.memory_space<vmem>>
    %dma_wait3A_278 = arith.constant 0 : i32
    %dma_wait3A_279 = tpu.memref_slice %arg8[%dma_wait3A_272, %dma_wait3A_278] : memref<4x128xi32, #tpu.memory_space<vmem>> -> memref<1x128xi32, #tpu.memory_space<vmem>>
    %dma_wait3A_280 = tpu.memref_squeeze %dma_wait3A_279 : memref<1x128xi32, #tpu.memory_space<vmem>> -> memref<128xi32, #tpu.memory_space<vmem>>
    %dma_wait3A_281 = arith.constant 0 : i32
    %dma_wait3A_282 = arith.constant 0 : i32
    %dma_wait3A_283 = tpu.memref_slice %arg6[%dma_wait3A_281, %dma_wait3A_282] : memref<10240x128xf32, #tpu.memory_space<vmem_shared>> -> memref<10240x128xf32, #tpu.memory_space<vmem_shared>>
    %dma_wait3A_284 = tpu.memref_slice %arg15[%dma_wait3A_273] : memref<2x!tpu.dma_semaphore, #tpu.memory_space<semaphore_mem>> -> memref<1x!tpu.dma_semaphore, #tpu.memory_space<semaphore_mem>>
    %dma_wait3A_285 = tpu.memref_squeeze %dma_wait3A_284 : memref<1x!tpu.dma_semaphore, #tpu.memory_space<semaphore_mem>> -> memref<!tpu.dma_semaphore, #tpu.memory_space<semaphore_mem>>
    tpu.wait_indirect_dma semaphore(%dma_wait3A_285 : memref<!tpu.dma_semaphore, #tpu.memory_space<semaphore_mem>>) src(%dma_wait3A_277 : memref<128x128xf32, #tpu.memory_space<vmem>>) dst(%dma_wait3A_283 : memref<10240x128xf32, #tpu.memory_space<vmem_shared>>)
    %add3A_286 = arith.constant 9984 : i32
    %add3A_287 = arith.addi %mul3A_2, %add3A_286 : i32
    %dma_wait3A_288 = arith.constant 0 : i32
    %dma_wait3A_289 = arith.constant 0 : i32
    %dma_wait3A_290 = tpu.memref_slice %arg10[%dma_wait3A_288, %dma_wait3A_289] : memref<1x16xi32, #tpu.memory_space<vmem>> -> memref<1x16xi32, #tpu.memory_space<vmem>>
    %dma_wait3A_291 = tpu.memref_squeeze %dma_wait3A_290 : memref<1x16xi32, #tpu.memory_space<vmem>> -> memref<16xi32, #tpu.memory_space<vmem>>
    %dma_wait3A_292 = tpu.memref_slice %arg3[%add3A_287] : memref<640000xi32, #tpu.memory_space<hbm>> -> memref<16xi32, #tpu.memory_space<hbm>>
    %dma_wait3A_293 = arith.constant 0 : i32
    %dma_wait3A_294 = tpu.memref_slice %arg10[%dma_wait3A_288, %dma_wait3A_293] : memref<1x16xi32, #tpu.memory_space<vmem>> -> memref<1x16xi32, #tpu.memory_space<vmem>>
    %dma_wait3A_295 = tpu.memref_squeeze %dma_wait3A_294 : memref<1x16xi32, #tpu.memory_space<vmem>> -> memref<16xi32, #tpu.memory_space<vmem>>
    %dma_wait3A_296 = tpu.memref_slice %arg3[%add3A_287] : memref<640000xi32, #tpu.memory_space<hbm>> -> memref<16xi32, #tpu.memory_space<hbm>>
    tpu.wait_dma2 semaphore(%arg16 : memref<!tpu.dma_semaphore, #tpu.memory_space<semaphore_mem>>) src(%dma_wait3A_296 : memref<16xi32, #tpu.memory_space<hbm>>) dst(%dma_wait3A_295 : memref<16xi32, #tpu.memory_space<vmem>>)
    %add3A_297 = arith.constant 320000 : i32
    %add3A_298 = arith.addi %add3A_297, %mul3A_2 : i32
    %add3A_299 = arith.constant 9984 : i32
    %add3A_300 = arith.addi %add3A_298, %add3A_299 : i32
    %dma_wait3A_301 = arith.constant 0 : i32
    %dma_wait3A_302 = arith.constant 0 : i32
    %dma_wait3A_303 = tpu.memref_slice %arg11[%dma_wait3A_301, %dma_wait3A_302] : memref<1x16xi32, #tpu.memory_space<vmem>> -> memref<1x16xi32, #tpu.memory_space<vmem>>
    %dma_wait3A_304 = tpu.memref_squeeze %dma_wait3A_303 : memref<1x16xi32, #tpu.memory_space<vmem>> -> memref<16xi32, #tpu.memory_space<vmem>>
    %dma_wait3A_305 = tpu.memref_slice %arg3[%add3A_300] : memref<640000xi32, #tpu.memory_space<hbm>> -> memref<16xi32, #tpu.memory_space<hbm>>
    %dma_wait3A_306 = arith.constant 0 : i32
    %dma_wait3A_307 = tpu.memref_slice %arg11[%dma_wait3A_301, %dma_wait3A_306] : memref<1x16xi32, #tpu.memory_space<vmem>> -> memref<1x16xi32, #tpu.memory_space<vmem>>
    %dma_wait3A_308 = tpu.memref_squeeze %dma_wait3A_307 : memref<1x16xi32, #tpu.memory_space<vmem>> -> memref<16xi32, #tpu.memory_space<vmem>>
    %dma_wait3A_309 = tpu.memref_slice %arg3[%add3A_300] : memref<640000xi32, #tpu.memory_space<hbm>> -> memref<16xi32, #tpu.memory_space<hbm>>
    tpu.wait_dma2 semaphore(%arg16 : memref<!tpu.dma_semaphore, #tpu.memory_space<semaphore_mem>>) src(%dma_wait3A_309 : memref<16xi32, #tpu.memory_space<hbm>>) dst(%dma_wait3A_308 : memref<16xi32, #tpu.memory_space<vmem>>)
    %run_scoped3A = arith.constant 0 : i32
    "tpu.region"() ({
      %run_scoped3A_316 = tpu.sem_alloc : memref<!tpu.dma_semaphore, #tpu.memory_space<semaphore_mem>>
      %dma_start3A_317 = arith.constant 0 : i32
      %dma_start3A_318 = tpu.memref_slice %arg10[%run_scoped3A, %dma_start3A_317] : memref<1x16xi32, #tpu.memory_space<vmem>> -> memref<1x16xi32, #tpu.memory_space<vmem>>
      %dma_start3A_319 = tpu.memref_squeeze %dma_start3A_318 : memref<1x16xi32, #tpu.memory_space<vmem>> -> memref<16xi32, #tpu.memory_space<vmem>>
      %dma_start3A_320 = arith.constant 0 : i32
      %dma_start3A_321 = arith.constant 0 : i32
      %dma_start3A_322 = tpu.memref_slice %arg2[%dma_start3A_320, %dma_start3A_321] : memref<10000x128xf32, #tpu.memory_space<hbm>> -> memref<10000x128xf32, #tpu.memory_space<hbm>>
      tpu.enqueue_indirect_dma source(%dma_start3A_322 : memref<10000x128xf32, #tpu.memory_space<hbm>>) target(%arg12 : memref<16x128xf32, #tpu.memory_space<vmem>>) offsets(%dma_start3A_319 : memref<16xi32, #tpu.memory_space<vmem>>) semaphore(%run_scoped3A_316 : memref<!tpu.dma_semaphore, #tpu.memory_space<semaphore_mem>>)
      %dma_wait3A_323 = arith.constant 0 : i32
      %dma_wait3A_324 = tpu.memref_slice %arg10[%run_scoped3A, %dma_wait3A_323] : memref<1x16xi32, #tpu.memory_space<vmem>> -> memref<1x16xi32, #tpu.memory_space<vmem>>
      %dma_wait3A_325 = tpu.memref_squeeze %dma_wait3A_324 : memref<1x16xi32, #tpu.memory_space<vmem>> -> memref<16xi32, #tpu.memory_space<vmem>>
      %dma_wait3A_326 = arith.constant 0 : i32
      %dma_wait3A_327 = arith.constant 0 : i32
      %dma_wait3A_328 = tpu.memref_slice %arg2[%dma_wait3A_326, %dma_wait3A_327] : memref<10000x128xf32, #tpu.memory_space<hbm>> -> memref<10000x128xf32, #tpu.memory_space<hbm>>
      tpu.wait_indirect_dma semaphore(%run_scoped3A_316 : memref<!tpu.dma_semaphore, #tpu.memory_space<semaphore_mem>>) src(%dma_wait3A_328 : memref<10000x128xf32, #tpu.memory_space<hbm>>) dst(%arg12 : memref<16x128xf32, #tpu.memory_space<vmem>>)
      tpu.yield
    }) : () -> ()
    %run_scoped3A_310 = arith.constant 0 : i32
    "tpu.region"() ({
      %run_scoped3A_316 = tpu.sem_alloc : memref<!tpu.dma_semaphore, #tpu.memory_space<semaphore_mem>>
      %dma_start3A_317 = arith.constant 0 : i32
      %dma_start3A_318 = tpu.memref_slice %arg11[%run_scoped3A_310, %dma_start3A_317] : memref<1x16xi32, #tpu.memory_space<vmem>> -> memref<1x16xi32, #tpu.memory_space<vmem>>
      %dma_start3A_319 = tpu.memref_squeeze %dma_start3A_318 : memref<1x16xi32, #tpu.memory_space<vmem>> -> memref<16xi32, #tpu.memory_space<vmem>>
      %dma_start3A_320 = arith.constant 0 : i32
      %dma_start3A_321 = arith.constant 0 : i32
      %dma_start3A_322 = tpu.memref_slice %arg6[%dma_start3A_320, %dma_start3A_321] : memref<10240x128xf32, #tpu.memory_space<vmem_shared>> -> memref<10240x128xf32, #tpu.memory_space<vmem_shared>>
      tpu.enqueue_indirect_dma source(%arg12 : memref<16x128xf32, #tpu.memory_space<vmem>>) target(%dma_start3A_322 : memref<10240x128xf32, #tpu.memory_space<vmem_shared>>) offsets(%dma_start3A_319 : memref<16xi32, #tpu.memory_space<vmem>>) semaphore(%run_scoped3A_316 : memref<!tpu.dma_semaphore, #tpu.memory_space<semaphore_mem>>) {add = true}
      %dma_wait3A_323 = arith.constant 0 : i32
      %dma_wait3A_324 = tpu.memref_slice %arg11[%run_scoped3A_310, %dma_wait3A_323] : memref<1x16xi32, #tpu.memory_space<vmem>> -> memref<1x16xi32, #tpu.memory_space<vmem>>
      %dma_wait3A_325 = tpu.memref_squeeze %dma_wait3A_324 : memref<1x16xi32, #tpu.memory_space<vmem>> -> memref<16xi32, #tpu.memory_space<vmem>>
      %dma_wait3A_326 = arith.constant 0 : i32
      %dma_wait3A_327 = arith.constant 0 : i32
      %dma_wait3A_328 = tpu.memref_slice %arg6[%dma_wait3A_326, %dma_wait3A_327] : memref<10240x128xf32, #tpu.memory_space<vmem_shared>> -> memref<10240x128xf32, #tpu.memory_space<vmem_shared>>
      tpu.wait_indirect_dma semaphore(%run_scoped3A_316 : memref<!tpu.dma_semaphore, #tpu.memory_space<semaphore_mem>>) src(%arg12 : memref<16x128xf32, #tpu.memory_space<vmem>>) dst(%dma_wait3A_328 : memref<10240x128xf32, #tpu.memory_space<vmem_shared>>)
      tpu.yield
    }) : () -> ()
    %barrier3A_311 = arith.constant 0 : index
    tpu.barrier barrier_id(%barrier3A_311)
    %mul3A_312 = arith.constant 640 : i32
    %mul3A_313 = arith.muli %arg1, %mul3A_312 : i32
    %mul3A_314 = arith.constant 640 : i32
    %mul3A_315 = arith.muli %arg1, %mul3A_314 : i32
    "tpu.region"() ({
      %run_scoped3A_316 = tpu.sem_alloc : memref<!tpu.dma_semaphore, #tpu.memory_space<semaphore_mem>>
      %dma_start3A_317 = arith.constant 0 : i32
      %dma_start3A_318 = tpu.memref_slice %arg5[%arg0, %mul3A_315, %dma_start3A_317] : memref<2x10240x128xf32, #tpu.memory_space<hbm>> -> memref<1x640x128xf32, #tpu.memory_space<hbm>>
      %dma_start3A_319 = tpu.memref_squeeze %dma_start3A_318 : memref<1x640x128xf32, #tpu.memory_space<hbm>> -> memref<640x128xf32, #tpu.memory_space<hbm>>
      %dma_start3A_320 = arith.constant 0 : i32
      %dma_start3A_321 = tpu.memref_slice %arg6[%mul3A_313, %dma_start3A_320] : memref<10240x128xf32, #tpu.memory_space<vmem_shared>> -> memref<640x128xf32, #tpu.memory_space<vmem_shared>>
      tpu.enqueue_dma source(%dma_start3A_321 : memref<640x128xf32, #tpu.memory_space<vmem_shared>>) target(%dma_start3A_319 : memref<640x128xf32, #tpu.memory_space<hbm>>) target_semaphore(%run_scoped3A_316 : memref<!tpu.dma_semaphore, #tpu.memory_space<semaphore_mem>>)
      %dma_wait3A_322 = arith.constant 0 : i32
      %dma_wait3A_323 = tpu.memref_slice %arg5[%arg0, %mul3A_315, %dma_wait3A_322] : memref<2x10240x128xf32, #tpu.memory_space<hbm>> -> memref<1x640x128xf32, #tpu.memory_space<hbm>>
      %dma_wait3A_324 = tpu.memref_squeeze %dma_wait3A_323 : memref<1x640x128xf32, #tpu.memory_space<hbm>> -> memref<640x128xf32, #tpu.memory_space<hbm>>
      %dma_wait3A_325 = arith.constant 0 : i32
      %dma_wait3A_326 = tpu.memref_slice %arg6[%mul3A_313, %dma_wait3A_325] : memref<10240x128xf32, #tpu.memory_space<vmem_shared>> -> memref<640x128xf32, #tpu.memory_space<vmem_shared>>
      tpu.wait_dma2 semaphore(%run_scoped3A_316 : memref<!tpu.dma_semaphore, #tpu.memory_space<semaphore_mem>>) src(%dma_wait3A_326 : memref<640x128xf32, #tpu.memory_space<vmem_shared>>) dst(%dma_wait3A_324 : memref<640x128xf32, #tpu.memory_space<hbm>>)
      tpu.yield
    }) : () -> ()
    return
  }
}

module attributes {stable_mosaic.version = 14 : i64} {
  func.func @_stage1_body(%arg0: memref<32x1x10000xf32, #tpu.memory_space<vmem>>, %arg1: memref<10000x128xf32, #tpu.memory_space<vmem>>, %arg2: memref<128x128xf32, #tpu.memory_space<vmem>>, %arg3: memref<10000x128xf32, #tpu.memory_space<vmem>>, %arg4: memref<10000x128xf32, #tpu.memory_space<vmem>>) attributes {dimension_semantics = [], scalar_prefetch = 0 : i64, scratch_operands = 0 : i64, tpu.core_type = #tpu.core_type<tc>} {
    %get3A = arith.constant 0 : index
    %get3A_0 = arith.constant 0 : index
    %get3A_1 = arith.constant 0 : index
    %get3A_2 = vector.load %arg0[%get3A, %get3A_0, %get3A_1] : memref<32x1x10000xf32, #tpu.memory_space<vmem>>, vector<32x1x10000xf32>
    %reduce_sum3A = arith.constant dense<0.000000e+00> : vector<1x10000xf32>
    %reduce_sum3A_3 = vector.multi_reduction <add>, %get3A_2, %reduce_sum3A [0] : vector<32x1x10000xf32> to vector<1x10000xf32>
    %add3A = arith.constant 1.000000e+00 : f32
    %add3A_4 = vector.broadcast %add3A : f32 to vector<1x10000xf32>
    %add3A_5 = arith.addf %reduce_sum3A_3, %add3A_4 : vector<1x10000xf32>
    %rsqrt3A = math.rsqrt %add3A_5 : vector<1x10000xf32>
    %transpose3A = tpu.transpose %rsqrt3A, [1, 0] : vector<1x10000xf32> -> vector<10000x1xf32>
    %broadcast_in_dim3A = vector.shape_cast %transpose3A : vector<10000x1xf32> to vector<10000x1xf32>
    %broadcast_in_dim3A_6 = vector.broadcast %broadcast_in_dim3A : vector<10000x1xf32> to vector<10000x128xf32>
    %swap3A = arith.constant 0 : index
    %swap3A_7 = arith.constant 0 : index
    %swap3A_8 = vector.load %arg4[%swap3A, %swap3A_7] : memref<10000x128xf32, #tpu.memory_space<vmem>>, vector<10000x128xf32>
    tpu.vector_store %arg4[%swap3A, %swap3A_7], %broadcast_in_dim3A_6 {strides = array<i32>} : memref<10000x128xf32, #tpu.memory_space<vmem>>, vector<10000x128xf32>,
    %get3A_9 = arith.constant 0 : index
    %get3A_10 = arith.constant 0 : index
    %get3A_11 = vector.load %arg1[%get3A_9, %get3A_10] : memref<10000x128xf32, #tpu.memory_space<vmem>>, vector<10000x128xf32>
    %get3A_12 = arith.constant 0 : index
    %get3A_13 = arith.constant 0 : index
    %get3A_14 = vector.load %arg2[%get3A_12, %get3A_13] : memref<128x128xf32, #tpu.memory_space<vmem>>, vector<128x128xf32>
    %dot_general3A = arith.constant dense<0.000000e+00> : vector<10000x128xf32>
    %dot_general3A_15 = tpu.matmul %get3A_11, %get3A_14, %dot_general3A {dimension_numbers = #tpu.dot_dimension_numbers<[1], [0], [0], [1], [0, 0, 1, 1], [], []>, transpose_lhs_hint = false} : vector<10000x128xf32>, vector<128x128xf32>, vector<10000x128xf32> -> vector<10000x128xf32>
    %mul3A = arith.mulf %dot_general3A_15, %broadcast_in_dim3A_6 : vector<10000x128xf32>
    %swap3A_16 = arith.constant 0 : index
    %swap3A_17 = arith.constant 0 : index
    %swap3A_18 = vector.load %arg3[%swap3A_16, %swap3A_17] : memref<10000x128xf32, #tpu.memory_space<vmem>>, vector<10000x128xf32>
    tpu.vector_store %arg3[%swap3A_16, %swap3A_17], %mul3A {strides = array<i32>} : memref<10000x128xf32, #tpu.memory_space<vmem>>, vector<10000x128xf32>,
    return
  }
}

module attributes {stable_mosaic.version = 14 : i64} {
  func.func @_stage2_body(%arg0: memref<2x10240x128xf32, #tpu.memory_space<vmem>>, %arg1: memref<10000x128xf32, #tpu.memory_space<vmem>>, %arg2: memref<10000x128xf32, #tpu.memory_space<vmem>>, %arg3: memref<128x128xf32, #tpu.memory_space<vmem>>, %arg4: memref<1x128xf32, #tpu.memory_space<vmem>>, %arg5: memref<1xf32, #tpu.memory_space<smem>>, %arg6: memref<10000x128xf32, #tpu.memory_space<vmem>>) attributes {dimension_semantics = [], scalar_prefetch = 0 : i64, scratch_operands = 0 : i64, tpu.core_type = #tpu.core_type<tc>} {
    %get3A = arith.constant 0 : index
    %get3A_0 = arith.constant 0 : index
    %get3A_1 = arith.constant 0 : index
    %get3A_2 = vector.load %arg0[%get3A, %get3A_0, %get3A_1] : memref<2x10240x128xf32, #tpu.memory_space<vmem>>, vector<1x10000x128xf32>
    %get3A_3 = vector.shape_cast %get3A_2 : vector<1x10000x128xf32> to vector<10000x128xf32>
    %get3A_4 = arith.constant 1 : index
    %get3A_5 = arith.constant 0 : index
    %get3A_6 = arith.constant 0 : index
    %get3A_7 = vector.load %arg0[%get3A_4, %get3A_5, %get3A_6] : memref<2x10240x128xf32, #tpu.memory_space<vmem>>, vector<1x10000x128xf32>
    %get3A_8 = vector.shape_cast %get3A_7 : vector<1x10000x128xf32> to vector<10000x128xf32>
    %add3A = arith.addf %get3A_3, %get3A_8 : vector<10000x128xf32>
    %get3A_9 = arith.constant 0 : index
    %get3A_10 = arith.constant 0 : index
    %get3A_11 = vector.load %arg1[%get3A_9, %get3A_10] : memref<10000x128xf32, #tpu.memory_space<vmem>>, vector<10000x128xf32>
    %add3A_12 = arith.addf %add3A, %get3A_11 : vector<10000x128xf32>
    %get3A_13 = arith.constant 0 : index
    %get3A_14 = arith.constant 0 : index
    %get3A_15 = vector.load %arg2[%get3A_13, %get3A_14] : memref<10000x128xf32, #tpu.memory_space<vmem>>, vector<10000x128xf32>
    %mul3A = arith.mulf %add3A_12, %get3A_15 : vector<10000x128xf32>
    %get3A_16 = arith.constant 0 : index
    %get3A_17 = arith.constant 0 : index
    %get3A_18 = vector.load %arg4[%get3A_16, %get3A_17] : memref<1x128xf32, #tpu.memory_space<vmem>>, vector<1x128xf32>
    %add3A_19 = vector.broadcast %get3A_18 : vector<1x128xf32> to vector<10000x128xf32>
    %add3A_20 = arith.addf %mul3A, %add3A_19 : vector<10000x128xf32>
    %ge3A = arith.constant 0.000000e+00 : f32
    %ge3A_21 = vector.broadcast %ge3A : f32 to vector<10000x128xf32>
    %ge3A_22 = arith.cmpf oge, %add3A_20, %ge3A_21 : vector<10000x128xf32>
    %get3A_23 = arith.constant 0 : index
    %get3A_24 = memref.load %arg5[%get3A_23] : memref<1xf32, #tpu.memory_space<smem>>
    %mul3A_25 = vector.broadcast %get3A_24 : f32 to vector<10000x128xf32>
    %mul3A_26 = arith.mulf %mul3A_25, %add3A_20 : vector<10000x128xf32>
    %select_n3A = arith.select %ge3A_22, %add3A_20, %mul3A_26 : vector<10000x128xi1>, vector<10000x128xf32>
    %get3A_27 = arith.constant 0 : index
    %get3A_28 = arith.constant 0 : index
    %get3A_29 = vector.load %arg3[%get3A_27, %get3A_28] : memref<128x128xf32, #tpu.memory_space<vmem>>, vector<128x128xf32>
    %dot_general3A = arith.constant dense<0.000000e+00> : vector<10000x128xf32>
    %dot_general3A_30 = tpu.matmul %select_n3A, %get3A_29, %dot_general3A {dimension_numbers = #tpu.dot_dimension_numbers<[1], [0], [0], [1], [0, 0, 1, 1], [], []>, transpose_lhs_hint = false} : vector<10000x128xf32>, vector<128x128xf32>, vector<10000x128xf32> -> vector<10000x128xf32>
    %get3A_31 = arith.constant 0 : index
    %get3A_32 = arith.constant 0 : index
    %get3A_33 = vector.load %arg2[%get3A_31, %get3A_32] : memref<10000x128xf32, #tpu.memory_space<vmem>>, vector<10000x128xf32>
    %mul3A_34 = arith.mulf %dot_general3A_30, %get3A_33 : vector<10000x128xf32>
    %swap3A = arith.constant 0 : index
    %swap3A_35 = arith.constant 0 : index
    %swap3A_36 = vector.load %arg6[%swap3A, %swap3A_35] : memref<10000x128xf32, #tpu.memory_space<vmem>>, vector<10000x128xf32>
    tpu.vector_store %arg6[%swap3A, %swap3A_35], %mul3A_34 {strides = array<i32>} : memref<10000x128xf32, #tpu.memory_space<vmem>>, vector<10000x128xf32>,
    return
  }
}

module attributes {stable_mosaic.version = 14 : i64} {
  func.func @_stage3_body(%arg0: memref<2x10240x128xf32, #tpu.memory_space<vmem>>, %arg1: memref<10000x128xf32, #tpu.memory_space<vmem>>, %arg2: memref<10000x128xf32, #tpu.memory_space<vmem>>, %arg3: memref<1x128xf32, #tpu.memory_space<vmem>>, %arg4: memref<10000x128xf32, #tpu.memory_space<vmem>>) attributes {dimension_semantics = [], scalar_prefetch = 0 : i64, scratch_operands = 0 : i64, tpu.core_type = #tpu.core_type<tc>} {
    %get3A = arith.constant 0 : index
    %get3A_0 = arith.constant 0 : index
    %get3A_1 = arith.constant 0 : index
    %get3A_2 = vector.load %arg0[%get3A, %get3A_0, %get3A_1] : memref<2x10240x128xf32, #tpu.memory_space<vmem>>, vector<1x10000x128xf32>
    %get3A_3 = vector.shape_cast %get3A_2 : vector<1x10000x128xf32> to vector<10000x128xf32>
    %get3A_4 = arith.constant 1 : index
    %get3A_5 = arith.constant 0 : index
    %get3A_6 = arith.constant 0 : index
    %get3A_7 = vector.load %arg0[%get3A_4, %get3A_5, %get3A_6] : memref<2x10240x128xf32, #tpu.memory_space<vmem>>, vector<1x10000x128xf32>
    %get3A_8 = vector.shape_cast %get3A_7 : vector<1x10000x128xf32> to vector<10000x128xf32>
    %add3A = arith.addf %get3A_3, %get3A_8 : vector<10000x128xf32>
    %get3A_9 = arith.constant 0 : index
    %get3A_10 = arith.constant 0 : index
    %get3A_11 = vector.load %arg1[%get3A_9, %get3A_10] : memref<10000x128xf32, #tpu.memory_space<vmem>>, vector<10000x128xf32>
    %add3A_12 = arith.addf %add3A, %get3A_11 : vector<10000x128xf32>
    %get3A_13 = arith.constant 0 : index
    %get3A_14 = arith.constant 0 : index
    %get3A_15 = vector.load %arg2[%get3A_13, %get3A_14] : memref<10000x128xf32, #tpu.memory_space<vmem>>, vector<10000x128xf32>
    %mul3A = arith.mulf %add3A_12, %get3A_15 : vector<10000x128xf32>
    %get3A_16 = arith.constant 0 : index
    %get3A_17 = arith.constant 0 : index
    %get3A_18 = vector.load %arg3[%get3A_16, %get3A_17] : memref<1x128xf32, #tpu.memory_space<vmem>>, vector<1x128xf32>
    %add3A_19 = vector.broadcast %get3A_18 : vector<1x128xf32> to vector<10000x128xf32>
    %add3A_20 = arith.addf %mul3A, %add3A_19 : vector<10000x128xf32>
    %swap3A = arith.constant 0 : index
    %swap3A_21 = arith.constant 0 : index
    %swap3A_22 = vector.load %arg4[%swap3A, %swap3A_21] : memref<10000x128xf32, #tpu.memory_space<vmem>>, vector<10000x128xf32>
    tpu.vector_store %arg4[%swap3A, %swap3A_21], %add3A_20 {strides = array<i32>} : memref<10000x128xf32, #tpu.memory_space<vmem>>, vector<10000x128xf32>,
    return
  }
}

</mosaic_0001>

<sc_bundles>
// kernel: kernel.11.cloned.1.call-start
scs
__scs_entry_jumppad:
0x0: {  	(pc) =	sbr.rel $0x88, $3  }
0x1: {  	(tag) =	ssettag $0x0;
	lr =	simm.s32 $0x1  }
0x2: {  	[smem:$0x3F9A] =	sst lr;
	_ =	strace $0xD0000000  }
0x3: {  	_ = 	snop  }
0x4: {  	_ = 	snop  }
0x5: {  	_ = 	snop  }
0x6: {  	_ = 	snop  }
0x7: {  	_ = 	snop  }
__scs_overlays_trampoline_lowered:
0x8: {  	[smem:$0x3FA9] =	sst s0  }
0x9: {  	[smem:$0x3FAA] =	sst s1  }
0xa: {  	[smem:$0x3FAB] =	sst s2  }
0xb: {  	[smem:$0x3FAC] =	sst s3  }
0xc: {  	[smem:$0x3FAD] =	sst s4  }
0xd: {  	[smem:$0x3FAE] =	sst s5  }
0xe: {  	[smem:$0x3FAF] =	sst s6  }
0xf: {  	[smem:$0x3FB0] =	sst s7  }
0x10: {  	[smem:$0x3FB1] =	sst s8  }
0x11: {  	[smem:$0x3FB2] =	sst s9;
	s0 =	simm.s32 @!p0 $0x0  }
0x12: {  	s1 =	sld [smem:$0x3F98];
	s0 =	simm.s32 @p0 $0x1  }
0x13: {  	[smem:$0x3FB3] =	sst s0;
	s0 =	simm.s32 @!p1 $0x0  }
0x14: {  	s2 =	sld [smem:$0x3F97];
	s0 =	simm.s32 @p1 $0x1  }
0x15: {  	[smem:$0x3FB4] =	sst s0;
	s0 =	simm.s32 @!p2 $0x0  }
0x16: {  	s3 =	sld [smem:$0x3FDB];
	s0 =	simm.s32 @p2 $0x1  }
0x17: {  	s4 =	simm.s32 $0x1BF5;
	[smem:$0x3FB6] =	sst s0  }
0x18: {  	s0 =	sld [smem:$0x3F99];
	_ =	swait.ge [sflag:s4], $0x0  }
0x19: {  	s7 =	sld [smem:$0x3F9A]  }
0x1a: {  	s8 =	sadd.s32 $0xFFFFE003, lr  }
0x1b: {  	s9 =	sadd.s32 $0xFFFFFEF7, lr;
	s5 =	simm.s32 $0xFFFFFFFF;
	p2 =	slt.u32 s8, $0xFFFFF086  }
0x1c: {  	p1 =	slt.u32 s9, $0xF7A;
	s5 =	simm.s32 @!p2 $0x0  }
0x1d: {  	s5 =	simm.s32 @p1 $0x1;
	p0 =	seq.s32 s7, s2  }
0x1e: {  	s7 =	smul.u32 @!p0 $0xF7A, s2;
	p2 =	seq.s32 @!p0 s5, $0x0  }
0x1f: {  	s9 =	smul.u32 $0xF7A, s1;
	s8 =	simm.s32 @!p0 $0x1BF5;
	p2 =	por !p2, p0  }
0x20: {  	[sflag:s8] =	ssyncset.s32 @!p0 $0xFFFFF086;
	s6 =	sadd.s32 @!p0 s3, s7;
	s7 =	simm.s32 @!p0 $0x108  }
0x21: {  	s3 =	sadd.s32 s3, s9;
	s6 =	sadd.s32 @!p0 $0x88, s6;
	s7 =	simm.s32 @p2 $0x1082  }
0x22: {  	[simem:s7], [sflag:s8] =	dma.local @!p0 [hbm:s6], $0xF7A  }
0x23: {  	s9 =	sor.u32 $0xD0000000, s2;
	s6 =	simm.s32 $0x108;
	_ =	swait.ge @!p0 [sflag:s8], $0x0  }
0x24: {  	s3 =	sadd.s32 $0x88, s3;
	s6 =	simm.s32 @!p1 $0x1082;
	[sflag:s4] =	ssyncset.s32 $0xFFFFF086  }
0x25: {  	[simem:s6], [sflag:s4] =	dma.local [hbm:s3], $0xF7A  }
0x26: {  	[smem:$0x3F9A] =	sst s1;
	(tag) =	ssettag s2;
	_ =	strace s9  }
0x27: {  	s1 =	sld [smem:$0x3FAA]  }
0x28: {  	s2 =	sld [smem:$0x3FAB]  }
0x29: {  	s4 =	sld [smem:$0x3FAD]  }
0x2a: {  	p0 =	seq.s32 s5, $0x0;
	s5 =	sld [smem:$0x3FAE]  }
0x2b: {  	s6 =	sld [smem:$0x3FAF]  }
0x2c: {  	s7 =	sld [smem:$0x3FB0]  }
0x2d: {  	s3 =	simm.s32 $0x108;
	s8 =	sld [smem:$0x3FB1]  }
0x2e: {  	s3 =	simm.s32 @!p0 $0x1082;
	s9 =	sld [smem:$0x3FB2]  }
0x2f: {  	lr =	sadd.s32 s0, s3;
	s0 =	sld [smem:$0x3FA9]  }
0x30: {  	s3 =	sld [smem:$0x3FAC]  }
0x31: {  	[smem:$0x3FB5] =	sst s10  }
0x32: {  	s10 =	sld [smem:$0x3FB3];
	_ =	sdelay $0x3  }
0x33: {  	p0 =	seq.s32 s10, $0x1;
	s10 =	sld [smem:$0x3FB5];
	_ =	sdelay $0x3  }
0x34: {  	[smem:$0x3FB5] =	sst s10  }
0x35: {  	s10 =	sld [smem:$0x3FB4];
	_ =	sdelay $0x3  }
0x36: {  	p1 =	seq.s32 s10, $0x1;
	s10 =	sld [smem:$0x3FB5];
	_ =	sdelay $0x3  }
0x37: {  	[smem:$0x3FB5] =	sst s10  }
0x38: {  	s10 =	sld [smem:$0x3FB6]  }
0x39: {  	_ = 	snop;
	(pc) =	sbr.ind lr, $3  }
0x3a: {  	_ = 	snop  }
0x3b: {  	_ = 	snop  }
0x3c: {  	p2 =	seq.s32 s10, $0x1;
	s10 =	sld [smem:$0x3FB5]  }
0x3d: {  	_ =	shalt  }
0x3e: {  	_ =	shalt  }
0x3f: {  	_ =	shalt  }
0x40: {  	_ =	shalt  }
0x41: {  	_ =	shalt  }
0x42: {  	_ =	shalt  }
0x43: {  	_ =	shalt  }
0x44: {  	_ =	shalt  }
0x45: {  	_ =	shalt  }
0x46: {  	_ =	shalt  }
0x47: {  	_ =	shalt  }
0x48: {  	_ =	shalt  }
0x49: {  	_ =	shalt  }
0x4a: {  	_ =	shalt  }
0x4b: {  	_ =	shalt  }
0x4c: {  	_ =	shalt  }
0x4d: {  	_ =	shalt  }
0x4e: {  	_ =	shalt  }
0x4f: {  	_ =	shalt  }
0x50: {  	_ =	shalt  }
0x51: {  	_ =	shalt  }
0x52: {  	_ =	shalt  }
0x53: {  	_ =	shalt  }
0x54: {  	_ =	shalt  }
0x55: {  	_ =	shalt  }
0x56: {  	_ =	shalt  }
0x57: {  	_ =	shalt  }
0x58: {  	_ =	shalt  }
0x59: {  	_ =	shalt  }
0x5a: {  	_ =	shalt  }
0x5b: {  	_ =	shalt  }
0x5c: {  	_ =	shalt  }
0x5d: {  	_ =	shalt  }
0x5e: {  	_ =	shalt  }
0x5f: {  	_ =	shalt  }
0x60: {  	_ =	shalt  }
0x61: {  	_ =	shalt  }
0x62: {  	_ =	shalt  }
0x63: {  	_ =	shalt  }
0x64: {  	_ =	shalt  }
0x65: {  	_ =	shalt  }
0x66: {  	_ =	shalt  }
0x67: {  	_ =	shalt  }
0x68: {  	_ =	shalt  }
0x69: {  	_ =	shalt  }
0x6a: {  	_ =	shalt  }
0x6b: {  	_ =	shalt  }
0x6c: {  	_ =	shalt  }
0x6d: {  	_ =	shalt  }
0x6e: {  	_ =	shalt  }
0x6f: {  	_ =	shalt  }
0x70: {  	_ =	shalt  }
0x71: {  	_ =	shalt  }
0x72: {  	_ =	shalt  }
0x73: {  	_ =	shalt  }
0x74: {  	_ =	shalt  }
0x75: {  	_ =	shalt  }
0x76: {  	_ =	shalt  }
0x77: {  	_ =	shalt  }
0x78: {  	_ =	shalt  }
0x79: {  	_ =	shalt  }
0x7a: {  	_ =	shalt  }
0x7b: {  	_ =	shalt  }
0x7c: {  	_ =	shalt  }
0x7d: {  	_ =	shalt  }
0x7e: {  	_ =	shalt  }
0x7f: {  	_ =	shalt  }
0x80: {  	_ =	shalt  }
0x81: {  	_ =	shalt  }
0x82: {  	_ =	shalt  }
0x83: {  	_ =	shalt  }
0x84: {  	_ =	shalt  }
0x85: {  	_ =	shalt  }
0x86: {  	_ =	shalt  }
0x87: {  	_ =	shalt  }
.Lfunc_end0:
.L_simem_size_0:
called_computation.1_lowered:
.L_overlay_start_0:
0x88: {  	s2 =	sld [smem:$0x3FD9]  }
0x89: {  	s3 =	sld [smem:$0x3FFE];
	_ =	sdelay $0x1  }
0x8a: {  	s1 =	srdreg.scid  }
0x8b: {  	s0 =	sand.u32 $0x1, s1  }
0x8c: {  	s17 =	sshll.u32 s0, $0xA;
	s2 =	sadd.s32 s3, s2  }
0x8d: {  	s2 =	sadd.s32 s2, s17  }
0x8e: {  	[smem:$0x3FC1] =	sst s2  }
0x8f: {  	_ = 	snop  }
0x90: {  	s2 =	sld [smem:$0x3FD0];
	(tm) =	ssettm $0x1  }
0x91: {  	s18 =	sld [smem:$0x3FFB];
	_ =	sdelay $0x3  }
0x92: {  	_ =	strace s18  }
0x93: {  	s3 =	sld [smem:$0x3FFC];
	_ =	sdelay $0x3  }
0x94: {  	_ =	strace s3  }
0x95: {  	s3 =	sld [smem:$0x3FFD];
	_ =	sdelay $0x3  }
0x96: {  	_ =	strace s3  }
0x97: {  	_ =	strace $0x8FFFFFFF  }
0x98: {  	s19 =	sld [smem:$0x3FDB];
	_ =	sdelay $0x1  }
0x99: {  	s4 =	simm.s32 $_scs_section_size  }
0x9a: {  	s5 =	simm.s32 $_size__tile_overlayer_lowered;
	s6 =	simm.s32 $_tile_overlayer_lowered  }
0x9b: {  	s22 =	simm.s32 $0x1BFF;
	s21 =	sshll.u32 s6, $0x1;
	s3 =	sadd.s32 s4, s19  }
0x9c: {  	s7 =	simm.s32 $0x0;
	s20 =	sshll.u32 s5, $0x1;
	s5 =	sadd.s32 s21, s3  }
0x9d: {  	[timem:s7], [sflag:s22] =	dma.local [hbm:s5], s20  }
0x9e: {  	_ =	swait.ge [sflag:s22], s20  }
0x9f: {  	s4 =	ssub.s32 $0x0, s20;
	[sflag:s22] =	ssyncset.done $0x0  }
0xa0: {  	[sflag:s22] =	ssyncadd.s32 s4;
	_ =	sdelay $0x1  }
0xa1: {  	s23 =	simm.s32 $0x1B8B  }
0xa2: {  	_ =	swait.ge [sflag:s23], $0x1  }
0xa3: {  	[sflag:s23] =	ssyncset.done $0x0  }
0xa4: {  	s25 =	simm.s32 $0x1B8E;
	s24 =	sld [smem:$0x3FFE];
	[sflag:s23] =	ssyncadd.s32 $0xFFFFFFFF  }
0xa5: {  	s26 =	simm.s32 $execute0_lowered;
	[smem:$0x3FD2] =	sst s25  }
0xa6: {  	s5 =	sshll.u32 s26, $0x1;
	_ =	strace $0x80000049;
	[dreg:$0x1] =	wrdreg $0xFFFFFFFF  }
0xa7: {  	s28 =	simm.s32 $_size_execute0_lowered;
	s3 =	sadd.s32 s3, s5;
	[dreg:$0x0] =	wrdreg $0x0  }
0xa8: {  	s5 =	sshll.u32 s28, $0x1;
	[dreg:$0x2] =	wrdreg s3  }
0xa9: {  	[dreg:$0x3] =	wrdreg s5  }
0xaa: {  	[dreg:$0x4] =	wrdreg $0xC0  }
0xab: {  	_ =	task [dreg:s7], $0x5FFFF  }
0xac: {  	[dreg:$0x1] =	wrdreg $0xFFFFFFFF  }
0xad: {  	[dreg:$0x0] =	wrdreg $0x60  }
0xae: {  	[dreg:$0x2] =	wrdreg s2  }
0xaf: {  	[dreg:$0x3] =	wrdreg s24  }
0xb0: {  	[dreg:$0x4] =	wrdreg $0x0  }
0xb1: {  	[dreg:$0x5] =	wrdreg $0x9  }
0xb2: {  	_ =	task.clear_ibuf [dreg:s7], $0x6FFFF;
	_ =	strace $0x90000049  }
0xb3: {  	s29 =	simm.s32 $0x9;
	_ =	strace $0x8000004B  }
0xb4: {  	_ =	swait.ge [sflag:s29], $0x1  }
0xb5: {  	[sflag:s29] =	ssyncadd.s32 $0xFFFFFFFF  }
0xb6: {  	_ =	strace $0x9000004B  }
0xb7: {  	_ =	sfence  }
0xb8: {  	s30 =	sld [smem:$0x0];
	_ =	sdelay $0x2  }
0xb9: {  	s31 =	sshll.u32 s1, $0xD;
	s1 =	sshrl.u32 s1, $0x2  }
0xba: {  	s3 =	sand.u32 $0x4000, s31;
	s1 =	sadd.s32 s1, s30  }
0xbb: {  	s0 =	sor.u32 s3, s0;
	s1 =	sshll.u32 s1, $0x11  }
0xbc: {  	s0 =	sor.u32 s1, s0  }
0xbd: {  	s0 =	sadd.s32 $0x8F2B, s0  }
0xbe: {  	[sflag:s0] =	ssyncadd.remote.s32 $0x1  }
0xbf: {  	_ =	sfence.sel $0xFFFF  }
0xc0: {  	[dreg:$0x0] =	wrdreg $0xFFFFFFFF;
	(pc) =	sbr.abs _section_cstart, $3  }
0xc1: {  	[dreg:$0x1] =	wrdreg $0xFFFFFFFF  }
0xc2: {  	_ =	task.clear_ibuf [dreg:s7], $0x2FFFF;
	_ =	strace $0x9FFFFFFF  }
0xc3: {  	(tm) =	ssettm $0x7FFFFFFF  }
tec
execute0_lowered:
.L_overlay_start_1:
0x0: {  	(tag) =	ssettag $0x1  }
0x1: {  	s1 =	rddreg [dreg:$0x0]  }
0x2: {  	s0 =	rddreg [dreg:$0x1]  }
0x3: {  	s2 =	rddreg [dreg:$0x2];
	s3 =	srdreg.scid;
	s4 =	simm.s32 $0x0  }
0x4: {  	s10 =	stileid.u32;
	s28 =	simm.s32 $0x14400;
	s29 =	simm.s32 $0x14100  }
0x5: {  	s30 =	simm.s32 $0x14300;
	s31 =	simm.s32 $0x4;
	s7 =	smul.u32 $0x14000, s10  }
0x6: {  	s3 =	sand.u32 $0x1, s3;
	[smem:$0x7FF] =	sst s4;
	s18 =	smul.u32 $0x50000, s10  }
0x7: {  	s5 =	sadd.s32 $0x2A00, s0;
	s9 =	sadd.s32 $0x16400, s0;
	s21 =	smul.u32 $0x2710, s10  }
0x8: {  	s6 =	smul.u32 $0x140000, s3;
	s8 =	sshll.u32 s3, $0x4;
	_ =	strace $0x8000004A  }
0x9: {  	[dreg:$0xb] =	wrdreg s9;
	s17 =	ssub.s32 $0x2, s3;
	s3 =	smul.u32 $0x27100, s3  }
0xa: {  	s8 =	sor.u32 s10, s8;
	s19 =	sshrl.u32 s17, $0x1;
	s20 =	sshrl.u32 s18, $0x2  }
0xb: {  	s10 =	sshll.u32 s10, $0x6;
	s6 =	sadd.s32 s7, s6;
	s16 =	smul.u32 $0x2710, s8  }
0xc: {  	s8 =	sadd.s32 s20, s2;
	s15 =	sor.u32 $0x1C0A, s10;
	s3 =	sadd.s32 s21, s3  }
0xd: {  	s10 =	simm.s32 $0x5;
	s6 =	sshrl.u32 s6, $0x3;
	s24 =	sadd.s32 $0x4E480, s3  }
0xe: {  	s12 =	sadd.s32 $0x280, s3;
	s14 =	sadd.s32 $0x4E400, s3;
	s20 =	sadd.s32 $0x180, s3  }
0xf: {  	s8 =	sshrl.u32 s8, $0x3;
	[dreg:$0xc] =	wrdreg s15;
	s0 =	sadd.s32 s6, s0  }
0x10: {  	s6 =	ssub.s32 s17, s19;
	s7 =	sshrl.u32 s16, $0x3;
	s13 =	sshrl.u32 s12, $0x3  }
0x11: {  	s9 =	sshrl.u32 s14, $0x3;
	s16 =	sadd.s32 $0x4E380, s3;
	s21 =	sshrl.u32 s20, $0x3  }
0x12: {  	s12 =	simm.s32 $0x2;
	[dreg:$0x16] =	wrdreg s8;
	s22 =	sadd.s32 s5, s7  }
0x13: {  	s14 =	simm.s32 $0x8;
	s17 =	sadd.s32 s9, s5;
	[dreg:$0xd] =	wrdreg s22  }
0x14: {  	s20 =	simm.s32 $0x0;
	s0 =	sadd.s32 $0x18C00, s0;
	[dreg:$0x6] =	wrdreg s17  }
0x15: {  	s18 =	sshrl.u32 s16, $0x3;
	s6 =	smax.u32 s6, $0x1;
	[dreg:$0x13] =	wrdreg s0  }
0x16: {  	s16 =	simm.s32 $0x1C400;
	s7 =	sadd.s32 $0x4E0, s22;
	[dreg:$0x14] =	wrdreg s6  }
0x17: {  	s23 =	sadd.s32 $0xA120, s22;
	s25 =	sadd.s32 $0x9C40, s22;
	[dreg:$0xe] =	wrdreg s7  }
0x18: {  	s26 =	sadd.s32 $0x10, s22;
	s11 =	sadd.s32 $0x9C50, s22;
	[dreg:$0xf] =	wrdreg s23  }
0x19: {  	s19 =	sadd.s32 s18, s5;
	s22 =	sadd.s32 $0x4E300, s3;
	[dreg:$0x10] =	wrdreg s25  }
0x1a: {  	s18 =	simm.s32 $0xA;
	s17 =	simm.s32 $0x1C480;
	[dreg:$0x11] =	wrdreg s26  }
0x1b: {  	s0 =	simm.s32 $0x18400;
	s6 =	simm.s32 $0x14180;
	[dreg:$0x12] =	wrdreg s11  }
0x1c: {  	s7 =	sshrl.u32 s24, $0x3;
	[dreg:$0x7] =	wrdreg s19;
	s9 =	sshrl.u32 s22, $0x3  }
0x1d: {  	s23 =	sadd.s32 $0x100, s3;
	s3 =	sadd.s32 $0x200, s3;
	s22 =	simm.s32 $0x14200  }
0x1e: {  	s11 =	simm.s32 $0x7;
	s7 =	sadd.s32 s7, s5;
	s24 =	sadd.s32 s9, s5  }
0x1f: {  	s25 =	sshrl.u32 s23, $0x3;
	[dreg:$0x15] =	wrdreg s3;
	s23 =	simm.s32 $0x14080  }
0x20: {  	s3 =	simm.s32 $0x1;
	s9 =	simm.s32 $0x14380;
	[dreg:$0x4] =	wrdreg s7  }
0x21: {  	s7 =	sadd.s32 s13, s5;
	[dreg:$0x9] =	wrdreg s24;
	s26 =	sadd.s32 s25, s5  }
0x22: {  	s24 =	simm.s32 $0x14280;
	s25 =	simm.s32 $0x3;
	[dreg:$0x5] =	wrdreg s7  }
0x23: {  	s13 =	simm.s32 $0x6;
	s7 =	sadd.s32 s21, s5;
	[dreg:$0xa] =	wrdreg s26  }
0x24: {  	s21 =	simm.s32 $0x14000;
	s26 =	simm.s32 $0x80;
	[dreg:$0x8] =	wrdreg s7  }
.LBB2_1:
0x25: {  	s7 =	rddreg [dreg:$0xb]  }
0x26: {  	[spmem:s8], [sflag:s15] =	dma.local [hbm:s7], $0x2800  }
0x27: {  	_ =	swait.ge [sflag:s18], $0x2800  }
0x28: {  	[sflag:s18] =	ssyncset.done $0x0  }
0x29: {  	s19 =	rddreg [dreg:$0xe];
	[sflag:s18] =	ssyncadd.s32 $0xFFFFD800  }
0x2a: {  	[tilespmem:s16], [sflag:$0x9] =	stream.linear.gather [hbm4b:s19+s4], $0x10, $0x38;
	[tilespmem:$0x1CD00] =	vst v63  }
0x2b: {  	s8 =	rddreg [dreg:$0xf]  }
0x2c: {  	[tilespmem:s17], [sflag:$0x9] =	stream.linear.gather [hbm4b:s8+s4], $0x10, $0x38;
	[tilespmem:$0x1CD00] =	vst v63  }
0x2d: {  	[bflag:$0x0] =	sbarrier.arrive $0xFFFF  }
0x2e: {  	s15 =	rddreg [dreg:$0xd]  }
0x2f: {  	[tilespmem:s21], [sflag:$0x3] =	stream.linear.gather [hbm4b:s15+s4], $0x80, $0x38;
	[tilespmem:$0x1CD00] =	vst v63  }
0x30: {  	s16 =	rddreg [dreg:$0x10]  }
0x31: {  	[tilespmem:s22], [sflag:$0x3] =	stream.linear.gather [hbm4b:s16+s4], $0x80, $0x38;
	[tilespmem:$0x1CD00] =	vst v63  }
0x32: {  	s17 =	rddreg [dreg:$0x11]  }
0x33: {  	[tilespmem:s23], [sflag:$0x4] =	stream.linear.gather [hbm4b:s17+s4], $0x80, $0x38;
	[tilespmem:$0x1CD00] =	vst v63  }
0x34: {  	s19 =	rddreg [dreg:$0x12]  }
0x35: {  	[tilespmem:s24], [sflag:$0x4] =	stream.linear.gather [hbm4b:s19+s4], $0x80, $0x38;
	[tilespmem:$0x1CD00] =	vst v63  }
0x36: {  	_ =	swait.ge [sflag:s25], $0x80  }
0x37: {  	[sflag:s25] =	ssyncset.done $0x0  }
0x38: {  	[sflag:s25] =	ssyncadd.s32 $0xFFFFFF80  }
0x39: {  	_ =	swait.ge [sflag:s25], $0x80  }
0x3a: {  	[sflag:s25] =	ssyncset.done $0x0  }
0x3b: {  	s8 =	rddreg [dreg:$0xa];
	[sflag:s25] =	ssyncadd.s32 $0xFFFFFF80  }
0x3c: {  	[tilespmem:s28], [sflag:$0x1] =	stream.indirect.gather [hbm4b:s1+s26], $0x80, s21, s26, $0xb8;
	[tilespmem:$0x1CD00] =	vst v63  }
0x3d: {  	s15 =	rddreg [dreg:$0x9];
	s7 =	sadd.s32 $0x0, s8  }
0x3e: {  	[tilespmem:s29], [sflag:$0x5] =	stream.linear.gather [hbm4b:s7+s4], $0x80, $0x38;
	[tilespmem:$0x1CD00] =	vst v63  }
0x3f: {  	s16 =	sadd.s32 $0x0, s15  }
0x40: {  	[tilespmem:s30], [sflag:$0x5] =	stream.linear.gather [hbm4b:s16+s4], $0x80, $0x38;
	[tilespmem:$0x1CD00] =	vst v63  }
0x41: {  	_ =	swait.ge [sflag:s31], $0x80  }
0x42: {  	[sflag:s31] =	ssyncset.done $0x0  }
0x43: {  	[sflag:s31] =	ssyncadd.s32 $0xFFFFFF80  }
0x44: {  	_ =	swait.ge [sflag:s31], $0x80  }
0x45: {  	p0 =	por $0x1, $0x1;
	[sflag:s31] =	ssyncset.done $0x0  }
0x46: {  	s7 =	simm.s32 @!p0 $0x8;
	[sflag:s31] =	ssyncadd.s32 $0xFFFFFF80  }
0x47: {  	_ =	swait.ge @!p0 [sflag:s7], $0x4000  }
0x48: {  	[sflag:s7] =	ssyncset.done @!p0 $0x0  }
0x49: {  	[sflag:s7] =	ssyncadd.s32 @!p0 $0xFFFFC000  }
0x4a: {  	[tilespmem:s0], [sflag:$0x2] =	stream.indirect.gather [hbm4b:s1+s26], $0x80, s23, s26, $0xb8;
	[tilespmem:$0x1CD00] =	vst v63  }
0x4b: {  	_ =	swait.ge [sflag:s3], $0x4000  }
0x4c: {  	[sflag:s3] =	ssyncset.done $0x0  }
0x4d: {  	s17 =	rddreg [dreg:$0x8];
	[sflag:s3] =	ssyncadd.s32 $0xFFFFC000  }
0x4e: {  	[spmem:s2] =	stream.indirect.scatter.add.f32 [tilespmem:s28], [sflag:$0x7], $0x80, s22, s26, $0xb8;
	[tilespmem:$0x1CD00] =	vst v63  }
0x4f: {  	s19 =	rddreg [dreg:$0x7];
	s7 =	sadd.s32 $0x0, s17  }
0x50: {  	[tilespmem:s6], [sflag:$0x6] =	stream.linear.gather [hbm4b:s7+s4], $0x80, $0x38;
	[tilespmem:$0x1CD00] =	vst v63  }
0x51: {  	s15 =	sadd.s32 $0x0, s19  }
0x52: {  	[tilespmem:s9], [sflag:$0x6] =	stream.linear.gather [hbm4b:s15+s4], $0x80, $0x38;
	[tilespmem:$0x1CD00] =	vst v63  }
0x53: {  	_ =	swait.ge [sflag:s10], $0x80  }
0x54: {  	[sflag:s10] =	ssyncset.done $0x0  }
0x55: {  	[sflag:s10] =	ssyncadd.s32 $0xFFFFFF80  }
0x56: {  	_ =	swait.ge [sflag:s10], $0x80  }
0x57: {  	[sflag:s10] =	ssyncset.done $0x0  }
0x58: {  	[sflag:s10] =	ssyncadd.s32 $0xFFFFFF80  }
0x59: {  	_ =	swait.ge [sflag:s11], $0x4000  }
0x5a: {  	[sflag:s11] =	ssyncset.done $0x0  }
0x5b: {  	[sflag:s11] =	ssyncadd.s32 $0xFFFFC000  }
0x5c: {  	[tilespmem:s28], [sflag:$0x1] =	stream.indirect.gather [hbm4b:s1+s26], $0x80, s29, s26, $0xb8;
	[tilespmem:$0x1CD00] =	vst v63  }
0x5d: {  	_ =	swait.ge [sflag:s12], $0x4000  }
0x5e: {  	[sflag:s12] =	ssyncset.done $0x0;
	s19 =	rddreg [dreg:$0x15]  }
0x5f: {  	[sflag:s12] =	ssyncadd.s32 $0xFFFFC000;
	s16 =	sshrl.u32 s19, $0x3  }
0x60: {  	[spmem:s2] =	stream.indirect.scatter.add.f32 [tilespmem:s0], [sflag:$0x8], $0x80, s24, s26, $0xb8;
	[tilespmem:$0x1CD00] =	vst v63  }
0x61: {  	s17 =	rddreg [dreg:$0x6];
	s7 =	sadd.s32 s5, s16  }
0x62: {  	[tilespmem:s21], [sflag:$0x3] =	stream.linear.gather [hbm4b:s7+s4], $0x80, $0x38;
	[tilespmem:$0x1CD00] =	vst v63  }
0x63: {  	s8 =	sadd.s32 $0x0, s17  }
0x64: {  	[tilespmem:s22], [sflag:$0x3] =	stream.linear.gather [hbm4b:s8+s4], $0x80, $0x38;
	[tilespmem:$0x1CD00] =	vst v63  }
0x65: {  	_ =	swait.ge [sflag:s13], $0x80  }
0x66: {  	[sflag:s13] =	ssyncset.done $0x0  }
0x67: {  	[sflag:s13] =	ssyncadd.s32 $0xFFFFFF80  }
0x68: {  	_ =	swait.ge [sflag:s13], $0x80  }
0x69: {  	[sflag:s13] =	ssyncset.done $0x0  }
0x6a: {  	[sflag:s13] =	ssyncadd.s32 $0xFFFFFF80  }
0x6b: {  	_ =	swait.ge [sflag:s14], $0x4000  }
0x6c: {  	[sflag:s14] =	ssyncset.done $0x0  }
0x6d: {  	[sflag:s14] =	ssyncadd.s32 $0xFFFFC000  }
0x6e: {  	[tilespmem:s0], [sflag:$0x2] =	stream.indirect.gather [hbm4b:s1+s26], $0x80, s6, s26, $0xb8;
	[tilespmem:$0x1CD00] =	vst v63  }
0x6f: {  	_ =	swait.ge [sflag:s3], $0x4000  }
0x70: {  	[sflag:s3] =	ssyncset.done $0x0  }
0x71: {  	s15 =	rddreg [dreg:$0x5];
	[sflag:s3] =	ssyncadd.s32 $0xFFFFC000  }
0x72: {  	[spmem:s2] =	stream.indirect.scatter.add.f32 [tilespmem:s28], [sflag:$0x7], $0x80, s30, s26, $0xb8;
	[tilespmem:$0x1CD00] =	vst v63  }
0x73: {  	s16 =	rddreg [dreg:$0x4];
	s7 =	sadd.s32 $0x0, s15  }
0x74: {  	[tilespmem:s23], [sflag:$0x4] =	stream.linear.gather [hbm4b:s7+s4], $0x80, $0x38;
	[tilespmem:$0x1CD00] =	vst v63  }
0x75: {  	s17 =	sadd.s32 $0x0, s16  }
0x76: {  	[tilespmem:s24], [sflag:$0x4] =	stream.linear.gather [hbm4b:s17+s4], $0x80, $0x38;
	[tilespmem:$0x1CD00] =	vst v63  }
0x77: {  	_ =	swait.ge [sflag:s25], $0x80  }
0x78: {  	[sflag:s25] =	ssyncset.done $0x0  }
0x79: {  	[sflag:s25] =	ssyncadd.s32 $0xFFFFFF80  }
0x7a: {  	_ =	swait.ge [sflag:s25], $0x80  }
0x7b: {  	[sflag:s25] =	ssyncset.done $0x0  }
0x7c: {  	[sflag:s25] =	ssyncadd.s32 $0xFFFFFF80  }
0x7d: {  	_ =	swait.ge [sflag:s11], $0x4000  }
0x7e: {  	[sflag:s11] =	ssyncset.done $0x0  }
0x7f: {  	[sflag:s11] =	ssyncadd.s32 $0xFFFFC000  }
0x80: {  	[tilespmem:s28], [sflag:$0x1] =	stream.indirect.gather [hbm4b:s1+s26], $0x80, s21, s26, $0xb8;
	[tilespmem:$0x1CD00] =	vst v63  }
0x81: {  	s8 =	sadd.s32 $0x200, s19;
	_ =	swait.ge [sflag:s12], $0x4000  }
0x82: {  	s15 =	simm.s32 $0x40;
	s16 =	rddreg [dreg:$0xa];
	[sflag:s12] =	ssyncset.done $0x0  }
0x83: {  	s7 =	simm.s32 $0x80;
	s17 =	rddreg [dreg:$0x9];
	[sflag:s12] =	ssyncadd.s32 $0xFFFFC000  }
.LBB2_2:
0x84: {  	[spmem:s2] =	stream.indirect.scatter.add.f32 [tilespmem:s0], [sflag:$0x8], $0x80, s9, s26, $0xb8;
	[tilespmem:$0x1CD00] =	vst v63  }
0x85: {  	s19 =	sadd.s32 s15, s16  }
0x86: {  	[tilespmem:s29], [sflag:$0x5] =	stream.linear.gather [hbm4b:s19+s4], $0x80, $0x38;
	[tilespmem:$0x1CD00] =	vst v63  }
0x87: {  	s17 =	sadd.s32 s15, s17  }
0x88: {  	[tilespmem:s30], [sflag:$0x5] =	stream.linear.gather [hbm4b:s17+s4], $0x80, $0x38;
	[tilespmem:$0x1CD00] =	vst v63  }
0x89: {  	_ =	swait.ge [sflag:s31], $0x80  }
0x8a: {  	[sflag:s31] =	ssyncset.done $0x0  }
0x8b: {  	[sflag:s31] =	ssyncadd.s32 $0xFFFFFF80  }
0x8c: {  	_ =	swait.ge [sflag:s31], $0x80  }
0x8d: {  	p1 =	seq.s32 s15, $0x0;
	[sflag:s31] =	ssyncset.done $0x0  }
0x8e: {  	s17 =	simm.s32 @!p1 $0x8;
	[sflag:s31] =	ssyncadd.s32 $0xFFFFFF80  }
0x8f: {  	_ =	swait.ge @!p1 [sflag:s17], $0x4000  }
0x90: {  	[sflag:s17] =	ssyncset.done @!p1 $0x0  }
0x91: {  	[sflag:s17] =	ssyncadd.s32 @!p1 $0xFFFFC000  }
0x92: {  	[tilespmem:s0], [sflag:$0x2] =	stream.indirect.gather [hbm4b:s1+s26], $0x80, s23, s26, $0xb8;
	[tilespmem:$0x1CD00] =	vst v63  }
0x93: {  	_ =	swait.ge [sflag:s3], $0x4000  }
0x94: {  	[sflag:s3] =	ssyncset.done $0x0  }
0x95: {  	s17 =	rddreg [dreg:$0x8];
	[sflag:s3] =	ssyncadd.s32 $0xFFFFC000  }
0x96: {  	[spmem:s2] =	stream.indirect.scatter.add.f32 [tilespmem:s28], [sflag:$0x7], $0x80, s22, s26, $0xb8;
	[tilespmem:$0x1CD00] =	vst v63  }
0x97: {  	s19 =	rddreg [dreg:$0x7];
	s17 =	sadd.s32 s15, s17  }
0x98: {  	[tilespmem:s6], [sflag:$0x6] =	stream.linear.gather [hbm4b:s17+s4], $0x80, $0x38;
	[tilespmem:$0x1CD00] =	vst v63  }
0x99: {  	s19 =	sadd.s32 s15, s19  }
0x9a: {  	[tilespmem:s9], [sflag:$0x6] =	stream.linear.gather [hbm4b:s19+s4], $0x80, $0x38;
	[tilespmem:$0x1CD00] =	vst v63  }
0x9b: {  	_ =	swait.ge [sflag:s10], $0x80  }
0x9c: {  	[sflag:s10] =	ssyncset.done $0x0  }
0x9d: {  	[sflag:s10] =	ssyncadd.s32 $0xFFFFFF80  }
0x9e: {  	_ =	swait.ge [sflag:s10], $0x80  }
0x9f: {  	[sflag:s10] =	ssyncset.done $0x0  }
0xa0: {  	[sflag:s10] =	ssyncadd.s32 $0xFFFFFF80  }
0xa1: {  	_ =	swait.ge [sflag:s11], $0x4000  }
0xa2: {  	[sflag:s11] =	ssyncset.done $0x0  }
0xa3: {  	[sflag:s11] =	ssyncadd.s32 $0xFFFFC000  }
0xa4: {  	[tilespmem:s28], [sflag:$0x1] =	stream.indirect.gather [hbm4b:s1+s26], $0x80, s29, s26, $0xb8;
	[tilespmem:$0x1CD00] =	vst v63  }
0xa5: {  	_ =	swait.ge [sflag:s12], $0x4000  }
0xa6: {  	[sflag:s12] =	ssyncset.done $0x0  }
0xa7: {  	s17 =	sshrl.u32 s8, $0x3;
	[sflag:s12] =	ssyncadd.s32 $0xFFFFC000  }
0xa8: {  	[spmem:s2] =	stream.indirect.scatter.add.f32 [tilespmem:s0], [sflag:$0x8], $0x80, s24, s26, $0xb8;
	[tilespmem:$0x1CD00] =	vst v63  }
0xa9: {  	s17 =	sadd.s32 s5, s17;
	s19 =	rddreg [dreg:$0x6]  }
0xaa: {  	[tilespmem:s21], [sflag:$0x3] =	stream.linear.gather [hbm4b:s17+s4], $0x80, $0x38;
	[tilespmem:$0x1CD00] =	vst v63  }
0xab: {  	s19 =	sadd.s32 s15, s19  }
0xac: {  	[tilespmem:s22], [sflag:$0x3] =	stream.linear.gather [hbm4b:s19+s4], $0x80, $0x38;
	[tilespmem:$0x1CD00] =	vst v63  }
0xad: {  	_ =	swait.ge [sflag:s13], $0x80  }
0xae: {  	[sflag:s13] =	ssyncset.done $0x0  }
0xaf: {  	[sflag:s13] =	ssyncadd.s32 $0xFFFFFF80  }
0xb0: {  	_ =	swait.ge [sflag:s13], $0x80  }
0xb1: {  	[sflag:s13] =	ssyncset.done $0x0  }
0xb2: {  	[sflag:s13] =	ssyncadd.s32 $0xFFFFFF80  }
0xb3: {  	_ =	swait.ge [sflag:s14], $0x4000  }
0xb4: {  	[sflag:s14] =	ssyncset.done $0x0  }
0xb5: {  	[sflag:s14] =	ssyncadd.s32 $0xFFFFC000  }
0xb6: {  	[tilespmem:s0], [sflag:$0x2] =	stream.indirect.gather [hbm4b:s1+s26], $0x80, s6, s26, $0xb8;
	[tilespmem:$0x1CD00] =	vst v63  }
0xb7: {  	_ =	swait.ge [sflag:s3], $0x4000  }
0xb8: {  	[sflag:s3] =	ssyncset.done $0x0  }
0xb9: {  	s17 =	rddreg [dreg:$0x5];
	[sflag:s3] =	ssyncadd.s32 $0xFFFFC000  }
0xba: {  	[spmem:s2] =	stream.indirect.scatter.add.f32 [tilespmem:s28], [sflag:$0x7], $0x80, s30, s26, $0xb8;
	[tilespmem:$0x1CD00] =	vst v63  }
0xbb: {  	s19 =	rddreg [dreg:$0x4];
	s17 =	sadd.s32 s15, s17  }
0xbc: {  	[tilespmem:s23], [sflag:$0x4] =	stream.linear.gather [hbm4b:s17+s4], $0x80, $0x38;
	[tilespmem:$0x1CD00] =	vst v63  }
0xbd: {  	s19 =	sadd.s32 s15, s19  }
0xbe: {  	[tilespmem:s24], [sflag:$0x4] =	stream.linear.gather [hbm4b:s19+s4], $0x80, $0x38;
	[tilespmem:$0x1CD00] =	vst v63  }
0xbf: {  	_ =	swait.ge [sflag:s25], $0x80  }
0xc0: {  	[sflag:s25] =	ssyncset.done $0x0  }
0xc1: {  	[sflag:s25] =	ssyncadd.s32 $0xFFFFFF80  }
0xc2: {  	_ =	swait.ge [sflag:s25], $0x80  }
0xc3: {  	[sflag:s25] =	ssyncset.done $0x0  }
0xc4: {  	[sflag:s25] =	ssyncadd.s32 $0xFFFFFF80  }
0xc5: {  	s16 =	smov.u32 s7;
	s7 =	sadd.s32 $0x40, s7;
	_ =	swait.ge [sflag:s11], $0x4000  }
0xc6: {  	p0 =	sne.s32 s7, $0x4C0;
	[sflag:s11] =	ssyncset.done $0x0  }
.Ltmp0:
0xc7: {  	[sflag:s11] =	ssyncadd.s32 $0xFFFFC000;
	(pc) =	sbr.rel @p0 .LBB2_2-.Ltmp0, $4  }
0xc8: {  	[tilespmem:s28], [sflag:$0x1] =	stream.indirect.gather [hbm4b:s1+s26], $0x80, s21, s26, $0xb8;
	[tilespmem:$0x1CD00] =	vst v63  }
0xc9: {  	_ =	swait.ge [sflag:s12], $0x4000  }
0xca: {  	s15 =	smov.u32 s16;
	s16 =	rddreg [dreg:$0xa];
	[sflag:s12] =	ssyncset.done $0x0  }
0xcb: {  	s8 =	sadd.s32 $0x200, s8;
	s17 =	rddreg [dreg:$0x9];
	[sflag:s12] =	ssyncadd.s32 $0xFFFFC000  }
0xcc: {  	[spmem:s2] =	stream.indirect.scatter.add.f32 [tilespmem:s0], [sflag:$0x8], $0x80, s9, s26, $0xb8;
	[tilespmem:$0x1CD00] =	vst v63  }
0xcd: {  	s7 =	sadd.s32 s15, s16  }
0xce: {  	[tilespmem:s29], [sflag:$0x5] =	stream.linear.gather [hbm4b:s7+s4], $0x80, $0x38;
	[tilespmem:$0x1CD00] =	vst v63  }
0xcf: {  	s19 =	sadd.s32 s15, s17  }
0xd0: {  	[tilespmem:s30], [sflag:$0x5] =	stream.linear.gather [hbm4b:s19+s4], $0x80, $0x38;
	[tilespmem:$0x1CD00] =	vst v63  }
0xd1: {  	_ =	swait.ge [sflag:s31], $0x80  }
0xd2: {  	[sflag:s31] =	ssyncset.done $0x0  }
0xd3: {  	[sflag:s31] =	ssyncadd.s32 $0xFFFFFF80  }
0xd4: {  	_ =	swait.ge [sflag:s31], $0x80  }
0xd5: {  	p0 =	seq.s32 s15, $0x0;
	[sflag:s31] =	ssyncset.done $0x0  }
0xd6: {  	s7 =	simm.s32 @!p0 $0x8;
	[sflag:s31] =	ssyncadd.s32 $0xFFFFFF80  }
0xd7: {  	_ =	swait.ge @!p0 [sflag:s7], $0x4000  }
0xd8: {  	[sflag:s7] =	ssyncset.done @!p0 $0x0  }
0xd9: {  	[sflag:s7] =	ssyncadd.s32 @!p0 $0xFFFFC000  }
0xda: {  	[tilespmem:s0], [sflag:$0x2] =	stream.indirect.gather [hbm4b:s1+s26], $0x80, s23, s26, $0xb8;
	[tilespmem:$0x1CD00] =	vst v63  }
0xdb: {  	_ =	swait.ge [sflag:s3], $0x4000  }
0xdc: {  	[sflag:s3] =	ssyncset.done $0x0  }
0xdd: {  	s16 =	rddreg [dreg:$0x8];
	[sflag:s3] =	ssyncadd.s32 $0xFFFFC000  }
0xde: {  	[spmem:s2] =	stream.indirect.scatter.add.f32 [tilespmem:s28], [sflag:$0x7], $0x80, s22, s26, $0xb8;
	[tilespmem:$0x1CD00] =	vst v63  }
0xdf: {  	s17 =	rddreg [dreg:$0x7];
	s7 =	sadd.s32 s15, s16  }
0xe0: {  	[tilespmem:s6], [sflag:$0x6] =	stream.linear.gather [hbm4b:s7+s4], $0x80, $0x38;
	[tilespmem:$0x1CD00] =	vst v63  }
0xe1: {  	s19 =	sadd.s32 s15, s17  }
0xe2: {  	[tilespmem:s9], [sflag:$0x6] =	stream.linear.gather [hbm4b:s19+s4], $0x80, $0x38;
	[tilespmem:$0x1CD00] =	vst v63  }
0xe3: {  	_ =	swait.ge [sflag:s10], $0x80  }
0xe4: {  	[sflag:s10] =	ssyncset.done $0x0  }
0xe5: {  	[sflag:s10] =	ssyncadd.s32 $0xFFFFFF80  }
0xe6: {  	_ =	swait.ge [sflag:s10], $0x80  }
0xe7: {  	[sflag:s10] =	ssyncset.done $0x0  }
0xe8: {  	[sflag:s10] =	ssyncadd.s32 $0xFFFFFF80  }
0xe9: {  	_ =	swait.ge [sflag:s11], $0x4000  }
0xea: {  	[sflag:s11] =	ssyncset.done $0x0  }
0xeb: {  	[sflag:s11] =	ssyncadd.s32 $0xFFFFC000  }
0xec: {  	[tilespmem:s28], [sflag:$0x1] =	stream.indirect.gather [hbm4b:s1+s26], $0x80, s29, s26, $0xb8;
	[tilespmem:$0x1CD00] =	vst v63  }
0xed: {  	_ =	swait.ge [sflag:s12], $0x4000  }
0xee: {  	[sflag:s12] =	ssyncset.done $0x0  }
0xef: {  	s16 =	sshrl.u32 s8, $0x3;
	[sflag:s12] =	ssyncadd.s32 $0xFFFFC000  }
0xf0: {  	[spmem:s2] =	stream.indirect.scatter.add.f32 [tilespmem:s0], [sflag:$0x8], $0x80, s24, s26, $0xb8;
	[tilespmem:$0x1CD00] =	vst v63  }
0xf1: {  	s7 =	sadd.s32 s5, s16;
	s17 =	rddreg [dreg:$0x6]  }
0xf2: {  	[tilespmem:s21], [sflag:$0x3] =	stream.linear.gather [hbm4b:s7+s4], $0x80, $0x38;
	[tilespmem:$0x1CD00] =	vst v63  }
0xf3: {  	s19 =	sadd.s32 s15, s17  }
0xf4: {  	[tilespmem:s22], [sflag:$0x3] =	stream.linear.gather [hbm4b:s19+s4], $0x80, $0x38;
	[tilespmem:$0x1CD00] =	vst v63  }
0xf5: {  	_ =	swait.ge [sflag:s13], $0x80  }
0xf6: {  	[sflag:s13] =	ssyncset.done $0x0  }
0xf7: {  	[sflag:s13] =	ssyncadd.s32 $0xFFFFFF80  }
0xf8: {  	_ =	swait.ge [sflag:s13], $0x80  }
0xf9: {  	[sflag:s13] =	ssyncset.done $0x0  }
0xfa: {  	[sflag:s13] =	ssyncadd.s32 $0xFFFFFF80  }
0xfb: {  	_ =	swait.ge [sflag:s14], $0x4000  }
0xfc: {  	[sflag:s14] =	ssyncset.done $0x0  }
0xfd: {  	[sflag:s14] =	ssyncadd.s32 $0xFFFFC000  }
0xfe: {  	[tilespmem:s0], [sflag:$0x2] =	stream.indirect.gather [hbm4b:s1+s26], $0x80, s6, s26, $0xb8;
	[tilespmem:$0x1CD00] =	vst v63  }
0xff: {  	_ =	swait.ge [sflag:s3], $0x4000  }
0x100: {  	[sflag:s3] =	ssyncset.done $0x0  }
0x101: {  	s8 =	rddreg [dreg:$0x5];
	[sflag:s3] =	ssyncadd.s32 $0xFFFFC000  }
0x102: {  	[spmem:s2] =	stream.indirect.scatter.add.f32 [tilespmem:s28], [sflag:$0x7], $0x80, s30, s26, $0xb8;
	[tilespmem:$0x1CD00] =	vst v63  }
0x103: {  	s16 =	rddreg [dreg:$0x4];
	s7 =	sadd.s32 s15, s8  }
0x104: {  	[tilespmem:s23], [sflag:$0x4] =	stream.linear.gather [hbm4b:s7+s4], $0x80, $0x38;
	[tilespmem:$0x1CD00] =	vst v63  }
0x105: {  	s17 =	sadd.s32 s15, s16  }
0x106: {  	[tilespmem:s24], [sflag:$0x4] =	stream.linear.gather [hbm4b:s17+s4], $0x80, $0x38;
	[tilespmem:$0x1CD00] =	vst v63  }
0x107: {  	_ =	swait.ge [sflag:s25], $0x80  }
0x108: {  	[sflag:s25] =	ssyncset.done $0x0  }
0x109: {  	[sflag:s25] =	ssyncadd.s32 $0xFFFFFF80  }
0x10a: {  	_ =	swait.ge [sflag:s25], $0x80  }
0x10b: {  	[sflag:s25] =	ssyncset.done $0x0  }
0x10c: {  	[sflag:s25] =	ssyncadd.s32 $0xFFFFFF80  }
0x10d: {  	_ =	swait.ge [sflag:s11], $0x4000  }
0x10e: {  	[sflag:s11] =	ssyncset.done $0x0  }
0x10f: {  	[sflag:s11] =	ssyncadd.s32 $0xFFFFC000  }
0x110: {  	[tilespmem:s28], [sflag:$0x1] =	stream.indirect.gather [hbm4b:s1+s26], $0x80, s21, s26, $0xb8;
	[tilespmem:$0x1CD00] =	vst v63  }
0x111: {  	_ =	swait.ge [sflag:s12], $0x4000  }
0x112: {  	[sflag:s12] =	ssyncset.done $0x0  }
0x113: {  	[sflag:s12] =	ssyncadd.s32 $0xFFFFC000  }
0x114: {  	[spmem:s2] =	stream.indirect.scatter.add.f32 [tilespmem:s0], [sflag:$0x8], $0x80, s9, s26, $0xb8;
	[tilespmem:$0x1CD00] =	vst v63  }
0x115: {  	_ =	swait.ge [sflag:s31], $0x80  }
0x116: {  	[sflag:s31] =	ssyncset.done $0x0  }
0x117: {  	[sflag:s31] =	ssyncadd.s32 $0xFFFFFF80  }
0x118: {  	_ =	swait.ge [sflag:s31], $0x80  }
0x119: {  	[sflag:s31] =	ssyncset.done $0x0  }
0x11a: {  	[sflag:s31] =	ssyncadd.s32 $0xFFFFFF80  }
0x11b: {  	_ =	swait.ge [sflag:s14], $0x4000  }
0x11c: {  	[sflag:s14] =	ssyncset.done $0x0  }
0x11d: {  	[sflag:s14] =	ssyncadd.s32 $0xFFFFC000  }
0x11e: {  	[tilespmem:s0], [sflag:$0x2] =	stream.indirect.gather [hbm4b:s1+s26], $0x80, s23, s26, $0xb8;
	[tilespmem:$0x1CD00] =	vst v63  }
0x11f: {  	_ =	swait.ge [sflag:s3], $0x4000  }
0x120: {  	[sflag:s3] =	ssyncset.done $0x0  }
0x121: {  	[sflag:s3] =	ssyncadd.s32 $0xFFFFC000  }
0x122: {  	[spmem:s2] =	stream.indirect.scatter.add.f32 [tilespmem:s28], [sflag:$0x7], $0x80, s22, s26, $0xb8;
	[tilespmem:$0x1CD00] =	vst v63  }
0x123: {  	_ =	swait.ge [sflag:s12], $0x4000  }
0x124: {  	[sflag:s12] =	ssyncset.done $0x0  }
0x125: {  	[sflag:s12] =	ssyncadd.s32 $0xFFFFC000  }
0x126: {  	_ =	swait.ge [sflag:s11], $0x4000  }
0x127: {  	[sflag:s11] =	ssyncset.done $0x0  }
0x128: {  	[sflag:s11] =	ssyncadd.s32 $0xFFFFC000  }
0x129: {  	[spmem:s2] =	stream.indirect.scatter.add.f32 [tilespmem:s0], [sflag:$0x8], $0x80, s24, s26, $0xb8;
	[tilespmem:$0x1CD00] =	vst v63  }
0x12a: {  	_ =	swait.ge [sflag:s14], $0x4000  }
0x12b: {  	[sflag:s14] =	ssyncset.done $0x0  }
0x12c: {  	s19 =	simm.s32 $0x9;
	[sflag:s14] =	ssyncadd.s32 $0xFFFFC000  }
0x12d: {  	_ =	swait.ge [sflag:s19], $0x10  }
0x12e: {  	[sflag:s19] =	ssyncset.done $0x0  }
0x12f: {  	[sflag:s19] =	ssyncadd.s32 $0xFFFFFFF0  }
0x130: {  	_ =	swait.ge [sflag:s19], $0x10  }
0x131: {  	s16 =	simm.s32 $0x1C400;
	[sflag:s19] =	ssyncset.done $0x0  }
0x132: {  	s8 =	simm.s32 $0x10;
	s15 =	simm.s32 $0x1C500;
	[sflag:s19] =	ssyncadd.s32 $0xFFFFFFF0  }
0x133: {  	[tilespmem:s15], [sflag:$0xA] =	stream.indirect.gather [hbm4b:s1+s8], $0x80, s16, s8, $0xb8;
	[tilespmem:$0x1CD00] =	vst v63  }
0x134: {  	_ =	swait.ge [sflag:s18], $0x800  }
0x135: {  	[sflag:s18] =	ssyncset.done $0x0  }
0x136: {  	s17 =	simm.s32 $0x1C480;
	[sflag:s18] =	ssyncadd.s32 $0xFFFFF800  }
0x137: {  	[spmem:s2] =	stream.indirect.scatter.add.f32 [tilespmem:s15], [sflag:$0xA], $0x80, s17, s8, $0xb8;
	[tilespmem:$0x1CD00] =	vst v63  }
0x138: {  	_ =	swait.ge [sflag:s18], $0x800  }
0x139: {  	[sflag:s18] =	ssyncset.done $0x0  }
0x13a: {  	[sflag:s18] =	ssyncadd.s32 $0xFFFFF800  }
0x13b: {  	[bflag:$0x0] =	sbarrier.arrive $0xFFFF  }
0x13c: {  	s15 =	rddreg [dreg:$0xc]  }
0x13d: {  	s19 =	rddreg [dreg:$0x13]  }
0x13e: {  	s8 =	rddreg [dreg:$0x16]  }
0x13f: {  	[hbm:s19], [sflag:s15] =	dma.local [spmem:s8], $0x2800  }
0x140: {  	_ =	swait.ge [sflag:s18], $0x2800  }
0x141: {  	s20 =	sadd.s32 $0x1, s20;
	s19 =	rddreg [dreg:$0x14]  }
0x142: {  	p0 =	sne.s32 s20, s19  }
.Ltmp1:
0x143: {  	_ = 	snop;
	(pc) =	sbr.rel @p0 .LBB2_1-.Ltmp1, $3  }
0x144: {  	_ =	sdelay $0x1  }
0x145: {  	[sflag:s18] =	ssyncset.done $0x0  }
0x146: {  	[sflag:s18] =	ssyncadd.s32 $0xFFFFD800  }
0x147: {  	_ =	sfence.sel $0x180000  }
0x148: {  	[bflag:$0x0] =	sbarrier.arrive $0xFFFF  }
0x149: {  	_ =	strace $0x9000004A  }
0x14a: {  	s0 =	stileid.u32;
	[bflag:$0x2] =	sbarrier.arrive $0xFFFF  }
0x14b: {  	p0 =	sne.s32 s0, $0x0;
	s0 =	rddreg [dreg:$0x3]  }
0x14c: {  	s0 =	sadd.s32 @!p0 $0x100000, s0  }
0x14d: {  	[sflag:s0] =	ssyncadd.tile.s32 @!p0 $0x1;
	_ =	shalt  }
.Lfunc_end2:
_tile_overlayer_lowered:
.L_overlay_start_2:
0x14e: {  	(tag) =	ssettag $0x2  }
0x14f: {  	s0 =	rddreg [dreg:$0x0];
	s2 =	stileid.u32  }
0x150: {  	s1 =	rddreg [dreg:$0x1];
	p0 =	sne.s32 s2, $0x0  }
0x151: {  	s3 =	rddreg [dreg:$0x2];
	[bflag:$0x3] =	sbarrier.arrive $0xFFFF;
	s2 =	simm.s32 @!p0 $0x1C0A  }
0x152: {  	[timem:s3], [sflag:s2] =	dma.local @!p0 [hbm:s0], s1  }
0x153: {  	s0 =	simm.s32 @!p0 $0xA  }
0x154: {  	_ =	swait.ge @!p0 [sflag:s0], s1  }
0x155: {  	s1 =	ssub.s32 @!p0 $0x0, s1;
	[sflag:s0] =	ssyncset.done @!p0 $0x0  }
0x156: {  	[sflag:s0] =	ssyncadd.s32 @!p0 s1  }
0x157: {  	[bflag:$0x3] =	sbarrier.arrive $0xFFFF  }
0x158: {  	_ =	shalt  }

// kernel: kernel.14.cloned.1.call-start
scs
__scs_entry_jumppad:
0x0: {  	(pc) =	sbr.rel $0x88, $3  }
0x1: {  	(tag) =	ssettag $0x0;
	lr =	simm.s32 $0x1  }
0x2: {  	[smem:$0x3F9A] =	sst lr;
	_ =	strace $0xD0000000  }
0x3: {  	_ = 	snop  }
0x4: {  	_ = 	snop  }
0x5: {  	_ = 	snop  }
0x6: {  	_ = 	snop  }
0x7: {  	_ = 	snop  }
__scs_overlays_trampoline_lowered:
0x8: {  	[smem:$0x3FA9] =	sst s0  }
0x9: {  	[smem:$0x3FAA] =	sst s1  }
0xa: {  	[smem:$0x3FAB] =	sst s2  }
0xb: {  	[smem:$0x3FAC] =	sst s3  }
0xc: {  	[smem:$0x3FAD] =	sst s4  }
0xd: {  	[smem:$0x3FAE] =	sst s5  }
0xe: {  	[smem:$0x3FAF] =	sst s6  }
0xf: {  	[smem:$0x3FB0] =	sst s7  }
0x10: {  	[smem:$0x3FB1] =	sst s8  }
0x11: {  	[smem:$0x3FB2] =	sst s9;
	s0 =	simm.s32 @!p0 $0x0  }
0x12: {  	s1 =	sld [smem:$0x3F98];
	s0 =	simm.s32 @p0 $0x1  }
0x13: {  	[smem:$0x3FB3] =	sst s0;
	s0 =	simm.s32 @!p1 $0x0  }
0x14: {  	s2 =	sld [smem:$0x3F97];
	s0 =	simm.s32 @p1 $0x1  }
0x15: {  	[smem:$0x3FB4] =	sst s0;
	s0 =	simm.s32 @!p2 $0x0  }
0x16: {  	s3 =	sld [smem:$0x3FDB];
	s0 =	simm.s32 @p2 $0x1  }
0x17: {  	s4 =	simm.s32 $0x1BF5;
	[smem:$0x3FB6] =	sst s0  }
0x18: {  	s0 =	sld [smem:$0x3F99];
	_ =	swait.ge [sflag:s4], $0x0  }
0x19: {  	s7 =	sld [smem:$0x3F9A]  }
0x1a: {  	s8 =	sadd.s32 $0xFFFFE003, lr  }
0x1b: {  	s9 =	sadd.s32 $0xFFFFFEF7, lr;
	s5 =	simm.s32 $0xFFFFFFFF;
	p2 =	slt.u32 s8, $0xFFFFF086  }
0x1c: {  	p1 =	slt.u32 s9, $0xF7A;
	s5 =	simm.s32 @!p2 $0x0  }
0x1d: {  	s5 =	simm.s32 @p1 $0x1;
	p0 =	seq.s32 s7, s2  }
0x1e: {  	s7 =	smul.u32 @!p0 $0xF7A, s2;
	p2 =	seq.s32 @!p0 s5, $0x0  }
0x1f: {  	s9 =	smul.u32 $0xF7A, s1;
	s8 =	simm.s32 @!p0 $0x1BF5;
	p2 =	por !p2, p0  }
0x20: {  	[sflag:s8] =	ssyncset.s32 @!p0 $0xFFFFF086;
	s6 =	sadd.s32 @!p0 s3, s7;
	s7 =	simm.s32 @!p0 $0x108  }
0x21: {  	s3 =	sadd.s32 s3, s9;
	s6 =	sadd.s32 @!p0 $0x88, s6;
	s7 =	simm.s32 @p2 $0x1082  }
0x22: {  	[simem:s7], [sflag:s8] =	dma.local @!p0 [hbm:s6], $0xF7A  }
0x23: {  	s9 =	sor.u32 $0xD0000000, s2;
	s6 =	simm.s32 $0x108;
	_ =	swait.ge @!p0 [sflag:s8], $0x0  }
0x24: {  	s3 =	sadd.s32 $0x88, s3;
	s6 =	simm.s32 @!p1 $0x1082;
	[sflag:s4] =	ssyncset.s32 $0xFFFFF086  }
0x25: {  	[simem:s6], [sflag:s4] =	dma.local [hbm:s3], $0xF7A  }
0x26: {  	[smem:$0x3F9A] =	sst s1;
	(tag) =	ssettag s2;
	_ =	strace s9  }
0x27: {  	s1 =	sld [smem:$0x3FAA]  }
0x28: {  	s2 =	sld [smem:$0x3FAB]  }
0x29: {  	s4 =	sld [smem:$0x3FAD]  }
0x2a: {  	p0 =	seq.s32 s5, $0x0;
	s5 =	sld [smem:$0x3FAE]  }
0x2b: {  	s6 =	sld [smem:$0x3FAF]  }
0x2c: {  	s7 =	sld [smem:$0x3FB0]  }
0x2d: {  	s3 =	simm.s32 $0x108;
	s8 =	sld [smem:$0x3FB1]  }
0x2e: {  	s3 =	simm.s32 @!p0 $0x1082;
	s9 =	sld [smem:$0x3FB2]  }
0x2f: {  	lr =	sadd.s32 s0, s3;
	s0 =	sld [smem:$0x3FA9]  }
0x30: {  	s3 =	sld [smem:$0x3FAC]  }
0x31: {  	[smem:$0x3FB5] =	sst s10  }
0x32: {  	s10 =	sld [smem:$0x3FB3];
	_ =	sdelay $0x3  }
0x33: {  	p0 =	seq.s32 s10, $0x1;
	s10 =	sld [smem:$0x3FB5];
	_ =	sdelay $0x3  }
0x34: {  	[smem:$0x3FB5] =	sst s10  }
0x35: {  	s10 =	sld [smem:$0x3FB4];
	_ =	sdelay $0x3  }
0x36: {  	p1 =	seq.s32 s10, $0x1;
	s10 =	sld [smem:$0x3FB5];
	_ =	sdelay $0x3  }
0x37: {  	[smem:$0x3FB5] =	sst s10  }
0x38: {  	s10 =	sld [smem:$0x3FB6]  }
0x39: {  	_ = 	snop;
	(pc) =	sbr.ind lr, $3  }
0x3a: {  	_ = 	snop  }
0x3b: {  	_ = 	snop  }
0x3c: {  	p2 =	seq.s32 s10, $0x1;
	s10 =	sld [smem:$0x3FB5]  }
0x3d: {  	_ =	shalt  }
0x3e: {  	_ =	shalt  }
0x3f: {  	_ =	shalt  }
0x40: {  	_ =	shalt  }
0x41: {  	_ =	shalt  }
0x42: {  	_ =	shalt  }
0x43: {  	_ =	shalt  }
0x44: {  	_ =	shalt  }
0x45: {  	_ =	shalt  }
0x46: {  	_ =	shalt  }
0x47: {  	_ =	shalt  }
0x48: {  	_ =	shalt  }
0x49: {  	_ =	shalt  }
0x4a: {  	_ =	shalt  }
0x4b: {  	_ =	shalt  }
0x4c: {  	_ =	shalt  }
0x4d: {  	_ =	shalt  }
0x4e: {  	_ =	shalt  }
0x4f: {  	_ =	shalt  }
0x50: {  	_ =	shalt  }
0x51: {  	_ =	shalt  }
0x52: {  	_ =	shalt  }
0x53: {  	_ =	shalt  }
0x54: {  	_ =	shalt  }
0x55: {  	_ =	shalt  }
0x56: {  	_ =	shalt  }
0x57: {  	_ =	shalt  }
0x58: {  	_ =	shalt  }
0x59: {  	_ =	shalt  }
0x5a: {  	_ =	shalt  }
0x5b: {  	_ =	shalt  }
0x5c: {  	_ =	shalt  }
0x5d: {  	_ =	shalt  }
0x5e: {  	_ =	shalt  }
0x5f: {  	_ =	shalt  }
0x60: {  	_ =	shalt  }
0x61: {  	_ =	shalt  }
0x62: {  	_ =	shalt  }
0x63: {  	_ =	shalt  }
0x64: {  	_ =	shalt  }
0x65: {  	_ =	shalt  }
0x66: {  	_ =	shalt  }
0x67: {  	_ =	shalt  }
0x68: {  	_ =	shalt  }
0x69: {  	_ =	shalt  }
0x6a: {  	_ =	shalt  }
0x6b: {  	_ =	shalt  }
0x6c: {  	_ =	shalt  }
0x6d: {  	_ =	shalt  }
0x6e: {  	_ =	shalt  }
0x6f: {  	_ =	shalt  }
0x70: {  	_ =	shalt  }
0x71: {  	_ =	shalt  }
0x72: {  	_ =	shalt  }
0x73: {  	_ =	shalt  }
0x74: {  	_ =	shalt  }
0x75: {  	_ =	shalt  }
0x76: {  	_ =	shalt  }
0x77: {  	_ =	shalt  }
0x78: {  	_ =	shalt  }
0x79: {  	_ =	shalt  }
0x7a: {  	_ =	shalt  }
0x7b: {  	_ =	shalt  }
0x7c: {  	_ =	shalt  }
0x7d: {  	_ =	shalt  }
0x7e: {  	_ =	shalt  }
0x7f: {  	_ =	shalt  }
0x80: {  	_ =	shalt  }
0x81: {  	_ =	shalt  }
0x82: {  	_ =	shalt  }
0x83: {  	_ =	shalt  }
0x84: {  	_ =	shalt  }
0x85: {  	_ =	shalt  }
0x86: {  	_ =	shalt  }
0x87: {  	_ =	shalt  }
.Lfunc_end0:
.L_simem_size_0:
called_computation.2_lowered:
.L_overlay_start_0:
0x88: {  	s2 =	sld [smem:$0x3FD9]  }
0x89: {  	s3 =	sld [smem:$0x3FFE];
	_ =	sdelay $0x1  }
0x8a: {  	s1 =	srdreg.scid  }
0x8b: {  	s0 =	sand.u32 $0x1, s1  }
0x8c: {  	s17 =	sshll.u32 s0, $0xA;
	s2 =	sadd.s32 s3, s2  }
0x8d: {  	s2 =	sadd.s32 s2, s17  }
0x8e: {  	[smem:$0x3FC1] =	sst s2  }
0x8f: {  	_ = 	snop  }
0x90: {  	s2 =	sld [smem:$0x3FD0];
	(tm) =	ssettm $0x1  }
0x91: {  	s18 =	sld [smem:$0x3FFB];
	_ =	sdelay $0x3  }
0x92: {  	_ =	strace s18  }
0x93: {  	s3 =	sld [smem:$0x3FFC];
	_ =	sdelay $0x3  }
0x94: {  	_ =	strace s3  }
0x95: {  	s3 =	sld [smem:$0x3FFD];
	_ =	sdelay $0x3  }
0x96: {  	_ =	strace s3  }
0x97: {  	_ =	strace $0x8FFFFFFF  }
0x98: {  	s19 =	sld [smem:$0x3FDB];
	_ =	sdelay $0x1  }
0x99: {  	s4 =	simm.s32 $_scs_section_size  }
0x9a: {  	s5 =	simm.s32 $_size__tile_overlayer_lowered;
	s6 =	simm.s32 $_tile_overlayer_lowered  }
0x9b: {  	s22 =	simm.s32 $0x1BFF;
	s21 =	sshll.u32 s6, $0x1;
	s3 =	sadd.s32 s4, s19  }
0x9c: {  	s7 =	simm.s32 $0x0;
	s20 =	sshll.u32 s5, $0x1;
	s5 =	sadd.s32 s21, s3  }
0x9d: {  	[timem:s7], [sflag:s22] =	dma.local [hbm:s5], s20  }
0x9e: {  	_ =	swait.ge [sflag:s22], s20  }
0x9f: {  	s4 =	ssub.s32 $0x0, s20;
	[sflag:s22] =	ssyncset.done $0x0  }
0xa0: {  	[sflag:s22] =	ssyncadd.s32 s4;
	_ =	sdelay $0x1  }
0xa1: {  	s23 =	simm.s32 $0x1B8B  }
0xa2: {  	_ =	swait.ge [sflag:s23], $0x1  }
0xa3: {  	[sflag:s23] =	ssyncset.done $0x0  }
0xa4: {  	s25 =	simm.s32 $0x1B8E;
	s24 =	sld [smem:$0x3FFE];
	[sflag:s23] =	ssyncadd.s32 $0xFFFFFFFF  }
0xa5: {  	s26 =	simm.s32 $execute0_lowered;
	[smem:$0x3FD2] =	sst s25  }
0xa6: {  	s5 =	sshll.u32 s26, $0x1;
	_ =	strace $0x8000004C;
	[dreg:$0x1] =	wrdreg $0xFFFFFFFF  }
0xa7: {  	s28 =	simm.s32 $_size_execute0_lowered;
	s3 =	sadd.s32 s3, s5;
	[dreg:$0x0] =	wrdreg $0x0  }
0xa8: {  	s5 =	sshll.u32 s28, $0x1;
	[dreg:$0x2] =	wrdreg s3  }
0xa9: {  	[dreg:$0x3] =	wrdreg s5  }
0xaa: {  	[dreg:$0x4] =	wrdreg $0xC0  }
0xab: {  	_ =	task [dreg:s7], $0x5FFFF  }
0xac: {  	[dreg:$0x1] =	wrdreg $0xFFFFFFFF  }
0xad: {  	[dreg:$0x0] =	wrdreg $0x60  }
0xae: {  	[dreg:$0x2] =	wrdreg s2  }
0xaf: {  	[dreg:$0x3] =	wrdreg s24  }
0xb0: {  	[dreg:$0x4] =	wrdreg $0x0  }
0xb1: {  	[dreg:$0x5] =	wrdreg $0x9  }
0xb2: {  	_ =	task.clear_ibuf [dreg:s7], $0x6FFFF;
	_ =	strace $0x9000004C  }
0xb3: {  	s29 =	simm.s32 $0x9;
	_ =	strace $0x8000004E  }
0xb4: {  	_ =	swait.ge [sflag:s29], $0x1  }
0xb5: {  	[sflag:s29] =	ssyncadd.s32 $0xFFFFFFFF  }
0xb6: {  	_ =	strace $0x9000004E  }
0xb7: {  	_ =	sfence  }
0xb8: {  	s30 =	sld [smem:$0x0];
	_ =	sdelay $0x2  }
0xb9: {  	s31 =	sshll.u32 s1, $0xD;
	s1 =	sshrl.u32 s1, $0x2  }
0xba: {  	s3 =	sand.u32 $0x4000, s31;
	s1 =	sadd.s32 s1, s30  }
0xbb: {  	s0 =	sor.u32 s3, s0;
	s1 =	sshll.u32 s1, $0x11  }
0xbc: {  	s0 =	sor.u32 s1, s0  }
0xbd: {  	s0 =	sadd.s32 $0x8F2B, s0  }
0xbe: {  	[sflag:s0] =	ssyncadd.remote.s32 $0x1  }
0xbf: {  	_ =	sfence.sel $0xFFFF  }
0xc0: {  	[dreg:$0x0] =	wrdreg $0xFFFFFFFF;
	(pc) =	sbr.abs _section_cstart, $3  }
0xc1: {  	[dreg:$0x1] =	wrdreg $0xFFFFFFFF  }
0xc2: {  	_ =	task.clear_ibuf [dreg:s7], $0x2FFFF;
	_ =	strace $0x9FFFFFFF  }
0xc3: {  	(tm) =	ssettm $0x7FFFFFFF  }
tec
execute0_lowered:
.L_overlay_start_1:
0x0: {  	(tag) =	ssettag $0x1  }
0x1: {  	s1 =	rddreg [dreg:$0x0]  }
0x2: {  	s0 =	rddreg [dreg:$0x1]  }
0x3: {  	s2 =	rddreg [dreg:$0x2];
	s3 =	srdreg.scid;
	s4 =	simm.s32 $0x0  }
0x4: {  	s10 =	stileid.u32;
	s28 =	simm.s32 $0x14400;
	s29 =	simm.s32 $0x14100  }
0x5: {  	s30 =	simm.s32 $0x14300;
	s31 =	simm.s32 $0x4;
	s7 =	smul.u32 $0x14000, s10  }
0x6: {  	s3 =	sand.u32 $0x1, s3;
	[smem:$0x7FF] =	sst s4;
	s18 =	smul.u32 $0x50000, s10  }
0x7: {  	s5 =	sadd.s32 $0x2A00, s0;
	s9 =	sadd.s32 $0x16400, s0;
	s21 =	smul.u32 $0x2710, s10  }
0x8: {  	s6 =	smul.u32 $0x140000, s3;
	s8 =	sshll.u32 s3, $0x4;
	_ =	strace $0x8000004D  }
0x9: {  	[dreg:$0xb] =	wrdreg s9;
	s17 =	ssub.s32 $0x2, s3;
	s3 =	smul.u32 $0x27100, s3  }
0xa: {  	s8 =	sor.u32 s10, s8;
	s19 =	sshrl.u32 s17, $0x1;
	s20 =	sshrl.u32 s18, $0x2  }
0xb: {  	s10 =	sshll.u32 s10, $0x6;
	s6 =	sadd.s32 s7, s6;
	s16 =	smul.u32 $0x2710, s8  }
0xc: {  	s8 =	sadd.s32 s20, s2;
	s15 =	sor.u32 $0x1C0A, s10;
	s3 =	sadd.s32 s21, s3  }
0xd: {  	s10 =	simm.s32 $0x5;
	s6 =	sshrl.u32 s6, $0x3;
	s24 =	sadd.s32 $0x4E480, s3  }
0xe: {  	s12 =	sadd.s32 $0x280, s3;
	s14 =	sadd.s32 $0x4E400, s3;
	s20 =	sadd.s32 $0x180, s3  }
0xf: {  	s8 =	sshrl.u32 s8, $0x3;
	[dreg:$0xc] =	wrdreg s15;
	s0 =	sadd.s32 s6, s0  }
0x10: {  	s6 =	ssub.s32 s17, s19;
	s7 =	sshrl.u32 s16, $0x3;
	s13 =	sshrl.u32 s12, $0x3  }
0x11: {  	s9 =	sshrl.u32 s14, $0x3;
	s16 =	sadd.s32 $0x4E380, s3;
	s21 =	sshrl.u32 s20, $0x3  }
0x12: {  	s12 =	simm.s32 $0x2;
	[dreg:$0x16] =	wrdreg s8;
	s22 =	sadd.s32 s5, s7  }
0x13: {  	s14 =	simm.s32 $0x8;
	s17 =	sadd.s32 s9, s5;
	[dreg:$0xd] =	wrdreg s22  }
0x14: {  	s20 =	simm.s32 $0x0;
	s0 =	sadd.s32 $0x18C00, s0;
	[dreg:$0x6] =	wrdreg s17  }
0x15: {  	s18 =	sshrl.u32 s16, $0x3;
	s6 =	smax.u32 s6, $0x1;
	[dreg:$0x13] =	wrdreg s0  }
0x16: {  	s16 =	simm.s32 $0x1C400;
	s7 =	sadd.s32 $0x4E0, s22;
	[dreg:$0x14] =	wrdreg s6  }
0x17: {  	s23 =	sadd.s32 $0xA120, s22;
	s25 =	sadd.s32 $0x9C40, s22;
	[dreg:$0xe] =	wrdreg s7  }
0x18: {  	s26 =	sadd.s32 $0x10, s22;
	s11 =	sadd.s32 $0x9C50, s22;
	[dreg:$0xf] =	wrdreg s23  }
0x19: {  	s19 =	sadd.s32 s18, s5;
	s22 =	sadd.s32 $0x4E300, s3;
	[dreg:$0x10] =	wrdreg s25  }
0x1a: {  	s18 =	simm.s32 $0xA;
	s17 =	simm.s32 $0x1C480;
	[dreg:$0x11] =	wrdreg s26  }
0x1b: {  	s0 =	simm.s32 $0x18400;
	s6 =	simm.s32 $0x14180;
	[dreg:$0x12] =	wrdreg s11  }
0x1c: {  	s7 =	sshrl.u32 s24, $0x3;
	[dreg:$0x7] =	wrdreg s19;
	s9 =	sshrl.u32 s22, $0x3  }
0x1d: {  	s23 =	sadd.s32 $0x100, s3;
	s3 =	sadd.s32 $0x200, s3;
	s22 =	simm.s32 $0x14200  }
0x1e: {  	s11 =	simm.s32 $0x7;
	s7 =	sadd.s32 s7, s5;
	s24 =	sadd.s32 s9, s5  }
0x1f: {  	s25 =	sshrl.u32 s23, $0x3;
	[dreg:$0x15] =	wrdreg s3;
	s23 =	simm.s32 $0x14080  }
0x20: {  	s3 =	simm.s32 $0x1;
	s9 =	simm.s32 $0x14380;
	[dreg:$0x4] =	wrdreg s7  }
0x21: {  	s7 =	sadd.s32 s13, s5;
	[dreg:$0x9] =	wrdreg s24;
	s26 =	sadd.s32 s25, s5  }
0x22: {  	s24 =	simm.s32 $0x14280;
	s25 =	simm.s32 $0x3;
	[dreg:$0x5] =	wrdreg s7  }
0x23: {  	s13 =	simm.s32 $0x6;
	s7 =	sadd.s32 s21, s5;
	[dreg:$0xa] =	wrdreg s26  }
0x24: {  	s21 =	simm.s32 $0x14000;
	s26 =	simm.s32 $0x80;
	[dreg:$0x8] =	wrdreg s7  }
.LBB2_1:
0x25: {  	s7 =	rddreg [dreg:$0xb]  }
0x26: {  	[spmem:s8], [sflag:s15] =	dma.local [hbm:s7], $0x2800  }
0x27: {  	_ =	swait.ge [sflag:s18], $0x2800  }
0x28: {  	[sflag:s18] =	ssyncset.done $0x0  }
0x29: {  	s19 =	rddreg [dreg:$0xe];
	[sflag:s18] =	ssyncadd.s32 $0xFFFFD800  }
0x2a: {  	[tilespmem:s16], [sflag:$0x9] =	stream.linear.gather [hbm4b:s19+s4], $0x10, $0x38;
	[tilespmem:$0x1CD00] =	vst v63  }
0x2b: {  	s8 =	rddreg [dreg:$0xf]  }
0x2c: {  	[tilespmem:s17], [sflag:$0x9] =	stream.linear.gather [hbm4b:s8+s4], $0x10, $0x38;
	[tilespmem:$0x1CD00] =	vst v63  }
0x2d: {  	[bflag:$0x0] =	sbarrier.arrive $0xFFFF  }
0x2e: {  	s15 =	rddreg [dreg:$0xd]  }
0x2f: {  	[tilespmem:s21], [sflag:$0x3] =	stream.linear.gather [hbm4b:s15+s4], $0x80, $0x38;
	[tilespmem:$0x1CD00] =	vst v63  }
0x30: {  	s16 =	rddreg [dreg:$0x10]  }
0x31: {  	[tilespmem:s22], [sflag:$0x3] =	stream.linear.gather [hbm4b:s16+s4], $0x80, $0x38;
	[tilespmem:$0x1CD00] =	vst v63  }
0x32: {  	s17 =	rddreg [dreg:$0x11]  }
0x33: {  	[tilespmem:s23], [sflag:$0x4] =	stream.linear.gather [hbm4b:s17+s4], $0x80, $0x38;
	[tilespmem:$0x1CD00] =	vst v63  }
0x34: {  	s19 =	rddreg [dreg:$0x12]  }
0x35: {  	[tilespmem:s24], [sflag:$0x4] =	stream.linear.gather [hbm4b:s19+s4], $0x80, $0x38;
	[tilespmem:$0x1CD00] =	vst v63  }
0x36: {  	_ =	swait.ge [sflag:s25], $0x80  }
0x37: {  	[sflag:s25] =	ssyncset.done $0x0  }
0x38: {  	[sflag:s25] =	ssyncadd.s32 $0xFFFFFF80  }
0x39: {  	_ =	swait.ge [sflag:s25], $0x80  }
0x3a: {  	[sflag:s25] =	ssyncset.done $0x0  }
0x3b: {  	s8 =	rddreg [dreg:$0xa];
	[sflag:s25] =	ssyncadd.s32 $0xFFFFFF80  }
0x3c: {  	[tilespmem:s28], [sflag:$0x1] =	stream.indirect.gather [hbm4b:s1+s26], $0x80, s21, s26, $0xb8;
	[tilespmem:$0x1CD00] =	vst v63  }
0x3d: {  	s15 =	rddreg [dreg:$0x9];
	s7 =	sadd.s32 $0x0, s8  }
0x3e: {  	[tilespmem:s29], [sflag:$0x5] =	stream.linear.gather [hbm4b:s7+s4], $0x80, $0x38;
	[tilespmem:$0x1CD00] =	vst v63  }
0x3f: {  	s16 =	sadd.s32 $0x0, s15  }
0x40: {  	[tilespmem:s30], [sflag:$0x5] =	stream.linear.gather [hbm4b:s16+s4], $0x80, $0x38;
	[tilespmem:$0x1CD00] =	vst v63  }
0x41: {  	_ =	swait.ge [sflag:s31], $0x80  }
0x42: {  	[sflag:s31] =	ssyncset.done $0x0  }
0x43: {  	[sflag:s31] =	ssyncadd.s32 $0xFFFFFF80  }
0x44: {  	_ =	swait.ge [sflag:s31], $0x80  }
0x45: {  	p0 =	por $0x1, $0x1;
	[sflag:s31] =	ssyncset.done $0x0  }
0x46: {  	s7 =	simm.s32 @!p0 $0x8;
	[sflag:s31] =	ssyncadd.s32 $0xFFFFFF80  }
0x47: {  	_ =	swait.ge @!p0 [sflag:s7], $0x4000  }
0x48: {  	[sflag:s7] =	ssyncset.done @!p0 $0x0  }
0x49: {  	[sflag:s7] =	ssyncadd.s32 @!p0 $0xFFFFC000  }
0x4a: {  	[tilespmem:s0], [sflag:$0x2] =	stream.indirect.gather [hbm4b:s1+s26], $0x80, s23, s26, $0xb8;
	[tilespmem:$0x1CD00] =	vst v63  }
0x4b: {  	_ =	swait.ge [sflag:s3], $0x4000  }
0x4c: {  	[sflag:s3] =	ssyncset.done $0x0  }
0x4d: {  	s17 =	rddreg [dreg:$0x8];
	[sflag:s3] =	ssyncadd.s32 $0xFFFFC000  }
0x4e: {  	[spmem:s2] =	stream.indirect.scatter.add.f32 [tilespmem:s28], [sflag:$0x7], $0x80, s22, s26, $0xb8;
	[tilespmem:$0x1CD00] =	vst v63  }
0x4f: {  	s19 =	rddreg [dreg:$0x7];
	s7 =	sadd.s32 $0x0, s17  }
0x50: {  	[tilespmem:s6], [sflag:$0x6] =	stream.linear.gather [hbm4b:s7+s4], $0x80, $0x38;
	[tilespmem:$0x1CD00] =	vst v63  }
0x51: {  	s15 =	sadd.s32 $0x0, s19  }
0x52: {  	[tilespmem:s9], [sflag:$0x6] =	stream.linear.gather [hbm4b:s15+s4], $0x80, $0x38;
	[tilespmem:$0x1CD00] =	vst v63  }
0x53: {  	_ =	swait.ge [sflag:s10], $0x80  }
0x54: {  	[sflag:s10] =	ssyncset.done $0x0  }
0x55: {  	[sflag:s10] =	ssyncadd.s32 $0xFFFFFF80  }
0x56: {  	_ =	swait.ge [sflag:s10], $0x80  }
0x57: {  	[sflag:s10] =	ssyncset.done $0x0  }
0x58: {  	[sflag:s10] =	ssyncadd.s32 $0xFFFFFF80  }
0x59: {  	_ =	swait.ge [sflag:s11], $0x4000  }
0x5a: {  	[sflag:s11] =	ssyncset.done $0x0  }
0x5b: {  	[sflag:s11] =	ssyncadd.s32 $0xFFFFC000  }
0x5c: {  	[tilespmem:s28], [sflag:$0x1] =	stream.indirect.gather [hbm4b:s1+s26], $0x80, s29, s26, $0xb8;
	[tilespmem:$0x1CD00] =	vst v63  }
0x5d: {  	_ =	swait.ge [sflag:s12], $0x4000  }
0x5e: {  	[sflag:s12] =	ssyncset.done $0x0;
	s19 =	rddreg [dreg:$0x15]  }
0x5f: {  	[sflag:s12] =	ssyncadd.s32 $0xFFFFC000;
	s16 =	sshrl.u32 s19, $0x3  }
0x60: {  	[spmem:s2] =	stream.indirect.scatter.add.f32 [tilespmem:s0], [sflag:$0x8], $0x80, s24, s26, $0xb8;
	[tilespmem:$0x1CD00] =	vst v63  }
0x61: {  	s17 =	rddreg [dreg:$0x6];
	s7 =	sadd.s32 s5, s16  }
0x62: {  	[tilespmem:s21], [sflag:$0x3] =	stream.linear.gather [hbm4b:s7+s4], $0x80, $0x38;
	[tilespmem:$0x1CD00] =	vst v63  }
0x63: {  	s8 =	sadd.s32 $0x0, s17  }
0x64: {  	[tilespmem:s22], [sflag:$0x3] =	stream.linear.gather [hbm4b:s8+s4], $0x80, $0x38;
	[tilespmem:$0x1CD00] =	vst v63  }
0x65: {  	_ =	swait.ge [sflag:s13], $0x80  }
0x66: {  	[sflag:s13] =	ssyncset.done $0x0  }
0x67: {  	[sflag:s13] =	ssyncadd.s32 $0xFFFFFF80  }
0x68: {  	_ =	swait.ge [sflag:s13], $0x80  }
0x69: {  	[sflag:s13] =	ssyncset.done $0x0  }
0x6a: {  	[sflag:s13] =	ssyncadd.s32 $0xFFFFFF80  }
0x6b: {  	_ =	swait.ge [sflag:s14], $0x4000  }
0x6c: {  	[sflag:s14] =	ssyncset.done $0x0  }
0x6d: {  	[sflag:s14] =	ssyncadd.s32 $0xFFFFC000  }
0x6e: {  	[tilespmem:s0], [sflag:$0x2] =	stream.indirect.gather [hbm4b:s1+s26], $0x80, s6, s26, $0xb8;
	[tilespmem:$0x1CD00] =	vst v63  }
0x6f: {  	_ =	swait.ge [sflag:s3], $0x4000  }
0x70: {  	[sflag:s3] =	ssyncset.done $0x0  }
0x71: {  	s15 =	rddreg [dreg:$0x5];
	[sflag:s3] =	ssyncadd.s32 $0xFFFFC000  }
0x72: {  	[spmem:s2] =	stream.indirect.scatter.add.f32 [tilespmem:s28], [sflag:$0x7], $0x80, s30, s26, $0xb8;
	[tilespmem:$0x1CD00] =	vst v63  }
0x73: {  	s16 =	rddreg [dreg:$0x4];
	s7 =	sadd.s32 $0x0, s15  }
0x74: {  	[tilespmem:s23], [sflag:$0x4] =	stream.linear.gather [hbm4b:s7+s4], $0x80, $0x38;
	[tilespmem:$0x1CD00] =	vst v63  }
0x75: {  	s17 =	sadd.s32 $0x0, s16  }
0x76: {  	[tilespmem:s24], [sflag:$0x4] =	stream.linear.gather [hbm4b:s17+s4], $0x80, $0x38;
	[tilespmem:$0x1CD00] =	vst v63  }
0x77: {  	_ =	swait.ge [sflag:s25], $0x80  }
0x78: {  	[sflag:s25] =	ssyncset.done $0x0  }
0x79: {  	[sflag:s25] =	ssyncadd.s32 $0xFFFFFF80  }
0x7a: {  	_ =	swait.ge [sflag:s25], $0x80  }
0x7b: {  	[sflag:s25] =	ssyncset.done $0x0  }
0x7c: {  	[sflag:s25] =	ssyncadd.s32 $0xFFFFFF80  }
0x7d: {  	_ =	swait.ge [sflag:s11], $0x4000  }
0x7e: {  	[sflag:s11] =	ssyncset.done $0x0  }
0x7f: {  	[sflag:s11] =	ssyncadd.s32 $0xFFFFC000  }
0x80: {  	[tilespmem:s28], [sflag:$0x1] =	stream.indirect.gather [hbm4b:s1+s26], $0x80, s21, s26, $0xb8;
	[tilespmem:$0x1CD00] =	vst v63  }
0x81: {  	s8 =	sadd.s32 $0x200, s19;
	_ =	swait.ge [sflag:s12], $0x4000  }
0x82: {  	s15 =	simm.s32 $0x40;
	s16 =	rddreg [dreg:$0xa];
	[sflag:s12] =	ssyncset.done $0x0  }
0x83: {  	s7 =	simm.s32 $0x80;
	s17 =	rddreg [dreg:$0x9];
	[sflag:s12] =	ssyncadd.s32 $0xFFFFC000  }
.LBB2_2:
0x84: {  	[spmem:s2] =	stream.indirect.scatter.add.f32 [tilespmem:s0], [sflag:$0x8], $0x80, s9, s26, $0xb8;
	[tilespmem:$0x1CD00] =	vst v63  }
0x85: {  	s19 =	sadd.s32 s15, s16  }
0x86: {  	[tilespmem:s29], [sflag:$0x5] =	stream.linear.gather [hbm4b:s19+s4], $0x80, $0x38;
	[tilespmem:$0x1CD00] =	vst v63  }
0x87: {  	s17 =	sadd.s32 s15, s17  }
0x88: {  	[tilespmem:s30], [sflag:$0x5] =	stream.linear.gather [hbm4b:s17+s4], $0x80, $0x38;
	[tilespmem:$0x1CD00] =	vst v63  }
0x89: {  	_ =	swait.ge [sflag:s31], $0x80  }
0x8a: {  	[sflag:s31] =	ssyncset.done $0x0  }
0x8b: {  	[sflag:s31] =	ssyncadd.s32 $0xFFFFFF80  }
0x8c: {  	_ =	swait.ge [sflag:s31], $0x80  }
0x8d: {  	p1 =	seq.s32 s15, $0x0;
	[sflag:s31] =	ssyncset.done $0x0  }
0x8e: {  	s17 =	simm.s32 @!p1 $0x8;
	[sflag:s31] =	ssyncadd.s32 $0xFFFFFF80  }
0x8f: {  	_ =	swait.ge @!p1 [sflag:s17], $0x4000  }
0x90: {  	[sflag:s17] =	ssyncset.done @!p1 $0x0  }
0x91: {  	[sflag:s17] =	ssyncadd.s32 @!p1 $0xFFFFC000  }
0x92: {  	[tilespmem:s0], [sflag:$0x2] =	stream.indirect.gather [hbm4b:s1+s26], $0x80, s23, s26, $0xb8;
	[tilespmem:$0x1CD00] =	vst v63  }
0x93: {  	_ =	swait.ge [sflag:s3], $0x4000  }
0x94: {  	[sflag:s3] =	ssyncset.done $0x0  }
0x95: {  	s17 =	rddreg [dreg:$0x8];
	[sflag:s3] =	ssyncadd.s32 $0xFFFFC000  }
0x96: {  	[spmem:s2] =	stream.indirect.scatter.add.f32 [tilespmem:s28], [sflag:$0x7], $0x80, s22, s26, $0xb8;
	[tilespmem:$0x1CD00] =	vst v63  }
0x97: {  	s19 =	rddreg [dreg:$0x7];
	s17 =	sadd.s32 s15, s17  }
0x98: {  	[tilespmem:s6], [sflag:$0x6] =	stream.linear.gather [hbm4b:s17+s4], $0x80, $0x38;
	[tilespmem:$0x1CD00] =	vst v63  }
0x99: {  	s19 =	sadd.s32 s15, s19  }
0x9a: {  	[tilespmem:s9], [sflag:$0x6] =	stream.linear.gather [hbm4b:s19+s4], $0x80, $0x38;
	[tilespmem:$0x1CD00] =	vst v63  }
0x9b: {  	_ =	swait.ge [sflag:s10], $0x80  }
0x9c: {  	[sflag:s10] =	ssyncset.done $0x0  }
0x9d: {  	[sflag:s10] =	ssyncadd.s32 $0xFFFFFF80  }
0x9e: {  	_ =	swait.ge [sflag:s10], $0x80  }
0x9f: {  	[sflag:s10] =	ssyncset.done $0x0  }
0xa0: {  	[sflag:s10] =	ssyncadd.s32 $0xFFFFFF80  }
0xa1: {  	_ =	swait.ge [sflag:s11], $0x4000  }
0xa2: {  	[sflag:s11] =	ssyncset.done $0x0  }
0xa3: {  	[sflag:s11] =	ssyncadd.s32 $0xFFFFC000  }
0xa4: {  	[tilespmem:s28], [sflag:$0x1] =	stream.indirect.gather [hbm4b:s1+s26], $0x80, s29, s26, $0xb8;
	[tilespmem:$0x1CD00] =	vst v63  }
0xa5: {  	_ =	swait.ge [sflag:s12], $0x4000  }
0xa6: {  	[sflag:s12] =	ssyncset.done $0x0  }
0xa7: {  	s17 =	sshrl.u32 s8, $0x3;
	[sflag:s12] =	ssyncadd.s32 $0xFFFFC000  }
0xa8: {  	[spmem:s2] =	stream.indirect.scatter.add.f32 [tilespmem:s0], [sflag:$0x8], $0x80, s24, s26, $0xb8;
	[tilespmem:$0x1CD00] =	vst v63  }
0xa9: {  	s17 =	sadd.s32 s5, s17;
	s19 =	rddreg [dreg:$0x6]  }
0xaa: {  	[tilespmem:s21], [sflag:$0x3] =	stream.linear.gather [hbm4b:s17+s4], $0x80, $0x38;
	[tilespmem:$0x1CD00] =	vst v63  }
0xab: {  	s19 =	sadd.s32 s15, s19  }
0xac: {  	[tilespmem:s22], [sflag:$0x3] =	stream.linear.gather [hbm4b:s19+s4], $0x80, $0x38;
	[tilespmem:$0x1CD00] =	vst v63  }
0xad: {  	_ =	swait.ge [sflag:s13], $0x80  }
0xae: {  	[sflag:s13] =	ssyncset.done $0x0  }
0xaf: {  	[sflag:s13] =	ssyncadd.s32 $0xFFFFFF80  }
0xb0: {  	_ =	swait.ge [sflag:s13], $0x80  }
0xb1: {  	[sflag:s13] =	ssyncset.done $0x0  }
0xb2: {  	[sflag:s13] =	ssyncadd.s32 $0xFFFFFF80  }
0xb3: {  	_ =	swait.ge [sflag:s14], $0x4000  }
0xb4: {  	[sflag:s14] =	ssyncset.done $0x0  }
0xb5: {  	[sflag:s14] =	ssyncadd.s32 $0xFFFFC000  }
0xb6: {  	[tilespmem:s0], [sflag:$0x2] =	stream.indirect.gather [hbm4b:s1+s26], $0x80, s6, s26, $0xb8;
	[tilespmem:$0x1CD00] =	vst v63  }
0xb7: {  	_ =	swait.ge [sflag:s3], $0x4000  }
0xb8: {  	[sflag:s3] =	ssyncset.done $0x0  }
0xb9: {  	s17 =	rddreg [dreg:$0x5];
	[sflag:s3] =	ssyncadd.s32 $0xFFFFC000  }
0xba: {  	[spmem:s2] =	stream.indirect.scatter.add.f32 [tilespmem:s28], [sflag:$0x7], $0x80, s30, s26, $0xb8;
	[tilespmem:$0x1CD00] =	vst v63  }
0xbb: {  	s19 =	rddreg [dreg:$0x4];
	s17 =	sadd.s32 s15, s17  }
0xbc: {  	[tilespmem:s23], [sflag:$0x4] =	stream.linear.gather [hbm4b:s17+s4], $0x80, $0x38;
	[tilespmem:$0x1CD00] =	vst v63  }
0xbd: {  	s19 =	sadd.s32 s15, s19  }
0xbe: {  	[tilespmem:s24], [sflag:$0x4] =	stream.linear.gather [hbm4b:s19+s4], $0x80, $0x38;
	[tilespmem:$0x1CD00] =	vst v63  }
0xbf: {  	_ =	swait.ge [sflag:s25], $0x80  }
0xc0: {  	[sflag:s25] =	ssyncset.done $0x0  }
0xc1: {  	[sflag:s25] =	ssyncadd.s32 $0xFFFFFF80  }
0xc2: {  	_ =	swait.ge [sflag:s25], $0x80  }
0xc3: {  	[sflag:s25] =	ssyncset.done $0x0  }
0xc4: {  	[sflag:s25] =	ssyncadd.s32 $0xFFFFFF80  }
0xc5: {  	s16 =	smov.u32 s7;
	s7 =	sadd.s32 $0x40, s7;
	_ =	swait.ge [sflag:s11], $0x4000  }
0xc6: {  	p0 =	sne.s32 s7, $0x4C0;
	[sflag:s11] =	ssyncset.done $0x0  }
.Ltmp0:
0xc7: {  	[sflag:s11] =	ssyncadd.s32 $0xFFFFC000;
	(pc) =	sbr.rel @p0 .LBB2_2-.Ltmp0, $4  }
0xc8: {  	[tilespmem:s28], [sflag:$0x1] =	stream.indirect.gather [hbm4b:s1+s26], $0x80, s21, s26, $0xb8;
	[tilespmem:$0x1CD00] =	vst v63  }
0xc9: {  	_ =	swait.ge [sflag:s12], $0x4000  }
0xca: {  	s15 =	smov.u32 s16;
	s16 =	rddreg [dreg:$0xa];
	[sflag:s12] =	ssyncset.done $0x0  }
0xcb: {  	s8 =	sadd.s32 $0x200, s8;
	s17 =	rddreg [dreg:$0x9];
	[sflag:s12] =	ssyncadd.s32 $0xFFFFC000  }
0xcc: {  	[spmem:s2] =	stream.indirect.scatter.add.f32 [tilespmem:s0], [sflag:$0x8], $0x80, s9, s26, $0xb8;
	[tilespmem:$0x1CD00] =	vst v63  }
0xcd: {  	s7 =	sadd.s32 s15, s16  }
0xce: {  	[tilespmem:s29], [sflag:$0x5] =	stream.linear.gather [hbm4b:s7+s4], $0x80, $0x38;
	[tilespmem:$0x1CD00] =	vst v63  }
0xcf: {  	s19 =	sadd.s32 s15, s17  }
0xd0: {  	[tilespmem:s30], [sflag:$0x5] =	stream.linear.gather [hbm4b:s19+s4], $0x80, $0x38;
	[tilespmem:$0x1CD00] =	vst v63  }
0xd1: {  	_ =	swait.ge [sflag:s31], $0x80  }
0xd2: {  	[sflag:s31] =	ssyncset.done $0x0  }
0xd3: {  	[sflag:s31] =	ssyncadd.s32 $0xFFFFFF80  }
0xd4: {  	_ =	swait.ge [sflag:s31], $0x80  }
0xd5: {  	p0 =	seq.s32 s15, $0x0;
	[sflag:s31] =	ssyncset.done $0x0  }
0xd6: {  	s7 =	simm.s32 @!p0 $0x8;
	[sflag:s31] =	ssyncadd.s32 $0xFFFFFF80  }
0xd7: {  	_ =	swait.ge @!p0 [sflag:s7], $0x4000  }
0xd8: {  	[sflag:s7] =	ssyncset.done @!p0 $0x0  }
0xd9: {  	[sflag:s7] =	ssyncadd.s32 @!p0 $0xFFFFC000  }
0xda: {  	[tilespmem:s0], [sflag:$0x2] =	stream.indirect.gather [hbm4b:s1+s26], $0x80, s23, s26, $0xb8;
	[tilespmem:$0x1CD00] =	vst v63  }
0xdb: {  	_ =	swait.ge [sflag:s3], $0x4000  }
0xdc: {  	[sflag:s3] =	ssyncset.done $0x0  }
0xdd: {  	s16 =	rddreg [dreg:$0x8];
	[sflag:s3] =	ssyncadd.s32 $0xFFFFC000  }
0xde: {  	[spmem:s2] =	stream.indirect.scatter.add.f32 [tilespmem:s28], [sflag:$0x7], $0x80, s22, s26, $0xb8;
	[tilespmem:$0x1CD00] =	vst v63  }
0xdf: {  	s17 =	rddreg [dreg:$0x7];
	s7 =	sadd.s32 s15, s16  }
0xe0: {  	[tilespmem:s6], [sflag:$0x6] =	stream.linear.gather [hbm4b:s7+s4], $0x80, $0x38;
	[tilespmem:$0x1CD00] =	vst v63  }
0xe1: {  	s19 =	sadd.s32 s15, s17  }
0xe2: {  	[tilespmem:s9], [sflag:$0x6] =	stream.linear.gather [hbm4b:s19+s4], $0x80, $0x38;
	[tilespmem:$0x1CD00] =	vst v63  }
0xe3: {  	_ =	swait.ge [sflag:s10], $0x80  }
0xe4: {  	[sflag:s10] =	ssyncset.done $0x0  }
0xe5: {  	[sflag:s10] =	ssyncadd.s32 $0xFFFFFF80  }
0xe6: {  	_ =	swait.ge [sflag:s10], $0x80  }
0xe7: {  	[sflag:s10] =	ssyncset.done $0x0  }
0xe8: {  	[sflag:s10] =	ssyncadd.s32 $0xFFFFFF80  }
0xe9: {  	_ =	swait.ge [sflag:s11], $0x4000  }
0xea: {  	[sflag:s11] =	ssyncset.done $0x0  }
0xeb: {  	[sflag:s11] =	ssyncadd.s32 $0xFFFFC000  }
0xec: {  	[tilespmem:s28], [sflag:$0x1] =	stream.indirect.gather [hbm4b:s1+s26], $0x80, s29, s26, $0xb8;
	[tilespmem:$0x1CD00] =	vst v63  }
0xed: {  	_ =	swait.ge [sflag:s12], $0x4000  }
0xee: {  	[sflag:s12] =	ssyncset.done $0x0  }
0xef: {  	s16 =	sshrl.u32 s8, $0x3;
	[sflag:s12] =	ssyncadd.s32 $0xFFFFC000  }
0xf0: {  	[spmem:s2] =	stream.indirect.scatter.add.f32 [tilespmem:s0], [sflag:$0x8], $0x80, s24, s26, $0xb8;
	[tilespmem:$0x1CD00] =	vst v63  }
0xf1: {  	s7 =	sadd.s32 s5, s16;
	s17 =	rddreg [dreg:$0x6]  }
0xf2: {  	[tilespmem:s21], [sflag:$0x3] =	stream.linear.gather [hbm4b:s7+s4], $0x80, $0x38;
	[tilespmem:$0x1CD00] =	vst v63  }
0xf3: {  	s19 =	sadd.s32 s15, s17  }
0xf4: {  	[tilespmem:s22], [sflag:$0x3] =	stream.linear.gather [hbm4b:s19+s4], $0x80, $0x38;
	[tilespmem:$0x1CD00] =	vst v63  }
0xf5: {  	_ =	swait.ge [sflag:s13], $0x80  }
0xf6: {  	[sflag:s13] =	ssyncset.done $0x0  }
0xf7: {  	[sflag:s13] =	ssyncadd.s32 $0xFFFFFF80  }
0xf8: {  	_ =	swait.ge [sflag:s13], $0x80  }
0xf9: {  	[sflag:s13] =	ssyncset.done $0x0  }
0xfa: {  	[sflag:s13] =	ssyncadd.s32 $0xFFFFFF80  }
0xfb: {  	_ =	swait.ge [sflag:s14], $0x4000  }
0xfc: {  	[sflag:s14] =	ssyncset.done $0x0  }
0xfd: {  	[sflag:s14] =	ssyncadd.s32 $0xFFFFC000  }
0xfe: {  	[tilespmem:s0], [sflag:$0x2] =	stream.indirect.gather [hbm4b:s1+s26], $0x80, s6, s26, $0xb8;
	[tilespmem:$0x1CD00] =	vst v63  }
0xff: {  	_ =	swait.ge [sflag:s3], $0x4000  }
0x100: {  	[sflag:s3] =	ssyncset.done $0x0  }
0x101: {  	s8 =	rddreg [dreg:$0x5];
	[sflag:s3] =	ssyncadd.s32 $0xFFFFC000  }
0x102: {  	[spmem:s2] =	stream.indirect.scatter.add.f32 [tilespmem:s28], [sflag:$0x7], $0x80, s30, s26, $0xb8;
	[tilespmem:$0x1CD00] =	vst v63  }
0x103: {  	s16 =	rddreg [dreg:$0x4];
	s7 =	sadd.s32 s15, s8  }
0x104: {  	[tilespmem:s23], [sflag:$0x4] =	stream.linear.gather [hbm4b:s7+s4], $0x80, $0x38;
	[tilespmem:$0x1CD00] =	vst v63  }
0x105: {  	s17 =	sadd.s32 s15, s16  }
0x106: {  	[tilespmem:s24], [sflag:$0x4] =	stream.linear.gather [hbm4b:s17+s4], $0x80, $0x38;
	[tilespmem:$0x1CD00] =	vst v63  }
0x107: {  	_ =	swait.ge [sflag:s25], $0x80  }
0x108: {  	[sflag:s25] =	ssyncset.done $0x0  }
0x109: {  	[sflag:s25] =	ssyncadd.s32 $0xFFFFFF80  }
0x10a: {  	_ =	swait.ge [sflag:s25], $0x80  }
0x10b: {  	[sflag:s25] =	ssyncset.done $0x0  }
0x10c: {  	[sflag:s25] =	ssyncadd.s32 $0xFFFFFF80  }
0x10d: {  	_ =	swait.ge [sflag:s11], $0x4000  }
0x10e: {  	[sflag:s11] =	ssyncset.done $0x0  }
0x10f: {  	[sflag:s11] =	ssyncadd.s32 $0xFFFFC000  }
0x110: {  	[tilespmem:s28], [sflag:$0x1] =	stream.indirect.gather [hbm4b:s1+s26], $0x80, s21, s26, $0xb8;
	[tilespmem:$0x1CD00] =	vst v63  }
0x111: {  	_ =	swait.ge [sflag:s12], $0x4000  }
0x112: {  	[sflag:s12] =	ssyncset.done $0x0  }
0x113: {  	[sflag:s12] =	ssyncadd.s32 $0xFFFFC000  }
0x114: {  	[spmem:s2] =	stream.indirect.scatter.add.f32 [tilespmem:s0], [sflag:$0x8], $0x80, s9, s26, $0xb8;
	[tilespmem:$0x1CD00] =	vst v63  }
0x115: {  	_ =	swait.ge [sflag:s31], $0x80  }
0x116: {  	[sflag:s31] =	ssyncset.done $0x0  }
0x117: {  	[sflag:s31] =	ssyncadd.s32 $0xFFFFFF80  }
0x118: {  	_ =	swait.ge [sflag:s31], $0x80  }
0x119: {  	[sflag:s31] =	ssyncset.done $0x0  }
0x11a: {  	[sflag:s31] =	ssyncadd.s32 $0xFFFFFF80  }
0x11b: {  	_ =	swait.ge [sflag:s14], $0x4000  }
0x11c: {  	[sflag:s14] =	ssyncset.done $0x0  }
0x11d: {  	[sflag:s14] =	ssyncadd.s32 $0xFFFFC000  }
0x11e: {  	[tilespmem:s0], [sflag:$0x2] =	stream.indirect.gather [hbm4b:s1+s26], $0x80, s23, s26, $0xb8;
	[tilespmem:$0x1CD00] =	vst v63  }
0x11f: {  	_ =	swait.ge [sflag:s3], $0x4000  }
0x120: {  	[sflag:s3] =	ssyncset.done $0x0  }
0x121: {  	[sflag:s3] =	ssyncadd.s32 $0xFFFFC000  }
0x122: {  	[spmem:s2] =	stream.indirect.scatter.add.f32 [tilespmem:s28], [sflag:$0x7], $0x80, s22, s26, $0xb8;
	[tilespmem:$0x1CD00] =	vst v63  }
0x123: {  	_ =	swait.ge [sflag:s12], $0x4000  }
0x124: {  	[sflag:s12] =	ssyncset.done $0x0  }
0x125: {  	[sflag:s12] =	ssyncadd.s32 $0xFFFFC000  }
0x126: {  	_ =	swait.ge [sflag:s11], $0x4000  }
0x127: {  	[sflag:s11] =	ssyncset.done $0x0  }
0x128: {  	[sflag:s11] =	ssyncadd.s32 $0xFFFFC000  }
0x129: {  	[spmem:s2] =	stream.indirect.scatter.add.f32 [tilespmem:s0], [sflag:$0x8], $0x80, s24, s26, $0xb8;
	[tilespmem:$0x1CD00] =	vst v63  }
0x12a: {  	_ =	swait.ge [sflag:s14], $0x4000  }
0x12b: {  	[sflag:s14] =	ssyncset.done $0x0  }
0x12c: {  	s19 =	simm.s32 $0x9;
	[sflag:s14] =	ssyncadd.s32 $0xFFFFC000  }
0x12d: {  	_ =	swait.ge [sflag:s19], $0x10  }
0x12e: {  	[sflag:s19] =	ssyncset.done $0x0  }
0x12f: {  	[sflag:s19] =	ssyncadd.s32 $0xFFFFFFF0  }
0x130: {  	_ =	swait.ge [sflag:s19], $0x10  }
0x131: {  	s16 =	simm.s32 $0x1C400;
	[sflag:s19] =	ssyncset.done $0x0  }
0x132: {  	s8 =	simm.s32 $0x10;
	s15 =	simm.s32 $0x1C500;
	[sflag:s19] =	ssyncadd.s32 $0xFFFFFFF0  }
0x133: {  	[tilespmem:s15], [sflag:$0xA] =	stream.indirect.gather [hbm4b:s1+s8], $0x80, s16, s8, $0xb8;
	[tilespmem:$0x1CD00] =	vst v63  }
0x134: {  	_ =	swait.ge [sflag:s18], $0x800  }
0x135: {  	[sflag:s18] =	ssyncset.done $0x0  }
0x136: {  	s17 =	simm.s32 $0x1C480;
	[sflag:s18] =	ssyncadd.s32 $0xFFFFF800  }
0x137: {  	[spmem:s2] =	stream.indirect.scatter.add.f32 [tilespmem:s15], [sflag:$0xA], $0x80, s17, s8, $0xb8;
	[tilespmem:$0x1CD00] =	vst v63  }
0x138: {  	_ =	swait.ge [sflag:s18], $0x800  }
0x139: {  	[sflag:s18] =	ssyncset.done $0x0  }
0x13a: {  	[sflag:s18] =	ssyncadd.s32 $0xFFFFF800  }
0x13b: {  	[bflag:$0x0] =	sbarrier.arrive $0xFFFF  }
0x13c: {  	s15 =	rddreg [dreg:$0xc]  }
0x13d: {  	s19 =	rddreg [dreg:$0x13]  }
0x13e: {  	s8 =	rddreg [dreg:$0x16]  }
0x13f: {  	[hbm:s19], [sflag:s15] =	dma.local [spmem:s8], $0x2800  }
0x140: {  	_ =	swait.ge [sflag:s18], $0x2800  }
0x141: {  	s20 =	sadd.s32 $0x1, s20;
	s19 =	rddreg [dreg:$0x14]  }
0x142: {  	p0 =	sne.s32 s20, s19  }
.Ltmp1:
0x143: {  	_ = 	snop;
	(pc) =	sbr.rel @p0 .LBB2_1-.Ltmp1, $3  }
0x144: {  	_ =	sdelay $0x1  }
0x145: {  	[sflag:s18] =	ssyncset.done $0x0  }
0x146: {  	[sflag:s18] =	ssyncadd.s32 $0xFFFFD800  }
0x147: {  	_ =	sfence.sel $0x180000  }
0x148: {  	[bflag:$0x0] =	sbarrier.arrive $0xFFFF  }
0x149: {  	_ =	strace $0x9000004D  }
0x14a: {  	s0 =	stileid.u32;
	[bflag:$0x2] =	sbarrier.arrive $0xFFFF  }
0x14b: {  	p0 =	sne.s32 s0, $0x0;
	s0 =	rddreg [dreg:$0x3]  }
0x14c: {  	s0 =	sadd.s32 @!p0 $0x100000, s0  }
0x14d: {  	[sflag:s0] =	ssyncadd.tile.s32 @!p0 $0x1;
	_ =	shalt  }
.Lfunc_end2:
_tile_overlayer_lowered:
.L_overlay_start_2:
0x14e: {  	(tag) =	ssettag $0x2  }
0x14f: {  	s0 =	rddreg [dreg:$0x0];
	s2 =	stileid.u32  }
0x150: {  	s1 =	rddreg [dreg:$0x1];
	p0 =	sne.s32 s2, $0x0  }
0x151: {  	s3 =	rddreg [dreg:$0x2];
	[bflag:$0x3] =	sbarrier.arrive $0xFFFF;
	s2 =	simm.s32 @!p0 $0x1C0A  }
0x152: {  	[timem:s3], [sflag:s2] =	dma.local @!p0 [hbm:s0], s1  }
0x153: {  	s0 =	simm.s32 @!p0 $0xA  }
0x154: {  	_ =	swait.ge @!p0 [sflag:s0], s1  }
0x155: {  	s1 =	ssub.s32 @!p0 $0x0, s1;
	[sflag:s0] =	ssyncset.done @!p0 $0x0  }
0x156: {  	[sflag:s0] =	ssyncadd.s32 @!p0 s1  }
0x157: {  	[bflag:$0x3] =	sbarrier.arrive $0xFFFF  }
0x158: {  	_ =	shalt  }

// kernel: kernel.8.cloned.1.call-start
scs
__scs_entry_jumppad:
0x0: {  	(pc) =	sbr.rel $0x88, $3  }
0x1: {  	(tag) =	ssettag $0x0;
	lr =	simm.s32 $0x1  }
0x2: {  	[smem:$0x3F9A] =	sst lr;
	_ =	strace $0xD0000000  }
0x3: {  	_ = 	snop  }
0x4: {  	_ = 	snop  }
0x5: {  	_ = 	snop  }
0x6: {  	_ = 	snop  }
0x7: {  	_ = 	snop  }
__scs_overlays_trampoline_lowered:
0x8: {  	[smem:$0x3FA9] =	sst s0  }
0x9: {  	[smem:$0x3FAA] =	sst s1  }
0xa: {  	[smem:$0x3FAB] =	sst s2  }
0xb: {  	[smem:$0x3FAC] =	sst s3  }
0xc: {  	[smem:$0x3FAD] =	sst s4  }
0xd: {  	[smem:$0x3FAE] =	sst s5  }
0xe: {  	[smem:$0x3FAF] =	sst s6  }
0xf: {  	[smem:$0x3FB0] =	sst s7  }
0x10: {  	[smem:$0x3FB1] =	sst s8  }
0x11: {  	[smem:$0x3FB2] =	sst s9;
	s0 =	simm.s32 @!p0 $0x0  }
0x12: {  	s1 =	sld [smem:$0x3F98];
	s0 =	simm.s32 @p0 $0x1  }
0x13: {  	[smem:$0x3FB3] =	sst s0;
	s0 =	simm.s32 @!p1 $0x0  }
0x14: {  	s2 =	sld [smem:$0x3F97];
	s0 =	simm.s32 @p1 $0x1  }
0x15: {  	[smem:$0x3FB4] =	sst s0;
	s0 =	simm.s32 @!p2 $0x0  }
0x16: {  	s3 =	sld [smem:$0x3FDB];
	s0 =	simm.s32 @p2 $0x1  }
0x17: {  	s4 =	simm.s32 $0x1BF5;
	[smem:$0x3FB6] =	sst s0  }
0x18: {  	s0 =	sld [smem:$0x3F99];
	_ =	swait.ge [sflag:s4], $0x0  }
0x19: {  	s7 =	sld [smem:$0x3F9A]  }
0x1a: {  	s8 =	sadd.s32 $0xFFFFE003, lr  }
0x1b: {  	s9 =	sadd.s32 $0xFFFFFEF7, lr;
	s5 =	simm.s32 $0xFFFFFFFF;
	p2 =	slt.u32 s8, $0xFFFFF086  }
0x1c: {  	p1 =	slt.u32 s9, $0xF7A;
	s5 =	simm.s32 @!p2 $0x0  }
0x1d: {  	s5 =	simm.s32 @p1 $0x1;
	p0 =	seq.s32 s7, s2  }
0x1e: {  	s7 =	smul.u32 @!p0 $0xF7A, s2;
	p2 =	seq.s32 @!p0 s5, $0x0  }
0x1f: {  	s9 =	smul.u32 $0xF7A, s1;
	s8 =	simm.s32 @!p0 $0x1BF5;
	p2 =	por !p2, p0  }
0x20: {  	[sflag:s8] =	ssyncset.s32 @!p0 $0xFFFFF086;
	s6 =	sadd.s32 @!p0 s3, s7;
	s7 =	simm.s32 @!p0 $0x108  }
0x21: {  	s3 =	sadd.s32 s3, s9;
	s6 =	sadd.s32 @!p0 $0x88, s6;
	s7 =	simm.s32 @p2 $0x1082  }
0x22: {  	[simem:s7], [sflag:s8] =	dma.local @!p0 [hbm:s6], $0xF7A  }
0x23: {  	s9 =	sor.u32 $0xD0000000, s2;
	s6 =	simm.s32 $0x108;
	_ =	swait.ge @!p0 [sflag:s8], $0x0  }
0x24: {  	s3 =	sadd.s32 $0x88, s3;
	s6 =	simm.s32 @!p1 $0x1082;
	[sflag:s4] =	ssyncset.s32 $0xFFFFF086  }
0x25: {  	[simem:s6], [sflag:s4] =	dma.local [hbm:s3], $0xF7A  }
0x26: {  	[smem:$0x3F9A] =	sst s1;
	(tag) =	ssettag s2;
	_ =	strace s9  }
0x27: {  	s1 =	sld [smem:$0x3FAA]  }
0x28: {  	s2 =	sld [smem:$0x3FAB]  }
0x29: {  	s4 =	sld [smem:$0x3FAD]  }
0x2a: {  	p0 =	seq.s32 s5, $0x0;
	s5 =	sld [smem:$0x3FAE]  }
0x2b: {  	s6 =	sld [smem:$0x3FAF]  }
0x2c: {  	s7 =	sld [smem:$0x3FB0]  }
0x2d: {  	s3 =	simm.s32 $0x108;
	s8 =	sld [smem:$0x3FB1]  }
0x2e: {  	s3 =	simm.s32 @!p0 $0x1082;
	s9 =	sld [smem:$0x3FB2]  }
0x2f: {  	lr =	sadd.s32 s0, s3;
	s0 =	sld [smem:$0x3FA9]  }
0x30: {  	s3 =	sld [smem:$0x3FAC]  }
0x31: {  	[smem:$0x3FB5] =	sst s10  }
0x32: {  	s10 =	sld [smem:$0x3FB3];
	_ =	sdelay $0x3  }
0x33: {  	p0 =	seq.s32 s10, $0x1;
	s10 =	sld [smem:$0x3FB5];
	_ =	sdelay $0x3  }
0x34: {  	[smem:$0x3FB5] =	sst s10  }
0x35: {  	s10 =	sld [smem:$0x3FB4];
	_ =	sdelay $0x3  }
0x36: {  	p1 =	seq.s32 s10, $0x1;
	s10 =	sld [smem:$0x3FB5];
	_ =	sdelay $0x3  }
0x37: {  	[smem:$0x3FB5] =	sst s10  }
0x38: {  	s10 =	sld [smem:$0x3FB6]  }
0x39: {  	_ = 	snop;
	(pc) =	sbr.ind lr, $3  }
0x3a: {  	_ = 	snop  }
0x3b: {  	_ = 	snop  }
0x3c: {  	p2 =	seq.s32 s10, $0x1;
	s10 =	sld [smem:$0x3FB5]  }
0x3d: {  	_ =	shalt  }
0x3e: {  	_ =	shalt  }
0x3f: {  	_ =	shalt  }
0x40: {  	_ =	shalt  }
0x41: {  	_ =	shalt  }
0x42: {  	_ =	shalt  }
0x43: {  	_ =	shalt  }
0x44: {  	_ =	shalt  }
0x45: {  	_ =	shalt  }
0x46: {  	_ =	shalt  }
0x47: {  	_ =	shalt  }
0x48: {  	_ =	shalt  }
0x49: {  	_ =	shalt  }
0x4a: {  	_ =	shalt  }
0x4b: {  	_ =	shalt  }
0x4c: {  	_ =	shalt  }
0x4d: {  	_ =	shalt  }
0x4e: {  	_ =	shalt  }
0x4f: {  	_ =	shalt  }
0x50: {  	_ =	shalt  }
0x51: {  	_ =	shalt  }
0x52: {  	_ =	shalt  }
0x53: {  	_ =	shalt  }
0x54: {  	_ =	shalt  }
0x55: {  	_ =	shalt  }
0x56: {  	_ =	shalt  }
0x57: {  	_ =	shalt  }
0x58: {  	_ =	shalt  }
0x59: {  	_ =	shalt  }
0x5a: {  	_ =	shalt  }
0x5b: {  	_ =	shalt  }
0x5c: {  	_ =	shalt  }
0x5d: {  	_ =	shalt  }
0x5e: {  	_ =	shalt  }
0x5f: {  	_ =	shalt  }
0x60: {  	_ =	shalt  }
0x61: {  	_ =	shalt  }
0x62: {  	_ =	shalt  }
0x63: {  	_ =	shalt  }
0x64: {  	_ =	shalt  }
0x65: {  	_ =	shalt  }
0x66: {  	_ =	shalt  }
0x67: {  	_ =	shalt  }
0x68: {  	_ =	shalt  }
0x69: {  	_ =	shalt  }
0x6a: {  	_ =	shalt  }
0x6b: {  	_ =	shalt  }
0x6c: {  	_ =	shalt  }
0x6d: {  	_ =	shalt  }
0x6e: {  	_ =	shalt  }
0x6f: {  	_ =	shalt  }
0x70: {  	_ =	shalt  }
0x71: {  	_ =	shalt  }
0x72: {  	_ =	shalt  }
0x73: {  	_ =	shalt  }
0x74: {  	_ =	shalt  }
0x75: {  	_ =	shalt  }
0x76: {  	_ =	shalt  }
0x77: {  	_ =	shalt  }
0x78: {  	_ =	shalt  }
0x79: {  	_ =	shalt  }
0x7a: {  	_ =	shalt  }
0x7b: {  	_ =	shalt  }
0x7c: {  	_ =	shalt  }
0x7d: {  	_ =	shalt  }
0x7e: {  	_ =	shalt  }
0x7f: {  	_ =	shalt  }
0x80: {  	_ =	shalt  }
0x81: {  	_ =	shalt  }
0x82: {  	_ =	shalt  }
0x83: {  	_ =	shalt  }
0x84: {  	_ =	shalt  }
0x85: {  	_ =	shalt  }
0x86: {  	_ =	shalt  }
0x87: {  	_ =	shalt  }
.Lfunc_end0:
.L_simem_size_0:
called_computation_lowered:
.L_overlay_start_0:
0x88: {  	s2 =	sld [smem:$0x3FD9]  }
0x89: {  	s3 =	sld [smem:$0x3FFE];
	_ =	sdelay $0x1  }
0x8a: {  	s1 =	srdreg.scid  }
0x8b: {  	s0 =	sand.u32 $0x1, s1  }
0x8c: {  	s17 =	sshll.u32 s0, $0xA;
	s2 =	sadd.s32 s3, s2  }
0x8d: {  	s2 =	sadd.s32 s2, s17  }
0x8e: {  	[smem:$0x3FC1] =	sst s2  }
0x8f: {  	_ = 	snop  }
0x90: {  	s2 =	sld [smem:$0x3FD0];
	(tm) =	ssettm $0x1  }
0x91: {  	s18 =	sld [smem:$0x3FFB];
	_ =	sdelay $0x3  }
0x92: {  	_ =	strace s18  }
0x93: {  	s3 =	sld [smem:$0x3FFC];
	_ =	sdelay $0x3  }
0x94: {  	_ =	strace s3  }
0x95: {  	s3 =	sld [smem:$0x3FFD];
	_ =	sdelay $0x3  }
0x96: {  	_ =	strace s3  }
0x97: {  	_ =	strace $0x8FFFFFFF  }
0x98: {  	s19 =	sld [smem:$0x3FDB];
	_ =	sdelay $0x1  }
0x99: {  	s4 =	simm.s32 $_scs_section_size  }
0x9a: {  	s5 =	simm.s32 $_size__tile_overlayer_lowered;
	s6 =	simm.s32 $_tile_overlayer_lowered  }
0x9b: {  	s22 =	simm.s32 $0x1BFF;
	s21 =	sshll.u32 s6, $0x1;
	s3 =	sadd.s32 s4, s19  }
0x9c: {  	s7 =	simm.s32 $0x0;
	s20 =	sshll.u32 s5, $0x1;
	s5 =	sadd.s32 s21, s3  }
0x9d: {  	[timem:s7], [sflag:s22] =	dma.local [hbm:s5], s20  }
0x9e: {  	_ =	swait.ge [sflag:s22], s20  }
0x9f: {  	s4 =	ssub.s32 $0x0, s20;
	[sflag:s22] =	ssyncset.done $0x0  }
0xa0: {  	[sflag:s22] =	ssyncadd.s32 s4;
	_ =	sdelay $0x1  }
0xa1: {  	s23 =	simm.s32 $0x1B8B  }
0xa2: {  	_ =	swait.ge [sflag:s23], $0x1  }
0xa3: {  	[sflag:s23] =	ssyncset.done $0x0  }
0xa4: {  	s25 =	simm.s32 $0x1B8E;
	s24 =	sld [smem:$0x3FFE];
	[sflag:s23] =	ssyncadd.s32 $0xFFFFFFFF  }
0xa5: {  	s26 =	simm.s32 $execute0_lowered;
	[smem:$0x3FD2] =	sst s25  }
0xa6: {  	s5 =	sshll.u32 s26, $0x1;
	_ =	strace $0x80000046;
	[dreg:$0x1] =	wrdreg $0xFFFFFFFF  }
0xa7: {  	s28 =	simm.s32 $_size_execute0_lowered;
	s3 =	sadd.s32 s3, s5;
	[dreg:$0x0] =	wrdreg $0x0  }
0xa8: {  	s5 =	sshll.u32 s28, $0x1;
	[dreg:$0x2] =	wrdreg s3  }
0xa9: {  	[dreg:$0x3] =	wrdreg s5  }
0xaa: {  	[dreg:$0x4] =	wrdreg $0xC0  }
0xab: {  	_ =	task [dreg:s7], $0x5FFFF  }
0xac: {  	[dreg:$0x1] =	wrdreg $0xFFFFFFFF  }
0xad: {  	[dreg:$0x0] =	wrdreg $0x60  }
0xae: {  	[dreg:$0x2] =	wrdreg s24  }
0xaf: {  	[dreg:$0x3] =	wrdreg s2  }
0xb0: {  	[dreg:$0x4] =	wrdreg $0x9  }
0xb1: {  	_ =	task.clear_ibuf [dreg:s7], $0x5FFFF;
	_ =	strace $0x90000046  }
0xb2: {  	s29 =	simm.s32 $0x9;
	_ =	strace $0x80000048  }
0xb3: {  	_ =	swait.ge [sflag:s29], $0x1  }
0xb4: {  	[sflag:s29] =	ssyncadd.s32 $0xFFFFFFFF  }
0xb5: {  	_ =	strace $0x90000048  }
0xb6: {  	_ =	sfence  }
0xb7: {  	s30 =	sld [smem:$0x0];
	_ =	sdelay $0x2  }
0xb8: {  	s31 =	sshll.u32 s1, $0xD;
	s1 =	sshrl.u32 s1, $0x2  }
0xb9: {  	s3 =	sand.u32 $0x4000, s31;
	s1 =	sadd.s32 s1, s30  }
0xba: {  	s0 =	sor.u32 s3, s0;
	s1 =	sshll.u32 s1, $0x11  }
0xbb: {  	s0 =	sor.u32 s1, s0  }
0xbc: {  	s0 =	sadd.s32 $0x8F2B, s0  }
0xbd: {  	[sflag:s0] =	ssyncadd.remote.s32 $0x1  }
0xbe: {  	_ =	sfence.sel $0xFFFF  }
0xbf: {  	[dreg:$0x0] =	wrdreg $0xFFFFFFFF;
	(pc) =	sbr.abs _section_cstart, $3  }
0xc0: {  	[dreg:$0x1] =	wrdreg $0xFFFFFFFF  }
0xc1: {  	_ =	task.clear_ibuf [dreg:s7], $0x2FFFF;
	_ =	strace $0x9FFFFFFF  }
0xc2: {  	(tm) =	ssettm $0x7FFFFFFF  }
0xc3: {  	_ =	shalt  }
tec
execute0_lowered:
.L_overlay_start_1:
0x0: {  	(tag) =	ssettag $0x1  }
0x1: {  	s0 =	srdreg.scid  }
0x2: {  	s3 =	sand.u32 $0x1, s0  }
0x3: {  	s4 =	rddreg [dreg:$0x0];
	s0 =	stileid.u32;
	s1 =	sshll.u32 s3, $0x4  }
0x4: {  	s5 =	rddreg [dreg:$0x1];
	s2 =	simm.s32 $0x0;
	s6 =	sor.u32 s0, s1  }
0x5: {  	[smem:$0x7FF] =	sst s2;
	s7 =	smul.u32 $0x2710, s6  }
0x6: {  	s3 =	ssub.s32 $0x2, s3;
	s1 =	rddreg [dreg:$0x2]  }
0x7: {  	s8 =	sshrl.u32 s3, $0x1;
	s6 =	smul.u32 $0x4F0, s6;
	s7 =	sshrl.u32 s7, $0x3  }
0x8: {  	_ =	strace $0x80000047;
	s8 =	ssub.s32 s3, s8;
	s31 =	sadd.s32 s4, s7  }
0x9: {  	s4 =	sadd.s32 s5, s6;
	s5 =	smax.u32 s8, $0x1;
	s6 =	simm.s32 $0x1  }
0xa: {  	v0 =	vimm.f32 $0.0e+00;
	v1 =	vimm.f32 $1.000000000e+00;
	s7 =	simm.s32 $0x2780;
	s8 =	simm.s32 $0x0;
	s3 =	sadd.s32 $0xC640, s31  }
.LBB2_1:
0xb: {  	[tilespmem:s2], [sflag:$0x1] =	stream.linear.gather [hbm4b:s3+s2], $0x2710, $0x38;
	[tilespmem:$0x4F00] =	vst v63  }
0xc: {  	_ =	swait.ge [sflag:s6], $0x2710  }
0xd: {  	[sflag:s6] =	ssyncset.done $0x0  }
0xe: {  	s9 =	simm.s32 $0x0;
	[sflag:s6] =	ssyncadd.s32 $0xFFFFD8F0  }
.LBB2_2:
0xf: {  	p0 =	sne.s32 s9, $0x9C00  }
.Ltmp0:
0x10: {  	_ = 	snop;
	(pc) =	sbr.rel @p0 .LBB2_2-.Ltmp0, $3  }
0x11: {  	_ =	sdelay $0x1  }
0x12: {  	s10 =	sshra.s32 s9, $0x2  }
0x13: {  	s9 =	sadd.s32 $0x40, s9;
	[tilespmem:s10+$0x2780] =	vst v0  }
0x14: {  	s10 =	simm.s32 $0x0;
	s9 =	simm.s32 $0x40  }
.LBB2_4:
0x15: {  	p0 =	sne.s32 s9, $0x9C00;
	v2 =	vld [tilespmem:s10+$0x0];
	_ =	sdelay $0x3  }
.Ltmp1:
0x16: {  	(pc) =	sbr.rel @p0 .LBB2_4-.Ltmp1, $2  }
0x17: {  	_ =	sdelay $0x2  }
0x18: {  	s10 =	sshra.s32 s9, $0x2;
	s9 =	sadd.s32 $0x40, s9;
	[tilespmem:v2+s7+$0x0] =	vst.idx.add.f32.msk $0xffff, v1  }
0x19: {  	v2 =	vld [tilespmem:s10+$0x0];
	_ =	sdelay $0x5  }
0x1a: {  	s8 =	sadd.s32 $0x1, s8  }
0x1b: {  	p0 =	sne.s32 s8, s5  }
.Ltmp2:
0x1c: {  	[tilespmem:v2+s7+$0x0] =	vst.idx.add.f32.msk $0xffff, v1;
	(pc) =	sbr.rel @p0 .LBB2_1-.Ltmp2, $4  }
0x1d: {  	[hbm4b:s4+s2] =	stream.linear.scatter [tilespmem:s7], [sflag:$0x1], $0x2780, $0x38;
	[tilespmem:$0x4F00] =	vst v63  }
0x1e: {  	_ =	swait.ge [sflag:s6], $0x2780  }
0x1f: {  	[sflag:s6] =	ssyncset.done $0x0  }
0x20: {  	[sflag:s6] =	ssyncadd.s32 $0xFFFFD880  }
0x21: {  	_ =	sfence.sel $0x180000  }
0x22: {  	[bflag:$0x0] =	sbarrier.arrive $0xFFFF  }
0x23: {  	p0 =	sne.s32 s0, $0x0;
	_ =	strace $0x90000047  }
0x24: {  	s0 =	sadd.s32 @!p0 $0x100000, s1;
	[bflag:$0x2] =	sbarrier.arrive $0xFFFF  }
0x25: {  	[sflag:s0] =	ssyncadd.tile.s32 @!p0 $0x1;
	_ =	shalt  }
.Lfunc_end2:
_tile_overlayer_lowered:
.L_overlay_start_2:
0x26: {  	(tag) =	ssettag $0x2  }
0x27: {  	s0 =	rddreg [dreg:$0x0];
	s2 =	stileid.u32  }
0x28: {  	s1 =	rddreg [dreg:$0x1];
	p0 =	sne.s32 s2, $0x0  }
0x29: {  	s3 =	rddreg [dreg:$0x2];
	[bflag:$0x3] =	sbarrier.arrive $0xFFFF;
	s2 =	simm.s32 @!p0 $0x1C01  }
0x2a: {  	[timem:s3], [sflag:s2] =	dma.local @!p0 [hbm:s0], s1  }
0x2b: {  	s0 =	simm.s32 @!p0 $0x1  }
0x2c: {  	_ =	swait.ge @!p0 [sflag:s0], s1  }
0x2d: {  	s1 =	ssub.s32 @!p0 $0x0, s1;
	[sflag:s0] =	ssyncset.done @!p0 $0x0  }
0x2e: {  	[sflag:s0] =	ssyncadd.s32 @!p0 s1  }
0x2f: {  	[bflag:$0x3] =	sbarrier.arrive $0xFFFF  }
0x30: {  	_ =	shalt  }

</sc_bundles>
